<compile_context>
chip_gen: v7x
topology: tpu7x:2x2x1
jax: 0.10.2.dev20260603
libtpu: 0.0.44.dev20260713+nightly
codegen_flags: <defaults>
</compile_context>

<pallas_src>
import functools

import jax
import jax.numpy as jnp
from jax import lax
from jax.experimental import pallas as pl
from jax.experimental.pallas import tpu as pltpu, tpu_sc as plsc

F = 16
LANES = 16
CHUNK = 4096

_PI_HI = 3.14159274101257324
_INV_PI = 0.318309886183790672
_RND = 12582912.0
_S0 = 9.99999470e-01
_S1 = -1.66658913e-01
_S2 = 8.31596486e-03
_S3 = -1.86089757e-04


def _sin(t):
    q = t * _INV_PI
    m = q + _RND
    nf = m - _RND
    y = t - nf * _PI_HI
    y2 = y * y
    s = y * (_S0 + y2 * (_S1 + y2 * (_S2 + y2 * _S3)))
    flip = plsc.bitcast(m, jnp.int32) << 31
    return plsc.bitcast(plsc.bitcast(s, jnp.int32) ^ flip, jnp.float32)


def _make_sc_kernel(n_points):
    info = plsc.get_sparse_core_info()
    nc, ns = info.num_cores, info.num_subcores
    nw = nc * ns
    per_w = n_points // nw
    n_chunks = per_w // CHUNK
    mesh = plsc.VectorSubcoreMesh(core_axis_name="c", subcore_axis_name="s")
    col = jax.ShapeDtypeStruct((n_points,), jnp.float32)
    fbuf = pltpu.VMEM((CHUNK,), jnp.float32)
    ibuf = pltpu.VMEM((CHUNK,), jnp.int32)

    @functools.partial(
        pl.kernel,
        mesh=mesh,
        out_type=(col, col, col),
        compiler_params=pltpu.CompilerParams(needs_layout_passes=False),
        scratch_types=[
            pltpu.VMEM((10 * F,), jnp.float32),
            fbuf, fbuf, ibuf, fbuf, fbuf, fbuf, fbuf,
            fbuf, fbuf, ibuf, fbuf, fbuf, fbuf, fbuf,
            pltpu.SemaphoreType.DMA,
            pltpu.SemaphoreType.DMA,
            pltpu.SemaphoreType.DMA,
            pltpu.SemaphoreType.DMA,
        ],
    )
    def sc_kernel(x_hbm, y_hbm, c_hbm, ch_hbm, par_hbm,
                  ox_hbm, oy_hbm, oc_hbm,
                  par_v,
                  x0, y0, ch0, c0, ox0, oy0, oc0,
                  x1, y1, ch1, c1, ox1, oy1, oc1,
                  isem0, isem1, osem0, osem1):
        wid = lax.axis_index("s") * nc + lax.axis_index("c")
        pltpu.sync_copy(par_hbm, par_v)
        bufs = ((x0, y0, ch0, c0, ox0, oy0, oc0, isem0, osem0),
                (x1, y1, ch1, c1, ox1, oy1, oc1, isem1, osem1))

        def start_in(chunk):
            x_v, y_v, ch_v, c_v, _, _, _, isem, _ = bufs[chunk % 2]
            base = wid * per_w + chunk * CHUNK
            sl = pl.ds(base, CHUNK)
            return (pltpu.async_copy(x_hbm.at[sl], x_v, isem),
                    pltpu.async_copy(y_hbm.at[sl], y_v, isem),
                    pltpu.async_copy(ch_hbm.at[sl], ch_v, isem),
                    pltpu.async_copy(c_hbm.at[sl], c_v, isem))

        def start_out(chunk):
            _, _, _, _, ox_v, oy_v, oc_v, _, osem = bufs[chunk % 2]
            base = wid * per_w + chunk * CHUNK
            sl = pl.ds(base, CHUNK)
            return (pltpu.async_copy(ox_v, ox_hbm.at[sl], osem),
                    pltpu.async_copy(oy_v, oy_hbm.at[sl], osem),
                    pltpu.async_copy(oc_v, oc_hbm.at[sl], osem))

        def compute(chunk):
            x_v, y_v, ch_v, c_v, ox_v, oy_v, oc_v, _, _ = bufs[chunk % 2]
            @plsc.parallel_loop(0, CHUNK, step=LANES, unroll=2)
            def _body(k0):
                x = x_v[pl.ds(k0, LANES)]
                y = y_v[pl.ds(k0, LANES)]
                ch = ch_v[pl.ds(k0, LANES)]
                a00 = plsc.load_gather(par_v, [ch])
                a01 = plsc.load_gather(par_v, [ch + F])
                a10 = plsc.load_gather(par_v, [ch + 2 * F])
                a11 = plsc.load_gather(par_v, [ch + 3 * F])
                b0 = plsc.load_gather(par_v, [ch + 4 * F])
                b1 = plsc.load_gather(par_v, [ch + 5 * F])
                w0 = plsc.load_gather(par_v, [ch + 6 * F])
                w1 = plsc.load_gather(par_v, [ch + 7 * F])
                w2 = plsc.load_gather(par_v, [ch + 8 * F])
                fc = plsc.load_gather(par_v, [ch + 9 * F])
                tx = a00 * x + a01 * y + b0
                ty = a10 * x + a11 * y + b1
                r2 = tx * tx + ty * ty + 1e-6
                g = w0 + w2 * (1.0 / r2)
                ox_v[pl.ds(k0, LANES)] = tx * g + w1 * _sin(tx)
                oy_v[pl.ds(k0, LANES)] = ty * g + w1 * _sin(ty)
                oc_v[pl.ds(k0, LANES)] = (c_v[pl.ds(k0, LANES)] + fc) * 0.5

        in_h = {0: start_in(0)}
        out_h = {}
        for k in range(n_chunks):
            if k + 1 < n_chunks:
                in_h[k + 1] = start_in(k + 1)
            for h in in_h.pop(k):
                h.wait()
            if k >= 2:
                for h in out_h.pop(k - 2):
                    h.wait()
            compute(k)
            out_h[k] = start_out(k)
        for hs in out_h.values():
            for h in hs:
                h.wait()

    return sc_kernel


def kernel(points, A, b, vweights, colors, choices):
    n = points.shape[0]
    params = jnp.concatenate([
        A.reshape(F, 4).T.reshape(-1),
        b.T.reshape(-1),
        vweights.T.reshape(-1),
        colors,
    ]).astype(jnp.float32)
    ch = choices.astype(jnp.int32)
    ox, oy, oc = _make_sc_kernel(n)(
        points[:, 0], points[:, 1], points[:, 2], ch, params)
    return jnp.stack([ox, oy, oc], axis=1)

# --- scband reference (transcript-rebuilt; emitter-appended) ---
"""Pipeline reference for scband-function-set-47467978555720 (READ-ONLY COPY).

The authoritative reference and input builder live on the scoring server;
editing this copy changes nothing except your own understanding.
"""

import jax, jax.numpy as jnp
import numpy as np

N = 1048576
F = 16

def setup_inputs(seed: int = 0) -> dict:
    key = jax.random.key(seed)
    k1, k2, k3, k4, k5, k6 = jax.random.split(key, 6)
    points = jax.random.uniform(k1, (N, 3), dtype=jnp.float32)
    # categorical routing choices (torch: self.chooser.sample([n])); uniform probs approximation
    choices = jax.random.randint(k2, (N,), 0, F)
    # SimpleTransform params: per-function 2x2 affine + bias
    A = jax.random.normal(k3, (F, 2, 2), dtype=jnp.float32) * 0.5
    b = jax.random.normal(k4, (F, 2), dtype=jnp.float32) * 0.5
    # VariationSet weights: 3 classic flame variations (linear, sinusoidal, spherical)
    vweights = jax.random.uniform(k5, (F, 3), dtype=jnp.float32)
    # per-function color scalar (c channel width 1)
    colors = jax.random.uniform(k6, (F,), dtype=jnp.float32)
    return {"points": points, "A": A, "b": b, "vweights": vweights, "colors": colors, "choices": choices}


def reference(points, A, b, vweights, colors, choices):
    # points: [N, 3] = (x, y, color); choices: [N] in [0, F)
    xy = points[:, :2]
    c = points[:, 2:3]
    # gather per-point expert params (MoE dispatch without masking loop;
    # mathematically equivalent to torch's per-function masked concat, up to point order)
    A_sel = jnp.take(A, choices, axis=0)          # [N, 2, 2]
    b_sel = jnp.take(b, choices, axis=0)          # [N, 2]
    t = jnp.einsum('nij,nj->ni', A_sel, xy) + b_sel  # SimpleTransform (affine)
    # VariationSet: weighted sum of variations applied to transformed points
    v_lin = t
    v_sin = jnp.sin(t)
    r2 = jnp.sum(t * t, axis=1, keepdims=True) + 1e-6
    v_sph = t / r2
    w = jnp.take(vweights, choices, axis=0)       # [N, 3]
    out_xy = w[:, 0:1] * v_lin + w[:, 1:2] * v_sin + w[:, 2:3] * v_sph
    # color blend: out_c = (c + function_color) / 2
    col = jnp.take(colors, choices, axis=0)[:, None]  # [N, 1]
    out_c = (c + col) / 2.0
    return jnp.concatenate([out_xy, out_c], axis=1)

if __name__ == "__main__":
    import jax
    _d = setup_inputs()
    print(jax.jit(kernel)(*tuple(_d.values())))

</pallas_src>

<mosaic_0001>
#map = affine_map<(d0, d1) -> (0)>
module attributes {stable_mosaic.version = 14 : i64} {
  func.func @sc_kernel(%arg0: i32, %arg1: i32, %arg2: memref<1048576xf32, #tpu.memory_space<hbm>>, %arg3: memref<1048576xf32, #tpu.memory_space<hbm>>, %arg4: memref<1048576xf32, #tpu.memory_space<hbm>>, %arg5: memref<1048576xi32, #tpu.memory_space<hbm>>, %arg6: memref<160xf32, #tpu.memory_space<hbm>>, %arg7: memref<1048576xf32, #tpu.memory_space<hbm>>, %arg8: memref<1048576xf32, #tpu.memory_space<hbm>>, %arg9: memref<1048576xf32, #tpu.memory_space<hbm>>, %arg10: memref<160xf32, #tpu.memory_space<vmem>>, %arg11: memref<4096xf32, #tpu.memory_space<vmem>>, %arg12: memref<4096xf32, #tpu.memory_space<vmem>>, %arg13: memref<4096xi32, #tpu.memory_space<vmem>>, %arg14: memref<4096xf32, #tpu.memory_space<vmem>>, %arg15: memref<4096xf32, #tpu.memory_space<vmem>>, %arg16: memref<4096xf32, #tpu.memory_space<vmem>>, %arg17: memref<4096xf32, #tpu.memory_space<vmem>>, %arg18: memref<4096xf32, #tpu.memory_space<vmem>>, %arg19: memref<4096xf32, #tpu.memory_space<vmem>>, %arg20: memref<4096xi32, #tpu.memory_space<vmem>>, %arg21: memref<4096xf32, #tpu.memory_space<vmem>>, %arg22: memref<4096xf32, #tpu.memory_space<vmem>>, %arg23: memref<4096xf32, #tpu.memory_space<vmem>>, %arg24: memref<4096xf32, #tpu.memory_space<vmem>>, %arg25: memref<!tpu.dma_semaphore, #tpu.memory_space<semaphore_mem>>, %arg26: memref<!tpu.dma_semaphore, #tpu.memory_space<semaphore_mem>>, %arg27: memref<!tpu.dma_semaphore, #tpu.memory_space<semaphore_mem>>, %arg28: memref<!tpu.dma_semaphore, #tpu.memory_space<semaphore_mem>>) attributes {dimension_semantics = [#tpu.dimension_semantics<core_parallel>, #tpu.dimension_semantics<subcore_parallel>], iteration_bounds = array<i64: 2, 16>, scalar_prefetch = 0 : i64, scratch_operands = 19 : i64, tpu.core_type = #tpu.core_type<sc_vector_subcore>, window_params = [{transform_indices = #map}, {transform_indices = #map}, {transform_indices = #map}, {transform_indices = #map}, {transform_indices = #map}, {transform_indices = #map}, {transform_indices = #map}, {transform_indices = #map}]} {
    %mul3A = arith.constant 2 : i32
    %mul3A_0 = arith.muli %arg1, %mul3A : i32
    %add3A = arith.addi %mul3A_0, %arg0 : i32
    "tpu.region"() ({
      %run_scoped3A = tpu.sem_alloc : memref<!tpu.dma_semaphore, #tpu.memory_space<semaphore_mem>>
      tpu.enqueue_dma source(%arg6 : memref<160xf32, #tpu.memory_space<hbm>>) target(%arg10 : memref<160xf32, #tpu.memory_space<vmem>>) target_semaphore(%run_scoped3A : memref<!tpu.dma_semaphore, #tpu.memory_space<semaphore_mem>>)
      tpu.wait_dma2 semaphore(%run_scoped3A : memref<!tpu.dma_semaphore, #tpu.memory_space<semaphore_mem>>) src(%arg6 : memref<160xf32, #tpu.memory_space<hbm>>) dst(%arg10 : memref<160xf32, #tpu.memory_space<vmem>>)
      tpu.yield
    }) : () -> ()
    %mul3A_1 = arith.constant 32768 : i32
    %mul3A_2 = arith.muli %add3A, %mul3A_1 : i32
    %add3A_3 = arith.constant 0 : i32
    %add3A_4 = arith.addi %mul3A_2, %add3A_3 : i32
    %dma_start3A = tpu.memref_slice %arg2[%add3A_4] : memref<1048576xf32, #tpu.memory_space<hbm>> -> memref<4096xf32, #tpu.memory_space<hbm>>
    %dma_start3A_5 = tpu.memref_slice %arg2[%add3A_4] : memref<1048576xf32, #tpu.memory_space<hbm>> -> memref<4096xf32, #tpu.memory_space<hbm>>
    tpu.enqueue_dma source(%dma_start3A_5 : memref<4096xf32, #tpu.memory_space<hbm>>) target(%arg11 : memref<4096xf32, #tpu.memory_space<vmem>>) target_semaphore(%arg25 : memref<!tpu.dma_semaphore, #tpu.memory_space<semaphore_mem>>)
    %dma_start3A_6 = tpu.memref_slice %arg3[%add3A_4] : memref<1048576xf32, #tpu.memory_space<hbm>> -> memref<4096xf32, #tpu.memory_space<hbm>>
    %dma_start3A_7 = tpu.memref_slice %arg3[%add3A_4] : memref<1048576xf32, #tpu.memory_space<hbm>> -> memref<4096xf32, #tpu.memory_space<hbm>>
    tpu.enqueue_dma source(%dma_start3A_7 : memref<4096xf32, #tpu.memory_space<hbm>>) target(%arg12 : memref<4096xf32, #tpu.memory_space<vmem>>) target_semaphore(%arg25 : memref<!tpu.dma_semaphore, #tpu.memory_space<semaphore_mem>>)
    %dma_start3A_8 = tpu.memref_slice %arg5[%add3A_4] : memref<1048576xi32, #tpu.memory_space<hbm>> -> memref<4096xi32, #tpu.memory_space<hbm>>
    %dma_start3A_9 = tpu.memref_slice %arg5[%add3A_4] : memref<1048576xi32, #tpu.memory_space<hbm>> -> memref<4096xi32, #tpu.memory_space<hbm>>
    tpu.enqueue_dma source(%dma_start3A_9 : memref<4096xi32, #tpu.memory_space<hbm>>) target(%arg13 : memref<4096xi32, #tpu.memory_space<vmem>>) target_semaphore(%arg25 : memref<!tpu.dma_semaphore, #tpu.memory_space<semaphore_mem>>)
    %dma_start3A_10 = tpu.memref_slice %arg4[%add3A_4] : memref<1048576xf32, #tpu.memory_space<hbm>> -> memref<4096xf32, #tpu.memory_space<hbm>>
    %dma_start3A_11 = tpu.memref_slice %arg4[%add3A_4] : memref<1048576xf32, #tpu.memory_space<hbm>> -> memref<4096xf32, #tpu.memory_space<hbm>>
    tpu.enqueue_dma source(%dma_start3A_11 : memref<4096xf32, #tpu.memory_space<hbm>>) target(%arg14 : memref<4096xf32, #tpu.memory_space<vmem>>) target_semaphore(%arg25 : memref<!tpu.dma_semaphore, #tpu.memory_space<semaphore_mem>>)
    %mul3A_12 = arith.constant 32768 : i32
    %mul3A_13 = arith.muli %add3A, %mul3A_12 : i32
    %add3A_14 = arith.constant 4096 : i32
    %add3A_15 = arith.addi %mul3A_13, %add3A_14 : i32
    %dma_start3A_16 = tpu.memref_slice %arg2[%add3A_15] : memref<1048576xf32, #tpu.memory_space<hbm>> -> memref<4096xf32, #tpu.memory_space<hbm>>
    %dma_start3A_17 = tpu.memref_slice %arg2[%add3A_15] : memref<1048576xf32, #tpu.memory_space<hbm>> -> memref<4096xf32, #tpu.memory_space<hbm>>
    tpu.enqueue_dma source(%dma_start3A_17 : memref<4096xf32, #tpu.memory_space<hbm>>) target(%arg18 : memref<4096xf32, #tpu.memory_space<vmem>>) target_semaphore(%arg26 : memref<!tpu.dma_semaphore, #tpu.memory_space<semaphore_mem>>)
    %dma_start3A_18 = tpu.memref_slice %arg3[%add3A_15] : memref<1048576xf32, #tpu.memory_space<hbm>> -> memref<4096xf32, #tpu.memory_space<hbm>>
    %dma_start3A_19 = tpu.memref_slice %arg3[%add3A_15] : memref<1048576xf32, #tpu.memory_space<hbm>> -> memref<4096xf32, #tpu.memory_space<hbm>>
    tpu.enqueue_dma source(%dma_start3A_19 : memref<4096xf32, #tpu.memory_space<hbm>>) target(%arg19 : memref<4096xf32, #tpu.memory_space<vmem>>) target_semaphore(%arg26 : memref<!tpu.dma_semaphore, #tpu.memory_space<semaphore_mem>>)
    %dma_start3A_20 = tpu.memref_slice %arg5[%add3A_15] : memref<1048576xi32, #tpu.memory_space<hbm>> -> memref<4096xi32, #tpu.memory_space<hbm>>
    %dma_start3A_21 = tpu.memref_slice %arg5[%add3A_15] : memref<1048576xi32, #tpu.memory_space<hbm>> -> memref<4096xi32, #tpu.memory_space<hbm>>
    tpu.enqueue_dma source(%dma_start3A_21 : memref<4096xi32, #tpu.memory_space<hbm>>) target(%arg20 : memref<4096xi32, #tpu.memory_space<vmem>>) target_semaphore(%arg26 : memref<!tpu.dma_semaphore, #tpu.memory_space<semaphore_mem>>)
    %dma_start3A_22 = tpu.memref_slice %arg4[%add3A_15] : memref<1048576xf32, #tpu.memory_space<hbm>> -> memref<4096xf32, #tpu.memory_space<hbm>>
    %dma_start3A_23 = tpu.memref_slice %arg4[%add3A_15] : memref<1048576xf32, #tpu.memory_space<hbm>> -> memref<4096xf32, #tpu.memory_space<hbm>>
    tpu.enqueue_dma source(%dma_start3A_23 : memref<4096xf32, #tpu.memory_space<hbm>>) target(%arg21 : memref<4096xf32, #tpu.memory_space<vmem>>) target_semaphore(%arg26 : memref<!tpu.dma_semaphore, #tpu.memory_space<semaphore_mem>>)
    %dma_wait3A = tpu.memref_slice %arg2[%add3A_4] : memref<1048576xf32, #tpu.memory_space<hbm>> -> memref<4096xf32, #tpu.memory_space<hbm>>
    %dma_wait3A_24 = tpu.memref_slice %arg2[%add3A_4] : memref<1048576xf32, #tpu.memory_space<hbm>> -> memref<4096xf32, #tpu.memory_space<hbm>>
    tpu.wait_dma2 semaphore(%arg25 : memref<!tpu.dma_semaphore, #tpu.memory_space<semaphore_mem>>) src(%dma_wait3A_24 : memref<4096xf32, #tpu.memory_space<hbm>>) dst(%arg11 : memref<4096xf32, #tpu.memory_space<vmem>>)
    %dma_wait3A_25 = tpu.memref_slice %arg3[%add3A_4] : memref<1048576xf32, #tpu.memory_space<hbm>> -> memref<4096xf32, #tpu.memory_space<hbm>>
    %dma_wait3A_26 = tpu.memref_slice %arg3[%add3A_4] : memref<1048576xf32, #tpu.memory_space<hbm>> -> memref<4096xf32, #tpu.memory_space<hbm>>
    tpu.wait_dma2 semaphore(%arg25 : memref<!tpu.dma_semaphore, #tpu.memory_space<semaphore_mem>>) src(%dma_wait3A_26 : memref<4096xf32, #tpu.memory_space<hbm>>) dst(%arg12 : memref<4096xf32, #tpu.memory_space<vmem>>)
    %dma_wait3A_27 = tpu.memref_slice %arg5[%add3A_4] : memref<1048576xi32, #tpu.memory_space<hbm>> -> memref<4096xi32, #tpu.memory_space<hbm>>
    %dma_wait3A_28 = tpu.memref_slice %arg5[%add3A_4] : memref<1048576xi32, #tpu.memory_space<hbm>> -> memref<4096xi32, #tpu.memory_space<hbm>>
    tpu.wait_dma2 semaphore(%arg25 : memref<!tpu.dma_semaphore, #tpu.memory_space<semaphore_mem>>) src(%dma_wait3A_28 : memref<4096xi32, #tpu.memory_space<hbm>>) dst(%arg13 : memref<4096xi32, #tpu.memory_space<vmem>>)
    %dma_wait3A_29 = tpu.memref_slice %arg4[%add3A_4] : memref<1048576xf32, #tpu.memory_space<hbm>> -> memref<4096xf32, #tpu.memory_space<hbm>>
    %dma_wait3A_30 = tpu.memref_slice %arg4[%add3A_4] : memref<1048576xf32, #tpu.memory_space<hbm>> -> memref<4096xf32, #tpu.memory_space<hbm>>
    tpu.wait_dma2 semaphore(%arg25 : memref<!tpu.dma_semaphore, #tpu.memory_space<semaphore_mem>>) src(%dma_wait3A_30 : memref<4096xf32, #tpu.memory_space<hbm>>) dst(%arg14 : memref<4096xf32, #tpu.memory_space<vmem>>)
    %parallel_loop3A = arith.constant 0 : i32
    %parallel_loop3A_31 = arith.constant 4096 : i32
    %parallel_loop3A_32 = arith.constant 16 : i32
    scf.for %parallel_loop3A_310 = %parallel_loop3A to %parallel_loop3A_31 step %parallel_loop3A_32  : i32 {
      %parallel_loop3A_311 = arith.index_cast %parallel_loop3A_310 : i32 to index
      %parallel_loop3A_312 = tpu.vector_load %arg11[%parallel_loop3A_311] {strides = array<i32>} : memref<4096xf32, #tpu.memory_space<vmem>>, vector<16xf32>,
      %parallel_loop3A_313 = arith.index_cast %parallel_loop3A_310 : i32 to index
      %parallel_loop3A_314 = tpu.vector_load %arg12[%parallel_loop3A_313] {strides = array<i32>} : memref<4096xf32, #tpu.memory_space<vmem>>, vector<16xf32>,
      %parallel_loop3A_315 = arith.index_cast %parallel_loop3A_310 : i32 to index
      %parallel_loop3A_316 = tpu.vector_load %arg13[%parallel_loop3A_315] {strides = array<i32>} : memref<4096xi32, #tpu.memory_space<vmem>>, vector<16xi32>,
      %parallel_loop3A_317 = tpu.vector_load_idx %arg10[%parallel_loop3A_316] : memref<160xf32, #tpu.memory_space<vmem>>[vector<16xi32>], vector<16xf32>,
      %parallel_loop3A_318 = arith.constant 16 : i32
      %parallel_loop3A_319 = vector.broadcast %parallel_loop3A_318 : i32 to vector<16xi32>
      %parallel_loop3A_320 = arith.addi %parallel_loop3A_316, %parallel_loop3A_319 : vector<16xi32>
      %parallel_loop3A_321 = tpu.vector_load_idx %arg10[%parallel_loop3A_320] : memref<160xf32, #tpu.memory_space<vmem>>[vector<16xi32>], vector<16xf32>,
      %parallel_loop3A_322 = arith.constant 32 : i32
      %parallel_loop3A_323 = vector.broadcast %parallel_loop3A_322 : i32 to vector<16xi32>
      %parallel_loop3A_324 = arith.addi %parallel_loop3A_316, %parallel_loop3A_323 : vector<16xi32>
      %parallel_loop3A_325 = tpu.vector_load_idx %arg10[%parallel_loop3A_324] : memref<160xf32, #tpu.memory_space<vmem>>[vector<16xi32>], vector<16xf32>,
      %parallel_loop3A_326 = arith.constant 48 : i32
      %parallel_loop3A_327 = vector.broadcast %parallel_loop3A_326 : i32 to vector<16xi32>
      %parallel_loop3A_328 = arith.addi %parallel_loop3A_316, %parallel_loop3A_327 : vector<16xi32>
      %parallel_loop3A_329 = tpu.vector_load_idx %arg10[%parallel_loop3A_328] : memref<160xf32, #tpu.memory_space<vmem>>[vector<16xi32>], vector<16xf32>,
      %parallel_loop3A_330 = arith.constant 64 : i32
      %parallel_loop3A_331 = vector.broadcast %parallel_loop3A_330 : i32 to vector<16xi32>
      %parallel_loop3A_332 = arith.addi %parallel_loop3A_316, %parallel_loop3A_331 : vector<16xi32>
      %parallel_loop3A_333 = tpu.vector_load_idx %arg10[%parallel_loop3A_332] : memref<160xf32, #tpu.memory_space<vmem>>[vector<16xi32>], vector<16xf32>,
      %parallel_loop3A_334 = arith.constant 80 : i32
      %parallel_loop3A_335 = vector.broadcast %parallel_loop3A_334 : i32 to vector<16xi32>
      %parallel_loop3A_336 = arith.addi %parallel_loop3A_316, %parallel_loop3A_335 : vector<16xi32>
      %parallel_loop3A_337 = tpu.vector_load_idx %arg10[%parallel_loop3A_336] : memref<160xf32, #tpu.memory_space<vmem>>[vector<16xi32>], vector<16xf32>,
      %parallel_loop3A_338 = arith.constant 96 : i32
      %parallel_loop3A_339 = vector.broadcast %parallel_loop3A_338 : i32 to vector<16xi32>
      %parallel_loop3A_340 = arith.addi %parallel_loop3A_316, %parallel_loop3A_339 : vector<16xi32>
      %parallel_loop3A_341 = tpu.vector_load_idx %arg10[%parallel_loop3A_340] : memref<160xf32, #tpu.memory_space<vmem>>[vector<16xi32>], vector<16xf32>,
      %parallel_loop3A_342 = arith.constant 112 : i32
      %parallel_loop3A_343 = vector.broadcast %parallel_loop3A_342 : i32 to vector<16xi32>
      %parallel_loop3A_344 = arith.addi %parallel_loop3A_316, %parallel_loop3A_343 : vector<16xi32>
      %parallel_loop3A_345 = tpu.vector_load_idx %arg10[%parallel_loop3A_344] : memref<160xf32, #tpu.memory_space<vmem>>[vector<16xi32>], vector<16xf32>,
      %parallel_loop3A_346 = arith.constant 128 : i32
      %parallel_loop3A_347 = vector.broadcast %parallel_loop3A_346 : i32 to vector<16xi32>
      %parallel_loop3A_348 = arith.addi %parallel_loop3A_316, %parallel_loop3A_347 : vector<16xi32>
      %parallel_loop3A_349 = tpu.vector_load_idx %arg10[%parallel_loop3A_348] : memref<160xf32, #tpu.memory_space<vmem>>[vector<16xi32>], vector<16xf32>,
      %parallel_loop3A_350 = arith.constant 144 : i32
      %parallel_loop3A_351 = vector.broadcast %parallel_loop3A_350 : i32 to vector<16xi32>
      %parallel_loop3A_352 = arith.addi %parallel_loop3A_316, %parallel_loop3A_351 : vector<16xi32>
      %parallel_loop3A_353 = tpu.vector_load_idx %arg10[%parallel_loop3A_352] : memref<160xf32, #tpu.memory_space<vmem>>[vector<16xi32>], vector<16xf32>,
      %parallel_loop3A_354 = arith.mulf %parallel_loop3A_317, %parallel_loop3A_312 : vector<16xf32>
      %parallel_loop3A_355 = arith.mulf %parallel_loop3A_321, %parallel_loop3A_314 : vector<16xf32>
      %parallel_loop3A_356 = arith.addf %parallel_loop3A_354, %parallel_loop3A_355 : vector<16xf32>
      %parallel_loop3A_357 = arith.addf %parallel_loop3A_356, %parallel_loop3A_333 : vector<16xf32>
      %parallel_loop3A_358 = arith.mulf %parallel_loop3A_325, %parallel_loop3A_312 : vector<16xf32>
      %parallel_loop3A_359 = arith.mulf %parallel_loop3A_329, %parallel_loop3A_314 : vector<16xf32>
      %parallel_loop3A_360 = arith.addf %parallel_loop3A_358, %parallel_loop3A_359 : vector<16xf32>
      %parallel_loop3A_361 = arith.addf %parallel_loop3A_360, %parallel_loop3A_337 : vector<16xf32>
      %parallel_loop3A_362 = arith.mulf %parallel_loop3A_357, %parallel_loop3A_357 : vector<16xf32>
      %parallel_loop3A_363 = arith.mulf %parallel_loop3A_361, %parallel_loop3A_361 : vector<16xf32>
      %parallel_loop3A_364 = arith.addf %parallel_loop3A_362, %parallel_loop3A_363 : vector<16xf32>
      %parallel_loop3A_365 = arith.constant 9.99999997E-7 : f32
      %parallel_loop3A_366 = vector.broadcast %parallel_loop3A_365 : f32 to vector<16xf32>
      %parallel_loop3A_367 = arith.addf %parallel_loop3A_364, %parallel_loop3A_366 : vector<16xf32>
      %parallel_loop3A_368 = arith.constant 1.000000e+00 : f32
      %parallel_loop3A_369 = vector.broadcast %parallel_loop3A_368 : f32 to vector<16xf32>
      %parallel_loop3A_370 = arith.divf %parallel_loop3A_369, %parallel_loop3A_367 : vector<16xf32>
      %parallel_loop3A_371 = arith.mulf %parallel_loop3A_349, %parallel_loop3A_370 : vector<16xf32>
      %parallel_loop3A_372 = arith.addf %parallel_loop3A_341, %parallel_loop3A_371 : vector<16xf32>
      %parallel_loop3A_373 = arith.mulf %parallel_loop3A_357, %parallel_loop3A_372 : vector<16xf32>
      %parallel_loop3A_374 = arith.constant 0.318309873 : f32
      %parallel_loop3A_375 = vector.broadcast %parallel_loop3A_374 : f32 to vector<16xf32>
      %parallel_loop3A_376 = arith.mulf %parallel_loop3A_357, %parallel_loop3A_375 : vector<16xf32>
      %parallel_loop3A_377 = arith.constant 0x4B400000 : f32
      %parallel_loop3A_378 = vector.broadcast %parallel_loop3A_377 : f32 to vector<16xf32>
      %parallel_loop3A_379 = arith.addf %parallel_loop3A_376, %parallel_loop3A_378 : vector<16xf32>
      %parallel_loop3A_380 = arith.constant 0x4B400000 : f32
      %parallel_loop3A_381 = vector.broadcast %parallel_loop3A_380 : f32 to vector<16xf32>
      %parallel_loop3A_382 = arith.subf %parallel_loop3A_379, %parallel_loop3A_381 : vector<16xf32>
      %parallel_loop3A_383 = arith.constant 3.14159274 : f32
      %parallel_loop3A_384 = vector.broadcast %parallel_loop3A_383 : f32 to vector<16xf32>
      %parallel_loop3A_385 = arith.mulf %parallel_loop3A_382, %parallel_loop3A_384 : vector<16xf32>
      %parallel_loop3A_386 = arith.subf %parallel_loop3A_357, %parallel_loop3A_385 : vector<16xf32>
      %parallel_loop3A_387 = arith.mulf %parallel_loop3A_386, %parallel_loop3A_386 : vector<16xf32>
      %parallel_loop3A_388 = arith.constant -1.86089761E-4 : f32
      %parallel_loop3A_389 = vector.broadcast %parallel_loop3A_388 : f32 to vector<16xf32>
      %parallel_loop3A_390 = arith.mulf %parallel_loop3A_387, %parallel_loop3A_389 : vector<16xf32>
      %parallel_loop3A_391 = arith.constant 0.0083159646 : f32
      %parallel_loop3A_392 = vector.broadcast %parallel_loop3A_391 : f32 to vector<16xf32>
      %parallel_loop3A_393 = arith.addf %parallel_loop3A_392, %parallel_loop3A_390 : vector<16xf32>
      %parallel_loop3A_394 = arith.mulf %parallel_loop3A_387, %parallel_loop3A_393 : vector<16xf32>
      %parallel_loop3A_395 = arith.constant -0.166658908 : f32
      %parallel_loop3A_396 = vector.broadcast %parallel_loop3A_395 : f32 to vector<16xf32>
      %parallel_loop3A_397 = arith.addf %parallel_loop3A_396, %parallel_loop3A_394 : vector<16xf32>
      %parallel_loop3A_398 = arith.mulf %parallel_loop3A_387, %parallel_loop3A_397 : vector<16xf32>
      %parallel_loop3A_399 = arith.constant 0.999999463 : f32
      %parallel_loop3A_400 = vector.broadcast %parallel_loop3A_399 : f32 to vector<16xf32>
      %parallel_loop3A_401 = arith.addf %parallel_loop3A_400, %parallel_loop3A_398 : vector<16xf32>
      %parallel_loop3A_402 = arith.mulf %parallel_loop3A_386, %parallel_loop3A_401 : vector<16xf32>
      %parallel_loop3A_403 = vector.bitcast %parallel_loop3A_379 : vector<16xf32> to vector<16xi32>
      %parallel_loop3A_404 = arith.constant 31 : i32
      %parallel_loop3A_405 = vector.broadcast %parallel_loop3A_404 : i32 to vector<16xi32>
      %parallel_loop3A_406 = arith.shli %parallel_loop3A_403, %parallel_loop3A_405 : vector<16xi32>
      %parallel_loop3A_407 = vector.bitcast %parallel_loop3A_402 : vector<16xf32> to vector<16xi32>
      %parallel_loop3A_408 = arith.xori %parallel_loop3A_407, %parallel_loop3A_406 : vector<16xi32>
      %parallel_loop3A_409 = vector.bitcast %parallel_loop3A_408 : vector<16xi32> to vector<16xf32>
      %parallel_loop3A_410 = arith.mulf %parallel_loop3A_345, %parallel_loop3A_409 : vector<16xf32>
      %parallel_loop3A_411 = arith.addf %parallel_loop3A_373, %parallel_loop3A_410 : vector<16xf32>
      %parallel_loop3A_412 = arith.index_cast %parallel_loop3A_310 : i32 to index
      %parallel_loop3A_413 = tpu.vector_load %arg15[%parallel_loop3A_412] {strides = array<i32>} : memref<4096xf32, #tpu.memory_space<vmem>>, vector<16xf32>,
      tpu.vector_store %arg15[%parallel_loop3A_412], %parallel_loop3A_411 {strides = array<i32>} : memref<4096xf32, #tpu.memory_space<vmem>>, vector<16xf32>,
      %parallel_loop3A_414 = arith.mulf %parallel_loop3A_361, %parallel_loop3A_372 : vector<16xf32>
      %parallel_loop3A_415 = arith.constant 0.318309873 : f32
      %parallel_loop3A_416 = vector.broadcast %parallel_loop3A_415 : f32 to vector<16xf32>
      %parallel_loop3A_417 = arith.mulf %parallel_loop3A_361, %parallel_loop3A_416 : vector<16xf32>
      %parallel_loop3A_418 = arith.constant 0x4B400000 : f32
      %parallel_loop3A_419 = vector.broadcast %parallel_loop3A_418 : f32 to vector<16xf32>
      %parallel_loop3A_420 = arith.addf %parallel_loop3A_417, %parallel_loop3A_419 : vector<16xf32>
      %parallel_loop3A_421 = arith.constant 0x4B400000 : f32
      %parallel_loop3A_422 = vector.broadcast %parallel_loop3A_421 : f32 to vector<16xf32>
      %parallel_loop3A_423 = arith.subf %parallel_loop3A_420, %parallel_loop3A_422 : vector<16xf32>
      %parallel_loop3A_424 = arith.constant 3.14159274 : f32
      %parallel_loop3A_425 = vector.broadcast %parallel_loop3A_424 : f32 to vector<16xf32>
      %parallel_loop3A_426 = arith.mulf %parallel_loop3A_423, %parallel_loop3A_425 : vector<16xf32>
      %parallel_loop3A_427 = arith.subf %parallel_loop3A_361, %parallel_loop3A_426 : vector<16xf32>
      %parallel_loop3A_428 = arith.mulf %parallel_loop3A_427, %parallel_loop3A_427 : vector<16xf32>
      %parallel_loop3A_429 = arith.constant -1.86089761E-4 : f32
      %parallel_loop3A_430 = vector.broadcast %parallel_loop3A_429 : f32 to vector<16xf32>
      %parallel_loop3A_431 = arith.mulf %parallel_loop3A_428, %parallel_loop3A_430 : vector<16xf32>
      %parallel_loop3A_432 = arith.constant 0.0083159646 : f32
      %parallel_loop3A_433 = vector.broadcast %parallel_loop3A_432 : f32 to vector<16xf32>
      %parallel_loop3A_434 = arith.addf %parallel_loop3A_433, %parallel_loop3A_431 : vector<16xf32>
      %parallel_loop3A_435 = arith.mulf %parallel_loop3A_428, %parallel_loop3A_434 : vector<16xf32>
      %parallel_loop3A_436 = arith.constant -0.166658908 : f32
      %parallel_loop3A_437 = vector.broadcast %parallel_loop3A_436 : f32 to vector<16xf32>
      %parallel_loop3A_438 = arith.addf %parallel_loop3A_437, %parallel_loop3A_435 : vector<16xf32>
      %parallel_loop3A_439 = arith.mulf %parallel_loop3A_428, %parallel_loop3A_438 : vector<16xf32>
      %parallel_loop3A_440 = arith.constant 0.999999463 : f32
      %parallel_loop3A_441 = vector.broadcast %parallel_loop3A_440 : f32 to vector<16xf32>
      %parallel_loop3A_442 = arith.addf %parallel_loop3A_441, %parallel_loop3A_439 : vector<16xf32>
      %parallel_loop3A_443 = arith.mulf %parallel_loop3A_427, %parallel_loop3A_442 : vector<16xf32>
      %parallel_loop3A_444 = vector.bitcast %parallel_loop3A_420 : vector<16xf32> to vector<16xi32>
      %parallel_loop3A_445 = arith.constant 31 : i32
      %parallel_loop3A_446 = vector.broadcast %parallel_loop3A_445 : i32 to vector<16xi32>
      %parallel_loop3A_447 = arith.shli %parallel_loop3A_444, %parallel_loop3A_446 : vector<16xi32>
      %parallel_loop3A_448 = vector.bitcast %parallel_loop3A_443 : vector<16xf32> to vector<16xi32>
      %parallel_loop3A_449 = arith.xori %parallel_loop3A_448, %parallel_loop3A_447 : vector<16xi32>
      %parallel_loop3A_450 = vector.bitcast %parallel_loop3A_449 : vector<16xi32> to vector<16xf32>
      %parallel_loop3A_451 = arith.mulf %parallel_loop3A_345, %parallel_loop3A_450 : vector<16xf32>
      %parallel_loop3A_452 = arith.addf %parallel_loop3A_414, %parallel_loop3A_451 : vector<16xf32>
      %parallel_loop3A_453 = arith.index_cast %parallel_loop3A_310 : i32 to index
      %parallel_loop3A_454 = tpu.vector_load %arg16[%parallel_loop3A_453] {strides = array<i32>} : memref<4096xf32, #tpu.memory_space<vmem>>, vector<16xf32>,
      tpu.vector_store %arg16[%parallel_loop3A_453], %parallel_loop3A_452 {strides = array<i32>} : memref<4096xf32, #tpu.memory_space<vmem>>, vector<16xf32>,
      %parallel_loop3A_455 = arith.index_cast %parallel_loop3A_310 : i32 to index
      %parallel_loop3A_456 = tpu.vector_load %arg14[%parallel_loop3A_455] {strides = array<i32>} : memref<4096xf32, #tpu.memory_space<vmem>>, vector<16xf32>,
      %parallel_loop3A_457 = arith.addf %parallel_loop3A_456, %parallel_loop3A_353 : vector<16xf32>
      %parallel_loop3A_458 = arith.constant 5.000000e-01 : f32
      %parallel_loop3A_459 = vector.broadcast %parallel_loop3A_458 : f32 to vector<16xf32>
      %parallel_loop3A_460 = arith.mulf %parallel_loop3A_457, %parallel_loop3A_459 : vector<16xf32>
      %parallel_loop3A_461 = arith.index_cast %parallel_loop3A_310 : i32 to index
      %parallel_loop3A_462 = tpu.vector_load %arg17[%parallel_loop3A_461] {strides = array<i32>} : memref<4096xf32, #tpu.memory_space<vmem>>, vector<16xf32>,
      tpu.vector_store %arg17[%parallel_loop3A_461], %parallel_loop3A_460 {strides = array<i32>} : memref<4096xf32, #tpu.memory_space<vmem>>, vector<16xf32>,
    } {sc.loop_unroll_factor = 2 : i64, sc.parallel_access}
    %mul3A_33 = arith.constant 32768 : i32
    %mul3A_34 = arith.muli %add3A, %mul3A_33 : i32
    %add3A_35 = arith.constant 0 : i32
    %add3A_36 = arith.addi %mul3A_34, %add3A_35 : i32
    %dma_start3A_37 = tpu.memref_slice %arg7[%add3A_36] : memref<1048576xf32, #tpu.memory_space<hbm>> -> memref<4096xf32, #tpu.memory_space<hbm>>
    %dma_start3A_38 = tpu.memref_slice %arg7[%add3A_36] : memref<1048576xf32, #tpu.memory_space<hbm>> -> memref<4096xf32, #tpu.memory_space<hbm>>
    tpu.enqueue_dma source(%arg15 : memref<4096xf32, #tpu.memory_space<vmem>>) target(%dma_start3A_38 : memref<4096xf32, #tpu.memory_space<hbm>>) target_semaphore(%arg27 : memref<!tpu.dma_semaphore, #tpu.memory_space<semaphore_mem>>)
    %dma_start3A_39 = tpu.memref_slice %arg8[%add3A_36] : memref<1048576xf32, #tpu.memory_space<hbm>> -> memref<4096xf32, #tpu.memory_space<hbm>>
    %dma_start3A_40 = tpu.memref_slice %arg8[%add3A_36] : memref<1048576xf32, #tpu.memory_space<hbm>> -> memref<4096xf32, #tpu.memory_space<hbm>>
    tpu.enqueue_dma source(%arg16 : memref<4096xf32, #tpu.memory_space<vmem>>) target(%dma_start3A_40 : memref<4096xf32, #tpu.memory_space<hbm>>) target_semaphore(%arg27 : memref<!tpu.dma_semaphore, #tpu.memory_space<semaphore_mem>>)
    %dma_start3A_41 = tpu.memref_slice %arg9[%add3A_36] : memref<1048576xf32, #tpu.memory_space<hbm>> -> memref<4096xf32, #tpu.memory_space<hbm>>
    %dma_start3A_42 = tpu.memref_slice %arg9[%add3A_36] : memref<1048576xf32, #tpu.memory_space<hbm>> -> memref<4096xf32, #tpu.memory_space<hbm>>
    tpu.enqueue_dma source(%arg17 : memref<4096xf32, #tpu.memory_space<vmem>>) target(%dma_start3A_42 : memref<4096xf32, #tpu.memory_space<hbm>>) target_semaphore(%arg27 : memref<!tpu.dma_semaphore, #tpu.memory_space<semaphore_mem>>)
    %mul3A_43 = arith.constant 32768 : i32
    %mul3A_44 = arith.muli %add3A, %mul3A_43 : i32
    %add3A_45 = arith.constant 8192 : i32
    %add3A_46 = arith.addi %mul3A_44, %add3A_45 : i32
    %dma_start3A_47 = tpu.memref_slice %arg2[%add3A_46] : memref<1048576xf32, #tpu.memory_space<hbm>> -> memref<4096xf32, #tpu.memory_space<hbm>>
    %dma_start3A_48 = tpu.memref_slice %arg2[%add3A_46] : memref<1048576xf32, #tpu.memory_space<hbm>> -> memref<4096xf32, #tpu.memory_space<hbm>>
    tpu.enqueue_dma source(%dma_start3A_48 : memref<4096xf32, #tpu.memory_space<hbm>>) target(%arg11 : memref<4096xf32, #tpu.memory_space<vmem>>) target_semaphore(%arg25 : memref<!tpu.dma_semaphore, #tpu.memory_space<semaphore_mem>>)
    %dma_start3A_49 = tpu.memref_slice %arg3[%add3A_46] : memref<1048576xf32, #tpu.memory_space<hbm>> -> memref<4096xf32, #tpu.memory_space<hbm>>
    %dma_start3A_50 = tpu.memref_slice %arg3[%add3A_46] : memref<1048576xf32, #tpu.memory_space<hbm>> -> memref<4096xf32, #tpu.memory_space<hbm>>
    tpu.enqueue_dma source(%dma_start3A_50 : memref<4096xf32, #tpu.memory_space<hbm>>) target(%arg12 : memref<4096xf32, #tpu.memory_space<vmem>>) target_semaphore(%arg25 : memref<!tpu.dma_semaphore, #tpu.memory_space<semaphore_mem>>)
    %dma_start3A_51 = tpu.memref_slice %arg5[%add3A_46] : memref<1048576xi32, #tpu.memory_space<hbm>> -> memref<4096xi32, #tpu.memory_space<hbm>>
    %dma_start3A_52 = tpu.memref_slice %arg5[%add3A_46] : memref<1048576xi32, #tpu.memory_space<hbm>> -> memref<4096xi32, #tpu.memory_space<hbm>>
    tpu.enqueue_dma source(%dma_start3A_52 : memref<4096xi32, #tpu.memory_space<hbm>>) target(%arg13 : memref<4096xi32, #tpu.memory_space<vmem>>) target_semaphore(%arg25 : memref<!tpu.dma_semaphore, #tpu.memory_space<semaphore_mem>>)
    %dma_start3A_53 = tpu.memref_slice %arg4[%add3A_46] : memref<1048576xf32, #tpu.memory_space<hbm>> -> memref<4096xf32, #tpu.memory_space<hbm>>
    %dma_start3A_54 = tpu.memref_slice %arg4[%add3A_46] : memref<1048576xf32, #tpu.memory_space<hbm>> -> memref<4096xf32, #tpu.memory_space<hbm>>
    tpu.enqueue_dma source(%dma_start3A_54 : memref<4096xf32, #tpu.memory_space<hbm>>) target(%arg14 : memref<4096xf32, #tpu.memory_space<vmem>>) target_semaphore(%arg25 : memref<!tpu.dma_semaphore, #tpu.memory_space<semaphore_mem>>)
    %dma_wait3A_55 = tpu.memref_slice %arg2[%add3A_15] : memref<1048576xf32, #tpu.memory_space<hbm>> -> memref<4096xf32, #tpu.memory_space<hbm>>
    %dma_wait3A_56 = tpu.memref_slice %arg2[%add3A_15] : memref<1048576xf32, #tpu.memory_space<hbm>> -> memref<4096xf32, #tpu.memory_space<hbm>>
    tpu.wait_dma2 semaphore(%arg26 : memref<!tpu.dma_semaphore, #tpu.memory_space<semaphore_mem>>) src(%dma_wait3A_56 : memref<4096xf32, #tpu.memory_space<hbm>>) dst(%arg18 : memref<4096xf32, #tpu.memory_space<vmem>>)
    %dma_wait3A_57 = tpu.memref_slice %arg3[%add3A_15] : memref<1048576xf32, #tpu.memory_space<hbm>> -> memref<4096xf32, #tpu.memory_space<hbm>>
    %dma_wait3A_58 = tpu.memref_slice %arg3[%add3A_15] : memref<1048576xf32, #tpu.memory_space<hbm>> -> memref<4096xf32, #tpu.memory_space<hbm>>
    tpu.wait_dma2 semaphore(%arg26 : memref<!tpu.dma_semaphore, #tpu.memory_space<semaphore_mem>>) src(%dma_wait3A_58 : memref<4096xf32, #tpu.memory_space<hbm>>) dst(%arg19 : memref<4096xf32, #tpu.memory_space<vmem>>)
    %dma_wait3A_59 = tpu.memref_slice %arg5[%add3A_15] : memref<1048576xi32, #tpu.memory_space<hbm>> -> memref<4096xi32, #tpu.memory_space<hbm>>
    %dma_wait3A_60 = tpu.memref_slice %arg5[%add3A_15] : memref<1048576xi32, #tpu.memory_space<hbm>> -> memref<4096xi32, #tpu.memory_space<hbm>>
    tpu.wait_dma2 semaphore(%arg26 : memref<!tpu.dma_semaphore, #tpu.memory_space<semaphore_mem>>) src(%dma_wait3A_60 : memref<4096xi32, #tpu.memory_space<hbm>>) dst(%arg20 : memref<4096xi32, #tpu.memory_space<vmem>>)
    %dma_wait3A_61 = tpu.memref_slice %arg4[%add3A_15] : memref<1048576xf32, #tpu.memory_space<hbm>> -> memref<4096xf32, #tpu.memory_space<hbm>>
    %dma_wait3A_62 = tpu.memref_slice %arg4[%add3A_15] : memref<1048576xf32, #tpu.memory_space<hbm>> -> memref<4096xf32, #tpu.memory_space<hbm>>
    tpu.wait_dma2 semaphore(%arg26 : memref<!tpu.dma_semaphore, #tpu.memory_space<semaphore_mem>>) src(%dma_wait3A_62 : memref<4096xf32, #tpu.memory_space<hbm>>) dst(%arg21 : memref<4096xf32, #tpu.memory_space<vmem>>)
    %parallel_loop3A_63 = arith.constant 0 : i32
    %parallel_loop3A_64 = arith.constant 4096 : i32
    %parallel_loop3A_65 = arith.constant 16 : i32
    scf.for %parallel_loop3A_310 = %parallel_loop3A_63 to %parallel_loop3A_64 step %parallel_loop3A_65  : i32 {
      %parallel_loop3A_311 = arith.index_cast %parallel_loop3A_310 : i32 to index
      %parallel_loop3A_312 = tpu.vector_load %arg18[%parallel_loop3A_311] {strides = array<i32>} : memref<4096xf32, #tpu.memory_space<vmem>>, vector<16xf32>,
      %parallel_loop3A_313 = arith.index_cast %parallel_loop3A_310 : i32 to index
      %parallel_loop3A_314 = tpu.vector_load %arg19[%parallel_loop3A_313] {strides = array<i32>} : memref<4096xf32, #tpu.memory_space<vmem>>, vector<16xf32>,
      %parallel_loop3A_315 = arith.index_cast %parallel_loop3A_310 : i32 to index
      %parallel_loop3A_316 = tpu.vector_load %arg20[%parallel_loop3A_315] {strides = array<i32>} : memref<4096xi32, #tpu.memory_space<vmem>>, vector<16xi32>,
      %parallel_loop3A_317 = tpu.vector_load_idx %arg10[%parallel_loop3A_316] : memref<160xf32, #tpu.memory_space<vmem>>[vector<16xi32>], vector<16xf32>,
      %parallel_loop3A_318 = arith.constant 16 : i32
      %parallel_loop3A_319 = vector.broadcast %parallel_loop3A_318 : i32 to vector<16xi32>
      %parallel_loop3A_320 = arith.addi %parallel_loop3A_316, %parallel_loop3A_319 : vector<16xi32>
      %parallel_loop3A_321 = tpu.vector_load_idx %arg10[%parallel_loop3A_320] : memref<160xf32, #tpu.memory_space<vmem>>[vector<16xi32>], vector<16xf32>,
      %parallel_loop3A_322 = arith.constant 32 : i32
      %parallel_loop3A_323 = vector.broadcast %parallel_loop3A_322 : i32 to vector<16xi32>
      %parallel_loop3A_324 = arith.addi %parallel_loop3A_316, %parallel_loop3A_323 : vector<16xi32>
      %parallel_loop3A_325 = tpu.vector_load_idx %arg10[%parallel_loop3A_324] : memref<160xf32, #tpu.memory_space<vmem>>[vector<16xi32>], vector<16xf32>,
      %parallel_loop3A_326 = arith.constant 48 : i32
      %parallel_loop3A_327 = vector.broadcast %parallel_loop3A_326 : i32 to vector<16xi32>
      %parallel_loop3A_328 = arith.addi %parallel_loop3A_316, %parallel_loop3A_327 : vector<16xi32>
      %parallel_loop3A_329 = tpu.vector_load_idx %arg10[%parallel_loop3A_328] : memref<160xf32, #tpu.memory_space<vmem>>[vector<16xi32>], vector<16xf32>,
      %parallel_loop3A_330 = arith.constant 64 : i32
      %parallel_loop3A_331 = vector.broadcast %parallel_loop3A_330 : i32 to vector<16xi32>
      %parallel_loop3A_332 = arith.addi %parallel_loop3A_316, %parallel_loop3A_331 : vector<16xi32>
      %parallel_loop3A_333 = tpu.vector_load_idx %arg10[%parallel_loop3A_332] : memref<160xf32, #tpu.memory_space<vmem>>[vector<16xi32>], vector<16xf32>,
      %parallel_loop3A_334 = arith.constant 80 : i32
      %parallel_loop3A_335 = vector.broadcast %parallel_loop3A_334 : i32 to vector<16xi32>
      %parallel_loop3A_336 = arith.addi %parallel_loop3A_316, %parallel_loop3A_335 : vector<16xi32>
      %parallel_loop3A_337 = tpu.vector_load_idx %arg10[%parallel_loop3A_336] : memref<160xf32, #tpu.memory_space<vmem>>[vector<16xi32>], vector<16xf32>,
      %parallel_loop3A_338 = arith.constant 96 : i32
      %parallel_loop3A_339 = vector.broadcast %parallel_loop3A_338 : i32 to vector<16xi32>
      %parallel_loop3A_340 = arith.addi %parallel_loop3A_316, %parallel_loop3A_339 : vector<16xi32>
      %parallel_loop3A_341 = tpu.vector_load_idx %arg10[%parallel_loop3A_340] : memref<160xf32, #tpu.memory_space<vmem>>[vector<16xi32>], vector<16xf32>,
      %parallel_loop3A_342 = arith.constant 112 : i32
      %parallel_loop3A_343 = vector.broadcast %parallel_loop3A_342 : i32 to vector<16xi32>
      %parallel_loop3A_344 = arith.addi %parallel_loop3A_316, %parallel_loop3A_343 : vector<16xi32>
      %parallel_loop3A_345 = tpu.vector_load_idx %arg10[%parallel_loop3A_344] : memref<160xf32, #tpu.memory_space<vmem>>[vector<16xi32>], vector<16xf32>,
      %parallel_loop3A_346 = arith.constant 128 : i32
      %parallel_loop3A_347 = vector.broadcast %parallel_loop3A_346 : i32 to vector<16xi32>
      %parallel_loop3A_348 = arith.addi %parallel_loop3A_316, %parallel_loop3A_347 : vector<16xi32>
      %parallel_loop3A_349 = tpu.vector_load_idx %arg10[%parallel_loop3A_348] : memref<160xf32, #tpu.memory_space<vmem>>[vector<16xi32>], vector<16xf32>,
      %parallel_loop3A_350 = arith.constant 144 : i32
      %parallel_loop3A_351 = vector.broadcast %parallel_loop3A_350 : i32 to vector<16xi32>
      %parallel_loop3A_352 = arith.addi %parallel_loop3A_316, %parallel_loop3A_351 : vector<16xi32>
      %parallel_loop3A_353 = tpu.vector_load_idx %arg10[%parallel_loop3A_352] : memref<160xf32, #tpu.memory_space<vmem>>[vector<16xi32>], vector<16xf32>,
      %parallel_loop3A_354 = arith.mulf %parallel_loop3A_317, %parallel_loop3A_312 : vector<16xf32>
      %parallel_loop3A_355 = arith.mulf %parallel_loop3A_321, %parallel_loop3A_314 : vector<16xf32>
      %parallel_loop3A_356 = arith.addf %parallel_loop3A_354, %parallel_loop3A_355 : vector<16xf32>
      %parallel_loop3A_357 = arith.addf %parallel_loop3A_356, %parallel_loop3A_333 : vector<16xf32>
      %parallel_loop3A_358 = arith.mulf %parallel_loop3A_325, %parallel_loop3A_312 : vector<16xf32>
      %parallel_loop3A_359 = arith.mulf %parallel_loop3A_329, %parallel_loop3A_314 : vector<16xf32>
      %parallel_loop3A_360 = arith.addf %parallel_loop3A_358, %parallel_loop3A_359 : vector<16xf32>
      %parallel_loop3A_361 = arith.addf %parallel_loop3A_360, %parallel_loop3A_337 : vector<16xf32>
      %parallel_loop3A_362 = arith.mulf %parallel_loop3A_357, %parallel_loop3A_357 : vector<16xf32>
      %parallel_loop3A_363 = arith.mulf %parallel_loop3A_361, %parallel_loop3A_361 : vector<16xf32>
      %parallel_loop3A_364 = arith.addf %parallel_loop3A_362, %parallel_loop3A_363 : vector<16xf32>
      %parallel_loop3A_365 = arith.constant 9.99999997E-7 : f32
      %parallel_loop3A_366 = vector.broadcast %parallel_loop3A_365 : f32 to vector<16xf32>
      %parallel_loop3A_367 = arith.addf %parallel_loop3A_364, %parallel_loop3A_366 : vector<16xf32>
      %parallel_loop3A_368 = arith.constant 1.000000e+00 : f32
      %parallel_loop3A_369 = vector.broadcast %parallel_loop3A_368 : f32 to vector<16xf32>
      %parallel_loop3A_370 = arith.divf %parallel_loop3A_369, %parallel_loop3A_367 : vector<16xf32>
      %parallel_loop3A_371 = arith.mulf %parallel_loop3A_349, %parallel_loop3A_370 : vector<16xf32>
      %parallel_loop3A_372 = arith.addf %parallel_loop3A_341, %parallel_loop3A_371 : vector<16xf32>
      %parallel_loop3A_373 = arith.mulf %parallel_loop3A_357, %parallel_loop3A_372 : vector<16xf32>
      %parallel_loop3A_374 = arith.constant 0.318309873 : f32
      %parallel_loop3A_375 = vector.broadcast %parallel_loop3A_374 : f32 to vector<16xf32>
      %parallel_loop3A_376 = arith.mulf %parallel_loop3A_357, %parallel_loop3A_375 : vector<16xf32>
      %parallel_loop3A_377 = arith.constant 0x4B400000 : f32
      %parallel_loop3A_378 = vector.broadcast %parallel_loop3A_377 : f32 to vector<16xf32>
      %parallel_loop3A_379 = arith.addf %parallel_loop3A_376, %parallel_loop3A_378 : vector<16xf32>
      %parallel_loop3A_380 = arith.constant 0x4B400000 : f32
      %parallel_loop3A_381 = vector.broadcast %parallel_loop3A_380 : f32 to vector<16xf32>
      %parallel_loop3A_382 = arith.subf %parallel_loop3A_379, %parallel_loop3A_381 : vector<16xf32>
      %parallel_loop3A_383 = arith.constant 3.14159274 : f32
      %parallel_loop3A_384 = vector.broadcast %parallel_loop3A_383 : f32 to vector<16xf32>
      %parallel_loop3A_385 = arith.mulf %parallel_loop3A_382, %parallel_loop3A_384 : vector<16xf32>
      %parallel_loop3A_386 = arith.subf %parallel_loop3A_357, %parallel_loop3A_385 : vector<16xf32>
      %parallel_loop3A_387 = arith.mulf %parallel_loop3A_386, %parallel_loop3A_386 : vector<16xf32>
      %parallel_loop3A_388 = arith.constant -1.86089761E-4 : f32
      %parallel_loop3A_389 = vector.broadcast %parallel_loop3A_388 : f32 to vector<16xf32>
      %parallel_loop3A_390 = arith.mulf %parallel_loop3A_387, %parallel_loop3A_389 : vector<16xf32>
      %parallel_loop3A_391 = arith.constant 0.0083159646 : f32
      %parallel_loop3A_392 = vector.broadcast %parallel_loop3A_391 : f32 to vector<16xf32>
      %parallel_loop3A_393 = arith.addf %parallel_loop3A_392, %parallel_loop3A_390 : vector<16xf32>
      %parallel_loop3A_394 = arith.mulf %parallel_loop3A_387, %parallel_loop3A_393 : vector<16xf32>
      %parallel_loop3A_395 = arith.constant -0.166658908 : f32
      %parallel_loop3A_396 = vector.broadcast %parallel_loop3A_395 : f32 to vector<16xf32>
      %parallel_loop3A_397 = arith.addf %parallel_loop3A_396, %parallel_loop3A_394 : vector<16xf32>
      %parallel_loop3A_398 = arith.mulf %parallel_loop3A_387, %parallel_loop3A_397 : vector<16xf32>
      %parallel_loop3A_399 = arith.constant 0.999999463 : f32
      %parallel_loop3A_400 = vector.broadcast %parallel_loop3A_399 : f32 to vector<16xf32>
      %parallel_loop3A_401 = arith.addf %parallel_loop3A_400, %parallel_loop3A_398 : vector<16xf32>
      %parallel_loop3A_402 = arith.mulf %parallel_loop3A_386, %parallel_loop3A_401 : vector<16xf32>
      %parallel_loop3A_403 = vector.bitcast %parallel_loop3A_379 : vector<16xf32> to vector<16xi32>
      %parallel_loop3A_404 = arith.constant 31 : i32
      %parallel_loop3A_405 = vector.broadcast %parallel_loop3A_404 : i32 to vector<16xi32>
      %parallel_loop3A_406 = arith.shli %parallel_loop3A_403, %parallel_loop3A_405 : vector<16xi32>
      %parallel_loop3A_407 = vector.bitcast %parallel_loop3A_402 : vector<16xf32> to vector<16xi32>
      %parallel_loop3A_408 = arith.xori %parallel_loop3A_407, %parallel_loop3A_406 : vector<16xi32>
      %parallel_loop3A_409 = vector.bitcast %parallel_loop3A_408 : vector<16xi32> to vector<16xf32>
      %parallel_loop3A_410 = arith.mulf %parallel_loop3A_345, %parallel_loop3A_409 : vector<16xf32>
      %parallel_loop3A_411 = arith.addf %parallel_loop3A_373, %parallel_loop3A_410 : vector<16xf32>
      %parallel_loop3A_412 = arith.index_cast %parallel_loop3A_310 : i32 to index
      %parallel_loop3A_413 = tpu.vector_load %arg22[%parallel_loop3A_412] {strides = array<i32>} : memref<4096xf32, #tpu.memory_space<vmem>>, vector<16xf32>,
      tpu.vector_store %arg22[%parallel_loop3A_412], %parallel_loop3A_411 {strides = array<i32>} : memref<4096xf32, #tpu.memory_space<vmem>>, vector<16xf32>,
      %parallel_loop3A_414 = arith.mulf %parallel_loop3A_361, %parallel_loop3A_372 : vector<16xf32>
      %parallel_loop3A_415 = arith.constant 0.318309873 : f32
      %parallel_loop3A_416 = vector.broadcast %parallel_loop3A_415 : f32 to vector<16xf32>
      %parallel_loop3A_417 = arith.mulf %parallel_loop3A_361, %parallel_loop3A_416 : vector<16xf32>
      %parallel_loop3A_418 = arith.constant 0x4B400000 : f32
      %parallel_loop3A_419 = vector.broadcast %parallel_loop3A_418 : f32 to vector<16xf32>
      %parallel_loop3A_420 = arith.addf %parallel_loop3A_417, %parallel_loop3A_419 : vector<16xf32>
      %parallel_loop3A_421 = arith.constant 0x4B400000 : f32
      %parallel_loop3A_422 = vector.broadcast %parallel_loop3A_421 : f32 to vector<16xf32>
      %parallel_loop3A_423 = arith.subf %parallel_loop3A_420, %parallel_loop3A_422 : vector<16xf32>
      %parallel_loop3A_424 = arith.constant 3.14159274 : f32
      %parallel_loop3A_425 = vector.broadcast %parallel_loop3A_424 : f32 to vector<16xf32>
      %parallel_loop3A_426 = arith.mulf %parallel_loop3A_423, %parallel_loop3A_425 : vector<16xf32>
      %parallel_loop3A_427 = arith.subf %parallel_loop3A_361, %parallel_loop3A_426 : vector<16xf32>
      %parallel_loop3A_428 = arith.mulf %parallel_loop3A_427, %parallel_loop3A_427 : vector<16xf32>
      %parallel_loop3A_429 = arith.constant -1.86089761E-4 : f32
      %parallel_loop3A_430 = vector.broadcast %parallel_loop3A_429 : f32 to vector<16xf32>
      %parallel_loop3A_431 = arith.mulf %parallel_loop3A_428, %parallel_loop3A_430 : vector<16xf32>
      %parallel_loop3A_432 = arith.constant 0.0083159646 : f32
      %parallel_loop3A_433 = vector.broadcast %parallel_loop3A_432 : f32 to vector<16xf32>
      %parallel_loop3A_434 = arith.addf %parallel_loop3A_433, %parallel_loop3A_431 : vector<16xf32>
      %parallel_loop3A_435 = arith.mulf %parallel_loop3A_428, %parallel_loop3A_434 : vector<16xf32>
      %parallel_loop3A_436 = arith.constant -0.166658908 : f32
      %parallel_loop3A_437 = vector.broadcast %parallel_loop3A_436 : f32 to vector<16xf32>
      %parallel_loop3A_438 = arith.addf %parallel_loop3A_437, %parallel_loop3A_435 : vector<16xf32>
      %parallel_loop3A_439 = arith.mulf %parallel_loop3A_428, %parallel_loop3A_438 : vector<16xf32>
      %parallel_loop3A_440 = arith.constant 0.999999463 : f32
      %parallel_loop3A_441 = vector.broadcast %parallel_loop3A_440 : f32 to vector<16xf32>
      %parallel_loop3A_442 = arith.addf %parallel_loop3A_441, %parallel_loop3A_439 : vector<16xf32>
      %parallel_loop3A_443 = arith.mulf %parallel_loop3A_427, %parallel_loop3A_442 : vector<16xf32>
      %parallel_loop3A_444 = vector.bitcast %parallel_loop3A_420 : vector<16xf32> to vector<16xi32>
      %parallel_loop3A_445 = arith.constant 31 : i32
      %parallel_loop3A_446 = vector.broadcast %parallel_loop3A_445 : i32 to vector<16xi32>
      %parallel_loop3A_447 = arith.shli %parallel_loop3A_444, %parallel_loop3A_446 : vector<16xi32>
      %parallel_loop3A_448 = vector.bitcast %parallel_loop3A_443 : vector<16xf32> to vector<16xi32>
      %parallel_loop3A_449 = arith.xori %parallel_loop3A_448, %parallel_loop3A_447 : vector<16xi32>
      %parallel_loop3A_450 = vector.bitcast %parallel_loop3A_449 : vector<16xi32> to vector<16xf32>
      %parallel_loop3A_451 = arith.mulf %parallel_loop3A_345, %parallel_loop3A_450 : vector<16xf32>
      %parallel_loop3A_452 = arith.addf %parallel_loop3A_414, %parallel_loop3A_451 : vector<16xf32>
      %parallel_loop3A_453 = arith.index_cast %parallel_loop3A_310 : i32 to index
      %parallel_loop3A_454 = tpu.vector_load %arg23[%parallel_loop3A_453] {strides = array<i32>} : memref<4096xf32, #tpu.memory_space<vmem>>, vector<16xf32>,
      tpu.vector_store %arg23[%parallel_loop3A_453], %parallel_loop3A_452 {strides = array<i32>} : memref<4096xf32, #tpu.memory_space<vmem>>, vector<16xf32>,
      %parallel_loop3A_455 = arith.index_cast %parallel_loop3A_310 : i32 to index
      %parallel_loop3A_456 = tpu.vector_load %arg21[%parallel_loop3A_455] {strides = array<i32>} : memref<4096xf32, #tpu.memory_space<vmem>>, vector<16xf32>,
      %parallel_loop3A_457 = arith.addf %parallel_loop3A_456, %parallel_loop3A_353 : vector<16xf32>
      %parallel_loop3A_458 = arith.constant 5.000000e-01 : f32
      %parallel_loop3A_459 = vector.broadcast %parallel_loop3A_458 : f32 to vector<16xf32>
      %parallel_loop3A_460 = arith.mulf %parallel_loop3A_457, %parallel_loop3A_459 : vector<16xf32>
      %parallel_loop3A_461 = arith.index_cast %parallel_loop3A_310 : i32 to index
      %parallel_loop3A_462 = tpu.vector_load %arg24[%parallel_loop3A_461] {strides = array<i32>} : memref<4096xf32, #tpu.memory_space<vmem>>, vector<16xf32>,
      tpu.vector_store %arg24[%parallel_loop3A_461], %parallel_loop3A_460 {strides = array<i32>} : memref<4096xf32, #tpu.memory_space<vmem>>, vector<16xf32>,
    } {sc.loop_unroll_factor = 2 : i64, sc.parallel_access}
    %mul3A_66 = arith.constant 32768 : i32
    %mul3A_67 = arith.muli %add3A, %mul3A_66 : i32
    %add3A_68 = arith.constant 4096 : i32
    %add3A_69 = arith.addi %mul3A_67, %add3A_68 : i32
    %dma_start3A_70 = tpu.memref_slice %arg7[%add3A_69] : memref<1048576xf32, #tpu.memory_space<hbm>> -> memref<4096xf32, #tpu.memory_space<hbm>>
    %dma_start3A_71 = tpu.memref_slice %arg7[%add3A_69] : memref<1048576xf32, #tpu.memory_space<hbm>> -> memref<4096xf32, #tpu.memory_space<hbm>>
    tpu.enqueue_dma source(%arg22 : memref<4096xf32, #tpu.memory_space<vmem>>) target(%dma_start3A_71 : memref<4096xf32, #tpu.memory_space<hbm>>) target_semaphore(%arg28 : memref<!tpu.dma_semaphore, #tpu.memory_space<semaphore_mem>>)
    %dma_start3A_72 = tpu.memref_slice %arg8[%add3A_69] : memref<1048576xf32, #tpu.memory_space<hbm>> -> memref<4096xf32, #tpu.memory_space<hbm>>
    %dma_start3A_73 = tpu.memref_slice %arg8[%add3A_69] : memref<1048576xf32, #tpu.memory_space<hbm>> -> memref<4096xf32, #tpu.memory_space<hbm>>
    tpu.enqueue_dma source(%arg23 : memref<4096xf32, #tpu.memory_space<vmem>>) target(%dma_start3A_73 : memref<4096xf32, #tpu.memory_space<hbm>>) target_semaphore(%arg28 : memref<!tpu.dma_semaphore, #tpu.memory_space<semaphore_mem>>)
    %dma_start3A_74 = tpu.memref_slice %arg9[%add3A_69] : memref<1048576xf32, #tpu.memory_space<hbm>> -> memref<4096xf32, #tpu.memory_space<hbm>>
    %dma_start3A_75 = tpu.memref_slice %arg9[%add3A_69] : memref<1048576xf32, #tpu.memory_space<hbm>> -> memref<4096xf32, #tpu.memory_space<hbm>>
    tpu.enqueue_dma source(%arg24 : memref<4096xf32, #tpu.memory_space<vmem>>) target(%dma_start3A_75 : memref<4096xf32, #tpu.memory_space<hbm>>) target_semaphore(%arg28 : memref<!tpu.dma_semaphore, #tpu.memory_space<semaphore_mem>>)
    %mul3A_76 = arith.constant 32768 : i32
    %mul3A_77 = arith.muli %add3A, %mul3A_76 : i32
    %add3A_78 = arith.constant 12288 : i32
    %add3A_79 = arith.addi %mul3A_77, %add3A_78 : i32
    %dma_start3A_80 = tpu.memref_slice %arg2[%add3A_79] : memref<1048576xf32, #tpu.memory_space<hbm>> -> memref<4096xf32, #tpu.memory_space<hbm>>
    %dma_start3A_81 = tpu.memref_slice %arg2[%add3A_79] : memref<1048576xf32, #tpu.memory_space<hbm>> -> memref<4096xf32, #tpu.memory_space<hbm>>
    tpu.enqueue_dma source(%dma_start3A_81 : memref<4096xf32, #tpu.memory_space<hbm>>) target(%arg18 : memref<4096xf32, #tpu.memory_space<vmem>>) target_semaphore(%arg26 : memref<!tpu.dma_semaphore, #tpu.memory_space<semaphore_mem>>)
    %dma_start3A_82 = tpu.memref_slice %arg3[%add3A_79] : memref<1048576xf32, #tpu.memory_space<hbm>> -> memref<4096xf32, #tpu.memory_space<hbm>>
    %dma_start3A_83 = tpu.memref_slice %arg3[%add3A_79] : memref<1048576xf32, #tpu.memory_space<hbm>> -> memref<4096xf32, #tpu.memory_space<hbm>>
    tpu.enqueue_dma source(%dma_start3A_83 : memref<4096xf32, #tpu.memory_space<hbm>>) target(%arg19 : memref<4096xf32, #tpu.memory_space<vmem>>) target_semaphore(%arg26 : memref<!tpu.dma_semaphore, #tpu.memory_space<semaphore_mem>>)
    %dma_start3A_84 = tpu.memref_slice %arg5[%add3A_79] : memref<1048576xi32, #tpu.memory_space<hbm>> -> memref<4096xi32, #tpu.memory_space<hbm>>
    %dma_start3A_85 = tpu.memref_slice %arg5[%add3A_79] : memref<1048576xi32, #tpu.memory_space<hbm>> -> memref<4096xi32, #tpu.memory_space<hbm>>
    tpu.enqueue_dma source(%dma_start3A_85 : memref<4096xi32, #tpu.memory_space<hbm>>) target(%arg20 : memref<4096xi32, #tpu.memory_space<vmem>>) target_semaphore(%arg26 : memref<!tpu.dma_semaphore, #tpu.memory_space<semaphore_mem>>)
    %dma_start3A_86 = tpu.memref_slice %arg4[%add3A_79] : memref<1048576xf32, #tpu.memory_space<hbm>> -> memref<4096xf32, #tpu.memory_space<hbm>>
    %dma_start3A_87 = tpu.memref_slice %arg4[%add3A_79] : memref<1048576xf32, #tpu.memory_space<hbm>> -> memref<4096xf32, #tpu.memory_space<hbm>>
    tpu.enqueue_dma source(%dma_start3A_87 : memref<4096xf32, #tpu.memory_space<hbm>>) target(%arg21 : memref<4096xf32, #tpu.memory_space<vmem>>) target_semaphore(%arg26 : memref<!tpu.dma_semaphore, #tpu.memory_space<semaphore_mem>>)
    %dma_wait3A_88 = tpu.memref_slice %arg2[%add3A_46] : memref<1048576xf32, #tpu.memory_space<hbm>> -> memref<4096xf32, #tpu.memory_space<hbm>>
    %dma_wait3A_89 = tpu.memref_slice %arg2[%add3A_46] : memref<1048576xf32, #tpu.memory_space<hbm>> -> memref<4096xf32, #tpu.memory_space<hbm>>
    tpu.wait_dma2 semaphore(%arg25 : memref<!tpu.dma_semaphore, #tpu.memory_space<semaphore_mem>>) src(%dma_wait3A_89 : memref<4096xf32, #tpu.memory_space<hbm>>) dst(%arg11 : memref<4096xf32, #tpu.memory_space<vmem>>)
    %dma_wait3A_90 = tpu.memref_slice %arg3[%add3A_46] : memref<1048576xf32, #tpu.memory_space<hbm>> -> memref<4096xf32, #tpu.memory_space<hbm>>
    %dma_wait3A_91 = tpu.memref_slice %arg3[%add3A_46] : memref<1048576xf32, #tpu.memory_space<hbm>> -> memref<4096xf32, #tpu.memory_space<hbm>>
    tpu.wait_dma2 semaphore(%arg25 : memref<!tpu.dma_semaphore, #tpu.memory_space<semaphore_mem>>) src(%dma_wait3A_91 : memref<4096xf32, #tpu.memory_space<hbm>>) dst(%arg12 : memref<4096xf32, #tpu.memory_space<vmem>>)
    %dma_wait3A_92 = tpu.memref_slice %arg5[%add3A_46] : memref<1048576xi32, #tpu.memory_space<hbm>> -> memref<4096xi32, #tpu.memory_space<hbm>>
    %dma_wait3A_93 = tpu.memref_slice %arg5[%add3A_46] : memref<1048576xi32, #tpu.memory_space<hbm>> -> memref<4096xi32, #tpu.memory_space<hbm>>
    tpu.wait_dma2 semaphore(%arg25 : memref<!tpu.dma_semaphore, #tpu.memory_space<semaphore_mem>>) src(%dma_wait3A_93 : memref<4096xi32, #tpu.memory_space<hbm>>) dst(%arg13 : memref<4096xi32, #tpu.memory_space<vmem>>)
    %dma_wait3A_94 = tpu.memref_slice %arg4[%add3A_46] : memref<1048576xf32, #tpu.memory_space<hbm>> -> memref<4096xf32, #tpu.memory_space<hbm>>
    %dma_wait3A_95 = tpu.memref_slice %arg4[%add3A_46] : memref<1048576xf32, #tpu.memory_space<hbm>> -> memref<4096xf32, #tpu.memory_space<hbm>>
    tpu.wait_dma2 semaphore(%arg25 : memref<!tpu.dma_semaphore, #tpu.memory_space<semaphore_mem>>) src(%dma_wait3A_95 : memref<4096xf32, #tpu.memory_space<hbm>>) dst(%arg14 : memref<4096xf32, #tpu.memory_space<vmem>>)
    %dma_wait3A_96 = tpu.memref_slice %arg7[%add3A_36] : memref<1048576xf32, #tpu.memory_space<hbm>> -> memref<4096xf32, #tpu.memory_space<hbm>>
    %dma_wait3A_97 = tpu.memref_slice %arg7[%add3A_36] : memref<1048576xf32, #tpu.memory_space<hbm>> -> memref<4096xf32, #tpu.memory_space<hbm>>
    tpu.wait_dma2 semaphore(%arg27 : memref<!tpu.dma_semaphore, #tpu.memory_space<semaphore_mem>>) src(%arg15 : memref<4096xf32, #tpu.memory_space<vmem>>) dst(%dma_wait3A_97 : memref<4096xf32, #tpu.memory_space<hbm>>)
    %dma_wait3A_98 = tpu.memref_slice %arg8[%add3A_36] : memref<1048576xf32, #tpu.memory_space<hbm>> -> memref<4096xf32, #tpu.memory_space<hbm>>
    %dma_wait3A_99 = tpu.memref_slice %arg8[%add3A_36] : memref<1048576xf32, #tpu.memory_space<hbm>> -> memref<4096xf32, #tpu.memory_space<hbm>>
    tpu.wait_dma2 semaphore(%arg27 : memref<!tpu.dma_semaphore, #tpu.memory_space<semaphore_mem>>) src(%arg16 : memref<4096xf32, #tpu.memory_space<vmem>>) dst(%dma_wait3A_99 : memref<4096xf32, #tpu.memory_space<hbm>>)
    %dma_wait3A_100 = tpu.memref_slice %arg9[%add3A_36] : memref<1048576xf32, #tpu.memory_space<hbm>> -> memref<4096xf32, #tpu.memory_space<hbm>>
    %dma_wait3A_101 = tpu.memref_slice %arg9[%add3A_36] : memref<1048576xf32, #tpu.memory_space<hbm>> -> memref<4096xf32, #tpu.memory_space<hbm>>
    tpu.wait_dma2 semaphore(%arg27 : memref<!tpu.dma_semaphore, #tpu.memory_space<semaphore_mem>>) src(%arg17 : memref<4096xf32, #tpu.memory_space<vmem>>) dst(%dma_wait3A_101 : memref<4096xf32, #tpu.memory_space<hbm>>)
    %parallel_loop3A_102 = arith.constant 0 : i32
    %parallel_loop3A_103 = arith.constant 4096 : i32
    %parallel_loop3A_104 = arith.constant 16 : i32
    scf.for %parallel_loop3A_310 = %parallel_loop3A_102 to %parallel_loop3A_103 step %parallel_loop3A_104  : i32 {
      %parallel_loop3A_311 = arith.index_cast %parallel_loop3A_310 : i32 to index
      %parallel_loop3A_312 = tpu.vector_load %arg11[%parallel_loop3A_311] {strides = array<i32>} : memref<4096xf32, #tpu.memory_space<vmem>>, vector<16xf32>,
      %parallel_loop3A_313 = arith.index_cast %parallel_loop3A_310 : i32 to index
      %parallel_loop3A_314 = tpu.vector_load %arg12[%parallel_loop3A_313] {strides = array<i32>} : memref<4096xf32, #tpu.memory_space<vmem>>, vector<16xf32>,
      %parallel_loop3A_315 = arith.index_cast %parallel_loop3A_310 : i32 to index
      %parallel_loop3A_316 = tpu.vector_load %arg13[%parallel_loop3A_315] {strides = array<i32>} : memref<4096xi32, #tpu.memory_space<vmem>>, vector<16xi32>,
      %parallel_loop3A_317 = tpu.vector_load_idx %arg10[%parallel_loop3A_316] : memref<160xf32, #tpu.memory_space<vmem>>[vector<16xi32>], vector<16xf32>,
      %parallel_loop3A_318 = arith.constant 16 : i32
      %parallel_loop3A_319 = vector.broadcast %parallel_loop3A_318 : i32 to vector<16xi32>
      %parallel_loop3A_320 = arith.addi %parallel_loop3A_316, %parallel_loop3A_319 : vector<16xi32>
      %parallel_loop3A_321 = tpu.vector_load_idx %arg10[%parallel_loop3A_320] : memref<160xf32, #tpu.memory_space<vmem>>[vector<16xi32>], vector<16xf32>,
      %parallel_loop3A_322 = arith.constant 32 : i32
      %parallel_loop3A_323 = vector.broadcast %parallel_loop3A_322 : i32 to vector<16xi32>
      %parallel_loop3A_324 = arith.addi %parallel_loop3A_316, %parallel_loop3A_323 : vector<16xi32>
      %parallel_loop3A_325 = tpu.vector_load_idx %arg10[%parallel_loop3A_324] : memref<160xf32, #tpu.memory_space<vmem>>[vector<16xi32>], vector<16xf32>,
      %parallel_loop3A_326 = arith.constant 48 : i32
      %parallel_loop3A_327 = vector.broadcast %parallel_loop3A_326 : i32 to vector<16xi32>
      %parallel_loop3A_328 = arith.addi %parallel_loop3A_316, %parallel_loop3A_327 : vector<16xi32>
      %parallel_loop3A_329 = tpu.vector_load_idx %arg10[%parallel_loop3A_328] : memref<160xf32, #tpu.memory_space<vmem>>[vector<16xi32>], vector<16xf32>,
      %parallel_loop3A_330 = arith.constant 64 : i32
      %parallel_loop3A_331 = vector.broadcast %parallel_loop3A_330 : i32 to vector<16xi32>
      %parallel_loop3A_332 = arith.addi %parallel_loop3A_316, %parallel_loop3A_331 : vector<16xi32>
      %parallel_loop3A_333 = tpu.vector_load_idx %arg10[%parallel_loop3A_332] : memref<160xf32, #tpu.memory_space<vmem>>[vector<16xi32>], vector<16xf32>,
      %parallel_loop3A_334 = arith.constant 80 : i32
      %parallel_loop3A_335 = vector.broadcast %parallel_loop3A_334 : i32 to vector<16xi32>
      %parallel_loop3A_336 = arith.addi %parallel_loop3A_316, %parallel_loop3A_335 : vector<16xi32>
      %parallel_loop3A_337 = tpu.vector_load_idx %arg10[%parallel_loop3A_336] : memref<160xf32, #tpu.memory_space<vmem>>[vector<16xi32>], vector<16xf32>,
      %parallel_loop3A_338 = arith.constant 96 : i32
      %parallel_loop3A_339 = vector.broadcast %parallel_loop3A_338 : i32 to vector<16xi32>
      %parallel_loop3A_340 = arith.addi %parallel_loop3A_316, %parallel_loop3A_339 : vector<16xi32>
      %parallel_loop3A_341 = tpu.vector_load_idx %arg10[%parallel_loop3A_340] : memref<160xf32, #tpu.memory_space<vmem>>[vector<16xi32>], vector<16xf32>,
      %parallel_loop3A_342 = arith.constant 112 : i32
      %parallel_loop3A_343 = vector.broadcast %parallel_loop3A_342 : i32 to vector<16xi32>
      %parallel_loop3A_344 = arith.addi %parallel_loop3A_316, %parallel_loop3A_343 : vector<16xi32>
      %parallel_loop3A_345 = tpu.vector_load_idx %arg10[%parallel_loop3A_344] : memref<160xf32, #tpu.memory_space<vmem>>[vector<16xi32>], vector<16xf32>,
      %parallel_loop3A_346 = arith.constant 128 : i32
      %parallel_loop3A_347 = vector.broadcast %parallel_loop3A_346 : i32 to vector<16xi32>
      %parallel_loop3A_348 = arith.addi %parallel_loop3A_316, %parallel_loop3A_347 : vector<16xi32>
      %parallel_loop3A_349 = tpu.vector_load_idx %arg10[%parallel_loop3A_348] : memref<160xf32, #tpu.memory_space<vmem>>[vector<16xi32>], vector<16xf32>,
      %parallel_loop3A_350 = arith.constant 144 : i32
      %parallel_loop3A_351 = vector.broadcast %parallel_loop3A_350 : i32 to vector<16xi32>
      %parallel_loop3A_352 = arith.addi %parallel_loop3A_316, %parallel_loop3A_351 : vector<16xi32>
      %parallel_loop3A_353 = tpu.vector_load_idx %arg10[%parallel_loop3A_352] : memref<160xf32, #tpu.memory_space<vmem>>[vector<16xi32>], vector<16xf32>,
      %parallel_loop3A_354 = arith.mulf %parallel_loop3A_317, %parallel_loop3A_312 : vector<16xf32>
      %parallel_loop3A_355 = arith.mulf %parallel_loop3A_321, %parallel_loop3A_314 : vector<16xf32>
      %parallel_loop3A_356 = arith.addf %parallel_loop3A_354, %parallel_loop3A_355 : vector<16xf32>
      %parallel_loop3A_357 = arith.addf %parallel_loop3A_356, %parallel_loop3A_333 : vector<16xf32>
      %parallel_loop3A_358 = arith.mulf %parallel_loop3A_325, %parallel_loop3A_312 : vector<16xf32>
      %parallel_loop3A_359 = arith.mulf %parallel_loop3A_329, %parallel_loop3A_314 : vector<16xf32>
      %parallel_loop3A_360 = arith.addf %parallel_loop3A_358, %parallel_loop3A_359 : vector<16xf32>
      %parallel_loop3A_361 = arith.addf %parallel_loop3A_360, %parallel_loop3A_337 : vector<16xf32>
      %parallel_loop3A_362 = arith.mulf %parallel_loop3A_357, %parallel_loop3A_357 : vector<16xf32>
      %parallel_loop3A_363 = arith.mulf %parallel_loop3A_361, %parallel_loop3A_361 : vector<16xf32>
      %parallel_loop3A_364 = arith.addf %parallel_loop3A_362, %parallel_loop3A_363 : vector<16xf32>
      %parallel_loop3A_365 = arith.constant 9.99999997E-7 : f32
      %parallel_loop3A_366 = vector.broadcast %parallel_loop3A_365 : f32 to vector<16xf32>
      %parallel_loop3A_367 = arith.addf %parallel_loop3A_364, %parallel_loop3A_366 : vector<16xf32>
      %parallel_loop3A_368 = arith.constant 1.000000e+00 : f32
      %parallel_loop3A_369 = vector.broadcast %parallel_loop3A_368 : f32 to vector<16xf32>
      %parallel_loop3A_370 = arith.divf %parallel_loop3A_369, %parallel_loop3A_367 : vector<16xf32>
      %parallel_loop3A_371 = arith.mulf %parallel_loop3A_349, %parallel_loop3A_370 : vector<16xf32>
      %parallel_loop3A_372 = arith.addf %parallel_loop3A_341, %parallel_loop3A_371 : vector<16xf32>
      %parallel_loop3A_373 = arith.mulf %parallel_loop3A_357, %parallel_loop3A_372 : vector<16xf32>
      %parallel_loop3A_374 = arith.constant 0.318309873 : f32
      %parallel_loop3A_375 = vector.broadcast %parallel_loop3A_374 : f32 to vector<16xf32>
      %parallel_loop3A_376 = arith.mulf %parallel_loop3A_357, %parallel_loop3A_375 : vector<16xf32>
      %parallel_loop3A_377 = arith.constant 0x4B400000 : f32
      %parallel_loop3A_378 = vector.broadcast %parallel_loop3A_377 : f32 to vector<16xf32>
      %parallel_loop3A_379 = arith.addf %parallel_loop3A_376, %parallel_loop3A_378 : vector<16xf32>
      %parallel_loop3A_380 = arith.constant 0x4B400000 : f32
      %parallel_loop3A_381 = vector.broadcast %parallel_loop3A_380 : f32 to vector<16xf32>
      %parallel_loop3A_382 = arith.subf %parallel_loop3A_379, %parallel_loop3A_381 : vector<16xf32>
      %parallel_loop3A_383 = arith.constant 3.14159274 : f32
      %parallel_loop3A_384 = vector.broadcast %parallel_loop3A_383 : f32 to vector<16xf32>
      %parallel_loop3A_385 = arith.mulf %parallel_loop3A_382, %parallel_loop3A_384 : vector<16xf32>
      %parallel_loop3A_386 = arith.subf %parallel_loop3A_357, %parallel_loop3A_385 : vector<16xf32>
      %parallel_loop3A_387 = arith.mulf %parallel_loop3A_386, %parallel_loop3A_386 : vector<16xf32>
      %parallel_loop3A_388 = arith.constant -1.86089761E-4 : f32
      %parallel_loop3A_389 = vector.broadcast %parallel_loop3A_388 : f32 to vector<16xf32>
      %parallel_loop3A_390 = arith.mulf %parallel_loop3A_387, %parallel_loop3A_389 : vector<16xf32>
      %parallel_loop3A_391 = arith.constant 0.0083159646 : f32
      %parallel_loop3A_392 = vector.broadcast %parallel_loop3A_391 : f32 to vector<16xf32>
      %parallel_loop3A_393 = arith.addf %parallel_loop3A_392, %parallel_loop3A_390 : vector<16xf32>
      %parallel_loop3A_394 = arith.mulf %parallel_loop3A_387, %parallel_loop3A_393 : vector<16xf32>
      %parallel_loop3A_395 = arith.constant -0.166658908 : f32
      %parallel_loop3A_396 = vector.broadcast %parallel_loop3A_395 : f32 to vector<16xf32>
      %parallel_loop3A_397 = arith.addf %parallel_loop3A_396, %parallel_loop3A_394 : vector<16xf32>
      %parallel_loop3A_398 = arith.mulf %parallel_loop3A_387, %parallel_loop3A_397 : vector<16xf32>
      %parallel_loop3A_399 = arith.constant 0.999999463 : f32
      %parallel_loop3A_400 = vector.broadcast %parallel_loop3A_399 : f32 to vector<16xf32>
      %parallel_loop3A_401 = arith.addf %parallel_loop3A_400, %parallel_loop3A_398 : vector<16xf32>
      %parallel_loop3A_402 = arith.mulf %parallel_loop3A_386, %parallel_loop3A_401 : vector<16xf32>
      %parallel_loop3A_403 = vector.bitcast %parallel_loop3A_379 : vector<16xf32> to vector<16xi32>
      %parallel_loop3A_404 = arith.constant 31 : i32
      %parallel_loop3A_405 = vector.broadcast %parallel_loop3A_404 : i32 to vector<16xi32>
      %parallel_loop3A_406 = arith.shli %parallel_loop3A_403, %parallel_loop3A_405 : vector<16xi32>
      %parallel_loop3A_407 = vector.bitcast %parallel_loop3A_402 : vector<16xf32> to vector<16xi32>
      %parallel_loop3A_408 = arith.xori %parallel_loop3A_407, %parallel_loop3A_406 : vector<16xi32>
      %parallel_loop3A_409 = vector.bitcast %parallel_loop3A_408 : vector<16xi32> to vector<16xf32>
      %parallel_loop3A_410 = arith.mulf %parallel_loop3A_345, %parallel_loop3A_409 : vector<16xf32>
      %parallel_loop3A_411 = arith.addf %parallel_loop3A_373, %parallel_loop3A_410 : vector<16xf32>
      %parallel_loop3A_412 = arith.index_cast %parallel_loop3A_310 : i32 to index
      %parallel_loop3A_413 = tpu.vector_load %arg15[%parallel_loop3A_412] {strides = array<i32>} : memref<4096xf32, #tpu.memory_space<vmem>>, vector<16xf32>,
      tpu.vector_store %arg15[%parallel_loop3A_412], %parallel_loop3A_411 {strides = array<i32>} : memref<4096xf32, #tpu.memory_space<vmem>>, vector<16xf32>,
      %parallel_loop3A_414 = arith.mulf %parallel_loop3A_361, %parallel_loop3A_372 : vector<16xf32>
      %parallel_loop3A_415 = arith.constant 0.318309873 : f32
      %parallel_loop3A_416 = vector.broadcast %parallel_loop3A_415 : f32 to vector<16xf32>
      %parallel_loop3A_417 = arith.mulf %parallel_loop3A_361, %parallel_loop3A_416 : vector<16xf32>
      %parallel_loop3A_418 = arith.constant 0x4B400000 : f32
      %parallel_loop3A_419 = vector.broadcast %parallel_loop3A_418 : f32 to vector<16xf32>
      %parallel_loop3A_420 = arith.addf %parallel_loop3A_417, %parallel_loop3A_419 : vector<16xf32>
      %parallel_loop3A_421 = arith.constant 0x4B400000 : f32
      %parallel_loop3A_422 = vector.broadcast %parallel_loop3A_421 : f32 to vector<16xf32>
      %parallel_loop3A_423 = arith.subf %parallel_loop3A_420, %parallel_loop3A_422 : vector<16xf32>
      %parallel_loop3A_424 = arith.constant 3.14159274 : f32
      %parallel_loop3A_425 = vector.broadcast %parallel_loop3A_424 : f32 to vector<16xf32>
      %parallel_loop3A_426 = arith.mulf %parallel_loop3A_423, %parallel_loop3A_425 : vector<16xf32>
      %parallel_loop3A_427 = arith.subf %parallel_loop3A_361, %parallel_loop3A_426 : vector<16xf32>
      %parallel_loop3A_428 = arith.mulf %parallel_loop3A_427, %parallel_loop3A_427 : vector<16xf32>
      %parallel_loop3A_429 = arith.constant -1.86089761E-4 : f32
      %parallel_loop3A_430 = vector.broadcast %parallel_loop3A_429 : f32 to vector<16xf32>
      %parallel_loop3A_431 = arith.mulf %parallel_loop3A_428, %parallel_loop3A_430 : vector<16xf32>
      %parallel_loop3A_432 = arith.constant 0.0083159646 : f32
      %parallel_loop3A_433 = vector.broadcast %parallel_loop3A_432 : f32 to vector<16xf32>
      %parallel_loop3A_434 = arith.addf %parallel_loop3A_433, %parallel_loop3A_431 : vector<16xf32>
      %parallel_loop3A_435 = arith.mulf %parallel_loop3A_428, %parallel_loop3A_434 : vector<16xf32>
      %parallel_loop3A_436 = arith.constant -0.166658908 : f32
      %parallel_loop3A_437 = vector.broadcast %parallel_loop3A_436 : f32 to vector<16xf32>
      %parallel_loop3A_438 = arith.addf %parallel_loop3A_437, %parallel_loop3A_435 : vector<16xf32>
      %parallel_loop3A_439 = arith.mulf %parallel_loop3A_428, %parallel_loop3A_438 : vector<16xf32>
      %parallel_loop3A_440 = arith.constant 0.999999463 : f32
      %parallel_loop3A_441 = vector.broadcast %parallel_loop3A_440 : f32 to vector<16xf32>
      %parallel_loop3A_442 = arith.addf %parallel_loop3A_441, %parallel_loop3A_439 : vector<16xf32>
      %parallel_loop3A_443 = arith.mulf %parallel_loop3A_427, %parallel_loop3A_442 : vector<16xf32>
      %parallel_loop3A_444 = vector.bitcast %parallel_loop3A_420 : vector<16xf32> to vector<16xi32>
      %parallel_loop3A_445 = arith.constant 31 : i32
      %parallel_loop3A_446 = vector.broadcast %parallel_loop3A_445 : i32 to vector<16xi32>
      %parallel_loop3A_447 = arith.shli %parallel_loop3A_444, %parallel_loop3A_446 : vector<16xi32>
      %parallel_loop3A_448 = vector.bitcast %parallel_loop3A_443 : vector<16xf32> to vector<16xi32>
      %parallel_loop3A_449 = arith.xori %parallel_loop3A_448, %parallel_loop3A_447 : vector<16xi32>
      %parallel_loop3A_450 = vector.bitcast %parallel_loop3A_449 : vector<16xi32> to vector<16xf32>
      %parallel_loop3A_451 = arith.mulf %parallel_loop3A_345, %parallel_loop3A_450 : vector<16xf32>
      %parallel_loop3A_452 = arith.addf %parallel_loop3A_414, %parallel_loop3A_451 : vector<16xf32>
      %parallel_loop3A_453 = arith.index_cast %parallel_loop3A_310 : i32 to index
      %parallel_loop3A_454 = tpu.vector_load %arg16[%parallel_loop3A_453] {strides = array<i32>} : memref<4096xf32, #tpu.memory_space<vmem>>, vector<16xf32>,
      tpu.vector_store %arg16[%parallel_loop3A_453], %parallel_loop3A_452 {strides = array<i32>} : memref<4096xf32, #tpu.memory_space<vmem>>, vector<16xf32>,
      %parallel_loop3A_455 = arith.index_cast %parallel_loop3A_310 : i32 to index
      %parallel_loop3A_456 = tpu.vector_load %arg14[%parallel_loop3A_455] {strides = array<i32>} : memref<4096xf32, #tpu.memory_space<vmem>>, vector<16xf32>,
      %parallel_loop3A_457 = arith.addf %parallel_loop3A_456, %parallel_loop3A_353 : vector<16xf32>
      %parallel_loop3A_458 = arith.constant 5.000000e-01 : f32
      %parallel_loop3A_459 = vector.broadcast %parallel_loop3A_458 : f32 to vector<16xf32>
      %parallel_loop3A_460 = arith.mulf %parallel_loop3A_457, %parallel_loop3A_459 : vector<16xf32>
      %parallel_loop3A_461 = arith.index_cast %parallel_loop3A_310 : i32 to index
      %parallel_loop3A_462 = tpu.vector_load %arg17[%parallel_loop3A_461] {strides = array<i32>} : memref<4096xf32, #tpu.memory_space<vmem>>, vector<16xf32>,
      tpu.vector_store %arg17[%parallel_loop3A_461], %parallel_loop3A_460 {strides = array<i32>} : memref<4096xf32, #tpu.memory_space<vmem>>, vector<16xf32>,
    } {sc.loop_unroll_factor = 2 : i64, sc.parallel_access}
    %mul3A_105 = arith.constant 32768 : i32
    %mul3A_106 = arith.muli %add3A, %mul3A_105 : i32
    %add3A_107 = arith.constant 8192 : i32
    %add3A_108 = arith.addi %mul3A_106, %add3A_107 : i32
    %dma_start3A_109 = tpu.memref_slice %arg7[%add3A_108] : memref<1048576xf32, #tpu.memory_space<hbm>> -> memref<4096xf32, #tpu.memory_space<hbm>>
    %dma_start3A_110 = tpu.memref_slice %arg7[%add3A_108] : memref<1048576xf32, #tpu.memory_space<hbm>> -> memref<4096xf32, #tpu.memory_space<hbm>>
    tpu.enqueue_dma source(%arg15 : memref<4096xf32, #tpu.memory_space<vmem>>) target(%dma_start3A_110 : memref<4096xf32, #tpu.memory_space<hbm>>) target_semaphore(%arg27 : memref<!tpu.dma_semaphore, #tpu.memory_space<semaphore_mem>>)
    %dma_start3A_111 = tpu.memref_slice %arg8[%add3A_108] : memref<1048576xf32, #tpu.memory_space<hbm>> -> memref<4096xf32, #tpu.memory_space<hbm>>
    %dma_start3A_112 = tpu.memref_slice %arg8[%add3A_108] : memref<1048576xf32, #tpu.memory_space<hbm>> -> memref<4096xf32, #tpu.memory_space<hbm>>
    tpu.enqueue_dma source(%arg16 : memref<4096xf32, #tpu.memory_space<vmem>>) target(%dma_start3A_112 : memref<4096xf32, #tpu.memory_space<hbm>>) target_semaphore(%arg27 : memref<!tpu.dma_semaphore, #tpu.memory_space<semaphore_mem>>)
    %dma_start3A_113 = tpu.memref_slice %arg9[%add3A_108] : memref<1048576xf32, #tpu.memory_space<hbm>> -> memref<4096xf32, #tpu.memory_space<hbm>>
    %dma_start3A_114 = tpu.memref_slice %arg9[%add3A_108] : memref<1048576xf32, #tpu.memory_space<hbm>> -> memref<4096xf32, #tpu.memory_space<hbm>>
    tpu.enqueue_dma source(%arg17 : memref<4096xf32, #tpu.memory_space<vmem>>) target(%dma_start3A_114 : memref<4096xf32, #tpu.memory_space<hbm>>) target_semaphore(%arg27 : memref<!tpu.dma_semaphore, #tpu.memory_space<semaphore_mem>>)
    %mul3A_115 = arith.constant 32768 : i32
    %mul3A_116 = arith.muli %add3A, %mul3A_115 : i32
    %add3A_117 = arith.constant 16384 : i32
    %add3A_118 = arith.addi %mul3A_116, %add3A_117 : i32
    %dma_start3A_119 = tpu.memref_slice %arg2[%add3A_118] : memref<1048576xf32, #tpu.memory_space<hbm>> -> memref<4096xf32, #tpu.memory_space<hbm>>
    %dma_start3A_120 = tpu.memref_slice %arg2[%add3A_118] : memref<1048576xf32, #tpu.memory_space<hbm>> -> memref<4096xf32, #tpu.memory_space<hbm>>
    tpu.enqueue_dma source(%dma_start3A_120 : memref<4096xf32, #tpu.memory_space<hbm>>) target(%arg11 : memref<4096xf32, #tpu.memory_space<vmem>>) target_semaphore(%arg25 : memref<!tpu.dma_semaphore, #tpu.memory_space<semaphore_mem>>)
    %dma_start3A_121 = tpu.memref_slice %arg3[%add3A_118] : memref<1048576xf32, #tpu.memory_space<hbm>> -> memref<4096xf32, #tpu.memory_space<hbm>>
    %dma_start3A_122 = tpu.memref_slice %arg3[%add3A_118] : memref<1048576xf32, #tpu.memory_space<hbm>> -> memref<4096xf32, #tpu.memory_space<hbm>>
    tpu.enqueue_dma source(%dma_start3A_122 : memref<4096xf32, #tpu.memory_space<hbm>>) target(%arg12 : memref<4096xf32, #tpu.memory_space<vmem>>) target_semaphore(%arg25 : memref<!tpu.dma_semaphore, #tpu.memory_space<semaphore_mem>>)
    %dma_start3A_123 = tpu.memref_slice %arg5[%add3A_118] : memref<1048576xi32, #tpu.memory_space<hbm>> -> memref<4096xi32, #tpu.memory_space<hbm>>
    %dma_start3A_124 = tpu.memref_slice %arg5[%add3A_118] : memref<1048576xi32, #tpu.memory_space<hbm>> -> memref<4096xi32, #tpu.memory_space<hbm>>
    tpu.enqueue_dma source(%dma_start3A_124 : memref<4096xi32, #tpu.memory_space<hbm>>) target(%arg13 : memref<4096xi32, #tpu.memory_space<vmem>>) target_semaphore(%arg25 : memref<!tpu.dma_semaphore, #tpu.memory_space<semaphore_mem>>)
    %dma_start3A_125 = tpu.memref_slice %arg4[%add3A_118] : memref<1048576xf32, #tpu.memory_space<hbm>> -> memref<4096xf32, #tpu.memory_space<hbm>>
    %dma_start3A_126 = tpu.memref_slice %arg4[%add3A_118] : memref<1048576xf32, #tpu.memory_space<hbm>> -> memref<4096xf32, #tpu.memory_space<hbm>>
    tpu.enqueue_dma source(%dma_start3A_126 : memref<4096xf32, #tpu.memory_space<hbm>>) target(%arg14 : memref<4096xf32, #tpu.memory_space<vmem>>) target_semaphore(%arg25 : memref<!tpu.dma_semaphore, #tpu.memory_space<semaphore_mem>>)
    %dma_wait3A_127 = tpu.memref_slice %arg2[%add3A_79] : memref<1048576xf32, #tpu.memory_space<hbm>> -> memref<4096xf32, #tpu.memory_space<hbm>>
    %dma_wait3A_128 = tpu.memref_slice %arg2[%add3A_79] : memref<1048576xf32, #tpu.memory_space<hbm>> -> memref<4096xf32, #tpu.memory_space<hbm>>
    tpu.wait_dma2 semaphore(%arg26 : memref<!tpu.dma_semaphore, #tpu.memory_space<semaphore_mem>>) src(%dma_wait3A_128 : memref<4096xf32, #tpu.memory_space<hbm>>) dst(%arg18 : memref<4096xf32, #tpu.memory_space<vmem>>)
    %dma_wait3A_129 = tpu.memref_slice %arg3[%add3A_79] : memref<1048576xf32, #tpu.memory_space<hbm>> -> memref<4096xf32, #tpu.memory_space<hbm>>
    %dma_wait3A_130 = tpu.memref_slice %arg3[%add3A_79] : memref<1048576xf32, #tpu.memory_space<hbm>> -> memref<4096xf32, #tpu.memory_space<hbm>>
    tpu.wait_dma2 semaphore(%arg26 : memref<!tpu.dma_semaphore, #tpu.memory_space<semaphore_mem>>) src(%dma_wait3A_130 : memref<4096xf32, #tpu.memory_space<hbm>>) dst(%arg19 : memref<4096xf32, #tpu.memory_space<vmem>>)
    %dma_wait3A_131 = tpu.memref_slice %arg5[%add3A_79] : memref<1048576xi32, #tpu.memory_space<hbm>> -> memref<4096xi32, #tpu.memory_space<hbm>>
    %dma_wait3A_132 = tpu.memref_slice %arg5[%add3A_79] : memref<1048576xi32, #tpu.memory_space<hbm>> -> memref<4096xi32, #tpu.memory_space<hbm>>
    tpu.wait_dma2 semaphore(%arg26 : memref<!tpu.dma_semaphore, #tpu.memory_space<semaphore_mem>>) src(%dma_wait3A_132 : memref<4096xi32, #tpu.memory_space<hbm>>) dst(%arg20 : memref<4096xi32, #tpu.memory_space<vmem>>)
    %dma_wait3A_133 = tpu.memref_slice %arg4[%add3A_79] : memref<1048576xf32, #tpu.memory_space<hbm>> -> memref<4096xf32, #tpu.memory_space<hbm>>
    %dma_wait3A_134 = tpu.memref_slice %arg4[%add3A_79] : memref<1048576xf32, #tpu.memory_space<hbm>> -> memref<4096xf32, #tpu.memory_space<hbm>>
    tpu.wait_dma2 semaphore(%arg26 : memref<!tpu.dma_semaphore, #tpu.memory_space<semaphore_mem>>) src(%dma_wait3A_134 : memref<4096xf32, #tpu.memory_space<hbm>>) dst(%arg21 : memref<4096xf32, #tpu.memory_space<vmem>>)
    %dma_wait3A_135 = tpu.memref_slice %arg7[%add3A_69] : memref<1048576xf32, #tpu.memory_space<hbm>> -> memref<4096xf32, #tpu.memory_space<hbm>>
    %dma_wait3A_136 = tpu.memref_slice %arg7[%add3A_69] : memref<1048576xf32, #tpu.memory_space<hbm>> -> memref<4096xf32, #tpu.memory_space<hbm>>
    tpu.wait_dma2 semaphore(%arg28 : memref<!tpu.dma_semaphore, #tpu.memory_space<semaphore_mem>>) src(%arg22 : memref<4096xf32, #tpu.memory_space<vmem>>) dst(%dma_wait3A_136 : memref<4096xf32, #tpu.memory_space<hbm>>)
    %dma_wait3A_137 = tpu.memref_slice %arg8[%add3A_69] : memref<1048576xf32, #tpu.memory_space<hbm>> -> memref<4096xf32, #tpu.memory_space<hbm>>
    %dma_wait3A_138 = tpu.memref_slice %arg8[%add3A_69] : memref<1048576xf32, #tpu.memory_space<hbm>> -> memref<4096xf32, #tpu.memory_space<hbm>>
    tpu.wait_dma2 semaphore(%arg28 : memref<!tpu.dma_semaphore, #tpu.memory_space<semaphore_mem>>) src(%arg23 : memref<4096xf32, #tpu.memory_space<vmem>>) dst(%dma_wait3A_138 : memref<4096xf32, #tpu.memory_space<hbm>>)
    %dma_wait3A_139 = tpu.memref_slice %arg9[%add3A_69] : memref<1048576xf32, #tpu.memory_space<hbm>> -> memref<4096xf32, #tpu.memory_space<hbm>>
    %dma_wait3A_140 = tpu.memref_slice %arg9[%add3A_69] : memref<1048576xf32, #tpu.memory_space<hbm>> -> memref<4096xf32, #tpu.memory_space<hbm>>
    tpu.wait_dma2 semaphore(%arg28 : memref<!tpu.dma_semaphore, #tpu.memory_space<semaphore_mem>>) src(%arg24 : memref<4096xf32, #tpu.memory_space<vmem>>) dst(%dma_wait3A_140 : memref<4096xf32, #tpu.memory_space<hbm>>)
    %parallel_loop3A_141 = arith.constant 0 : i32
    %parallel_loop3A_142 = arith.constant 4096 : i32
    %parallel_loop3A_143 = arith.constant 16 : i32
    scf.for %parallel_loop3A_310 = %parallel_loop3A_141 to %parallel_loop3A_142 step %parallel_loop3A_143  : i32 {
      %parallel_loop3A_311 = arith.index_cast %parallel_loop3A_310 : i32 to index
      %parallel_loop3A_312 = tpu.vector_load %arg18[%parallel_loop3A_311] {strides = array<i32>} : memref<4096xf32, #tpu.memory_space<vmem>>, vector<16xf32>,
      %parallel_loop3A_313 = arith.index_cast %parallel_loop3A_310 : i32 to index
      %parallel_loop3A_314 = tpu.vector_load %arg19[%parallel_loop3A_313] {strides = array<i32>} : memref<4096xf32, #tpu.memory_space<vmem>>, vector<16xf32>,
      %parallel_loop3A_315 = arith.index_cast %parallel_loop3A_310 : i32 to index
      %parallel_loop3A_316 = tpu.vector_load %arg20[%parallel_loop3A_315] {strides = array<i32>} : memref<4096xi32, #tpu.memory_space<vmem>>, vector<16xi32>,
      %parallel_loop3A_317 = tpu.vector_load_idx %arg10[%parallel_loop3A_316] : memref<160xf32, #tpu.memory_space<vmem>>[vector<16xi32>], vector<16xf32>,
      %parallel_loop3A_318 = arith.constant 16 : i32
      %parallel_loop3A_319 = vector.broadcast %parallel_loop3A_318 : i32 to vector<16xi32>
      %parallel_loop3A_320 = arith.addi %parallel_loop3A_316, %parallel_loop3A_319 : vector<16xi32>
      %parallel_loop3A_321 = tpu.vector_load_idx %arg10[%parallel_loop3A_320] : memref<160xf32, #tpu.memory_space<vmem>>[vector<16xi32>], vector<16xf32>,
      %parallel_loop3A_322 = arith.constant 32 : i32
      %parallel_loop3A_323 = vector.broadcast %parallel_loop3A_322 : i32 to vector<16xi32>
      %parallel_loop3A_324 = arith.addi %parallel_loop3A_316, %parallel_loop3A_323 : vector<16xi32>
      %parallel_loop3A_325 = tpu.vector_load_idx %arg10[%parallel_loop3A_324] : memref<160xf32, #tpu.memory_space<vmem>>[vector<16xi32>], vector<16xf32>,
      %parallel_loop3A_326 = arith.constant 48 : i32
      %parallel_loop3A_327 = vector.broadcast %parallel_loop3A_326 : i32 to vector<16xi32>
      %parallel_loop3A_328 = arith.addi %parallel_loop3A_316, %parallel_loop3A_327 : vector<16xi32>
      %parallel_loop3A_329 = tpu.vector_load_idx %arg10[%parallel_loop3A_328] : memref<160xf32, #tpu.memory_space<vmem>>[vector<16xi32>], vector<16xf32>,
      %parallel_loop3A_330 = arith.constant 64 : i32
      %parallel_loop3A_331 = vector.broadcast %parallel_loop3A_330 : i32 to vector<16xi32>
      %parallel_loop3A_332 = arith.addi %parallel_loop3A_316, %parallel_loop3A_331 : vector<16xi32>
      %parallel_loop3A_333 = tpu.vector_load_idx %arg10[%parallel_loop3A_332] : memref<160xf32, #tpu.memory_space<vmem>>[vector<16xi32>], vector<16xf32>,
      %parallel_loop3A_334 = arith.constant 80 : i32
      %parallel_loop3A_335 = vector.broadcast %parallel_loop3A_334 : i32 to vector<16xi32>
      %parallel_loop3A_336 = arith.addi %parallel_loop3A_316, %parallel_loop3A_335 : vector<16xi32>
      %parallel_loop3A_337 = tpu.vector_load_idx %arg10[%parallel_loop3A_336] : memref<160xf32, #tpu.memory_space<vmem>>[vector<16xi32>], vector<16xf32>,
      %parallel_loop3A_338 = arith.constant 96 : i32
      %parallel_loop3A_339 = vector.broadcast %parallel_loop3A_338 : i32 to vector<16xi32>
      %parallel_loop3A_340 = arith.addi %parallel_loop3A_316, %parallel_loop3A_339 : vector<16xi32>
      %parallel_loop3A_341 = tpu.vector_load_idx %arg10[%parallel_loop3A_340] : memref<160xf32, #tpu.memory_space<vmem>>[vector<16xi32>], vector<16xf32>,
      %parallel_loop3A_342 = arith.constant 112 : i32
      %parallel_loop3A_343 = vector.broadcast %parallel_loop3A_342 : i32 to vector<16xi32>
      %parallel_loop3A_344 = arith.addi %parallel_loop3A_316, %parallel_loop3A_343 : vector<16xi32>
      %parallel_loop3A_345 = tpu.vector_load_idx %arg10[%parallel_loop3A_344] : memref<160xf32, #tpu.memory_space<vmem>>[vector<16xi32>], vector<16xf32>,
      %parallel_loop3A_346 = arith.constant 128 : i32
      %parallel_loop3A_347 = vector.broadcast %parallel_loop3A_346 : i32 to vector<16xi32>
      %parallel_loop3A_348 = arith.addi %parallel_loop3A_316, %parallel_loop3A_347 : vector<16xi32>
      %parallel_loop3A_349 = tpu.vector_load_idx %arg10[%parallel_loop3A_348] : memref<160xf32, #tpu.memory_space<vmem>>[vector<16xi32>], vector<16xf32>,
      %parallel_loop3A_350 = arith.constant 144 : i32
      %parallel_loop3A_351 = vector.broadcast %parallel_loop3A_350 : i32 to vector<16xi32>
      %parallel_loop3A_352 = arith.addi %parallel_loop3A_316, %parallel_loop3A_351 : vector<16xi32>
      %parallel_loop3A_353 = tpu.vector_load_idx %arg10[%parallel_loop3A_352] : memref<160xf32, #tpu.memory_space<vmem>>[vector<16xi32>], vector<16xf32>,
      %parallel_loop3A_354 = arith.mulf %parallel_loop3A_317, %parallel_loop3A_312 : vector<16xf32>
      %parallel_loop3A_355 = arith.mulf %parallel_loop3A_321, %parallel_loop3A_314 : vector<16xf32>
      %parallel_loop3A_356 = arith.addf %parallel_loop3A_354, %parallel_loop3A_355 : vector<16xf32>
      %parallel_loop3A_357 = arith.addf %parallel_loop3A_356, %parallel_loop3A_333 : vector<16xf32>
      %parallel_loop3A_358 = arith.mulf %parallel_loop3A_325, %parallel_loop3A_312 : vector<16xf32>
      %parallel_loop3A_359 = arith.mulf %parallel_loop3A_329, %parallel_loop3A_314 : vector<16xf32>
      %parallel_loop3A_360 = arith.addf %parallel_loop3A_358, %parallel_loop3A_359 : vector<16xf32>
      %parallel_loop3A_361 = arith.addf %parallel_loop3A_360, %parallel_loop3A_337 : vector<16xf32>
      %parallel_loop3A_362 = arith.mulf %parallel_loop3A_357, %parallel_loop3A_357 : vector<16xf32>
      %parallel_loop3A_363 = arith.mulf %parallel_loop3A_361, %parallel_loop3A_361 : vector<16xf32>
      %parallel_loop3A_364 = arith.addf %parallel_loop3A_362, %parallel_loop3A_363 : vector<16xf32>
      %parallel_loop3A_365 = arith.constant 9.99999997E-7 : f32
      %parallel_loop3A_366 = vector.broadcast %parallel_loop3A_365 : f32 to vector<16xf32>
      %parallel_loop3A_367 = arith.addf %parallel_loop3A_364, %parallel_loop3A_366 : vector<16xf32>
      %parallel_loop3A_368 = arith.constant 1.000000e+00 : f32
      %parallel_loop3A_369 = vector.broadcast %parallel_loop3A_368 : f32 to vector<16xf32>
      %parallel_loop3A_370 = arith.divf %parallel_loop3A_369, %parallel_loop3A_367 : vector<16xf32>
      %parallel_loop3A_371 = arith.mulf %parallel_loop3A_349, %parallel_loop3A_370 : vector<16xf32>
      %parallel_loop3A_372 = arith.addf %parallel_loop3A_341, %parallel_loop3A_371 : vector<16xf32>
      %parallel_loop3A_373 = arith.mulf %parallel_loop3A_357, %parallel_loop3A_372 : vector<16xf32>
      %parallel_loop3A_374 = arith.constant 0.318309873 : f32
      %parallel_loop3A_375 = vector.broadcast %parallel_loop3A_374 : f32 to vector<16xf32>
      %parallel_loop3A_376 = arith.mulf %parallel_loop3A_357, %parallel_loop3A_375 : vector<16xf32>
      %parallel_loop3A_377 = arith.constant 0x4B400000 : f32
      %parallel_loop3A_378 = vector.broadcast %parallel_loop3A_377 : f32 to vector<16xf32>
      %parallel_loop3A_379 = arith.addf %parallel_loop3A_376, %parallel_loop3A_378 : vector<16xf32>
      %parallel_loop3A_380 = arith.constant 0x4B400000 : f32
      %parallel_loop3A_381 = vector.broadcast %parallel_loop3A_380 : f32 to vector<16xf32>
      %parallel_loop3A_382 = arith.subf %parallel_loop3A_379, %parallel_loop3A_381 : vector<16xf32>
      %parallel_loop3A_383 = arith.constant 3.14159274 : f32
      %parallel_loop3A_384 = vector.broadcast %parallel_loop3A_383 : f32 to vector<16xf32>
      %parallel_loop3A_385 = arith.mulf %parallel_loop3A_382, %parallel_loop3A_384 : vector<16xf32>
      %parallel_loop3A_386 = arith.subf %parallel_loop3A_357, %parallel_loop3A_385 : vector<16xf32>
      %parallel_loop3A_387 = arith.mulf %parallel_loop3A_386, %parallel_loop3A_386 : vector<16xf32>
      %parallel_loop3A_388 = arith.constant -1.86089761E-4 : f32
      %parallel_loop3A_389 = vector.broadcast %parallel_loop3A_388 : f32 to vector<16xf32>
      %parallel_loop3A_390 = arith.mulf %parallel_loop3A_387, %parallel_loop3A_389 : vector<16xf32>
      %parallel_loop3A_391 = arith.constant 0.0083159646 : f32
      %parallel_loop3A_392 = vector.broadcast %parallel_loop3A_391 : f32 to vector<16xf32>
      %parallel_loop3A_393 = arith.addf %parallel_loop3A_392, %parallel_loop3A_390 : vector<16xf32>
      %parallel_loop3A_394 = arith.mulf %parallel_loop3A_387, %parallel_loop3A_393 : vector<16xf32>
      %parallel_loop3A_395 = arith.constant -0.166658908 : f32
      %parallel_loop3A_396 = vector.broadcast %parallel_loop3A_395 : f32 to vector<16xf32>
      %parallel_loop3A_397 = arith.addf %parallel_loop3A_396, %parallel_loop3A_394 : vector<16xf32>
      %parallel_loop3A_398 = arith.mulf %parallel_loop3A_387, %parallel_loop3A_397 : vector<16xf32>
      %parallel_loop3A_399 = arith.constant 0.999999463 : f32
      %parallel_loop3A_400 = vector.broadcast %parallel_loop3A_399 : f32 to vector<16xf32>
      %parallel_loop3A_401 = arith.addf %parallel_loop3A_400, %parallel_loop3A_398 : vector<16xf32>
      %parallel_loop3A_402 = arith.mulf %parallel_loop3A_386, %parallel_loop3A_401 : vector<16xf32>
      %parallel_loop3A_403 = vector.bitcast %parallel_loop3A_379 : vector<16xf32> to vector<16xi32>
      %parallel_loop3A_404 = arith.constant 31 : i32
      %parallel_loop3A_405 = vector.broadcast %parallel_loop3A_404 : i32 to vector<16xi32>
      %parallel_loop3A_406 = arith.shli %parallel_loop3A_403, %parallel_loop3A_405 : vector<16xi32>
      %parallel_loop3A_407 = vector.bitcast %parallel_loop3A_402 : vector<16xf32> to vector<16xi32>
      %parallel_loop3A_408 = arith.xori %parallel_loop3A_407, %parallel_loop3A_406 : vector<16xi32>
      %parallel_loop3A_409 = vector.bitcast %parallel_loop3A_408 : vector<16xi32> to vector<16xf32>
      %parallel_loop3A_410 = arith.mulf %parallel_loop3A_345, %parallel_loop3A_409 : vector<16xf32>
      %parallel_loop3A_411 = arith.addf %parallel_loop3A_373, %parallel_loop3A_410 : vector<16xf32>
      %parallel_loop3A_412 = arith.index_cast %parallel_loop3A_310 : i32 to index
      %parallel_loop3A_413 = tpu.vector_load %arg22[%parallel_loop3A_412] {strides = array<i32>} : memref<4096xf32, #tpu.memory_space<vmem>>, vector<16xf32>,
      tpu.vector_store %arg22[%parallel_loop3A_412], %parallel_loop3A_411 {strides = array<i32>} : memref<4096xf32, #tpu.memory_space<vmem>>, vector<16xf32>,
      %parallel_loop3A_414 = arith.mulf %parallel_loop3A_361, %parallel_loop3A_372 : vector<16xf32>
      %parallel_loop3A_415 = arith.constant 0.318309873 : f32
      %parallel_loop3A_416 = vector.broadcast %parallel_loop3A_415 : f32 to vector<16xf32>
      %parallel_loop3A_417 = arith.mulf %parallel_loop3A_361, %parallel_loop3A_416 : vector<16xf32>
      %parallel_loop3A_418 = arith.constant 0x4B400000 : f32
      %parallel_loop3A_419 = vector.broadcast %parallel_loop3A_418 : f32 to vector<16xf32>
      %parallel_loop3A_420 = arith.addf %parallel_loop3A_417, %parallel_loop3A_419 : vector<16xf32>
      %parallel_loop3A_421 = arith.constant 0x4B400000 : f32
      %parallel_loop3A_422 = vector.broadcast %parallel_loop3A_421 : f32 to vector<16xf32>
      %parallel_loop3A_423 = arith.subf %parallel_loop3A_420, %parallel_loop3A_422 : vector<16xf32>
      %parallel_loop3A_424 = arith.constant 3.14159274 : f32
      %parallel_loop3A_425 = vector.broadcast %parallel_loop3A_424 : f32 to vector<16xf32>
      %parallel_loop3A_426 = arith.mulf %parallel_loop3A_423, %parallel_loop3A_425 : vector<16xf32>
      %parallel_loop3A_427 = arith.subf %parallel_loop3A_361, %parallel_loop3A_426 : vector<16xf32>
      %parallel_loop3A_428 = arith.mulf %parallel_loop3A_427, %parallel_loop3A_427 : vector<16xf32>
      %parallel_loop3A_429 = arith.constant -1.86089761E-4 : f32
      %parallel_loop3A_430 = vector.broadcast %parallel_loop3A_429 : f32 to vector<16xf32>
      %parallel_loop3A_431 = arith.mulf %parallel_loop3A_428, %parallel_loop3A_430 : vector<16xf32>
      %parallel_loop3A_432 = arith.constant 0.0083159646 : f32
      %parallel_loop3A_433 = vector.broadcast %parallel_loop3A_432 : f32 to vector<16xf32>
      %parallel_loop3A_434 = arith.addf %parallel_loop3A_433, %parallel_loop3A_431 : vector<16xf32>
      %parallel_loop3A_435 = arith.mulf %parallel_loop3A_428, %parallel_loop3A_434 : vector<16xf32>
      %parallel_loop3A_436 = arith.constant -0.166658908 : f32
      %parallel_loop3A_437 = vector.broadcast %parallel_loop3A_436 : f32 to vector<16xf32>
      %parallel_loop3A_438 = arith.addf %parallel_loop3A_437, %parallel_loop3A_435 : vector<16xf32>
      %parallel_loop3A_439 = arith.mulf %parallel_loop3A_428, %parallel_loop3A_438 : vector<16xf32>
      %parallel_loop3A_440 = arith.constant 0.999999463 : f32
      %parallel_loop3A_441 = vector.broadcast %parallel_loop3A_440 : f32 to vector<16xf32>
      %parallel_loop3A_442 = arith.addf %parallel_loop3A_441, %parallel_loop3A_439 : vector<16xf32>
      %parallel_loop3A_443 = arith.mulf %parallel_loop3A_427, %parallel_loop3A_442 : vector<16xf32>
      %parallel_loop3A_444 = vector.bitcast %parallel_loop3A_420 : vector<16xf32> to vector<16xi32>
      %parallel_loop3A_445 = arith.constant 31 : i32
      %parallel_loop3A_446 = vector.broadcast %parallel_loop3A_445 : i32 to vector<16xi32>
      %parallel_loop3A_447 = arith.shli %parallel_loop3A_444, %parallel_loop3A_446 : vector<16xi32>
      %parallel_loop3A_448 = vector.bitcast %parallel_loop3A_443 : vector<16xf32> to vector<16xi32>
      %parallel_loop3A_449 = arith.xori %parallel_loop3A_448, %parallel_loop3A_447 : vector<16xi32>
      %parallel_loop3A_450 = vector.bitcast %parallel_loop3A_449 : vector<16xi32> to vector<16xf32>
      %parallel_loop3A_451 = arith.mulf %parallel_loop3A_345, %parallel_loop3A_450 : vector<16xf32>
      %parallel_loop3A_452 = arith.addf %parallel_loop3A_414, %parallel_loop3A_451 : vector<16xf32>
      %parallel_loop3A_453 = arith.index_cast %parallel_loop3A_310 : i32 to index
      %parallel_loop3A_454 = tpu.vector_load %arg23[%parallel_loop3A_453] {strides = array<i32>} : memref<4096xf32, #tpu.memory_space<vmem>>, vector<16xf32>,
      tpu.vector_store %arg23[%parallel_loop3A_453], %parallel_loop3A_452 {strides = array<i32>} : memref<4096xf32, #tpu.memory_space<vmem>>, vector<16xf32>,
      %parallel_loop3A_455 = arith.index_cast %parallel_loop3A_310 : i32 to index
      %parallel_loop3A_456 = tpu.vector_load %arg21[%parallel_loop3A_455] {strides = array<i32>} : memref<4096xf32, #tpu.memory_space<vmem>>, vector<16xf32>,
      %parallel_loop3A_457 = arith.addf %parallel_loop3A_456, %parallel_loop3A_353 : vector<16xf32>
      %parallel_loop3A_458 = arith.constant 5.000000e-01 : f32
      %parallel_loop3A_459 = vector.broadcast %parallel_loop3A_458 : f32 to vector<16xf32>
      %parallel_loop3A_460 = arith.mulf %parallel_loop3A_457, %parallel_loop3A_459 : vector<16xf32>
      %parallel_loop3A_461 = arith.index_cast %parallel_loop3A_310 : i32 to index
      %parallel_loop3A_462 = tpu.vector_load %arg24[%parallel_loop3A_461] {strides = array<i32>} : memref<4096xf32, #tpu.memory_space<vmem>>, vector<16xf32>,
      tpu.vector_store %arg24[%parallel_loop3A_461], %parallel_loop3A_460 {strides = array<i32>} : memref<4096xf32, #tpu.memory_space<vmem>>, vector<16xf32>,
    } {sc.loop_unroll_factor = 2 : i64, sc.parallel_access}
    %mul3A_144 = arith.constant 32768 : i32
    %mul3A_145 = arith.muli %add3A, %mul3A_144 : i32
    %add3A_146 = arith.constant 12288 : i32
    %add3A_147 = arith.addi %mul3A_145, %add3A_146 : i32
    %dma_start3A_148 = tpu.memref_slice %arg7[%add3A_147] : memref<1048576xf32, #tpu.memory_space<hbm>> -> memref<4096xf32, #tpu.memory_space<hbm>>
    %dma_start3A_149 = tpu.memref_slice %arg7[%add3A_147] : memref<1048576xf32, #tpu.memory_space<hbm>> -> memref<4096xf32, #tpu.memory_space<hbm>>
    tpu.enqueue_dma source(%arg22 : memref<4096xf32, #tpu.memory_space<vmem>>) target(%dma_start3A_149 : memref<4096xf32, #tpu.memory_space<hbm>>) target_semaphore(%arg28 : memref<!tpu.dma_semaphore, #tpu.memory_space<semaphore_mem>>)
    %dma_start3A_150 = tpu.memref_slice %arg8[%add3A_147] : memref<1048576xf32, #tpu.memory_space<hbm>> -> memref<4096xf32, #tpu.memory_space<hbm>>
    %dma_start3A_151 = tpu.memref_slice %arg8[%add3A_147] : memref<1048576xf32, #tpu.memory_space<hbm>> -> memref<4096xf32, #tpu.memory_space<hbm>>
    tpu.enqueue_dma source(%arg23 : memref<4096xf32, #tpu.memory_space<vmem>>) target(%dma_start3A_151 : memref<4096xf32, #tpu.memory_space<hbm>>) target_semaphore(%arg28 : memref<!tpu.dma_semaphore, #tpu.memory_space<semaphore_mem>>)
    %dma_start3A_152 = tpu.memref_slice %arg9[%add3A_147] : memref<1048576xf32, #tpu.memory_space<hbm>> -> memref<4096xf32, #tpu.memory_space<hbm>>
    %dma_start3A_153 = tpu.memref_slice %arg9[%add3A_147] : memref<1048576xf32, #tpu.memory_space<hbm>> -> memref<4096xf32, #tpu.memory_space<hbm>>
    tpu.enqueue_dma source(%arg24 : memref<4096xf32, #tpu.memory_space<vmem>>) target(%dma_start3A_153 : memref<4096xf32, #tpu.memory_space<hbm>>) target_semaphore(%arg28 : memref<!tpu.dma_semaphore, #tpu.memory_space<semaphore_mem>>)
    %mul3A_154 = arith.constant 32768 : i32
    %mul3A_155 = arith.muli %add3A, %mul3A_154 : i32
    %add3A_156 = arith.constant 20480 : i32
    %add3A_157 = arith.addi %mul3A_155, %add3A_156 : i32
    %dma_start3A_158 = tpu.memref_slice %arg2[%add3A_157] : memref<1048576xf32, #tpu.memory_space<hbm>> -> memref<4096xf32, #tpu.memory_space<hbm>>
    %dma_start3A_159 = tpu.memref_slice %arg2[%add3A_157] : memref<1048576xf32, #tpu.memory_space<hbm>> -> memref<4096xf32, #tpu.memory_space<hbm>>
    tpu.enqueue_dma source(%dma_start3A_159 : memref<4096xf32, #tpu.memory_space<hbm>>) target(%arg18 : memref<4096xf32, #tpu.memory_space<vmem>>) target_semaphore(%arg26 : memref<!tpu.dma_semaphore, #tpu.memory_space<semaphore_mem>>)
    %dma_start3A_160 = tpu.memref_slice %arg3[%add3A_157] : memref<1048576xf32, #tpu.memory_space<hbm>> -> memref<4096xf32, #tpu.memory_space<hbm>>
    %dma_start3A_161 = tpu.memref_slice %arg3[%add3A_157] : memref<1048576xf32, #tpu.memory_space<hbm>> -> memref<4096xf32, #tpu.memory_space<hbm>>
    tpu.enqueue_dma source(%dma_start3A_161 : memref<4096xf32, #tpu.memory_space<hbm>>) target(%arg19 : memref<4096xf32, #tpu.memory_space<vmem>>) target_semaphore(%arg26 : memref<!tpu.dma_semaphore, #tpu.memory_space<semaphore_mem>>)
    %dma_start3A_162 = tpu.memref_slice %arg5[%add3A_157] : memref<1048576xi32, #tpu.memory_space<hbm>> -> memref<4096xi32, #tpu.memory_space<hbm>>
    %dma_start3A_163 = tpu.memref_slice %arg5[%add3A_157] : memref<1048576xi32, #tpu.memory_space<hbm>> -> memref<4096xi32, #tpu.memory_space<hbm>>
    tpu.enqueue_dma source(%dma_start3A_163 : memref<4096xi32, #tpu.memory_space<hbm>>) target(%arg20 : memref<4096xi32, #tpu.memory_space<vmem>>) target_semaphore(%arg26 : memref<!tpu.dma_semaphore, #tpu.memory_space<semaphore_mem>>)
    %dma_start3A_164 = tpu.memref_slice %arg4[%add3A_157] : memref<1048576xf32, #tpu.memory_space<hbm>> -> memref<4096xf32, #tpu.memory_space<hbm>>
    %dma_start3A_165 = tpu.memref_slice %arg4[%add3A_157] : memref<1048576xf32, #tpu.memory_space<hbm>> -> memref<4096xf32, #tpu.memory_space<hbm>>
    tpu.enqueue_dma source(%dma_start3A_165 : memref<4096xf32, #tpu.memory_space<hbm>>) target(%arg21 : memref<4096xf32, #tpu.memory_space<vmem>>) target_semaphore(%arg26 : memref<!tpu.dma_semaphore, #tpu.memory_space<semaphore_mem>>)
    %dma_wait3A_166 = tpu.memref_slice %arg2[%add3A_118] : memref<1048576xf32, #tpu.memory_space<hbm>> -> memref<4096xf32, #tpu.memory_space<hbm>>
    %dma_wait3A_167 = tpu.memref_slice %arg2[%add3A_118] : memref<1048576xf32, #tpu.memory_space<hbm>> -> memref<4096xf32, #tpu.memory_space<hbm>>
    tpu.wait_dma2 semaphore(%arg25 : memref<!tpu.dma_semaphore, #tpu.memory_space<semaphore_mem>>) src(%dma_wait3A_167 : memref<4096xf32, #tpu.memory_space<hbm>>) dst(%arg11 : memref<4096xf32, #tpu.memory_space<vmem>>)
    %dma_wait3A_168 = tpu.memref_slice %arg3[%add3A_118] : memref<1048576xf32, #tpu.memory_space<hbm>> -> memref<4096xf32, #tpu.memory_space<hbm>>
    %dma_wait3A_169 = tpu.memref_slice %arg3[%add3A_118] : memref<1048576xf32, #tpu.memory_space<hbm>> -> memref<4096xf32, #tpu.memory_space<hbm>>
    tpu.wait_dma2 semaphore(%arg25 : memref<!tpu.dma_semaphore, #tpu.memory_space<semaphore_mem>>) src(%dma_wait3A_169 : memref<4096xf32, #tpu.memory_space<hbm>>) dst(%arg12 : memref<4096xf32, #tpu.memory_space<vmem>>)
    %dma_wait3A_170 = tpu.memref_slice %arg5[%add3A_118] : memref<1048576xi32, #tpu.memory_space<hbm>> -> memref<4096xi32, #tpu.memory_space<hbm>>
    %dma_wait3A_171 = tpu.memref_slice %arg5[%add3A_118] : memref<1048576xi32, #tpu.memory_space<hbm>> -> memref<4096xi32, #tpu.memory_space<hbm>>
    tpu.wait_dma2 semaphore(%arg25 : memref<!tpu.dma_semaphore, #tpu.memory_space<semaphore_mem>>) src(%dma_wait3A_171 : memref<4096xi32, #tpu.memory_space<hbm>>) dst(%arg13 : memref<4096xi32, #tpu.memory_space<vmem>>)
    %dma_wait3A_172 = tpu.memref_slice %arg4[%add3A_118] : memref<1048576xf32, #tpu.memory_space<hbm>> -> memref<4096xf32, #tpu.memory_space<hbm>>
    %dma_wait3A_173 = tpu.memref_slice %arg4[%add3A_118] : memref<1048576xf32, #tpu.memory_space<hbm>> -> memref<4096xf32, #tpu.memory_space<hbm>>
    tpu.wait_dma2 semaphore(%arg25 : memref<!tpu.dma_semaphore, #tpu.memory_space<semaphore_mem>>) src(%dma_wait3A_173 : memref<4096xf32, #tpu.memory_space<hbm>>) dst(%arg14 : memref<4096xf32, #tpu.memory_space<vmem>>)
    %dma_wait3A_174 = tpu.memref_slice %arg7[%add3A_108] : memref<1048576xf32, #tpu.memory_space<hbm>> -> memref<4096xf32, #tpu.memory_space<hbm>>
    %dma_wait3A_175 = tpu.memref_slice %arg7[%add3A_108] : memref<1048576xf32, #tpu.memory_space<hbm>> -> memref<4096xf32, #tpu.memory_space<hbm>>
    tpu.wait_dma2 semaphore(%arg27 : memref<!tpu.dma_semaphore, #tpu.memory_space<semaphore_mem>>) src(%arg15 : memref<4096xf32, #tpu.memory_space<vmem>>) dst(%dma_wait3A_175 : memref<4096xf32, #tpu.memory_space<hbm>>)
    %dma_wait3A_176 = tpu.memref_slice %arg8[%add3A_108] : memref<1048576xf32, #tpu.memory_space<hbm>> -> memref<4096xf32, #tpu.memory_space<hbm>>
    %dma_wait3A_177 = tpu.memref_slice %arg8[%add3A_108] : memref<1048576xf32, #tpu.memory_space<hbm>> -> memref<4096xf32, #tpu.memory_space<hbm>>
    tpu.wait_dma2 semaphore(%arg27 : memref<!tpu.dma_semaphore, #tpu.memory_space<semaphore_mem>>) src(%arg16 : memref<4096xf32, #tpu.memory_space<vmem>>) dst(%dma_wait3A_177 : memref<4096xf32, #tpu.memory_space<hbm>>)
    %dma_wait3A_178 = tpu.memref_slice %arg9[%add3A_108] : memref<1048576xf32, #tpu.memory_space<hbm>> -> memref<4096xf32, #tpu.memory_space<hbm>>
    %dma_wait3A_179 = tpu.memref_slice %arg9[%add3A_108] : memref<1048576xf32, #tpu.memory_space<hbm>> -> memref<4096xf32, #tpu.memory_space<hbm>>
    tpu.wait_dma2 semaphore(%arg27 : memref<!tpu.dma_semaphore, #tpu.memory_space<semaphore_mem>>) src(%arg17 : memref<4096xf32, #tpu.memory_space<vmem>>) dst(%dma_wait3A_179 : memref<4096xf32, #tpu.memory_space<hbm>>)
    %parallel_loop3A_180 = arith.constant 0 : i32
    %parallel_loop3A_181 = arith.constant 4096 : i32
    %parallel_loop3A_182 = arith.constant 16 : i32
    scf.for %parallel_loop3A_310 = %parallel_loop3A_180 to %parallel_loop3A_181 step %parallel_loop3A_182  : i32 {
      %parallel_loop3A_311 = arith.index_cast %parallel_loop3A_310 : i32 to index
      %parallel_loop3A_312 = tpu.vector_load %arg11[%parallel_loop3A_311] {strides = array<i32>} : memref<4096xf32, #tpu.memory_space<vmem>>, vector<16xf32>,
      %parallel_loop3A_313 = arith.index_cast %parallel_loop3A_310 : i32 to index
      %parallel_loop3A_314 = tpu.vector_load %arg12[%parallel_loop3A_313] {strides = array<i32>} : memref<4096xf32, #tpu.memory_space<vmem>>, vector<16xf32>,
      %parallel_loop3A_315 = arith.index_cast %parallel_loop3A_310 : i32 to index
      %parallel_loop3A_316 = tpu.vector_load %arg13[%parallel_loop3A_315] {strides = array<i32>} : memref<4096xi32, #tpu.memory_space<vmem>>, vector<16xi32>,
      %parallel_loop3A_317 = tpu.vector_load_idx %arg10[%parallel_loop3A_316] : memref<160xf32, #tpu.memory_space<vmem>>[vector<16xi32>], vector<16xf32>,
      %parallel_loop3A_318 = arith.constant 16 : i32
      %parallel_loop3A_319 = vector.broadcast %parallel_loop3A_318 : i32 to vector<16xi32>
      %parallel_loop3A_320 = arith.addi %parallel_loop3A_316, %parallel_loop3A_319 : vector<16xi32>
      %parallel_loop3A_321 = tpu.vector_load_idx %arg10[%parallel_loop3A_320] : memref<160xf32, #tpu.memory_space<vmem>>[vector<16xi32>], vector<16xf32>,
      %parallel_loop3A_322 = arith.constant 32 : i32
      %parallel_loop3A_323 = vector.broadcast %parallel_loop3A_322 : i32 to vector<16xi32>
      %parallel_loop3A_324 = arith.addi %parallel_loop3A_316, %parallel_loop3A_323 : vector<16xi32>
      %parallel_loop3A_325 = tpu.vector_load_idx %arg10[%parallel_loop3A_324] : memref<160xf32, #tpu.memory_space<vmem>>[vector<16xi32>], vector<16xf32>,
      %parallel_loop3A_326 = arith.constant 48 : i32
      %parallel_loop3A_327 = vector.broadcast %parallel_loop3A_326 : i32 to vector<16xi32>
      %parallel_loop3A_328 = arith.addi %parallel_loop3A_316, %parallel_loop3A_327 : vector<16xi32>
      %parallel_loop3A_329 = tpu.vector_load_idx %arg10[%parallel_loop3A_328] : memref<160xf32, #tpu.memory_space<vmem>>[vector<16xi32>], vector<16xf32>,
      %parallel_loop3A_330 = arith.constant 64 : i32
      %parallel_loop3A_331 = vector.broadcast %parallel_loop3A_330 : i32 to vector<16xi32>
      %parallel_loop3A_332 = arith.addi %parallel_loop3A_316, %parallel_loop3A_331 : vector<16xi32>
      %parallel_loop3A_333 = tpu.vector_load_idx %arg10[%parallel_loop3A_332] : memref<160xf32, #tpu.memory_space<vmem>>[vector<16xi32>], vector<16xf32>,
      %parallel_loop3A_334 = arith.constant 80 : i32
      %parallel_loop3A_335 = vector.broadcast %parallel_loop3A_334 : i32 to vector<16xi32>
      %parallel_loop3A_336 = arith.addi %parallel_loop3A_316, %parallel_loop3A_335 : vector<16xi32>
      %parallel_loop3A_337 = tpu.vector_load_idx %arg10[%parallel_loop3A_336] : memref<160xf32, #tpu.memory_space<vmem>>[vector<16xi32>], vector<16xf32>,
      %parallel_loop3A_338 = arith.constant 96 : i32
      %parallel_loop3A_339 = vector.broadcast %parallel_loop3A_338 : i32 to vector<16xi32>
      %parallel_loop3A_340 = arith.addi %parallel_loop3A_316, %parallel_loop3A_339 : vector<16xi32>
      %parallel_loop3A_341 = tpu.vector_load_idx %arg10[%parallel_loop3A_340] : memref<160xf32, #tpu.memory_space<vmem>>[vector<16xi32>], vector<16xf32>,
      %parallel_loop3A_342 = arith.constant 112 : i32
      %parallel_loop3A_343 = vector.broadcast %parallel_loop3A_342 : i32 to vector<16xi32>
      %parallel_loop3A_344 = arith.addi %parallel_loop3A_316, %parallel_loop3A_343 : vector<16xi32>
      %parallel_loop3A_345 = tpu.vector_load_idx %arg10[%parallel_loop3A_344] : memref<160xf32, #tpu.memory_space<vmem>>[vector<16xi32>], vector<16xf32>,
      %parallel_loop3A_346 = arith.constant 128 : i32
      %parallel_loop3A_347 = vector.broadcast %parallel_loop3A_346 : i32 to vector<16xi32>
      %parallel_loop3A_348 = arith.addi %parallel_loop3A_316, %parallel_loop3A_347 : vector<16xi32>
      %parallel_loop3A_349 = tpu.vector_load_idx %arg10[%parallel_loop3A_348] : memref<160xf32, #tpu.memory_space<vmem>>[vector<16xi32>], vector<16xf32>,
      %parallel_loop3A_350 = arith.constant 144 : i32
      %parallel_loop3A_351 = vector.broadcast %parallel_loop3A_350 : i32 to vector<16xi32>
      %parallel_loop3A_352 = arith.addi %parallel_loop3A_316, %parallel_loop3A_351 : vector<16xi32>
      %parallel_loop3A_353 = tpu.vector_load_idx %arg10[%parallel_loop3A_352] : memref<160xf32, #tpu.memory_space<vmem>>[vector<16xi32>], vector<16xf32>,
      %parallel_loop3A_354 = arith.mulf %parallel_loop3A_317, %parallel_loop3A_312 : vector<16xf32>
      %parallel_loop3A_355 = arith.mulf %parallel_loop3A_321, %parallel_loop3A_314 : vector<16xf32>
      %parallel_loop3A_356 = arith.addf %parallel_loop3A_354, %parallel_loop3A_355 : vector<16xf32>
      %parallel_loop3A_357 = arith.addf %parallel_loop3A_356, %parallel_loop3A_333 : vector<16xf32>
      %parallel_loop3A_358 = arith.mulf %parallel_loop3A_325, %parallel_loop3A_312 : vector<16xf32>
      %parallel_loop3A_359 = arith.mulf %parallel_loop3A_329, %parallel_loop3A_314 : vector<16xf32>
      %parallel_loop3A_360 = arith.addf %parallel_loop3A_358, %parallel_loop3A_359 : vector<16xf32>
      %parallel_loop3A_361 = arith.addf %parallel_loop3A_360, %parallel_loop3A_337 : vector<16xf32>
      %parallel_loop3A_362 = arith.mulf %parallel_loop3A_357, %parallel_loop3A_357 : vector<16xf32>
      %parallel_loop3A_363 = arith.mulf %parallel_loop3A_361, %parallel_loop3A_361 : vector<16xf32>
      %parallel_loop3A_364 = arith.addf %parallel_loop3A_362, %parallel_loop3A_363 : vector<16xf32>
      %parallel_loop3A_365 = arith.constant 9.99999997E-7 : f32
      %parallel_loop3A_366 = vector.broadcast %parallel_loop3A_365 : f32 to vector<16xf32>
      %parallel_loop3A_367 = arith.addf %parallel_loop3A_364, %parallel_loop3A_366 : vector<16xf32>
      %parallel_loop3A_368 = arith.constant 1.000000e+00 : f32
      %parallel_loop3A_369 = vector.broadcast %parallel_loop3A_368 : f32 to vector<16xf32>
      %parallel_loop3A_370 = arith.divf %parallel_loop3A_369, %parallel_loop3A_367 : vector<16xf32>
      %parallel_loop3A_371 = arith.mulf %parallel_loop3A_349, %parallel_loop3A_370 : vector<16xf32>
      %parallel_loop3A_372 = arith.addf %parallel_loop3A_341, %parallel_loop3A_371 : vector<16xf32>
      %parallel_loop3A_373 = arith.mulf %parallel_loop3A_357, %parallel_loop3A_372 : vector<16xf32>
      %parallel_loop3A_374 = arith.constant 0.318309873 : f32
      %parallel_loop3A_375 = vector.broadcast %parallel_loop3A_374 : f32 to vector<16xf32>
      %parallel_loop3A_376 = arith.mulf %parallel_loop3A_357, %parallel_loop3A_375 : vector<16xf32>
      %parallel_loop3A_377 = arith.constant 0x4B400000 : f32
      %parallel_loop3A_378 = vector.broadcast %parallel_loop3A_377 : f32 to vector<16xf32>
      %parallel_loop3A_379 = arith.addf %parallel_loop3A_376, %parallel_loop3A_378 : vector<16xf32>
      %parallel_loop3A_380 = arith.constant 0x4B400000 : f32
      %parallel_loop3A_381 = vector.broadcast %parallel_loop3A_380 : f32 to vector<16xf32>
      %parallel_loop3A_382 = arith.subf %parallel_loop3A_379, %parallel_loop3A_381 : vector<16xf32>
      %parallel_loop3A_383 = arith.constant 3.14159274 : f32
      %parallel_loop3A_384 = vector.broadcast %parallel_loop3A_383 : f32 to vector<16xf32>
      %parallel_loop3A_385 = arith.mulf %parallel_loop3A_382, %parallel_loop3A_384 : vector<16xf32>
      %parallel_loop3A_386 = arith.subf %parallel_loop3A_357, %parallel_loop3A_385 : vector<16xf32>
      %parallel_loop3A_387 = arith.mulf %parallel_loop3A_386, %parallel_loop3A_386 : vector<16xf32>
      %parallel_loop3A_388 = arith.constant -1.86089761E-4 : f32
      %parallel_loop3A_389 = vector.broadcast %parallel_loop3A_388 : f32 to vector<16xf32>
      %parallel_loop3A_390 = arith.mulf %parallel_loop3A_387, %parallel_loop3A_389 : vector<16xf32>
      %parallel_loop3A_391 = arith.constant 0.0083159646 : f32
      %parallel_loop3A_392 = vector.broadcast %parallel_loop3A_391 : f32 to vector<16xf32>
      %parallel_loop3A_393 = arith.addf %parallel_loop3A_392, %parallel_loop3A_390 : vector<16xf32>
      %parallel_loop3A_394 = arith.mulf %parallel_loop3A_387, %parallel_loop3A_393 : vector<16xf32>
      %parallel_loop3A_395 = arith.constant -0.166658908 : f32
      %parallel_loop3A_396 = vector.broadcast %parallel_loop3A_395 : f32 to vector<16xf32>
      %parallel_loop3A_397 = arith.addf %parallel_loop3A_396, %parallel_loop3A_394 : vector<16xf32>
      %parallel_loop3A_398 = arith.mulf %parallel_loop3A_387, %parallel_loop3A_397 : vector<16xf32>
      %parallel_loop3A_399 = arith.constant 0.999999463 : f32
      %parallel_loop3A_400 = vector.broadcast %parallel_loop3A_399 : f32 to vector<16xf32>
      %parallel_loop3A_401 = arith.addf %parallel_loop3A_400, %parallel_loop3A_398 : vector<16xf32>
      %parallel_loop3A_402 = arith.mulf %parallel_loop3A_386, %parallel_loop3A_401 : vector<16xf32>
      %parallel_loop3A_403 = vector.bitcast %parallel_loop3A_379 : vector<16xf32> to vector<16xi32>
      %parallel_loop3A_404 = arith.constant 31 : i32
      %parallel_loop3A_405 = vector.broadcast %parallel_loop3A_404 : i32 to vector<16xi32>
      %parallel_loop3A_406 = arith.shli %parallel_loop3A_403, %parallel_loop3A_405 : vector<16xi32>
      %parallel_loop3A_407 = vector.bitcast %parallel_loop3A_402 : vector<16xf32> to vector<16xi32>
      %parallel_loop3A_408 = arith.xori %parallel_loop3A_407, %parallel_loop3A_406 : vector<16xi32>
      %parallel_loop3A_409 = vector.bitcast %parallel_loop3A_408 : vector<16xi32> to vector<16xf32>
      %parallel_loop3A_410 = arith.mulf %parallel_loop3A_345, %parallel_loop3A_409 : vector<16xf32>
      %parallel_loop3A_411 = arith.addf %parallel_loop3A_373, %parallel_loop3A_410 : vector<16xf32>
      %parallel_loop3A_412 = arith.index_cast %parallel_loop3A_310 : i32 to index
      %parallel_loop3A_413 = tpu.vector_load %arg15[%parallel_loop3A_412] {strides = array<i32>} : memref<4096xf32, #tpu.memory_space<vmem>>, vector<16xf32>,
      tpu.vector_store %arg15[%parallel_loop3A_412], %parallel_loop3A_411 {strides = array<i32>} : memref<4096xf32, #tpu.memory_space<vmem>>, vector<16xf32>,
      %parallel_loop3A_414 = arith.mulf %parallel_loop3A_361, %parallel_loop3A_372 : vector<16xf32>
      %parallel_loop3A_415 = arith.constant 0.318309873 : f32
      %parallel_loop3A_416 = vector.broadcast %parallel_loop3A_415 : f32 to vector<16xf32>
      %parallel_loop3A_417 = arith.mulf %parallel_loop3A_361, %parallel_loop3A_416 : vector<16xf32>
      %parallel_loop3A_418 = arith.constant 0x4B400000 : f32
      %parallel_loop3A_419 = vector.broadcast %parallel_loop3A_418 : f32 to vector<16xf32>
      %parallel_loop3A_420 = arith.addf %parallel_loop3A_417, %parallel_loop3A_419 : vector<16xf32>
      %parallel_loop3A_421 = arith.constant 0x4B400000 : f32
      %parallel_loop3A_422 = vector.broadcast %parallel_loop3A_421 : f32 to vector<16xf32>
      %parallel_loop3A_423 = arith.subf %parallel_loop3A_420, %parallel_loop3A_422 : vector<16xf32>
      %parallel_loop3A_424 = arith.constant 3.14159274 : f32
      %parallel_loop3A_425 = vector.broadcast %parallel_loop3A_424 : f32 to vector<16xf32>
      %parallel_loop3A_426 = arith.mulf %parallel_loop3A_423, %parallel_loop3A_425 : vector<16xf32>
      %parallel_loop3A_427 = arith.subf %parallel_loop3A_361, %parallel_loop3A_426 : vector<16xf32>
      %parallel_loop3A_428 = arith.mulf %parallel_loop3A_427, %parallel_loop3A_427 : vector<16xf32>
      %parallel_loop3A_429 = arith.constant -1.86089761E-4 : f32
      %parallel_loop3A_430 = vector.broadcast %parallel_loop3A_429 : f32 to vector<16xf32>
      %parallel_loop3A_431 = arith.mulf %parallel_loop3A_428, %parallel_loop3A_430 : vector<16xf32>
      %parallel_loop3A_432 = arith.constant 0.0083159646 : f32
      %parallel_loop3A_433 = vector.broadcast %parallel_loop3A_432 : f32 to vector<16xf32>
      %parallel_loop3A_434 = arith.addf %parallel_loop3A_433, %parallel_loop3A_431 : vector<16xf32>
      %parallel_loop3A_435 = arith.mulf %parallel_loop3A_428, %parallel_loop3A_434 : vector<16xf32>
      %parallel_loop3A_436 = arith.constant -0.166658908 : f32
      %parallel_loop3A_437 = vector.broadcast %parallel_loop3A_436 : f32 to vector<16xf32>
      %parallel_loop3A_438 = arith.addf %parallel_loop3A_437, %parallel_loop3A_435 : vector<16xf32>
      %parallel_loop3A_439 = arith.mulf %parallel_loop3A_428, %parallel_loop3A_438 : vector<16xf32>
      %parallel_loop3A_440 = arith.constant 0.999999463 : f32
      %parallel_loop3A_441 = vector.broadcast %parallel_loop3A_440 : f32 to vector<16xf32>
      %parallel_loop3A_442 = arith.addf %parallel_loop3A_441, %parallel_loop3A_439 : vector<16xf32>
      %parallel_loop3A_443 = arith.mulf %parallel_loop3A_427, %parallel_loop3A_442 : vector<16xf32>
      %parallel_loop3A_444 = vector.bitcast %parallel_loop3A_420 : vector<16xf32> to vector<16xi32>
      %parallel_loop3A_445 = arith.constant 31 : i32
      %parallel_loop3A_446 = vector.broadcast %parallel_loop3A_445 : i32 to vector<16xi32>
      %parallel_loop3A_447 = arith.shli %parallel_loop3A_444, %parallel_loop3A_446 : vector<16xi32>
      %parallel_loop3A_448 = vector.bitcast %parallel_loop3A_443 : vector<16xf32> to vector<16xi32>
      %parallel_loop3A_449 = arith.xori %parallel_loop3A_448, %parallel_loop3A_447 : vector<16xi32>
      %parallel_loop3A_450 = vector.bitcast %parallel_loop3A_449 : vector<16xi32> to vector<16xf32>
      %parallel_loop3A_451 = arith.mulf %parallel_loop3A_345, %parallel_loop3A_450 : vector<16xf32>
      %parallel_loop3A_452 = arith.addf %parallel_loop3A_414, %parallel_loop3A_451 : vector<16xf32>
      %parallel_loop3A_453 = arith.index_cast %parallel_loop3A_310 : i32 to index
      %parallel_loop3A_454 = tpu.vector_load %arg16[%parallel_loop3A_453] {strides = array<i32>} : memref<4096xf32, #tpu.memory_space<vmem>>, vector<16xf32>,
      tpu.vector_store %arg16[%parallel_loop3A_453], %parallel_loop3A_452 {strides = array<i32>} : memref<4096xf32, #tpu.memory_space<vmem>>, vector<16xf32>,
      %parallel_loop3A_455 = arith.index_cast %parallel_loop3A_310 : i32 to index
      %parallel_loop3A_456 = tpu.vector_load %arg14[%parallel_loop3A_455] {strides = array<i32>} : memref<4096xf32, #tpu.memory_space<vmem>>, vector<16xf32>,
      %parallel_loop3A_457 = arith.addf %parallel_loop3A_456, %parallel_loop3A_353 : vector<16xf32>
      %parallel_loop3A_458 = arith.constant 5.000000e-01 : f32
      %parallel_loop3A_459 = vector.broadcast %parallel_loop3A_458 : f32 to vector<16xf32>
      %parallel_loop3A_460 = arith.mulf %parallel_loop3A_457, %parallel_loop3A_459 : vector<16xf32>
      %parallel_loop3A_461 = arith.index_cast %parallel_loop3A_310 : i32 to index
      %parallel_loop3A_462 = tpu.vector_load %arg17[%parallel_loop3A_461] {strides = array<i32>} : memref<4096xf32, #tpu.memory_space<vmem>>, vector<16xf32>,
      tpu.vector_store %arg17[%parallel_loop3A_461], %parallel_loop3A_460 {strides = array<i32>} : memref<4096xf32, #tpu.memory_space<vmem>>, vector<16xf32>,
    } {sc.loop_unroll_factor = 2 : i64, sc.parallel_access}
    %mul3A_183 = arith.constant 32768 : i32
    %mul3A_184 = arith.muli %add3A, %mul3A_183 : i32
    %add3A_185 = arith.constant 16384 : i32
    %add3A_186 = arith.addi %mul3A_184, %add3A_185 : i32
    %dma_start3A_187 = tpu.memref_slice %arg7[%add3A_186] : memref<1048576xf32, #tpu.memory_space<hbm>> -> memref<4096xf32, #tpu.memory_space<hbm>>
    %dma_start3A_188 = tpu.memref_slice %arg7[%add3A_186] : memref<1048576xf32, #tpu.memory_space<hbm>> -> memref<4096xf32, #tpu.memory_space<hbm>>
    tpu.enqueue_dma source(%arg15 : memref<4096xf32, #tpu.memory_space<vmem>>) target(%dma_start3A_188 : memref<4096xf32, #tpu.memory_space<hbm>>) target_semaphore(%arg27 : memref<!tpu.dma_semaphore, #tpu.memory_space<semaphore_mem>>)
    %dma_start3A_189 = tpu.memref_slice %arg8[%add3A_186] : memref<1048576xf32, #tpu.memory_space<hbm>> -> memref<4096xf32, #tpu.memory_space<hbm>>
    %dma_start3A_190 = tpu.memref_slice %arg8[%add3A_186] : memref<1048576xf32, #tpu.memory_space<hbm>> -> memref<4096xf32, #tpu.memory_space<hbm>>
    tpu.enqueue_dma source(%arg16 : memref<4096xf32, #tpu.memory_space<vmem>>) target(%dma_start3A_190 : memref<4096xf32, #tpu.memory_space<hbm>>) target_semaphore(%arg27 : memref<!tpu.dma_semaphore, #tpu.memory_space<semaphore_mem>>)
    %dma_start3A_191 = tpu.memref_slice %arg9[%add3A_186] : memref<1048576xf32, #tpu.memory_space<hbm>> -> memref<4096xf32, #tpu.memory_space<hbm>>
    %dma_start3A_192 = tpu.memref_slice %arg9[%add3A_186] : memref<1048576xf32, #tpu.memory_space<hbm>> -> memref<4096xf32, #tpu.memory_space<hbm>>
    tpu.enqueue_dma source(%arg17 : memref<4096xf32, #tpu.memory_space<vmem>>) target(%dma_start3A_192 : memref<4096xf32, #tpu.memory_space<hbm>>) target_semaphore(%arg27 : memref<!tpu.dma_semaphore, #tpu.memory_space<semaphore_mem>>)
    %mul3A_193 = arith.constant 32768 : i32
    %mul3A_194 = arith.muli %add3A, %mul3A_193 : i32
    %add3A_195 = arith.constant 24576 : i32
    %add3A_196 = arith.addi %mul3A_194, %add3A_195 : i32
    %dma_start3A_197 = tpu.memref_slice %arg2[%add3A_196] : memref<1048576xf32, #tpu.memory_space<hbm>> -> memref<4096xf32, #tpu.memory_space<hbm>>
    %dma_start3A_198 = tpu.memref_slice %arg2[%add3A_196] : memref<1048576xf32, #tpu.memory_space<hbm>> -> memref<4096xf32, #tpu.memory_space<hbm>>
    tpu.enqueue_dma source(%dma_start3A_198 : memref<4096xf32, #tpu.memory_space<hbm>>) target(%arg11 : memref<4096xf32, #tpu.memory_space<vmem>>) target_semaphore(%arg25 : memref<!tpu.dma_semaphore, #tpu.memory_space<semaphore_mem>>)
    %dma_start3A_199 = tpu.memref_slice %arg3[%add3A_196] : memref<1048576xf32, #tpu.memory_space<hbm>> -> memref<4096xf32, #tpu.memory_space<hbm>>
    %dma_start3A_200 = tpu.memref_slice %arg3[%add3A_196] : memref<1048576xf32, #tpu.memory_space<hbm>> -> memref<4096xf32, #tpu.memory_space<hbm>>
    tpu.enqueue_dma source(%dma_start3A_200 : memref<4096xf32, #tpu.memory_space<hbm>>) target(%arg12 : memref<4096xf32, #tpu.memory_space<vmem>>) target_semaphore(%arg25 : memref<!tpu.dma_semaphore, #tpu.memory_space<semaphore_mem>>)
    %dma_start3A_201 = tpu.memref_slice %arg5[%add3A_196] : memref<1048576xi32, #tpu.memory_space<hbm>> -> memref<4096xi32, #tpu.memory_space<hbm>>
    %dma_start3A_202 = tpu.memref_slice %arg5[%add3A_196] : memref<1048576xi32, #tpu.memory_space<hbm>> -> memref<4096xi32, #tpu.memory_space<hbm>>
    tpu.enqueue_dma source(%dma_start3A_202 : memref<4096xi32, #tpu.memory_space<hbm>>) target(%arg13 : memref<4096xi32, #tpu.memory_space<vmem>>) target_semaphore(%arg25 : memref<!tpu.dma_semaphore, #tpu.memory_space<semaphore_mem>>)
    %dma_start3A_203 = tpu.memref_slice %arg4[%add3A_196] : memref<1048576xf32, #tpu.memory_space<hbm>> -> memref<4096xf32, #tpu.memory_space<hbm>>
    %dma_start3A_204 = tpu.memref_slice %arg4[%add3A_196] : memref<1048576xf32, #tpu.memory_space<hbm>> -> memref<4096xf32, #tpu.memory_space<hbm>>
    tpu.enqueue_dma source(%dma_start3A_204 : memref<4096xf32, #tpu.memory_space<hbm>>) target(%arg14 : memref<4096xf32, #tpu.memory_space<vmem>>) target_semaphore(%arg25 : memref<!tpu.dma_semaphore, #tpu.memory_space<semaphore_mem>>)
    %dma_wait3A_205 = tpu.memref_slice %arg2[%add3A_157] : memref<1048576xf32, #tpu.memory_space<hbm>> -> memref<4096xf32, #tpu.memory_space<hbm>>
    %dma_wait3A_206 = tpu.memref_slice %arg2[%add3A_157] : memref<1048576xf32, #tpu.memory_space<hbm>> -> memref<4096xf32, #tpu.memory_space<hbm>>
    tpu.wait_dma2 semaphore(%arg26 : memref<!tpu.dma_semaphore, #tpu.memory_space<semaphore_mem>>) src(%dma_wait3A_206 : memref<4096xf32, #tpu.memory_space<hbm>>) dst(%arg18 : memref<4096xf32, #tpu.memory_space<vmem>>)
    %dma_wait3A_207 = tpu.memref_slice %arg3[%add3A_157] : memref<1048576xf32, #tpu.memory_space<hbm>> -> memref<4096xf32, #tpu.memory_space<hbm>>
    %dma_wait3A_208 = tpu.memref_slice %arg3[%add3A_157] : memref<1048576xf32, #tpu.memory_space<hbm>> -> memref<4096xf32, #tpu.memory_space<hbm>>
    tpu.wait_dma2 semaphore(%arg26 : memref<!tpu.dma_semaphore, #tpu.memory_space<semaphore_mem>>) src(%dma_wait3A_208 : memref<4096xf32, #tpu.memory_space<hbm>>) dst(%arg19 : memref<4096xf32, #tpu.memory_space<vmem>>)
    %dma_wait3A_209 = tpu.memref_slice %arg5[%add3A_157] : memref<1048576xi32, #tpu.memory_space<hbm>> -> memref<4096xi32, #tpu.memory_space<hbm>>
    %dma_wait3A_210 = tpu.memref_slice %arg5[%add3A_157] : memref<1048576xi32, #tpu.memory_space<hbm>> -> memref<4096xi32, #tpu.memory_space<hbm>>
    tpu.wait_dma2 semaphore(%arg26 : memref<!tpu.dma_semaphore, #tpu.memory_space<semaphore_mem>>) src(%dma_wait3A_210 : memref<4096xi32, #tpu.memory_space<hbm>>) dst(%arg20 : memref<4096xi32, #tpu.memory_space<vmem>>)
    %dma_wait3A_211 = tpu.memref_slice %arg4[%add3A_157] : memref<1048576xf32, #tpu.memory_space<hbm>> -> memref<4096xf32, #tpu.memory_space<hbm>>
    %dma_wait3A_212 = tpu.memref_slice %arg4[%add3A_157] : memref<1048576xf32, #tpu.memory_space<hbm>> -> memref<4096xf32, #tpu.memory_space<hbm>>
    tpu.wait_dma2 semaphore(%arg26 : memref<!tpu.dma_semaphore, #tpu.memory_space<semaphore_mem>>) src(%dma_wait3A_212 : memref<4096xf32, #tpu.memory_space<hbm>>) dst(%arg21 : memref<4096xf32, #tpu.memory_space<vmem>>)
    %dma_wait3A_213 = tpu.memref_slice %arg7[%add3A_147] : memref<1048576xf32, #tpu.memory_space<hbm>> -> memref<4096xf32, #tpu.memory_space<hbm>>
    %dma_wait3A_214 = tpu.memref_slice %arg7[%add3A_147] : memref<1048576xf32, #tpu.memory_space<hbm>> -> memref<4096xf32, #tpu.memory_space<hbm>>
    tpu.wait_dma2 semaphore(%arg28 : memref<!tpu.dma_semaphore, #tpu.memory_space<semaphore_mem>>) src(%arg22 : memref<4096xf32, #tpu.memory_space<vmem>>) dst(%dma_wait3A_214 : memref<4096xf32, #tpu.memory_space<hbm>>)
    %dma_wait3A_215 = tpu.memref_slice %arg8[%add3A_147] : memref<1048576xf32, #tpu.memory_space<hbm>> -> memref<4096xf32, #tpu.memory_space<hbm>>
    %dma_wait3A_216 = tpu.memref_slice %arg8[%add3A_147] : memref<1048576xf32, #tpu.memory_space<hbm>> -> memref<4096xf32, #tpu.memory_space<hbm>>
    tpu.wait_dma2 semaphore(%arg28 : memref<!tpu.dma_semaphore, #tpu.memory_space<semaphore_mem>>) src(%arg23 : memref<4096xf32, #tpu.memory_space<vmem>>) dst(%dma_wait3A_216 : memref<4096xf32, #tpu.memory_space<hbm>>)
    %dma_wait3A_217 = tpu.memref_slice %arg9[%add3A_147] : memref<1048576xf32, #tpu.memory_space<hbm>> -> memref<4096xf32, #tpu.memory_space<hbm>>
    %dma_wait3A_218 = tpu.memref_slice %arg9[%add3A_147] : memref<1048576xf32, #tpu.memory_space<hbm>> -> memref<4096xf32, #tpu.memory_space<hbm>>
    tpu.wait_dma2 semaphore(%arg28 : memref<!tpu.dma_semaphore, #tpu.memory_space<semaphore_mem>>) src(%arg24 : memref<4096xf32, #tpu.memory_space<vmem>>) dst(%dma_wait3A_218 : memref<4096xf32, #tpu.memory_space<hbm>>)
    %parallel_loop3A_219 = arith.constant 0 : i32
    %parallel_loop3A_220 = arith.constant 4096 : i32
    %parallel_loop3A_221 = arith.constant 16 : i32
    scf.for %parallel_loop3A_310 = %parallel_loop3A_219 to %parallel_loop3A_220 step %parallel_loop3A_221  : i32 {
      %parallel_loop3A_311 = arith.index_cast %parallel_loop3A_310 : i32 to index
      %parallel_loop3A_312 = tpu.vector_load %arg18[%parallel_loop3A_311] {strides = array<i32>} : memref<4096xf32, #tpu.memory_space<vmem>>, vector<16xf32>,
      %parallel_loop3A_313 = arith.index_cast %parallel_loop3A_310 : i32 to index
      %parallel_loop3A_314 = tpu.vector_load %arg19[%parallel_loop3A_313] {strides = array<i32>} : memref<4096xf32, #tpu.memory_space<vmem>>, vector<16xf32>,
      %parallel_loop3A_315 = arith.index_cast %parallel_loop3A_310 : i32 to index
      %parallel_loop3A_316 = tpu.vector_load %arg20[%parallel_loop3A_315] {strides = array<i32>} : memref<4096xi32, #tpu.memory_space<vmem>>, vector<16xi32>,
      %parallel_loop3A_317 = tpu.vector_load_idx %arg10[%parallel_loop3A_316] : memref<160xf32, #tpu.memory_space<vmem>>[vector<16xi32>], vector<16xf32>,
      %parallel_loop3A_318 = arith.constant 16 : i32
      %parallel_loop3A_319 = vector.broadcast %parallel_loop3A_318 : i32 to vector<16xi32>
      %parallel_loop3A_320 = arith.addi %parallel_loop3A_316, %parallel_loop3A_319 : vector<16xi32>
      %parallel_loop3A_321 = tpu.vector_load_idx %arg10[%parallel_loop3A_320] : memref<160xf32, #tpu.memory_space<vmem>>[vector<16xi32>], vector<16xf32>,
      %parallel_loop3A_322 = arith.constant 32 : i32
      %parallel_loop3A_323 = vector.broadcast %parallel_loop3A_322 : i32 to vector<16xi32>
      %parallel_loop3A_324 = arith.addi %parallel_loop3A_316, %parallel_loop3A_323 : vector<16xi32>
      %parallel_loop3A_325 = tpu.vector_load_idx %arg10[%parallel_loop3A_324] : memref<160xf32, #tpu.memory_space<vmem>>[vector<16xi32>], vector<16xf32>,
      %parallel_loop3A_326 = arith.constant 48 : i32
      %parallel_loop3A_327 = vector.broadcast %parallel_loop3A_326 : i32 to vector<16xi32>
      %parallel_loop3A_328 = arith.addi %parallel_loop3A_316, %parallel_loop3A_327 : vector<16xi32>
      %parallel_loop3A_329 = tpu.vector_load_idx %arg10[%parallel_loop3A_328] : memref<160xf32, #tpu.memory_space<vmem>>[vector<16xi32>], vector<16xf32>,
      %parallel_loop3A_330 = arith.constant 64 : i32
      %parallel_loop3A_331 = vector.broadcast %parallel_loop3A_330 : i32 to vector<16xi32>
      %parallel_loop3A_332 = arith.addi %parallel_loop3A_316, %parallel_loop3A_331 : vector<16xi32>
      %parallel_loop3A_333 = tpu.vector_load_idx %arg10[%parallel_loop3A_332] : memref<160xf32, #tpu.memory_space<vmem>>[vector<16xi32>], vector<16xf32>,
      %parallel_loop3A_334 = arith.constant 80 : i32
      %parallel_loop3A_335 = vector.broadcast %parallel_loop3A_334 : i32 to vector<16xi32>
      %parallel_loop3A_336 = arith.addi %parallel_loop3A_316, %parallel_loop3A_335 : vector<16xi32>
      %parallel_loop3A_337 = tpu.vector_load_idx %arg10[%parallel_loop3A_336] : memref<160xf32, #tpu.memory_space<vmem>>[vector<16xi32>], vector<16xf32>,
      %parallel_loop3A_338 = arith.constant 96 : i32
      %parallel_loop3A_339 = vector.broadcast %parallel_loop3A_338 : i32 to vector<16xi32>
      %parallel_loop3A_340 = arith.addi %parallel_loop3A_316, %parallel_loop3A_339 : vector<16xi32>
      %parallel_loop3A_341 = tpu.vector_load_idx %arg10[%parallel_loop3A_340] : memref<160xf32, #tpu.memory_space<vmem>>[vector<16xi32>], vector<16xf32>,
      %parallel_loop3A_342 = arith.constant 112 : i32
      %parallel_loop3A_343 = vector.broadcast %parallel_loop3A_342 : i32 to vector<16xi32>
      %parallel_loop3A_344 = arith.addi %parallel_loop3A_316, %parallel_loop3A_343 : vector<16xi32>
      %parallel_loop3A_345 = tpu.vector_load_idx %arg10[%parallel_loop3A_344] : memref<160xf32, #tpu.memory_space<vmem>>[vector<16xi32>], vector<16xf32>,
      %parallel_loop3A_346 = arith.constant 128 : i32
      %parallel_loop3A_347 = vector.broadcast %parallel_loop3A_346 : i32 to vector<16xi32>
      %parallel_loop3A_348 = arith.addi %parallel_loop3A_316, %parallel_loop3A_347 : vector<16xi32>
      %parallel_loop3A_349 = tpu.vector_load_idx %arg10[%parallel_loop3A_348] : memref<160xf32, #tpu.memory_space<vmem>>[vector<16xi32>], vector<16xf32>,
      %parallel_loop3A_350 = arith.constant 144 : i32
      %parallel_loop3A_351 = vector.broadcast %parallel_loop3A_350 : i32 to vector<16xi32>
      %parallel_loop3A_352 = arith.addi %parallel_loop3A_316, %parallel_loop3A_351 : vector<16xi32>
      %parallel_loop3A_353 = tpu.vector_load_idx %arg10[%parallel_loop3A_352] : memref<160xf32, #tpu.memory_space<vmem>>[vector<16xi32>], vector<16xf32>,
      %parallel_loop3A_354 = arith.mulf %parallel_loop3A_317, %parallel_loop3A_312 : vector<16xf32>
      %parallel_loop3A_355 = arith.mulf %parallel_loop3A_321, %parallel_loop3A_314 : vector<16xf32>
      %parallel_loop3A_356 = arith.addf %parallel_loop3A_354, %parallel_loop3A_355 : vector<16xf32>
      %parallel_loop3A_357 = arith.addf %parallel_loop3A_356, %parallel_loop3A_333 : vector<16xf32>
      %parallel_loop3A_358 = arith.mulf %parallel_loop3A_325, %parallel_loop3A_312 : vector<16xf32>
      %parallel_loop3A_359 = arith.mulf %parallel_loop3A_329, %parallel_loop3A_314 : vector<16xf32>
      %parallel_loop3A_360 = arith.addf %parallel_loop3A_358, %parallel_loop3A_359 : vector<16xf32>
      %parallel_loop3A_361 = arith.addf %parallel_loop3A_360, %parallel_loop3A_337 : vector<16xf32>
      %parallel_loop3A_362 = arith.mulf %parallel_loop3A_357, %parallel_loop3A_357 : vector<16xf32>
      %parallel_loop3A_363 = arith.mulf %parallel_loop3A_361, %parallel_loop3A_361 : vector<16xf32>
      %parallel_loop3A_364 = arith.addf %parallel_loop3A_362, %parallel_loop3A_363 : vector<16xf32>
      %parallel_loop3A_365 = arith.constant 9.99999997E-7 : f32
      %parallel_loop3A_366 = vector.broadcast %parallel_loop3A_365 : f32 to vector<16xf32>
      %parallel_loop3A_367 = arith.addf %parallel_loop3A_364, %parallel_loop3A_366 : vector<16xf32>
      %parallel_loop3A_368 = arith.constant 1.000000e+00 : f32
      %parallel_loop3A_369 = vector.broadcast %parallel_loop3A_368 : f32 to vector<16xf32>
      %parallel_loop3A_370 = arith.divf %parallel_loop3A_369, %parallel_loop3A_367 : vector<16xf32>
      %parallel_loop3A_371 = arith.mulf %parallel_loop3A_349, %parallel_loop3A_370 : vector<16xf32>
      %parallel_loop3A_372 = arith.addf %parallel_loop3A_341, %parallel_loop3A_371 : vector<16xf32>
      %parallel_loop3A_373 = arith.mulf %parallel_loop3A_357, %parallel_loop3A_372 : vector<16xf32>
      %parallel_loop3A_374 = arith.constant 0.318309873 : f32
      %parallel_loop3A_375 = vector.broadcast %parallel_loop3A_374 : f32 to vector<16xf32>
      %parallel_loop3A_376 = arith.mulf %parallel_loop3A_357, %parallel_loop3A_375 : vector<16xf32>
      %parallel_loop3A_377 = arith.constant 0x4B400000 : f32
      %parallel_loop3A_378 = vector.broadcast %parallel_loop3A_377 : f32 to vector<16xf32>
      %parallel_loop3A_379 = arith.addf %parallel_loop3A_376, %parallel_loop3A_378 : vector<16xf32>
      %parallel_loop3A_380 = arith.constant 0x4B400000 : f32
      %parallel_loop3A_381 = vector.broadcast %parallel_loop3A_380 : f32 to vector<16xf32>
      %parallel_loop3A_382 = arith.subf %parallel_loop3A_379, %parallel_loop3A_381 : vector<16xf32>
      %parallel_loop3A_383 = arith.constant 3.14159274 : f32
      %parallel_loop3A_384 = vector.broadcast %parallel_loop3A_383 : f32 to vector<16xf32>
      %parallel_loop3A_385 = arith.mulf %parallel_loop3A_382, %parallel_loop3A_384 : vector<16xf32>
      %parallel_loop3A_386 = arith.subf %parallel_loop3A_357, %parallel_loop3A_385 : vector<16xf32>
      %parallel_loop3A_387 = arith.mulf %parallel_loop3A_386, %parallel_loop3A_386 : vector<16xf32>
      %parallel_loop3A_388 = arith.constant -1.86089761E-4 : f32
      %parallel_loop3A_389 = vector.broadcast %parallel_loop3A_388 : f32 to vector<16xf32>
      %parallel_loop3A_390 = arith.mulf %parallel_loop3A_387, %parallel_loop3A_389 : vector<16xf32>
      %parallel_loop3A_391 = arith.constant 0.0083159646 : f32
      %parallel_loop3A_392 = vector.broadcast %parallel_loop3A_391 : f32 to vector<16xf32>
      %parallel_loop3A_393 = arith.addf %parallel_loop3A_392, %parallel_loop3A_390 : vector<16xf32>
      %parallel_loop3A_394 = arith.mulf %parallel_loop3A_387, %parallel_loop3A_393 : vector<16xf32>
      %parallel_loop3A_395 = arith.constant -0.166658908 : f32
      %parallel_loop3A_396 = vector.broadcast %parallel_loop3A_395 : f32 to vector<16xf32>
      %parallel_loop3A_397 = arith.addf %parallel_loop3A_396, %parallel_loop3A_394 : vector<16xf32>
      %parallel_loop3A_398 = arith.mulf %parallel_loop3A_387, %parallel_loop3A_397 : vector<16xf32>
      %parallel_loop3A_399 = arith.constant 0.999999463 : f32
      %parallel_loop3A_400 = vector.broadcast %parallel_loop3A_399 : f32 to vector<16xf32>
      %parallel_loop3A_401 = arith.addf %parallel_loop3A_400, %parallel_loop3A_398 : vector<16xf32>
      %parallel_loop3A_402 = arith.mulf %parallel_loop3A_386, %parallel_loop3A_401 : vector<16xf32>
      %parallel_loop3A_403 = vector.bitcast %parallel_loop3A_379 : vector<16xf32> to vector<16xi32>
      %parallel_loop3A_404 = arith.constant 31 : i32
      %parallel_loop3A_405 = vector.broadcast %parallel_loop3A_404 : i32 to vector<16xi32>
      %parallel_loop3A_406 = arith.shli %parallel_loop3A_403, %parallel_loop3A_405 : vector<16xi32>
      %parallel_loop3A_407 = vector.bitcast %parallel_loop3A_402 : vector<16xf32> to vector<16xi32>
      %parallel_loop3A_408 = arith.xori %parallel_loop3A_407, %parallel_loop3A_406 : vector<16xi32>
      %parallel_loop3A_409 = vector.bitcast %parallel_loop3A_408 : vector<16xi32> to vector<16xf32>
      %parallel_loop3A_410 = arith.mulf %parallel_loop3A_345, %parallel_loop3A_409 : vector<16xf32>
      %parallel_loop3A_411 = arith.addf %parallel_loop3A_373, %parallel_loop3A_410 : vector<16xf32>
      %parallel_loop3A_412 = arith.index_cast %parallel_loop3A_310 : i32 to index
      %parallel_loop3A_413 = tpu.vector_load %arg22[%parallel_loop3A_412] {strides = array<i32>} : memref<4096xf32, #tpu.memory_space<vmem>>, vector<16xf32>,
      tpu.vector_store %arg22[%parallel_loop3A_412], %parallel_loop3A_411 {strides = array<i32>} : memref<4096xf32, #tpu.memory_space<vmem>>, vector<16xf32>,
      %parallel_loop3A_414 = arith.mulf %parallel_loop3A_361, %parallel_loop3A_372 : vector<16xf32>
      %parallel_loop3A_415 = arith.constant 0.318309873 : f32
      %parallel_loop3A_416 = vector.broadcast %parallel_loop3A_415 : f32 to vector<16xf32>
      %parallel_loop3A_417 = arith.mulf %parallel_loop3A_361, %parallel_loop3A_416 : vector<16xf32>
      %parallel_loop3A_418 = arith.constant 0x4B400000 : f32
      %parallel_loop3A_419 = vector.broadcast %parallel_loop3A_418 : f32 to vector<16xf32>
      %parallel_loop3A_420 = arith.addf %parallel_loop3A_417, %parallel_loop3A_419 : vector<16xf32>
      %parallel_loop3A_421 = arith.constant 0x4B400000 : f32
      %parallel_loop3A_422 = vector.broadcast %parallel_loop3A_421 : f32 to vector<16xf32>
      %parallel_loop3A_423 = arith.subf %parallel_loop3A_420, %parallel_loop3A_422 : vector<16xf32>
      %parallel_loop3A_424 = arith.constant 3.14159274 : f32
      %parallel_loop3A_425 = vector.broadcast %parallel_loop3A_424 : f32 to vector<16xf32>
      %parallel_loop3A_426 = arith.mulf %parallel_loop3A_423, %parallel_loop3A_425 : vector<16xf32>
      %parallel_loop3A_427 = arith.subf %parallel_loop3A_361, %parallel_loop3A_426 : vector<16xf32>
      %parallel_loop3A_428 = arith.mulf %parallel_loop3A_427, %parallel_loop3A_427 : vector<16xf32>
      %parallel_loop3A_429 = arith.constant -1.86089761E-4 : f32
      %parallel_loop3A_430 = vector.broadcast %parallel_loop3A_429 : f32 to vector<16xf32>
      %parallel_loop3A_431 = arith.mulf %parallel_loop3A_428, %parallel_loop3A_430 : vector<16xf32>
      %parallel_loop3A_432 = arith.constant 0.0083159646 : f32
      %parallel_loop3A_433 = vector.broadcast %parallel_loop3A_432 : f32 to vector<16xf32>
      %parallel_loop3A_434 = arith.addf %parallel_loop3A_433, %parallel_loop3A_431 : vector<16xf32>
      %parallel_loop3A_435 = arith.mulf %parallel_loop3A_428, %parallel_loop3A_434 : vector<16xf32>
      %parallel_loop3A_436 = arith.constant -0.166658908 : f32
      %parallel_loop3A_437 = vector.broadcast %parallel_loop3A_436 : f32 to vector<16xf32>
      %parallel_loop3A_438 = arith.addf %parallel_loop3A_437, %parallel_loop3A_435 : vector<16xf32>
      %parallel_loop3A_439 = arith.mulf %parallel_loop3A_428, %parallel_loop3A_438 : vector<16xf32>
      %parallel_loop3A_440 = arith.constant 0.999999463 : f32
      %parallel_loop3A_441 = vector.broadcast %parallel_loop3A_440 : f32 to vector<16xf32>
      %parallel_loop3A_442 = arith.addf %parallel_loop3A_441, %parallel_loop3A_439 : vector<16xf32>
      %parallel_loop3A_443 = arith.mulf %parallel_loop3A_427, %parallel_loop3A_442 : vector<16xf32>
      %parallel_loop3A_444 = vector.bitcast %parallel_loop3A_420 : vector<16xf32> to vector<16xi32>
      %parallel_loop3A_445 = arith.constant 31 : i32
      %parallel_loop3A_446 = vector.broadcast %parallel_loop3A_445 : i32 to vector<16xi32>
      %parallel_loop3A_447 = arith.shli %parallel_loop3A_444, %parallel_loop3A_446 : vector<16xi32>
      %parallel_loop3A_448 = vector.bitcast %parallel_loop3A_443 : vector<16xf32> to vector<16xi32>
      %parallel_loop3A_449 = arith.xori %parallel_loop3A_448, %parallel_loop3A_447 : vector<16xi32>
      %parallel_loop3A_450 = vector.bitcast %parallel_loop3A_449 : vector<16xi32> to vector<16xf32>
      %parallel_loop3A_451 = arith.mulf %parallel_loop3A_345, %parallel_loop3A_450 : vector<16xf32>
      %parallel_loop3A_452 = arith.addf %parallel_loop3A_414, %parallel_loop3A_451 : vector<16xf32>
      %parallel_loop3A_453 = arith.index_cast %parallel_loop3A_310 : i32 to index
      %parallel_loop3A_454 = tpu.vector_load %arg23[%parallel_loop3A_453] {strides = array<i32>} : memref<4096xf32, #tpu.memory_space<vmem>>, vector<16xf32>,
      tpu.vector_store %arg23[%parallel_loop3A_453], %parallel_loop3A_452 {strides = array<i32>} : memref<4096xf32, #tpu.memory_space<vmem>>, vector<16xf32>,
      %parallel_loop3A_455 = arith.index_cast %parallel_loop3A_310 : i32 to index
      %parallel_loop3A_456 = tpu.vector_load %arg21[%parallel_loop3A_455] {strides = array<i32>} : memref<4096xf32, #tpu.memory_space<vmem>>, vector<16xf32>,
      %parallel_loop3A_457 = arith.addf %parallel_loop3A_456, %parallel_loop3A_353 : vector<16xf32>
      %parallel_loop3A_458 = arith.constant 5.000000e-01 : f32
      %parallel_loop3A_459 = vector.broadcast %parallel_loop3A_458 : f32 to vector<16xf32>
      %parallel_loop3A_460 = arith.mulf %parallel_loop3A_457, %parallel_loop3A_459 : vector<16xf32>
      %parallel_loop3A_461 = arith.index_cast %parallel_loop3A_310 : i32 to index
      %parallel_loop3A_462 = tpu.vector_load %arg24[%parallel_loop3A_461] {strides = array<i32>} : memref<4096xf32, #tpu.memory_space<vmem>>, vector<16xf32>,
      tpu.vector_store %arg24[%parallel_loop3A_461], %parallel_loop3A_460 {strides = array<i32>} : memref<4096xf32, #tpu.memory_space<vmem>>, vector<16xf32>,
    } {sc.loop_unroll_factor = 2 : i64, sc.parallel_access}
    %mul3A_222 = arith.constant 32768 : i32
    %mul3A_223 = arith.muli %add3A, %mul3A_222 : i32
    %add3A_224 = arith.constant 20480 : i32
    %add3A_225 = arith.addi %mul3A_223, %add3A_224 : i32
    %dma_start3A_226 = tpu.memref_slice %arg7[%add3A_225] : memref<1048576xf32, #tpu.memory_space<hbm>> -> memref<4096xf32, #tpu.memory_space<hbm>>
    %dma_start3A_227 = tpu.memref_slice %arg7[%add3A_225] : memref<1048576xf32, #tpu.memory_space<hbm>> -> memref<4096xf32, #tpu.memory_space<hbm>>
    tpu.enqueue_dma source(%arg22 : memref<4096xf32, #tpu.memory_space<vmem>>) target(%dma_start3A_227 : memref<4096xf32, #tpu.memory_space<hbm>>) target_semaphore(%arg28 : memref<!tpu.dma_semaphore, #tpu.memory_space<semaphore_mem>>)
    %dma_start3A_228 = tpu.memref_slice %arg8[%add3A_225] : memref<1048576xf32, #tpu.memory_space<hbm>> -> memref<4096xf32, #tpu.memory_space<hbm>>
    %dma_start3A_229 = tpu.memref_slice %arg8[%add3A_225] : memref<1048576xf32, #tpu.memory_space<hbm>> -> memref<4096xf32, #tpu.memory_space<hbm>>
    tpu.enqueue_dma source(%arg23 : memref<4096xf32, #tpu.memory_space<vmem>>) target(%dma_start3A_229 : memref<4096xf32, #tpu.memory_space<hbm>>) target_semaphore(%arg28 : memref<!tpu.dma_semaphore, #tpu.memory_space<semaphore_mem>>)
    %dma_start3A_230 = tpu.memref_slice %arg9[%add3A_225] : memref<1048576xf32, #tpu.memory_space<hbm>> -> memref<4096xf32, #tpu.memory_space<hbm>>
    %dma_start3A_231 = tpu.memref_slice %arg9[%add3A_225] : memref<1048576xf32, #tpu.memory_space<hbm>> -> memref<4096xf32, #tpu.memory_space<hbm>>
    tpu.enqueue_dma source(%arg24 : memref<4096xf32, #tpu.memory_space<vmem>>) target(%dma_start3A_231 : memref<4096xf32, #tpu.memory_space<hbm>>) target_semaphore(%arg28 : memref<!tpu.dma_semaphore, #tpu.memory_space<semaphore_mem>>)
    %mul3A_232 = arith.constant 32768 : i32
    %mul3A_233 = arith.muli %add3A, %mul3A_232 : i32
    %add3A_234 = arith.constant 28672 : i32
    %add3A_235 = arith.addi %mul3A_233, %add3A_234 : i32
    %dma_start3A_236 = tpu.memref_slice %arg2[%add3A_235] : memref<1048576xf32, #tpu.memory_space<hbm>> -> memref<4096xf32, #tpu.memory_space<hbm>>
    %dma_start3A_237 = tpu.memref_slice %arg2[%add3A_235] : memref<1048576xf32, #tpu.memory_space<hbm>> -> memref<4096xf32, #tpu.memory_space<hbm>>
    tpu.enqueue_dma source(%dma_start3A_237 : memref<4096xf32, #tpu.memory_space<hbm>>) target(%arg18 : memref<4096xf32, #tpu.memory_space<vmem>>) target_semaphore(%arg26 : memref<!tpu.dma_semaphore, #tpu.memory_space<semaphore_mem>>)
    %dma_start3A_238 = tpu.memref_slice %arg3[%add3A_235] : memref<1048576xf32, #tpu.memory_space<hbm>> -> memref<4096xf32, #tpu.memory_space<hbm>>
    %dma_start3A_239 = tpu.memref_slice %arg3[%add3A_235] : memref<1048576xf32, #tpu.memory_space<hbm>> -> memref<4096xf32, #tpu.memory_space<hbm>>
    tpu.enqueue_dma source(%dma_start3A_239 : memref<4096xf32, #tpu.memory_space<hbm>>) target(%arg19 : memref<4096xf32, #tpu.memory_space<vmem>>) target_semaphore(%arg26 : memref<!tpu.dma_semaphore, #tpu.memory_space<semaphore_mem>>)
    %dma_start3A_240 = tpu.memref_slice %arg5[%add3A_235] : memref<1048576xi32, #tpu.memory_space<hbm>> -> memref<4096xi32, #tpu.memory_space<hbm>>
    %dma_start3A_241 = tpu.memref_slice %arg5[%add3A_235] : memref<1048576xi32, #tpu.memory_space<hbm>> -> memref<4096xi32, #tpu.memory_space<hbm>>
    tpu.enqueue_dma source(%dma_start3A_241 : memref<4096xi32, #tpu.memory_space<hbm>>) target(%arg20 : memref<4096xi32, #tpu.memory_space<vmem>>) target_semaphore(%arg26 : memref<!tpu.dma_semaphore, #tpu.memory_space<semaphore_mem>>)
    %dma_start3A_242 = tpu.memref_slice %arg4[%add3A_235] : memref<1048576xf32, #tpu.memory_space<hbm>> -> memref<4096xf32, #tpu.memory_space<hbm>>
    %dma_start3A_243 = tpu.memref_slice %arg4[%add3A_235] : memref<1048576xf32, #tpu.memory_space<hbm>> -> memref<4096xf32, #tpu.memory_space<hbm>>
    tpu.enqueue_dma source(%dma_start3A_243 : memref<4096xf32, #tpu.memory_space<hbm>>) target(%arg21 : memref<4096xf32, #tpu.memory_space<vmem>>) target_semaphore(%arg26 : memref<!tpu.dma_semaphore, #tpu.memory_space<semaphore_mem>>)
    %dma_wait3A_244 = tpu.memref_slice %arg2[%add3A_196] : memref<1048576xf32, #tpu.memory_space<hbm>> -> memref<4096xf32, #tpu.memory_space<hbm>>
    %dma_wait3A_245 = tpu.memref_slice %arg2[%add3A_196] : memref<1048576xf32, #tpu.memory_space<hbm>> -> memref<4096xf32, #tpu.memory_space<hbm>>
    tpu.wait_dma2 semaphore(%arg25 : memref<!tpu.dma_semaphore, #tpu.memory_space<semaphore_mem>>) src(%dma_wait3A_245 : memref<4096xf32, #tpu.memory_space<hbm>>) dst(%arg11 : memref<4096xf32, #tpu.memory_space<vmem>>)
    %dma_wait3A_246 = tpu.memref_slice %arg3[%add3A_196] : memref<1048576xf32, #tpu.memory_space<hbm>> -> memref<4096xf32, #tpu.memory_space<hbm>>
    %dma_wait3A_247 = tpu.memref_slice %arg3[%add3A_196] : memref<1048576xf32, #tpu.memory_space<hbm>> -> memref<4096xf32, #tpu.memory_space<hbm>>
    tpu.wait_dma2 semaphore(%arg25 : memref<!tpu.dma_semaphore, #tpu.memory_space<semaphore_mem>>) src(%dma_wait3A_247 : memref<4096xf32, #tpu.memory_space<hbm>>) dst(%arg12 : memref<4096xf32, #tpu.memory_space<vmem>>)
    %dma_wait3A_248 = tpu.memref_slice %arg5[%add3A_196] : memref<1048576xi32, #tpu.memory_space<hbm>> -> memref<4096xi32, #tpu.memory_space<hbm>>
    %dma_wait3A_249 = tpu.memref_slice %arg5[%add3A_196] : memref<1048576xi32, #tpu.memory_space<hbm>> -> memref<4096xi32, #tpu.memory_space<hbm>>
    tpu.wait_dma2 semaphore(%arg25 : memref<!tpu.dma_semaphore, #tpu.memory_space<semaphore_mem>>) src(%dma_wait3A_249 : memref<4096xi32, #tpu.memory_space<hbm>>) dst(%arg13 : memref<4096xi32, #tpu.memory_space<vmem>>)
    %dma_wait3A_250 = tpu.memref_slice %arg4[%add3A_196] : memref<1048576xf32, #tpu.memory_space<hbm>> -> memref<4096xf32, #tpu.memory_space<hbm>>
    %dma_wait3A_251 = tpu.memref_slice %arg4[%add3A_196] : memref<1048576xf32, #tpu.memory_space<hbm>> -> memref<4096xf32, #tpu.memory_space<hbm>>
    tpu.wait_dma2 semaphore(%arg25 : memref<!tpu.dma_semaphore, #tpu.memory_space<semaphore_mem>>) src(%dma_wait3A_251 : memref<4096xf32, #tpu.memory_space<hbm>>) dst(%arg14 : memref<4096xf32, #tpu.memory_space<vmem>>)
    %dma_wait3A_252 = tpu.memref_slice %arg7[%add3A_186] : memref<1048576xf32, #tpu.memory_space<hbm>> -> memref<4096xf32, #tpu.memory_space<hbm>>
    %dma_wait3A_253 = tpu.memref_slice %arg7[%add3A_186] : memref<1048576xf32, #tpu.memory_space<hbm>> -> memref<4096xf32, #tpu.memory_space<hbm>>
    tpu.wait_dma2 semaphore(%arg27 : memref<!tpu.dma_semaphore, #tpu.memory_space<semaphore_mem>>) src(%arg15 : memref<4096xf32, #tpu.memory_space<vmem>>) dst(%dma_wait3A_253 : memref<4096xf32, #tpu.memory_space<hbm>>)
    %dma_wait3A_254 = tpu.memref_slice %arg8[%add3A_186] : memref<1048576xf32, #tpu.memory_space<hbm>> -> memref<4096xf32, #tpu.memory_space<hbm>>
    %dma_wait3A_255 = tpu.memref_slice %arg8[%add3A_186] : memref<1048576xf32, #tpu.memory_space<hbm>> -> memref<4096xf32, #tpu.memory_space<hbm>>
    tpu.wait_dma2 semaphore(%arg27 : memref<!tpu.dma_semaphore, #tpu.memory_space<semaphore_mem>>) src(%arg16 : memref<4096xf32, #tpu.memory_space<vmem>>) dst(%dma_wait3A_255 : memref<4096xf32, #tpu.memory_space<hbm>>)
    %dma_wait3A_256 = tpu.memref_slice %arg9[%add3A_186] : memref<1048576xf32, #tpu.memory_space<hbm>> -> memref<4096xf32, #tpu.memory_space<hbm>>
    %dma_wait3A_257 = tpu.memref_slice %arg9[%add3A_186] : memref<1048576xf32, #tpu.memory_space<hbm>> -> memref<4096xf32, #tpu.memory_space<hbm>>
    tpu.wait_dma2 semaphore(%arg27 : memref<!tpu.dma_semaphore, #tpu.memory_space<semaphore_mem>>) src(%arg17 : memref<4096xf32, #tpu.memory_space<vmem>>) dst(%dma_wait3A_257 : memref<4096xf32, #tpu.memory_space<hbm>>)
    %parallel_loop3A_258 = arith.constant 0 : i32
    %parallel_loop3A_259 = arith.constant 4096 : i32
    %parallel_loop3A_260 = arith.constant 16 : i32
    scf.for %parallel_loop3A_310 = %parallel_loop3A_258 to %parallel_loop3A_259 step %parallel_loop3A_260  : i32 {
      %parallel_loop3A_311 = arith.index_cast %parallel_loop3A_310 : i32 to index
      %parallel_loop3A_312 = tpu.vector_load %arg11[%parallel_loop3A_311] {strides = array<i32>} : memref<4096xf32, #tpu.memory_space<vmem>>, vector<16xf32>,
      %parallel_loop3A_313 = arith.index_cast %parallel_loop3A_310 : i32 to index
      %parallel_loop3A_314 = tpu.vector_load %arg12[%parallel_loop3A_313] {strides = array<i32>} : memref<4096xf32, #tpu.memory_space<vmem>>, vector<16xf32>,
      %parallel_loop3A_315 = arith.index_cast %parallel_loop3A_310 : i32 to index
      %parallel_loop3A_316 = tpu.vector_load %arg13[%parallel_loop3A_315] {strides = array<i32>} : memref<4096xi32, #tpu.memory_space<vmem>>, vector<16xi32>,
      %parallel_loop3A_317 = tpu.vector_load_idx %arg10[%parallel_loop3A_316] : memref<160xf32, #tpu.memory_space<vmem>>[vector<16xi32>], vector<16xf32>,
      %parallel_loop3A_318 = arith.constant 16 : i32
      %parallel_loop3A_319 = vector.broadcast %parallel_loop3A_318 : i32 to vector<16xi32>
      %parallel_loop3A_320 = arith.addi %parallel_loop3A_316, %parallel_loop3A_319 : vector<16xi32>
      %parallel_loop3A_321 = tpu.vector_load_idx %arg10[%parallel_loop3A_320] : memref<160xf32, #tpu.memory_space<vmem>>[vector<16xi32>], vector<16xf32>,
      %parallel_loop3A_322 = arith.constant 32 : i32
      %parallel_loop3A_323 = vector.broadcast %parallel_loop3A_322 : i32 to vector<16xi32>
      %parallel_loop3A_324 = arith.addi %parallel_loop3A_316, %parallel_loop3A_323 : vector<16xi32>
      %parallel_loop3A_325 = tpu.vector_load_idx %arg10[%parallel_loop3A_324] : memref<160xf32, #tpu.memory_space<vmem>>[vector<16xi32>], vector<16xf32>,
      %parallel_loop3A_326 = arith.constant 48 : i32
      %parallel_loop3A_327 = vector.broadcast %parallel_loop3A_326 : i32 to vector<16xi32>
      %parallel_loop3A_328 = arith.addi %parallel_loop3A_316, %parallel_loop3A_327 : vector<16xi32>
      %parallel_loop3A_329 = tpu.vector_load_idx %arg10[%parallel_loop3A_328] : memref<160xf32, #tpu.memory_space<vmem>>[vector<16xi32>], vector<16xf32>,
      %parallel_loop3A_330 = arith.constant 64 : i32
      %parallel_loop3A_331 = vector.broadcast %parallel_loop3A_330 : i32 to vector<16xi32>
      %parallel_loop3A_332 = arith.addi %parallel_loop3A_316, %parallel_loop3A_331 : vector<16xi32>
      %parallel_loop3A_333 = tpu.vector_load_idx %arg10[%parallel_loop3A_332] : memref<160xf32, #tpu.memory_space<vmem>>[vector<16xi32>], vector<16xf32>,
      %parallel_loop3A_334 = arith.constant 80 : i32
      %parallel_loop3A_335 = vector.broadcast %parallel_loop3A_334 : i32 to vector<16xi32>
      %parallel_loop3A_336 = arith.addi %parallel_loop3A_316, %parallel_loop3A_335 : vector<16xi32>
      %parallel_loop3A_337 = tpu.vector_load_idx %arg10[%parallel_loop3A_336] : memref<160xf32, #tpu.memory_space<vmem>>[vector<16xi32>], vector<16xf32>,
      %parallel_loop3A_338 = arith.constant 96 : i32
      %parallel_loop3A_339 = vector.broadcast %parallel_loop3A_338 : i32 to vector<16xi32>
      %parallel_loop3A_340 = arith.addi %parallel_loop3A_316, %parallel_loop3A_339 : vector<16xi32>
      %parallel_loop3A_341 = tpu.vector_load_idx %arg10[%parallel_loop3A_340] : memref<160xf32, #tpu.memory_space<vmem>>[vector<16xi32>], vector<16xf32>,
      %parallel_loop3A_342 = arith.constant 112 : i32
      %parallel_loop3A_343 = vector.broadcast %parallel_loop3A_342 : i32 to vector<16xi32>
      %parallel_loop3A_344 = arith.addi %parallel_loop3A_316, %parallel_loop3A_343 : vector<16xi32>
      %parallel_loop3A_345 = tpu.vector_load_idx %arg10[%parallel_loop3A_344] : memref<160xf32, #tpu.memory_space<vmem>>[vector<16xi32>], vector<16xf32>,
      %parallel_loop3A_346 = arith.constant 128 : i32
      %parallel_loop3A_347 = vector.broadcast %parallel_loop3A_346 : i32 to vector<16xi32>
      %parallel_loop3A_348 = arith.addi %parallel_loop3A_316, %parallel_loop3A_347 : vector<16xi32>
      %parallel_loop3A_349 = tpu.vector_load_idx %arg10[%parallel_loop3A_348] : memref<160xf32, #tpu.memory_space<vmem>>[vector<16xi32>], vector<16xf32>,
      %parallel_loop3A_350 = arith.constant 144 : i32
      %parallel_loop3A_351 = vector.broadcast %parallel_loop3A_350 : i32 to vector<16xi32>
      %parallel_loop3A_352 = arith.addi %parallel_loop3A_316, %parallel_loop3A_351 : vector<16xi32>
      %parallel_loop3A_353 = tpu.vector_load_idx %arg10[%parallel_loop3A_352] : memref<160xf32, #tpu.memory_space<vmem>>[vector<16xi32>], vector<16xf32>,
      %parallel_loop3A_354 = arith.mulf %parallel_loop3A_317, %parallel_loop3A_312 : vector<16xf32>
      %parallel_loop3A_355 = arith.mulf %parallel_loop3A_321, %parallel_loop3A_314 : vector<16xf32>
      %parallel_loop3A_356 = arith.addf %parallel_loop3A_354, %parallel_loop3A_355 : vector<16xf32>
      %parallel_loop3A_357 = arith.addf %parallel_loop3A_356, %parallel_loop3A_333 : vector<16xf32>
      %parallel_loop3A_358 = arith.mulf %parallel_loop3A_325, %parallel_loop3A_312 : vector<16xf32>
      %parallel_loop3A_359 = arith.mulf %parallel_loop3A_329, %parallel_loop3A_314 : vector<16xf32>
      %parallel_loop3A_360 = arith.addf %parallel_loop3A_358, %parallel_loop3A_359 : vector<16xf32>
      %parallel_loop3A_361 = arith.addf %parallel_loop3A_360, %parallel_loop3A_337 : vector<16xf32>
      %parallel_loop3A_362 = arith.mulf %parallel_loop3A_357, %parallel_loop3A_357 : vector<16xf32>
      %parallel_loop3A_363 = arith.mulf %parallel_loop3A_361, %parallel_loop3A_361 : vector<16xf32>
      %parallel_loop3A_364 = arith.addf %parallel_loop3A_362, %parallel_loop3A_363 : vector<16xf32>
      %parallel_loop3A_365 = arith.constant 9.99999997E-7 : f32
      %parallel_loop3A_366 = vector.broadcast %parallel_loop3A_365 : f32 to vector<16xf32>
      %parallel_loop3A_367 = arith.addf %parallel_loop3A_364, %parallel_loop3A_366 : vector<16xf32>
      %parallel_loop3A_368 = arith.constant 1.000000e+00 : f32
      %parallel_loop3A_369 = vector.broadcast %parallel_loop3A_368 : f32 to vector<16xf32>
      %parallel_loop3A_370 = arith.divf %parallel_loop3A_369, %parallel_loop3A_367 : vector<16xf32>
      %parallel_loop3A_371 = arith.mulf %parallel_loop3A_349, %parallel_loop3A_370 : vector<16xf32>
      %parallel_loop3A_372 = arith.addf %parallel_loop3A_341, %parallel_loop3A_371 : vector<16xf32>
      %parallel_loop3A_373 = arith.mulf %parallel_loop3A_357, %parallel_loop3A_372 : vector<16xf32>
      %parallel_loop3A_374 = arith.constant 0.318309873 : f32
      %parallel_loop3A_375 = vector.broadcast %parallel_loop3A_374 : f32 to vector<16xf32>
      %parallel_loop3A_376 = arith.mulf %parallel_loop3A_357, %parallel_loop3A_375 : vector<16xf32>
      %parallel_loop3A_377 = arith.constant 0x4B400000 : f32
      %parallel_loop3A_378 = vector.broadcast %parallel_loop3A_377 : f32 to vector<16xf32>
      %parallel_loop3A_379 = arith.addf %parallel_loop3A_376, %parallel_loop3A_378 : vector<16xf32>
      %parallel_loop3A_380 = arith.constant 0x4B400000 : f32
      %parallel_loop3A_381 = vector.broadcast %parallel_loop3A_380 : f32 to vector<16xf32>
      %parallel_loop3A_382 = arith.subf %parallel_loop3A_379, %parallel_loop3A_381 : vector<16xf32>
      %parallel_loop3A_383 = arith.constant 3.14159274 : f32
      %parallel_loop3A_384 = vector.broadcast %parallel_loop3A_383 : f32 to vector<16xf32>
      %parallel_loop3A_385 = arith.mulf %parallel_loop3A_382, %parallel_loop3A_384 : vector<16xf32>
      %parallel_loop3A_386 = arith.subf %parallel_loop3A_357, %parallel_loop3A_385 : vector<16xf32>
      %parallel_loop3A_387 = arith.mulf %parallel_loop3A_386, %parallel_loop3A_386 : vector<16xf32>
      %parallel_loop3A_388 = arith.constant -1.86089761E-4 : f32
      %parallel_loop3A_389 = vector.broadcast %parallel_loop3A_388 : f32 to vector<16xf32>
      %parallel_loop3A_390 = arith.mulf %parallel_loop3A_387, %parallel_loop3A_389 : vector<16xf32>
      %parallel_loop3A_391 = arith.constant 0.0083159646 : f32
      %parallel_loop3A_392 = vector.broadcast %parallel_loop3A_391 : f32 to vector<16xf32>
      %parallel_loop3A_393 = arith.addf %parallel_loop3A_392, %parallel_loop3A_390 : vector<16xf32>
      %parallel_loop3A_394 = arith.mulf %parallel_loop3A_387, %parallel_loop3A_393 : vector<16xf32>
      %parallel_loop3A_395 = arith.constant -0.166658908 : f32
      %parallel_loop3A_396 = vector.broadcast %parallel_loop3A_395 : f32 to vector<16xf32>
      %parallel_loop3A_397 = arith.addf %parallel_loop3A_396, %parallel_loop3A_394 : vector<16xf32>
      %parallel_loop3A_398 = arith.mulf %parallel_loop3A_387, %parallel_loop3A_397 : vector<16xf32>
      %parallel_loop3A_399 = arith.constant 0.999999463 : f32
      %parallel_loop3A_400 = vector.broadcast %parallel_loop3A_399 : f32 to vector<16xf32>
      %parallel_loop3A_401 = arith.addf %parallel_loop3A_400, %parallel_loop3A_398 : vector<16xf32>
      %parallel_loop3A_402 = arith.mulf %parallel_loop3A_386, %parallel_loop3A_401 : vector<16xf32>
      %parallel_loop3A_403 = vector.bitcast %parallel_loop3A_379 : vector<16xf32> to vector<16xi32>
      %parallel_loop3A_404 = arith.constant 31 : i32
      %parallel_loop3A_405 = vector.broadcast %parallel_loop3A_404 : i32 to vector<16xi32>
      %parallel_loop3A_406 = arith.shli %parallel_loop3A_403, %parallel_loop3A_405 : vector<16xi32>
      %parallel_loop3A_407 = vector.bitcast %parallel_loop3A_402 : vector<16xf32> to vector<16xi32>
      %parallel_loop3A_408 = arith.xori %parallel_loop3A_407, %parallel_loop3A_406 : vector<16xi32>
      %parallel_loop3A_409 = vector.bitcast %parallel_loop3A_408 : vector<16xi32> to vector<16xf32>
      %parallel_loop3A_410 = arith.mulf %parallel_loop3A_345, %parallel_loop3A_409 : vector<16xf32>
      %parallel_loop3A_411 = arith.addf %parallel_loop3A_373, %parallel_loop3A_410 : vector<16xf32>
      %parallel_loop3A_412 = arith.index_cast %parallel_loop3A_310 : i32 to index
      %parallel_loop3A_413 = tpu.vector_load %arg15[%parallel_loop3A_412] {strides = array<i32>} : memref<4096xf32, #tpu.memory_space<vmem>>, vector<16xf32>,
      tpu.vector_store %arg15[%parallel_loop3A_412], %parallel_loop3A_411 {strides = array<i32>} : memref<4096xf32, #tpu.memory_space<vmem>>, vector<16xf32>,
      %parallel_loop3A_414 = arith.mulf %parallel_loop3A_361, %parallel_loop3A_372 : vector<16xf32>
      %parallel_loop3A_415 = arith.constant 0.318309873 : f32
      %parallel_loop3A_416 = vector.broadcast %parallel_loop3A_415 : f32 to vector<16xf32>
      %parallel_loop3A_417 = arith.mulf %parallel_loop3A_361, %parallel_loop3A_416 : vector<16xf32>
      %parallel_loop3A_418 = arith.constant 0x4B400000 : f32
      %parallel_loop3A_419 = vector.broadcast %parallel_loop3A_418 : f32 to vector<16xf32>
      %parallel_loop3A_420 = arith.addf %parallel_loop3A_417, %parallel_loop3A_419 : vector<16xf32>
      %parallel_loop3A_421 = arith.constant 0x4B400000 : f32
      %parallel_loop3A_422 = vector.broadcast %parallel_loop3A_421 : f32 to vector<16xf32>
      %parallel_loop3A_423 = arith.subf %parallel_loop3A_420, %parallel_loop3A_422 : vector<16xf32>
      %parallel_loop3A_424 = arith.constant 3.14159274 : f32
      %parallel_loop3A_425 = vector.broadcast %parallel_loop3A_424 : f32 to vector<16xf32>
      %parallel_loop3A_426 = arith.mulf %parallel_loop3A_423, %parallel_loop3A_425 : vector<16xf32>
      %parallel_loop3A_427 = arith.subf %parallel_loop3A_361, %parallel_loop3A_426 : vector<16xf32>
      %parallel_loop3A_428 = arith.mulf %parallel_loop3A_427, %parallel_loop3A_427 : vector<16xf32>
      %parallel_loop3A_429 = arith.constant -1.86089761E-4 : f32
      %parallel_loop3A_430 = vector.broadcast %parallel_loop3A_429 : f32 to vector<16xf32>
      %parallel_loop3A_431 = arith.mulf %parallel_loop3A_428, %parallel_loop3A_430 : vector<16xf32>
      %parallel_loop3A_432 = arith.constant 0.0083159646 : f32
      %parallel_loop3A_433 = vector.broadcast %parallel_loop3A_432 : f32 to vector<16xf32>
      %parallel_loop3A_434 = arith.addf %parallel_loop3A_433, %parallel_loop3A_431 : vector<16xf32>
      %parallel_loop3A_435 = arith.mulf %parallel_loop3A_428, %parallel_loop3A_434 : vector<16xf32>
      %parallel_loop3A_436 = arith.constant -0.166658908 : f32
      %parallel_loop3A_437 = vector.broadcast %parallel_loop3A_436 : f32 to vector<16xf32>
      %parallel_loop3A_438 = arith.addf %parallel_loop3A_437, %parallel_loop3A_435 : vector<16xf32>
      %parallel_loop3A_439 = arith.mulf %parallel_loop3A_428, %parallel_loop3A_438 : vector<16xf32>
      %parallel_loop3A_440 = arith.constant 0.999999463 : f32
      %parallel_loop3A_441 = vector.broadcast %parallel_loop3A_440 : f32 to vector<16xf32>
      %parallel_loop3A_442 = arith.addf %parallel_loop3A_441, %parallel_loop3A_439 : vector<16xf32>
      %parallel_loop3A_443 = arith.mulf %parallel_loop3A_427, %parallel_loop3A_442 : vector<16xf32>
      %parallel_loop3A_444 = vector.bitcast %parallel_loop3A_420 : vector<16xf32> to vector<16xi32>
      %parallel_loop3A_445 = arith.constant 31 : i32
      %parallel_loop3A_446 = vector.broadcast %parallel_loop3A_445 : i32 to vector<16xi32>
      %parallel_loop3A_447 = arith.shli %parallel_loop3A_444, %parallel_loop3A_446 : vector<16xi32>
      %parallel_loop3A_448 = vector.bitcast %parallel_loop3A_443 : vector<16xf32> to vector<16xi32>
      %parallel_loop3A_449 = arith.xori %parallel_loop3A_448, %parallel_loop3A_447 : vector<16xi32>
      %parallel_loop3A_450 = vector.bitcast %parallel_loop3A_449 : vector<16xi32> to vector<16xf32>
      %parallel_loop3A_451 = arith.mulf %parallel_loop3A_345, %parallel_loop3A_450 : vector<16xf32>
      %parallel_loop3A_452 = arith.addf %parallel_loop3A_414, %parallel_loop3A_451 : vector<16xf32>
      %parallel_loop3A_453 = arith.index_cast %parallel_loop3A_310 : i32 to index
      %parallel_loop3A_454 = tpu.vector_load %arg16[%parallel_loop3A_453] {strides = array<i32>} : memref<4096xf32, #tpu.memory_space<vmem>>, vector<16xf32>,
      tpu.vector_store %arg16[%parallel_loop3A_453], %parallel_loop3A_452 {strides = array<i32>} : memref<4096xf32, #tpu.memory_space<vmem>>, vector<16xf32>,
      %parallel_loop3A_455 = arith.index_cast %parallel_loop3A_310 : i32 to index
      %parallel_loop3A_456 = tpu.vector_load %arg14[%parallel_loop3A_455] {strides = array<i32>} : memref<4096xf32, #tpu.memory_space<vmem>>, vector<16xf32>,
      %parallel_loop3A_457 = arith.addf %parallel_loop3A_456, %parallel_loop3A_353 : vector<16xf32>
      %parallel_loop3A_458 = arith.constant 5.000000e-01 : f32
      %parallel_loop3A_459 = vector.broadcast %parallel_loop3A_458 : f32 to vector<16xf32>
      %parallel_loop3A_460 = arith.mulf %parallel_loop3A_457, %parallel_loop3A_459 : vector<16xf32>
      %parallel_loop3A_461 = arith.index_cast %parallel_loop3A_310 : i32 to index
      %parallel_loop3A_462 = tpu.vector_load %arg17[%parallel_loop3A_461] {strides = array<i32>} : memref<4096xf32, #tpu.memory_space<vmem>>, vector<16xf32>,
      tpu.vector_store %arg17[%parallel_loop3A_461], %parallel_loop3A_460 {strides = array<i32>} : memref<4096xf32, #tpu.memory_space<vmem>>, vector<16xf32>,
    } {sc.loop_unroll_factor = 2 : i64, sc.parallel_access}
    %mul3A_261 = arith.constant 32768 : i32
    %mul3A_262 = arith.muli %add3A, %mul3A_261 : i32
    %add3A_263 = arith.constant 24576 : i32
    %add3A_264 = arith.addi %mul3A_262, %add3A_263 : i32
    %dma_start3A_265 = tpu.memref_slice %arg7[%add3A_264] : memref<1048576xf32, #tpu.memory_space<hbm>> -> memref<4096xf32, #tpu.memory_space<hbm>>
    %dma_start3A_266 = tpu.memref_slice %arg7[%add3A_264] : memref<1048576xf32, #tpu.memory_space<hbm>> -> memref<4096xf32, #tpu.memory_space<hbm>>
    tpu.enqueue_dma source(%arg15 : memref<4096xf32, #tpu.memory_space<vmem>>) target(%dma_start3A_266 : memref<4096xf32, #tpu.memory_space<hbm>>) target_semaphore(%arg27 : memref<!tpu.dma_semaphore, #tpu.memory_space<semaphore_mem>>)
    %dma_start3A_267 = tpu.memref_slice %arg8[%add3A_264] : memref<1048576xf32, #tpu.memory_space<hbm>> -> memref<4096xf32, #tpu.memory_space<hbm>>
    %dma_start3A_268 = tpu.memref_slice %arg8[%add3A_264] : memref<1048576xf32, #tpu.memory_space<hbm>> -> memref<4096xf32, #tpu.memory_space<hbm>>
    tpu.enqueue_dma source(%arg16 : memref<4096xf32, #tpu.memory_space<vmem>>) target(%dma_start3A_268 : memref<4096xf32, #tpu.memory_space<hbm>>) target_semaphore(%arg27 : memref<!tpu.dma_semaphore, #tpu.memory_space<semaphore_mem>>)
    %dma_start3A_269 = tpu.memref_slice %arg9[%add3A_264] : memref<1048576xf32, #tpu.memory_space<hbm>> -> memref<4096xf32, #tpu.memory_space<hbm>>
    %dma_start3A_270 = tpu.memref_slice %arg9[%add3A_264] : memref<1048576xf32, #tpu.memory_space<hbm>> -> memref<4096xf32, #tpu.memory_space<hbm>>
    tpu.enqueue_dma source(%arg17 : memref<4096xf32, #tpu.memory_space<vmem>>) target(%dma_start3A_270 : memref<4096xf32, #tpu.memory_space<hbm>>) target_semaphore(%arg27 : memref<!tpu.dma_semaphore, #tpu.memory_space<semaphore_mem>>)
    %dma_wait3A_271 = tpu.memref_slice %arg2[%add3A_235] : memref<1048576xf32, #tpu.memory_space<hbm>> -> memref<4096xf32, #tpu.memory_space<hbm>>
    %dma_wait3A_272 = tpu.memref_slice %arg2[%add3A_235] : memref<1048576xf32, #tpu.memory_space<hbm>> -> memref<4096xf32, #tpu.memory_space<hbm>>
    tpu.wait_dma2 semaphore(%arg26 : memref<!tpu.dma_semaphore, #tpu.memory_space<semaphore_mem>>) src(%dma_wait3A_272 : memref<4096xf32, #tpu.memory_space<hbm>>) dst(%arg18 : memref<4096xf32, #tpu.memory_space<vmem>>)
    %dma_wait3A_273 = tpu.memref_slice %arg3[%add3A_235] : memref<1048576xf32, #tpu.memory_space<hbm>> -> memref<4096xf32, #tpu.memory_space<hbm>>
    %dma_wait3A_274 = tpu.memref_slice %arg3[%add3A_235] : memref<1048576xf32, #tpu.memory_space<hbm>> -> memref<4096xf32, #tpu.memory_space<hbm>>
    tpu.wait_dma2 semaphore(%arg26 : memref<!tpu.dma_semaphore, #tpu.memory_space<semaphore_mem>>) src(%dma_wait3A_274 : memref<4096xf32, #tpu.memory_space<hbm>>) dst(%arg19 : memref<4096xf32, #tpu.memory_space<vmem>>)
    %dma_wait3A_275 = tpu.memref_slice %arg5[%add3A_235] : memref<1048576xi32, #tpu.memory_space<hbm>> -> memref<4096xi32, #tpu.memory_space<hbm>>
    %dma_wait3A_276 = tpu.memref_slice %arg5[%add3A_235] : memref<1048576xi32, #tpu.memory_space<hbm>> -> memref<4096xi32, #tpu.memory_space<hbm>>
    tpu.wait_dma2 semaphore(%arg26 : memref<!tpu.dma_semaphore, #tpu.memory_space<semaphore_mem>>) src(%dma_wait3A_276 : memref<4096xi32, #tpu.memory_space<hbm>>) dst(%arg20 : memref<4096xi32, #tpu.memory_space<vmem>>)
    %dma_wait3A_277 = tpu.memref_slice %arg4[%add3A_235] : memref<1048576xf32, #tpu.memory_space<hbm>> -> memref<4096xf32, #tpu.memory_space<hbm>>
    %dma_wait3A_278 = tpu.memref_slice %arg4[%add3A_235] : memref<1048576xf32, #tpu.memory_space<hbm>> -> memref<4096xf32, #tpu.memory_space<hbm>>
    tpu.wait_dma2 semaphore(%arg26 : memref<!tpu.dma_semaphore, #tpu.memory_space<semaphore_mem>>) src(%dma_wait3A_278 : memref<4096xf32, #tpu.memory_space<hbm>>) dst(%arg21 : memref<4096xf32, #tpu.memory_space<vmem>>)
    %dma_wait3A_279 = tpu.memref_slice %arg7[%add3A_225] : memref<1048576xf32, #tpu.memory_space<hbm>> -> memref<4096xf32, #tpu.memory_space<hbm>>
    %dma_wait3A_280 = tpu.memref_slice %arg7[%add3A_225] : memref<1048576xf32, #tpu.memory_space<hbm>> -> memref<4096xf32, #tpu.memory_space<hbm>>
    tpu.wait_dma2 semaphore(%arg28 : memref<!tpu.dma_semaphore, #tpu.memory_space<semaphore_mem>>) src(%arg22 : memref<4096xf32, #tpu.memory_space<vmem>>) dst(%dma_wait3A_280 : memref<4096xf32, #tpu.memory_space<hbm>>)
    %dma_wait3A_281 = tpu.memref_slice %arg8[%add3A_225] : memref<1048576xf32, #tpu.memory_space<hbm>> -> memref<4096xf32, #tpu.memory_space<hbm>>
    %dma_wait3A_282 = tpu.memref_slice %arg8[%add3A_225] : memref<1048576xf32, #tpu.memory_space<hbm>> -> memref<4096xf32, #tpu.memory_space<hbm>>
    tpu.wait_dma2 semaphore(%arg28 : memref<!tpu.dma_semaphore, #tpu.memory_space<semaphore_mem>>) src(%arg23 : memref<4096xf32, #tpu.memory_space<vmem>>) dst(%dma_wait3A_282 : memref<4096xf32, #tpu.memory_space<hbm>>)
    %dma_wait3A_283 = tpu.memref_slice %arg9[%add3A_225] : memref<1048576xf32, #tpu.memory_space<hbm>> -> memref<4096xf32, #tpu.memory_space<hbm>>
    %dma_wait3A_284 = tpu.memref_slice %arg9[%add3A_225] : memref<1048576xf32, #tpu.memory_space<hbm>> -> memref<4096xf32, #tpu.memory_space<hbm>>
    tpu.wait_dma2 semaphore(%arg28 : memref<!tpu.dma_semaphore, #tpu.memory_space<semaphore_mem>>) src(%arg24 : memref<4096xf32, #tpu.memory_space<vmem>>) dst(%dma_wait3A_284 : memref<4096xf32, #tpu.memory_space<hbm>>)
    %parallel_loop3A_285 = arith.constant 0 : i32
    %parallel_loop3A_286 = arith.constant 4096 : i32
    %parallel_loop3A_287 = arith.constant 16 : i32
    scf.for %parallel_loop3A_310 = %parallel_loop3A_285 to %parallel_loop3A_286 step %parallel_loop3A_287  : i32 {
      %parallel_loop3A_311 = arith.index_cast %parallel_loop3A_310 : i32 to index
      %parallel_loop3A_312 = tpu.vector_load %arg18[%parallel_loop3A_311] {strides = array<i32>} : memref<4096xf32, #tpu.memory_space<vmem>>, vector<16xf32>,
      %parallel_loop3A_313 = arith.index_cast %parallel_loop3A_310 : i32 to index
      %parallel_loop3A_314 = tpu.vector_load %arg19[%parallel_loop3A_313] {strides = array<i32>} : memref<4096xf32, #tpu.memory_space<vmem>>, vector<16xf32>,
      %parallel_loop3A_315 = arith.index_cast %parallel_loop3A_310 : i32 to index
      %parallel_loop3A_316 = tpu.vector_load %arg20[%parallel_loop3A_315] {strides = array<i32>} : memref<4096xi32, #tpu.memory_space<vmem>>, vector<16xi32>,
      %parallel_loop3A_317 = tpu.vector_load_idx %arg10[%parallel_loop3A_316] : memref<160xf32, #tpu.memory_space<vmem>>[vector<16xi32>], vector<16xf32>,
      %parallel_loop3A_318 = arith.constant 16 : i32
      %parallel_loop3A_319 = vector.broadcast %parallel_loop3A_318 : i32 to vector<16xi32>
      %parallel_loop3A_320 = arith.addi %parallel_loop3A_316, %parallel_loop3A_319 : vector<16xi32>
      %parallel_loop3A_321 = tpu.vector_load_idx %arg10[%parallel_loop3A_320] : memref<160xf32, #tpu.memory_space<vmem>>[vector<16xi32>], vector<16xf32>,
      %parallel_loop3A_322 = arith.constant 32 : i32
      %parallel_loop3A_323 = vector.broadcast %parallel_loop3A_322 : i32 to vector<16xi32>
      %parallel_loop3A_324 = arith.addi %parallel_loop3A_316, %parallel_loop3A_323 : vector<16xi32>
      %parallel_loop3A_325 = tpu.vector_load_idx %arg10[%parallel_loop3A_324] : memref<160xf32, #tpu.memory_space<vmem>>[vector<16xi32>], vector<16xf32>,
      %parallel_loop3A_326 = arith.constant 48 : i32
      %parallel_loop3A_327 = vector.broadcast %parallel_loop3A_326 : i32 to vector<16xi32>
      %parallel_loop3A_328 = arith.addi %parallel_loop3A_316, %parallel_loop3A_327 : vector<16xi32>
      %parallel_loop3A_329 = tpu.vector_load_idx %arg10[%parallel_loop3A_328] : memref<160xf32, #tpu.memory_space<vmem>>[vector<16xi32>], vector<16xf32>,
      %parallel_loop3A_330 = arith.constant 64 : i32
      %parallel_loop3A_331 = vector.broadcast %parallel_loop3A_330 : i32 to vector<16xi32>
      %parallel_loop3A_332 = arith.addi %parallel_loop3A_316, %parallel_loop3A_331 : vector<16xi32>
      %parallel_loop3A_333 = tpu.vector_load_idx %arg10[%parallel_loop3A_332] : memref<160xf32, #tpu.memory_space<vmem>>[vector<16xi32>], vector<16xf32>,
      %parallel_loop3A_334 = arith.constant 80 : i32
      %parallel_loop3A_335 = vector.broadcast %parallel_loop3A_334 : i32 to vector<16xi32>
      %parallel_loop3A_336 = arith.addi %parallel_loop3A_316, %parallel_loop3A_335 : vector<16xi32>
      %parallel_loop3A_337 = tpu.vector_load_idx %arg10[%parallel_loop3A_336] : memref<160xf32, #tpu.memory_space<vmem>>[vector<16xi32>], vector<16xf32>,
      %parallel_loop3A_338 = arith.constant 96 : i32
      %parallel_loop3A_339 = vector.broadcast %parallel_loop3A_338 : i32 to vector<16xi32>
      %parallel_loop3A_340 = arith.addi %parallel_loop3A_316, %parallel_loop3A_339 : vector<16xi32>
      %parallel_loop3A_341 = tpu.vector_load_idx %arg10[%parallel_loop3A_340] : memref<160xf32, #tpu.memory_space<vmem>>[vector<16xi32>], vector<16xf32>,
      %parallel_loop3A_342 = arith.constant 112 : i32
      %parallel_loop3A_343 = vector.broadcast %parallel_loop3A_342 : i32 to vector<16xi32>
      %parallel_loop3A_344 = arith.addi %parallel_loop3A_316, %parallel_loop3A_343 : vector<16xi32>
      %parallel_loop3A_345 = tpu.vector_load_idx %arg10[%parallel_loop3A_344] : memref<160xf32, #tpu.memory_space<vmem>>[vector<16xi32>], vector<16xf32>,
      %parallel_loop3A_346 = arith.constant 128 : i32
      %parallel_loop3A_347 = vector.broadcast %parallel_loop3A_346 : i32 to vector<16xi32>
      %parallel_loop3A_348 = arith.addi %parallel_loop3A_316, %parallel_loop3A_347 : vector<16xi32>
      %parallel_loop3A_349 = tpu.vector_load_idx %arg10[%parallel_loop3A_348] : memref<160xf32, #tpu.memory_space<vmem>>[vector<16xi32>], vector<16xf32>,
      %parallel_loop3A_350 = arith.constant 144 : i32
      %parallel_loop3A_351 = vector.broadcast %parallel_loop3A_350 : i32 to vector<16xi32>
      %parallel_loop3A_352 = arith.addi %parallel_loop3A_316, %parallel_loop3A_351 : vector<16xi32>
      %parallel_loop3A_353 = tpu.vector_load_idx %arg10[%parallel_loop3A_352] : memref<160xf32, #tpu.memory_space<vmem>>[vector<16xi32>], vector<16xf32>,
      %parallel_loop3A_354 = arith.mulf %parallel_loop3A_317, %parallel_loop3A_312 : vector<16xf32>
      %parallel_loop3A_355 = arith.mulf %parallel_loop3A_321, %parallel_loop3A_314 : vector<16xf32>
      %parallel_loop3A_356 = arith.addf %parallel_loop3A_354, %parallel_loop3A_355 : vector<16xf32>
      %parallel_loop3A_357 = arith.addf %parallel_loop3A_356, %parallel_loop3A_333 : vector<16xf32>
      %parallel_loop3A_358 = arith.mulf %parallel_loop3A_325, %parallel_loop3A_312 : vector<16xf32>
      %parallel_loop3A_359 = arith.mulf %parallel_loop3A_329, %parallel_loop3A_314 : vector<16xf32>
      %parallel_loop3A_360 = arith.addf %parallel_loop3A_358, %parallel_loop3A_359 : vector<16xf32>
      %parallel_loop3A_361 = arith.addf %parallel_loop3A_360, %parallel_loop3A_337 : vector<16xf32>
      %parallel_loop3A_362 = arith.mulf %parallel_loop3A_357, %parallel_loop3A_357 : vector<16xf32>
      %parallel_loop3A_363 = arith.mulf %parallel_loop3A_361, %parallel_loop3A_361 : vector<16xf32>
      %parallel_loop3A_364 = arith.addf %parallel_loop3A_362, %parallel_loop3A_363 : vector<16xf32>
      %parallel_loop3A_365 = arith.constant 9.99999997E-7 : f32
      %parallel_loop3A_366 = vector.broadcast %parallel_loop3A_365 : f32 to vector<16xf32>
      %parallel_loop3A_367 = arith.addf %parallel_loop3A_364, %parallel_loop3A_366 : vector<16xf32>
      %parallel_loop3A_368 = arith.constant 1.000000e+00 : f32
      %parallel_loop3A_369 = vector.broadcast %parallel_loop3A_368 : f32 to vector<16xf32>
      %parallel_loop3A_370 = arith.divf %parallel_loop3A_369, %parallel_loop3A_367 : vector<16xf32>
      %parallel_loop3A_371 = arith.mulf %parallel_loop3A_349, %parallel_loop3A_370 : vector<16xf32>
      %parallel_loop3A_372 = arith.addf %parallel_loop3A_341, %parallel_loop3A_371 : vector<16xf32>
      %parallel_loop3A_373 = arith.mulf %parallel_loop3A_357, %parallel_loop3A_372 : vector<16xf32>
      %parallel_loop3A_374 = arith.constant 0.318309873 : f32
      %parallel_loop3A_375 = vector.broadcast %parallel_loop3A_374 : f32 to vector<16xf32>
      %parallel_loop3A_376 = arith.mulf %parallel_loop3A_357, %parallel_loop3A_375 : vector<16xf32>
      %parallel_loop3A_377 = arith.constant 0x4B400000 : f32
      %parallel_loop3A_378 = vector.broadcast %parallel_loop3A_377 : f32 to vector<16xf32>
      %parallel_loop3A_379 = arith.addf %parallel_loop3A_376, %parallel_loop3A_378 : vector<16xf32>
      %parallel_loop3A_380 = arith.constant 0x4B400000 : f32
      %parallel_loop3A_381 = vector.broadcast %parallel_loop3A_380 : f32 to vector<16xf32>
      %parallel_loop3A_382 = arith.subf %parallel_loop3A_379, %parallel_loop3A_381 : vector<16xf32>
      %parallel_loop3A_383 = arith.constant 3.14159274 : f32
      %parallel_loop3A_384 = vector.broadcast %parallel_loop3A_383 : f32 to vector<16xf32>
      %parallel_loop3A_385 = arith.mulf %parallel_loop3A_382, %parallel_loop3A_384 : vector<16xf32>
      %parallel_loop3A_386 = arith.subf %parallel_loop3A_357, %parallel_loop3A_385 : vector<16xf32>
      %parallel_loop3A_387 = arith.mulf %parallel_loop3A_386, %parallel_loop3A_386 : vector<16xf32>
      %parallel_loop3A_388 = arith.constant -1.86089761E-4 : f32
      %parallel_loop3A_389 = vector.broadcast %parallel_loop3A_388 : f32 to vector<16xf32>
      %parallel_loop3A_390 = arith.mulf %parallel_loop3A_387, %parallel_loop3A_389 : vector<16xf32>
      %parallel_loop3A_391 = arith.constant 0.0083159646 : f32
      %parallel_loop3A_392 = vector.broadcast %parallel_loop3A_391 : f32 to vector<16xf32>
      %parallel_loop3A_393 = arith.addf %parallel_loop3A_392, %parallel_loop3A_390 : vector<16xf32>
      %parallel_loop3A_394 = arith.mulf %parallel_loop3A_387, %parallel_loop3A_393 : vector<16xf32>
      %parallel_loop3A_395 = arith.constant -0.166658908 : f32
      %parallel_loop3A_396 = vector.broadcast %parallel_loop3A_395 : f32 to vector<16xf32>
      %parallel_loop3A_397 = arith.addf %parallel_loop3A_396, %parallel_loop3A_394 : vector<16xf32>
      %parallel_loop3A_398 = arith.mulf %parallel_loop3A_387, %parallel_loop3A_397 : vector<16xf32>
      %parallel_loop3A_399 = arith.constant 0.999999463 : f32
      %parallel_loop3A_400 = vector.broadcast %parallel_loop3A_399 : f32 to vector<16xf32>
      %parallel_loop3A_401 = arith.addf %parallel_loop3A_400, %parallel_loop3A_398 : vector<16xf32>
      %parallel_loop3A_402 = arith.mulf %parallel_loop3A_386, %parallel_loop3A_401 : vector<16xf32>
      %parallel_loop3A_403 = vector.bitcast %parallel_loop3A_379 : vector<16xf32> to vector<16xi32>
      %parallel_loop3A_404 = arith.constant 31 : i32
      %parallel_loop3A_405 = vector.broadcast %parallel_loop3A_404 : i32 to vector<16xi32>
      %parallel_loop3A_406 = arith.shli %parallel_loop3A_403, %parallel_loop3A_405 : vector<16xi32>
      %parallel_loop3A_407 = vector.bitcast %parallel_loop3A_402 : vector<16xf32> to vector<16xi32>
      %parallel_loop3A_408 = arith.xori %parallel_loop3A_407, %parallel_loop3A_406 : vector<16xi32>
      %parallel_loop3A_409 = vector.bitcast %parallel_loop3A_408 : vector<16xi32> to vector<16xf32>
      %parallel_loop3A_410 = arith.mulf %parallel_loop3A_345, %parallel_loop3A_409 : vector<16xf32>
      %parallel_loop3A_411 = arith.addf %parallel_loop3A_373, %parallel_loop3A_410 : vector<16xf32>
      %parallel_loop3A_412 = arith.index_cast %parallel_loop3A_310 : i32 to index
      %parallel_loop3A_413 = tpu.vector_load %arg22[%parallel_loop3A_412] {strides = array<i32>} : memref<4096xf32, #tpu.memory_space<vmem>>, vector<16xf32>,
      tpu.vector_store %arg22[%parallel_loop3A_412], %parallel_loop3A_411 {strides = array<i32>} : memref<4096xf32, #tpu.memory_space<vmem>>, vector<16xf32>,
      %parallel_loop3A_414 = arith.mulf %parallel_loop3A_361, %parallel_loop3A_372 : vector<16xf32>
      %parallel_loop3A_415 = arith.constant 0.318309873 : f32
      %parallel_loop3A_416 = vector.broadcast %parallel_loop3A_415 : f32 to vector<16xf32>
      %parallel_loop3A_417 = arith.mulf %parallel_loop3A_361, %parallel_loop3A_416 : vector<16xf32>
      %parallel_loop3A_418 = arith.constant 0x4B400000 : f32
      %parallel_loop3A_419 = vector.broadcast %parallel_loop3A_418 : f32 to vector<16xf32>
      %parallel_loop3A_420 = arith.addf %parallel_loop3A_417, %parallel_loop3A_419 : vector<16xf32>
      %parallel_loop3A_421 = arith.constant 0x4B400000 : f32
      %parallel_loop3A_422 = vector.broadcast %parallel_loop3A_421 : f32 to vector<16xf32>
      %parallel_loop3A_423 = arith.subf %parallel_loop3A_420, %parallel_loop3A_422 : vector<16xf32>
      %parallel_loop3A_424 = arith.constant 3.14159274 : f32
      %parallel_loop3A_425 = vector.broadcast %parallel_loop3A_424 : f32 to vector<16xf32>
      %parallel_loop3A_426 = arith.mulf %parallel_loop3A_423, %parallel_loop3A_425 : vector<16xf32>
      %parallel_loop3A_427 = arith.subf %parallel_loop3A_361, %parallel_loop3A_426 : vector<16xf32>
      %parallel_loop3A_428 = arith.mulf %parallel_loop3A_427, %parallel_loop3A_427 : vector<16xf32>
      %parallel_loop3A_429 = arith.constant -1.86089761E-4 : f32
      %parallel_loop3A_430 = vector.broadcast %parallel_loop3A_429 : f32 to vector<16xf32>
      %parallel_loop3A_431 = arith.mulf %parallel_loop3A_428, %parallel_loop3A_430 : vector<16xf32>
      %parallel_loop3A_432 = arith.constant 0.0083159646 : f32
      %parallel_loop3A_433 = vector.broadcast %parallel_loop3A_432 : f32 to vector<16xf32>
      %parallel_loop3A_434 = arith.addf %parallel_loop3A_433, %parallel_loop3A_431 : vector<16xf32>
      %parallel_loop3A_435 = arith.mulf %parallel_loop3A_428, %parallel_loop3A_434 : vector<16xf32>
      %parallel_loop3A_436 = arith.constant -0.166658908 : f32
      %parallel_loop3A_437 = vector.broadcast %parallel_loop3A_436 : f32 to vector<16xf32>
      %parallel_loop3A_438 = arith.addf %parallel_loop3A_437, %parallel_loop3A_435 : vector<16xf32>
      %parallel_loop3A_439 = arith.mulf %parallel_loop3A_428, %parallel_loop3A_438 : vector<16xf32>
      %parallel_loop3A_440 = arith.constant 0.999999463 : f32
      %parallel_loop3A_441 = vector.broadcast %parallel_loop3A_440 : f32 to vector<16xf32>
      %parallel_loop3A_442 = arith.addf %parallel_loop3A_441, %parallel_loop3A_439 : vector<16xf32>
      %parallel_loop3A_443 = arith.mulf %parallel_loop3A_427, %parallel_loop3A_442 : vector<16xf32>
      %parallel_loop3A_444 = vector.bitcast %parallel_loop3A_420 : vector<16xf32> to vector<16xi32>
      %parallel_loop3A_445 = arith.constant 31 : i32
      %parallel_loop3A_446 = vector.broadcast %parallel_loop3A_445 : i32 to vector<16xi32>
      %parallel_loop3A_447 = arith.shli %parallel_loop3A_444, %parallel_loop3A_446 : vector<16xi32>
      %parallel_loop3A_448 = vector.bitcast %parallel_loop3A_443 : vector<16xf32> to vector<16xi32>
      %parallel_loop3A_449 = arith.xori %parallel_loop3A_448, %parallel_loop3A_447 : vector<16xi32>
      %parallel_loop3A_450 = vector.bitcast %parallel_loop3A_449 : vector<16xi32> to vector<16xf32>
      %parallel_loop3A_451 = arith.mulf %parallel_loop3A_345, %parallel_loop3A_450 : vector<16xf32>
      %parallel_loop3A_452 = arith.addf %parallel_loop3A_414, %parallel_loop3A_451 : vector<16xf32>
      %parallel_loop3A_453 = arith.index_cast %parallel_loop3A_310 : i32 to index
      %parallel_loop3A_454 = tpu.vector_load %arg23[%parallel_loop3A_453] {strides = array<i32>} : memref<4096xf32, #tpu.memory_space<vmem>>, vector<16xf32>,
      tpu.vector_store %arg23[%parallel_loop3A_453], %parallel_loop3A_452 {strides = array<i32>} : memref<4096xf32, #tpu.memory_space<vmem>>, vector<16xf32>,
      %parallel_loop3A_455 = arith.index_cast %parallel_loop3A_310 : i32 to index
      %parallel_loop3A_456 = tpu.vector_load %arg21[%parallel_loop3A_455] {strides = array<i32>} : memref<4096xf32, #tpu.memory_space<vmem>>, vector<16xf32>,
      %parallel_loop3A_457 = arith.addf %parallel_loop3A_456, %parallel_loop3A_353 : vector<16xf32>
      %parallel_loop3A_458 = arith.constant 5.000000e-01 : f32
      %parallel_loop3A_459 = vector.broadcast %parallel_loop3A_458 : f32 to vector<16xf32>
      %parallel_loop3A_460 = arith.mulf %parallel_loop3A_457, %parallel_loop3A_459 : vector<16xf32>
      %parallel_loop3A_461 = arith.index_cast %parallel_loop3A_310 : i32 to index
      %parallel_loop3A_462 = tpu.vector_load %arg24[%parallel_loop3A_461] {strides = array<i32>} : memref<4096xf32, #tpu.memory_space<vmem>>, vector<16xf32>,
      tpu.vector_store %arg24[%parallel_loop3A_461], %parallel_loop3A_460 {strides = array<i32>} : memref<4096xf32, #tpu.memory_space<vmem>>, vector<16xf32>,
    } {sc.loop_unroll_factor = 2 : i64, sc.parallel_access}
    %mul3A_288 = arith.constant 32768 : i32
    %mul3A_289 = arith.muli %add3A, %mul3A_288 : i32
    %add3A_290 = arith.constant 28672 : i32
    %add3A_291 = arith.addi %mul3A_289, %add3A_290 : i32
    %dma_start3A_292 = tpu.memref_slice %arg7[%add3A_291] : memref<1048576xf32, #tpu.memory_space<hbm>> -> memref<4096xf32, #tpu.memory_space<hbm>>
    %dma_start3A_293 = tpu.memref_slice %arg7[%add3A_291] : memref<1048576xf32, #tpu.memory_space<hbm>> -> memref<4096xf32, #tpu.memory_space<hbm>>
    tpu.enqueue_dma source(%arg22 : memref<4096xf32, #tpu.memory_space<vmem>>) target(%dma_start3A_293 : memref<4096xf32, #tpu.memory_space<hbm>>) target_semaphore(%arg28 : memref<!tpu.dma_semaphore, #tpu.memory_space<semaphore_mem>>)
    %dma_start3A_294 = tpu.memref_slice %arg8[%add3A_291] : memref<1048576xf32, #tpu.memory_space<hbm>> -> memref<4096xf32, #tpu.memory_space<hbm>>
    %dma_start3A_295 = tpu.memref_slice %arg8[%add3A_291] : memref<1048576xf32, #tpu.memory_space<hbm>> -> memref<4096xf32, #tpu.memory_space<hbm>>
    tpu.enqueue_dma source(%arg23 : memref<4096xf32, #tpu.memory_space<vmem>>) target(%dma_start3A_295 : memref<4096xf32, #tpu.memory_space<hbm>>) target_semaphore(%arg28 : memref<!tpu.dma_semaphore, #tpu.memory_space<semaphore_mem>>)
    %dma_start3A_296 = tpu.memref_slice %arg9[%add3A_291] : memref<1048576xf32, #tpu.memory_space<hbm>> -> memref<4096xf32, #tpu.memory_space<hbm>>
    %dma_start3A_297 = tpu.memref_slice %arg9[%add3A_291] : memref<1048576xf32, #tpu.memory_space<hbm>> -> memref<4096xf32, #tpu.memory_space<hbm>>
    tpu.enqueue_dma source(%arg24 : memref<4096xf32, #tpu.memory_space<vmem>>) target(%dma_start3A_297 : memref<4096xf32, #tpu.memory_space<hbm>>) target_semaphore(%arg28 : memref<!tpu.dma_semaphore, #tpu.memory_space<semaphore_mem>>)
    %dma_wait3A_298 = tpu.memref_slice %arg7[%add3A_264] : memref<1048576xf32, #tpu.memory_space<hbm>> -> memref<4096xf32, #tpu.memory_space<hbm>>
    %dma_wait3A_299 = tpu.memref_slice %arg7[%add3A_264] : memref<1048576xf32, #tpu.memory_space<hbm>> -> memref<4096xf32, #tpu.memory_space<hbm>>
    tpu.wait_dma2 semaphore(%arg27 : memref<!tpu.dma_semaphore, #tpu.memory_space<semaphore_mem>>) src(%arg15 : memref<4096xf32, #tpu.memory_space<vmem>>) dst(%dma_wait3A_299 : memref<4096xf32, #tpu.memory_space<hbm>>)
    %dma_wait3A_300 = tpu.memref_slice %arg8[%add3A_264] : memref<1048576xf32, #tpu.memory_space<hbm>> -> memref<4096xf32, #tpu.memory_space<hbm>>
    %dma_wait3A_301 = tpu.memref_slice %arg8[%add3A_264] : memref<1048576xf32, #tpu.memory_space<hbm>> -> memref<4096xf32, #tpu.memory_space<hbm>>
    tpu.wait_dma2 semaphore(%arg27 : memref<!tpu.dma_semaphore, #tpu.memory_space<semaphore_mem>>) src(%arg16 : memref<4096xf32, #tpu.memory_space<vmem>>) dst(%dma_wait3A_301 : memref<4096xf32, #tpu.memory_space<hbm>>)
    %dma_wait3A_302 = tpu.memref_slice %arg9[%add3A_264] : memref<1048576xf32, #tpu.memory_space<hbm>> -> memref<4096xf32, #tpu.memory_space<hbm>>
    %dma_wait3A_303 = tpu.memref_slice %arg9[%add3A_264] : memref<1048576xf32, #tpu.memory_space<hbm>> -> memref<4096xf32, #tpu.memory_space<hbm>>
    tpu.wait_dma2 semaphore(%arg27 : memref<!tpu.dma_semaphore, #tpu.memory_space<semaphore_mem>>) src(%arg17 : memref<4096xf32, #tpu.memory_space<vmem>>) dst(%dma_wait3A_303 : memref<4096xf32, #tpu.memory_space<hbm>>)
    %dma_wait3A_304 = tpu.memref_slice %arg7[%add3A_291] : memref<1048576xf32, #tpu.memory_space<hbm>> -> memref<4096xf32, #tpu.memory_space<hbm>>
    %dma_wait3A_305 = tpu.memref_slice %arg7[%add3A_291] : memref<1048576xf32, #tpu.memory_space<hbm>> -> memref<4096xf32, #tpu.memory_space<hbm>>
    tpu.wait_dma2 semaphore(%arg28 : memref<!tpu.dma_semaphore, #tpu.memory_space<semaphore_mem>>) src(%arg22 : memref<4096xf32, #tpu.memory_space<vmem>>) dst(%dma_wait3A_305 : memref<4096xf32, #tpu.memory_space<hbm>>)
    %dma_wait3A_306 = tpu.memref_slice %arg8[%add3A_291] : memref<1048576xf32, #tpu.memory_space<hbm>> -> memref<4096xf32, #tpu.memory_space<hbm>>
    %dma_wait3A_307 = tpu.memref_slice %arg8[%add3A_291] : memref<1048576xf32, #tpu.memory_space<hbm>> -> memref<4096xf32, #tpu.memory_space<hbm>>
    tpu.wait_dma2 semaphore(%arg28 : memref<!tpu.dma_semaphore, #tpu.memory_space<semaphore_mem>>) src(%arg23 : memref<4096xf32, #tpu.memory_space<vmem>>) dst(%dma_wait3A_307 : memref<4096xf32, #tpu.memory_space<hbm>>)
    %dma_wait3A_308 = tpu.memref_slice %arg9[%add3A_291] : memref<1048576xf32, #tpu.memory_space<hbm>> -> memref<4096xf32, #tpu.memory_space<hbm>>
    %dma_wait3A_309 = tpu.memref_slice %arg9[%add3A_291] : memref<1048576xf32, #tpu.memory_space<hbm>> -> memref<4096xf32, #tpu.memory_space<hbm>>
    tpu.wait_dma2 semaphore(%arg28 : memref<!tpu.dma_semaphore, #tpu.memory_space<semaphore_mem>>) src(%arg24 : memref<4096xf32, #tpu.memory_space<vmem>>) dst(%dma_wait3A_309 : memref<4096xf32, #tpu.memory_space<hbm>>)
    return
  }
}

</mosaic_0001>

<sc_bundles>
// kernel: kernel.3.cloned.1.call-start
scs
__scs_entry_jumppad:
0x0: {  	(pc) =	sbr.rel $0x88, $3  }
0x1: {  	(tag) =	ssettag $0x0;
	lr =	simm.s32 $0x1  }
0x2: {  	[smem:$0x3F9B] =	sst lr;
	_ =	strace $0xD0000000  }
0x3: {  	_ = 	snop  }
0x4: {  	_ = 	snop  }
0x5: {  	_ = 	snop  }
0x6: {  	_ = 	snop  }
0x7: {  	_ = 	snop  }
__scs_overlays_trampoline_lowered:
0x8: {  	[smem:$0x3FAA] =	sst s0  }
0x9: {  	[smem:$0x3FAB] =	sst s1  }
0xa: {  	[smem:$0x3FAC] =	sst s2  }
0xb: {  	[smem:$0x3FAD] =	sst s3  }
0xc: {  	[smem:$0x3FAE] =	sst s4  }
0xd: {  	[smem:$0x3FAF] =	sst s5  }
0xe: {  	[smem:$0x3FB0] =	sst s6  }
0xf: {  	[smem:$0x3FB1] =	sst s7  }
0x10: {  	[smem:$0x3FB2] =	sst s8  }
0x11: {  	[smem:$0x3FB3] =	sst s9;
	s0 =	simm.s32 @!p0 $0x0  }
0x12: {  	s1 =	sld [smem:$0x3F99];
	s0 =	simm.s32 @p0 $0x1  }
0x13: {  	[smem:$0x3FB4] =	sst s0;
	s0 =	simm.s32 @!p1 $0x0  }
0x14: {  	s2 =	sld [smem:$0x3F98];
	s0 =	simm.s32 @p1 $0x1  }
0x15: {  	[smem:$0x3FB5] =	sst s0;
	s0 =	simm.s32 @!p2 $0x0  }
0x16: {  	s3 =	sld [smem:$0x3FDB];
	s0 =	simm.s32 @p2 $0x1  }
0x17: {  	s4 =	simm.s32 $0x1BF5;
	[smem:$0x3FB7] =	sst s0  }
0x18: {  	s0 =	sld [smem:$0x3F9A];
	_ =	swait.ge [sflag:s4], $0x0  }
0x19: {  	s7 =	sld [smem:$0x3F9B]  }
0x1a: {  	s8 =	sadd.s32 $0xFFFFE003, lr  }
0x1b: {  	s9 =	sadd.s32 $0xFFFFFEF7, lr;
	s5 =	simm.s32 $0xFFFFFFFF;
	p2 =	slt.u32 s8, $0xFFFFF086  }
0x1c: {  	p1 =	slt.u32 s9, $0xF7A;
	s5 =	simm.s32 @!p2 $0x0  }
0x1d: {  	s5 =	simm.s32 @p1 $0x1;
	p0 =	seq.s32 s7, s2  }
0x1e: {  	s7 =	smul.u32 @!p0 $0xF7A, s2;
	p2 =	seq.s32 @!p0 s5, $0x0  }
0x1f: {  	s9 =	smul.u32 $0xF7A, s1;
	s8 =	simm.s32 @!p0 $0x1BF5;
	p2 =	por !p2, p0  }
0x20: {  	[sflag:s8] =	ssyncset.s32 @!p0 $0xFFFFF086;
	s6 =	sadd.s32 @!p0 s3, s7;
	s7 =	simm.s32 @!p0 $0x108  }
0x21: {  	s3 =	sadd.s32 s3, s9;
	s6 =	sadd.s32 @!p0 $0x88, s6;
	s7 =	simm.s32 @p2 $0x1082  }
0x22: {  	[simem:s7], [sflag:s8] =	dma.local @!p0 [hbm:s6], $0xF7A  }
0x23: {  	s9 =	sor.u32 $0xD0000000, s2;
	s6 =	simm.s32 $0x108;
	_ =	swait.ge @!p0 [sflag:s8], $0x0  }
0x24: {  	s3 =	sadd.s32 $0x88, s3;
	s6 =	simm.s32 @!p1 $0x1082;
	[sflag:s4] =	ssyncset.s32 $0xFFFFF086  }
0x25: {  	[simem:s6], [sflag:s4] =	dma.local [hbm:s3], $0xF7A  }
0x26: {  	[smem:$0x3F9B] =	sst s1;
	(tag) =	ssettag s2;
	_ =	strace s9  }
0x27: {  	s1 =	sld [smem:$0x3FAB]  }
0x28: {  	s2 =	sld [smem:$0x3FAC]  }
0x29: {  	s4 =	sld [smem:$0x3FAE]  }
0x2a: {  	p0 =	seq.s32 s5, $0x0;
	s5 =	sld [smem:$0x3FAF]  }
0x2b: {  	s6 =	sld [smem:$0x3FB0]  }
0x2c: {  	s7 =	sld [smem:$0x3FB1]  }
0x2d: {  	s3 =	simm.s32 $0x108;
	s8 =	sld [smem:$0x3FB2]  }
0x2e: {  	s3 =	simm.s32 @!p0 $0x1082;
	s9 =	sld [smem:$0x3FB3]  }
0x2f: {  	lr =	sadd.s32 s0, s3;
	s0 =	sld [smem:$0x3FAA]  }
0x30: {  	s3 =	sld [smem:$0x3FAD]  }
0x31: {  	[smem:$0x3FB6] =	sst s10  }
0x32: {  	s10 =	sld [smem:$0x3FB4];
	_ =	sdelay $0x3  }
0x33: {  	p0 =	seq.s32 s10, $0x1;
	s10 =	sld [smem:$0x3FB6];
	_ =	sdelay $0x3  }
0x34: {  	[smem:$0x3FB6] =	sst s10  }
0x35: {  	s10 =	sld [smem:$0x3FB5];
	_ =	sdelay $0x3  }
0x36: {  	p1 =	seq.s32 s10, $0x1;
	s10 =	sld [smem:$0x3FB6];
	_ =	sdelay $0x3  }
0x37: {  	[smem:$0x3FB6] =	sst s10  }
0x38: {  	s10 =	sld [smem:$0x3FB7]  }
0x39: {  	_ = 	snop;
	(pc) =	sbr.ind lr, $3  }
0x3a: {  	_ = 	snop  }
0x3b: {  	_ = 	snop  }
0x3c: {  	p2 =	seq.s32 s10, $0x1;
	s10 =	sld [smem:$0x3FB6]  }
0x3d: {  	_ =	shalt  }
0x3e: {  	_ =	shalt  }
0x3f: {  	_ =	shalt  }
0x40: {  	_ =	shalt  }
0x41: {  	_ =	shalt  }
0x42: {  	_ =	shalt  }
0x43: {  	_ =	shalt  }
0x44: {  	_ =	shalt  }
0x45: {  	_ =	shalt  }
0x46: {  	_ =	shalt  }
0x47: {  	_ =	shalt  }
0x48: {  	_ =	shalt  }
0x49: {  	_ =	shalt  }
0x4a: {  	_ =	shalt  }
0x4b: {  	_ =	shalt  }
0x4c: {  	_ =	shalt  }
0x4d: {  	_ =	shalt  }
0x4e: {  	_ =	shalt  }
0x4f: {  	_ =	shalt  }
0x50: {  	_ =	shalt  }
0x51: {  	_ =	shalt  }
0x52: {  	_ =	shalt  }
0x53: {  	_ =	shalt  }
0x54: {  	_ =	shalt  }
0x55: {  	_ =	shalt  }
0x56: {  	_ =	shalt  }
0x57: {  	_ =	shalt  }
0x58: {  	_ =	shalt  }
0x59: {  	_ =	shalt  }
0x5a: {  	_ =	shalt  }
0x5b: {  	_ =	shalt  }
0x5c: {  	_ =	shalt  }
0x5d: {  	_ =	shalt  }
0x5e: {  	_ =	shalt  }
0x5f: {  	_ =	shalt  }
0x60: {  	_ =	shalt  }
0x61: {  	_ =	shalt  }
0x62: {  	_ =	shalt  }
0x63: {  	_ =	shalt  }
0x64: {  	_ =	shalt  }
0x65: {  	_ =	shalt  }
0x66: {  	_ =	shalt  }
0x67: {  	_ =	shalt  }
0x68: {  	_ =	shalt  }
0x69: {  	_ =	shalt  }
0x6a: {  	_ =	shalt  }
0x6b: {  	_ =	shalt  }
0x6c: {  	_ =	shalt  }
0x6d: {  	_ =	shalt  }
0x6e: {  	_ =	shalt  }
0x6f: {  	_ =	shalt  }
0x70: {  	_ =	shalt  }
0x71: {  	_ =	shalt  }
0x72: {  	_ =	shalt  }
0x73: {  	_ =	shalt  }
0x74: {  	_ =	shalt  }
0x75: {  	_ =	shalt  }
0x76: {  	_ =	shalt  }
0x77: {  	_ =	shalt  }
0x78: {  	_ =	shalt  }
0x79: {  	_ =	shalt  }
0x7a: {  	_ =	shalt  }
0x7b: {  	_ =	shalt  }
0x7c: {  	_ =	shalt  }
0x7d: {  	_ =	shalt  }
0x7e: {  	_ =	shalt  }
0x7f: {  	_ =	shalt  }
0x80: {  	_ =	shalt  }
0x81: {  	_ =	shalt  }
0x82: {  	_ =	shalt  }
0x83: {  	_ =	shalt  }
0x84: {  	_ =	shalt  }
0x85: {  	_ =	shalt  }
0x86: {  	_ =	shalt  }
0x87: {  	_ =	shalt  }
.Lfunc_end0:
.L_simem_size_0:
called_computation_lowered:
.L_overlay_start_0:
0x88: {  	s2 =	sld [smem:$0x3FD9]  }
0x89: {  	s3 =	sld [smem:$0x3FFE];
	_ =	sdelay $0x1  }
0x8a: {  	s1 =	srdreg.scid  }
0x8b: {  	s0 =	sand.u32 $0x1, s1  }
0x8c: {  	s17 =	sshll.u32 s0, $0xA;
	s2 =	sadd.s32 s3, s2  }
0x8d: {  	s2 =	sadd.s32 s2, s17  }
0x8e: {  	[smem:$0x3FC2] =	sst s2  }
0x8f: {  	_ = 	snop  }
0x90: {  	s2 =	sld [smem:$0x3FC4]  }
0x91: {  	s18 =	sld [smem:$0x3FD0];
	(tm) =	ssettm $0x1  }
0x92: {  	s4 =	sld [smem:$0x3FFB];
	_ =	sdelay $0x3  }
0x93: {  	_ =	strace s4  }
0x94: {  	s4 =	sld [smem:$0x3FFC];
	_ =	sdelay $0x3  }
0x95: {  	_ =	strace s4  }
0x96: {  	s4 =	sld [smem:$0x3FFD];
	_ =	sdelay $0x3  }
0x97: {  	_ =	strace s4  }
0x98: {  	_ =	strace $0x8FFFFFFF  }
0x99: {  	s19 =	sld [smem:$0x3FDB];
	_ =	sdelay $0x1  }
0x9a: {  	s5 =	simm.s32 $_scs_section_size  }
0x9b: {  	s6 =	simm.s32 $_size__tile_overlayer_lowered;
	s7 =	simm.s32 $_tile_overlayer_lowered  }
0x9c: {  	s22 =	simm.s32 $0x1BFF;
	s21 =	sshll.u32 s7, $0x1;
	s4 =	sadd.s32 s5, s19  }
0x9d: {  	s8 =	simm.s32 $0x0;
	s20 =	sshll.u32 s6, $0x1;
	s6 =	sadd.s32 s21, s4  }
0x9e: {  	[timem:s8], [sflag:s22] =	dma.local [hbm:s6], s20  }
0x9f: {  	_ =	swait.ge [sflag:s22], s20  }
0xa0: {  	s5 =	ssub.s32 $0x0, s20;
	[sflag:s22] =	ssyncset.done $0x0  }
0xa1: {  	[sflag:s22] =	ssyncadd.s32 s5;
	_ =	sdelay $0x1  }
0xa2: {  	s23 =	simm.s32 $0x1B8B  }
0xa3: {  	_ =	swait.ge [sflag:s23], $0x1  }
0xa4: {  	[sflag:s23] =	ssyncset.done $0x0  }
0xa5: {  	s25 =	simm.s32 $0x1B8E;
	s24 =	sld [smem:$0x3FFE];
	[sflag:s23] =	ssyncadd.s32 $0xFFFFFFFF  }
0xa6: {  	s26 =	simm.s32 $execute0_lowered;
	[smem:$0x3FD2] =	sst s25  }
0xa7: {  	s6 =	sshll.u32 s26, $0x1;
	_ =	strace $0x80000046;
	[dreg:$0x1] =	wrdreg $0xFFFFFFFF  }
0xa8: {  	s28 =	simm.s32 $_size_execute0_lowered;
	s4 =	sadd.s32 s4, s6;
	[dreg:$0x0] =	wrdreg $0x0  }
0xa9: {  	s6 =	sshll.u32 s28, $0x1;
	[dreg:$0x2] =	wrdreg s4  }
0xaa: {  	[dreg:$0x3] =	wrdreg s6  }
0xab: {  	[dreg:$0x4] =	wrdreg $0xC0  }
0xac: {  	_ =	task [dreg:s8], $0x5FFFF  }
0xad: {  	[dreg:$0x1] =	wrdreg $0xFFFFFFFF  }
0xae: {  	[dreg:$0x0] =	wrdreg $0x60  }
0xaf: {  	[dreg:$0x2] =	wrdreg s24  }
0xb0: {  	[dreg:$0x3] =	wrdreg s18  }
0xb1: {  	[dreg:$0x4] =	wrdreg s2  }
0xb2: {  	[dreg:$0x5] =	wrdreg $0x9  }
0xb3: {  	_ =	task.clear_ibuf [dreg:s8], $0x6FFFF;
	_ =	strace $0x90000046  }
0xb4: {  	s29 =	simm.s32 $0x9;
	_ =	strace $0x80000048  }
0xb5: {  	_ =	swait.ge [sflag:s29], $0x1  }
0xb6: {  	[sflag:s29] =	ssyncadd.s32 $0xFFFFFFFF  }
0xb7: {  	_ =	strace $0x90000048  }
0xb8: {  	_ =	sfence  }
0xb9: {  	s30 =	sld [smem:$0x0];
	_ =	sdelay $0x2  }
0xba: {  	s31 =	sshll.u32 s1, $0xD;
	s1 =	sshrl.u32 s1, $0x2  }
0xbb: {  	s3 =	sand.u32 $0x4000, s31;
	s1 =	sadd.s32 s1, s30  }
0xbc: {  	s0 =	sor.u32 s3, s0;
	s1 =	sshll.u32 s1, $0x11  }
0xbd: {  	s0 =	sor.u32 s1, s0  }
0xbe: {  	s0 =	sadd.s32 $0x8F2B, s0  }
0xbf: {  	[sflag:s0] =	ssyncadd.remote.s32 $0x1  }
0xc0: {  	_ =	sfence.sel $0xFFFF  }
0xc1: {  	[dreg:$0x0] =	wrdreg $0xFFFFFFFF;
	(pc) =	sbr.abs _section_cstart, $3  }
0xc2: {  	[dreg:$0x1] =	wrdreg $0xFFFFFFFF  }
0xc3: {  	_ =	task.clear_ibuf [dreg:s8], $0x2FFFF;
	_ =	strace $0x9FFFFFFF  }
0xc4: {  	(tm) =	ssettm $0x7FFFFFFF  }
0xc5: {  	_ =	shalt  }
tec
execute0_lowered:
.L_overlay_start_1:
0x0: {  	(tag) =	ssettag $0x1  }
0x1: {  	s4 =	srdreg.scid  }
0x2: {  	s1 =	rddreg [dreg:$0x0];
	s5 =	stileid.u32;
	s6 =	sand.u32 $0x1, s4  }
0x3: {  	s2 =	rddreg [dreg:$0x1];
	s7 =	sshll.u32 s5, $0xD;
	s10 =	sshll.u32 s6, $0xC  }
0x4: {  	s3 =	rddreg [dreg:$0x2];
	s10 =	sor.u32 s10, s7  }
0x5: {  	s0 =	simm.s32 $0x0;
	s8 =	sadd.s32 $0x20C00, s1;
	s12 =	sor.u32 $0x200, s10  }
0x6: {  	[smem:$0x7FF] =	sst s0;
	s9 =	sadd.s32 $0xC00, s1;
	s31 =	sadd.s32 s8, s12  }
0x7: {  	s13 =	sadd.s32 s9, s12;
	[dreg:$0x4] =	wrdreg s31  }
0x8: {  	s14 =	sadd.s32 s3, s12;
	[dreg:$0x5] =	wrdreg s13  }
0x9: {  	s16 =	sor.u32 $0x400, s10;
	s15 =	sadd.s32 s2, s12;
	[dreg:$0x6] =	wrdreg s14  }
0xa: {  	s17 =	sadd.s32 s9, s16;
	[dreg:$0x7] =	wrdreg s15  }
0xb: {  	s4 =	sadd.s32 $0x40E00, s1;
	s18 =	sadd.s32 s3, s16;
	[dreg:$0x9] =	wrdreg s17  }
0xc: {  	s5 =	sadd.s32 $0x60E00, s1;
	s19 =	sadd.s32 s2, s16;
	[dreg:$0xa] =	wrdreg s18  }
0xd: {  	s11 =	ssub.s32 $0x2, s6;
	s20 =	sadd.s32 s4, s12;
	[dreg:$0xb] =	wrdreg s19  }
0xe: {  	s6 =	sadd.s32 $0x80E00, s1;
	s21 =	sadd.s32 s5, s12;
	[dreg:$0xc] =	wrdreg s20  }
0xf: {  	s12 =	sadd.s32 s6, s12;
	[dreg:$0xd] =	wrdreg s21  }
0x10: {  	s30 =	sshrl.u32 s11, $0x1;
	s23 =	sadd.s32 s4, s16;
	[dreg:$0xe] =	wrdreg s12  }
0x11: {  	s7 =	ssub.s32 s11, s30;
	s24 =	sadd.s32 s5, s16;
	[dreg:$0xf] =	wrdreg s23  }
0x12: {  	s22 =	sor.u32 $0x600, s10;
	s11 =	sadd.s32 s6, s16;
	[dreg:$0x10] =	wrdreg s24  }
0x13: {  	s25 =	sadd.s32 s8, s22;
	[dreg:$0x11] =	wrdreg s11  }
0x14: {  	s26 =	sadd.s32 s9, s22;
	[dreg:$0x12] =	wrdreg s25  }
0x15: {  	s28 =	sadd.s32 s3, s22;
	[dreg:$0x13] =	wrdreg s26  }
0x16: {  	s29 =	sadd.s32 s2, s22;
	[dreg:$0x14] =	wrdreg s28  }
0x17: {  	s13 =	sadd.s32 s8, s16;
	[dreg:$0x15] =	wrdreg s29  }
0x18: {  	s31 =	sadd.s32 s4, s22;
	[dreg:$0x8] =	wrdreg s13  }
0x19: {  	s14 =	sadd.s32 s5, s22;
	[dreg:$0x16] =	wrdreg s31  }
0x1a: {  	s30 =	sor.u32 $0x800, s10;
	s12 =	sadd.s32 s6, s22;
	[dreg:$0x17] =	wrdreg s14  }
0x1b: {  	s15 =	sadd.s32 s8, s30;
	[dreg:$0x18] =	wrdreg s12  }
0x1c: {  	s16 =	sadd.s32 s9, s30;
	[dreg:$0x19] =	wrdreg s15  }
0x1d: {  	s17 =	sadd.s32 s3, s30;
	[dreg:$0x1a] =	wrdreg s16  }
0x1e: {  	s18 =	sadd.s32 s2, s30;
	[dreg:$0x1b] =	wrdreg s17  }
0x1f: {  	s19 =	sadd.s32 s4, s30;
	[dreg:$0x1c] =	wrdreg s18  }
0x20: {  	s20 =	sadd.s32 s5, s30;
	[dreg:$0x1d] =	wrdreg s19  }
0x21: {  	s11 =	sadd.s32 s6, s30;
	[dreg:$0x1e] =	wrdreg s20  }
0x22: {  	s21 =	sadd.s32 s8, s10;
	[dreg:$0x1f] =	wrdreg s11  }
0x23: {  	s22 =	sadd.s32 s9, s10;
	[smem:$0x7E0] =	sst s21  }
0x24: {  	s23 =	sadd.s32 s3, s10;
	[smem:$0x7E1] =	sst s22  }
0x25: {  	s24 =	sadd.s32 s2, s10;
	[smem:$0x7E2] =	sst s23  }
0x26: {  	s25 =	sadd.s32 s4, s10;
	[smem:$0x7E3] =	sst s24  }
0x27: {  	s26 =	sadd.s32 s5, s10;
	[smem:$0x7E4] =	sst s25  }
0x28: {  	s28 =	sadd.s32 s6, s10;
	s29 =	sor.u32 $0xA00, s10;
	[smem:$0x7E5] =	sst s26  }
0x29: {  	[smem:$0x7E6] =	sst s28;
	s31 =	sadd.s32 s8, s29  }
0x2a: {  	s14 =	sadd.s32 s9, s29;
	[smem:$0x7E7] =	sst s31  }
0x2b: {  	s15 =	sadd.s32 s3, s29;
	[smem:$0x7E8] =	sst s14  }
0x2c: {  	s16 =	sadd.s32 s2, s29;
	[smem:$0x7E9] =	sst s15  }
0x2d: {  	s17 =	sadd.s32 s4, s29;
	[smem:$0x7EA] =	sst s16  }
0x2e: {  	s18 =	sadd.s32 s5, s29;
	[smem:$0x7EB] =	sst s17  }
0x2f: {  	s30 =	sor.u32 $0xC00, s10;
	s11 =	sadd.s32 s6, s29;
	[smem:$0x7EC] =	sst s18  }
0x30: {  	s10 =	sor.u32 $0xE00, s10;
	s19 =	sadd.s32 s8, s30;
	[smem:$0x7ED] =	sst s11  }
0x31: {  	s8 =	sadd.s32 s8, s10;
	[smem:$0x7EE] =	sst s19  }
0x32: {  	s20 =	sadd.s32 s9, s30;
	[smem:$0x7EF] =	sst s8  }
0x33: {  	s21 =	sadd.s32 s9, s10;
	[smem:$0x7F0] =	sst s20  }
0x34: {  	s22 =	sadd.s32 s3, s30;
	[smem:$0x7F1] =	sst s21  }
0x35: {  	s3 =	sadd.s32 s3, s10;
	[smem:$0x7F2] =	sst s22  }
0x36: {  	s1 =	sadd.s32 $0x40C00, s1;
	s23 =	sadd.s32 s2, s30;
	[smem:$0x7F3] =	sst s3  }
0x37: {  	s2 =	sadd.s32 s2, s10;
	s24 =	sadd.s32 s4, s30;
	[smem:$0x7F4] =	sst s23  }
0x38: {  	s25 =	sadd.s32 s5, s30;
	s26 =	sadd.s32 s6, s30;
	[smem:$0x7F5] =	sst s2  }
0x39: {  	s28 =	sadd.s32 s4, s10;
	s29 =	sadd.s32 s5, s10;
	[smem:$0x7F6] =	sst s24  }
0x3a: {  	s30 =	sadd.s32 s6, s10;
	s4 =	simm.s32 $0x3100;
	[smem:$0x7F7] =	sst s25  }
0x3b: {  	s5 =	simm.s32 $0x7100;
	s6 =	simm.s32 $0x8100;
	[smem:$0x7F8] =	sst s26  }
0x3c: {  	s9 =	simm.s32 $0x1;
	s10 =	simm.s32 $0x4100;
	[smem:$0x7F9] =	sst s28  }
0x3d: {  	s12 =	simm.s32 $0x6100;
	s13 =	simm.s32 $0x2;
	[smem:$0x7FA] =	sst s29  }
0x3e: {  	[smem:$0x7FB] =	sst s30;
	s31 =	smax.u32 s7, $0x1;
	s3 =	simm.s32 $0x2100  }
0x3f: {  	s7 =	simm.s32 $0x9100;
	s8 =	simm.s32 $0xA100;
	s11 =	simm.s32 $0x5100  }
0x40: {  	s14 =	simm.s32 $0xB100;
	s15 =	simm.s32 $0xC100;
	s16 =	simm.s32 $0xD100  }
0x41: {  	s17 =	simm.s32 $0x3;
	_ =	strace $0x80000047;
	[smem:$0x7FC] =	sst s1  }
0x42: {  	s18 =	simm.s32 $0x4;
	s19 =	simm.s32 $0x0;
	[smem:$0x7FD] =	sst s31  }
.LBB2_1:
0x43: {  	s1 =	sld [smem:$0x7FC];
	_ =	sdelay $0x1  }
0x44: {  	s20 =	simm.s32 $0x5  }
0x45: {  	[tilespmem:s0], [sflag:$0x5] =	stream.linear.gather [hbm4b:s1+s0], $0x100, $0x38;
	[tilespmem:$0xE100] =	vst v63  }
0x46: {  	_ =	swait.ge [sflag:s20], $0x100  }
0x47: {  	s21 =	sld [smem:$0x7E0]  }
0x48: {  	[sflag:s20] =	ssyncset.done $0x0  }
0x49: {  	s2 =	simm.s32 $0x100;
	s22 =	sld [smem:$0x7E1];
	[sflag:s20] =	ssyncadd.s32 $0xFFFFFF00  }
0x4a: {  	[tilespmem:s2], [sflag:$0x1] =	stream.linear.gather [hbm4b:s21+s0], $0x1000, $0x38;
	[tilespmem:$0xE100] =	vst v63  }
0x4b: {  	s23 =	simm.s32 $0x1100;
	s24 =	sld [smem:$0x7E2]  }
0x4c: {  	[tilespmem:s23], [sflag:$0x1] =	stream.linear.gather [hbm4b:s22+s0], $0x1000, $0x38;
	[tilespmem:$0xE100] =	vst v63  }
0x4d: {  	s25 =	sld [smem:$0x7E3]  }
0x4e: {  	[tilespmem:s3], [sflag:$0x1] =	stream.linear.gather [hbm4b:s24+s0], $0x1000, $0x38;
	[tilespmem:$0xE100] =	vst v63  }
0x4f: {  	_ = 	snop  }
0x50: {  	[tilespmem:s4], [sflag:$0x1] =	stream.linear.gather [hbm4b:s25+s0], $0x1000, $0x38;
	[tilespmem:$0xE100] =	vst v63  }
0x51: {  	s26 =	rddreg [dreg:$0x4]  }
0x52: {  	[tilespmem:s5], [sflag:$0x2] =	stream.linear.gather [hbm4b:s26+s0], $0x1000, $0x38;
	[tilespmem:$0xE100] =	vst v63  }
0x53: {  	s2 =	rddreg [dreg:$0x5]  }
0x54: {  	[tilespmem:s6], [sflag:$0x2] =	stream.linear.gather [hbm4b:s2+s0], $0x1000, $0x38;
	[tilespmem:$0xE100] =	vst v63  }
0x55: {  	s20 =	rddreg [dreg:$0x6]  }
0x56: {  	[tilespmem:s7], [sflag:$0x2] =	stream.linear.gather [hbm4b:s20+s0], $0x1000, $0x38;
	[tilespmem:$0xE100] =	vst v63  }
0x57: {  	s21 =	rddreg [dreg:$0x7]  }
0x58: {  	[tilespmem:s8], [sflag:$0x2] =	stream.linear.gather [hbm4b:s21+s0], $0x1000, $0x38;
	[tilespmem:$0xE100] =	vst v63  }
0x59: {  	_ =	swait.ge [sflag:s9], $0x1000  }
0x5a: {  	[sflag:s9] =	ssyncset.done $0x0  }
0x5b: {  	[sflag:s9] =	ssyncadd.s32 $0xFFFFF000  }
0x5c: {  	_ =	swait.ge [sflag:s9], $0x1000  }
0x5d: {  	[sflag:s9] =	ssyncset.done $0x0  }
0x5e: {  	[sflag:s9] =	ssyncadd.s32 $0xFFFFF000  }
0x5f: {  	_ =	swait.ge [sflag:s9], $0x1000  }
0x60: {  	[sflag:s9] =	ssyncset.done $0x0  }
0x61: {  	[sflag:s9] =	ssyncadd.s32 $0xFFFFF000  }
0x62: {  	_ =	swait.ge [sflag:s9], $0x1000  }
0x63: {  	[sflag:s9] =	ssyncset.done $0x0  }
0x64: {  	s22 =	simm.s32 $0x2110;
	[sflag:s9] =	ssyncadd.s32 $0xFFFFF000  }
0x65: {  	v1 =	vld [tilespmem:s22+$0x0];
	_ =	sdelay $0x4  }
0x66: {  	v2 =	vadd.s32 $0x10, v1  }
0x67: {  	s23 =	simm.s32 $0x110;
	v0 =	vld [tilespmem:s22+$0xFFFFFFF0];
	v3 =	vadd.s32 $0x20, v1  }
0x68: {  	s24 =	simm.s32 $0x1110;
	v4 =	vld [tilespmem:s23+$0x0];
	v5 =	vadd.s32 $0x30, v1  }
0x69: {  	v6 =	vld [tilespmem:s24+$0x0]  }
0x6a: {  	v7 =	vld.idx.msk [tilespmem:v1+s0+$0x0], $0xffff  }
0x6b: {  	v8 =	vadd.s32 $0x40, v1;
	v2 =	vld.idx.msk [tilespmem:v2+s0+$0x0], $0xffff  }
0x6c: {  	v9 =	vadd.s32 $0x50, v1;
	v3 =	vld.idx.msk [tilespmem:v3+s0+$0x0], $0xffff  }
0x6d: {  	v5 =	vld.idx.msk [tilespmem:v5+s0+$0x0], $0xffff;
	_ =	sdelay $0x1  }
0x6e: {  	v10 =	vadd.s32 $0x10, v0  }
0x6f: {  	v8 =	vld.idx.msk [tilespmem:v8+s0+$0x0], $0xffff  }
0x70: {  	v9 =	vld.idx.msk [tilespmem:v9+s0+$0x0], $0xffff;
	v7 =	vmul.f32 v7, v4;
	v2 =	vmul.f32 v2, v6  }
0x71: {  	v11 =	vadd.s32 $0x30, v0;
	v3 =	vmul.f32 v3, v4;
	v4 =	vmul.f32 v5, v6  }
0x72: {  	v5 =	vld.idx.msk [tilespmem:v0+s0+$0x0], $0xffff  }
0x73: {  	v6 =	vld.idx.msk [tilespmem:v10+s0+$0x0], $0xffff;
	v2 =	vadd.f32 v2, v7;
	v3 =	vadd.f32 v4, v3  }
0x74: {  	v10 =	vld [tilespmem:s23+$0xFFFFFFF0];
	v4 =	vadd.s32 $0x20, v0  }
0x75: {  	v2 =	vadd.f32 v8, v2;
	v8 =	vld [tilespmem:s24+$0xFFFFFFF0];
	v9 =	vadd.f32 v9, v3  }
0x76: {  	v7 =	vld.idx.msk [tilespmem:v11+s0+$0x0], $0xffff;
	v3 =	vadd.s32 $0x40, v0  }
0x77: {  	v11 =	vmul.f32 $3.183098730e-01, v2;
	v12 =	vmul.f32 $3.183098730e-01, v9  }
0x78: {  	v13 =	vadd.s32 $0x50, v0  }
0x79: {  	v4 =	vld.idx.msk [tilespmem:v4+s0+$0x0], $0xffff;
	v11 =	vadd.f32 $1.258291200e+07, v11;
	v12 =	vadd.f32 $1.258291200e+07, v12  }
0x7a: {  	v5 =	vmul.f32 v5, v10;
	v6 =	vmul.f32 v6, v8  }
0x7b: {  	v3 =	vld.idx.msk [tilespmem:v3+s0+$0x0], $0xffff;
	v7 =	vmul.f32 v7, v8;
	v14 =	vadd.f32 $-1.258291200e+07, v11;
	v8 =	vadd.f32 $-1.258291200e+07, v12  }
0x7c: {  	v15 =	vmul.f32 v2, v2;
	v16 =	vmul.f32 v9, v9  }
0x7d: {  	v13 =	vld.idx.msk [tilespmem:v13+s0+$0x0], $0xffff;
	v14 =	vmul.f32 $3.141592740e+00, v14;
	v8 =	vmul.f32 $3.141592740e+00, v8  }
0x7e: {  	v5 =	vadd.f32 v6, v5;
	v4 =	vmul.f32 v4, v10;
	v10 =	vadd.f32 v16, v15  }
0x7f: {  	v6 =	vsub.f32 v2, v14;
	v8 =	vsub.f32 v9, v8  }
0x80: {  	v7 =	vadd.f32 v7, v4;
	v4 =	vadd.f32 v3, v5  }
0x81: {  	v10 =	vadd.f32 $9.999999970e-07, v10;
	v5 =	vmul.f32 v6, v6  }
0x82: {  	v14 =	vmul.f32 v8, v8;
	v3 =	vadd.f32 v13, v7;
	v7 =	vmul.f32 $3.183098730e-01, v4  }
0x83: {  	v15 =	vadd.s32 $0x80, v1;
	(erf) = vrcp.f32 v10;
	v13 =	vmul.f32 $1.860897610e-04, v5  }
0x84: {  	v16 =	vmul.f32 $1.860897610e-04, v14  }
0x85: {  	v17 =	vadd.f32 $1.258291200e+07, v7;
	v7 =	vsub.f32 $8.315964600e-03, v13;
	v13 =	vadd.s32 $0x60, v1  }
0x86: {  	v10 =	vmul.f32 $3.183098730e-01, v3;
	v16 =	vsub.f32 $8.315964600e-03, v16  }
0x87: {  	v20 =	vadd.s32 $0x70, v1;
	v22 =	vadd.s32 $0x60, v0;
	v7 =	vmul.f32 v7, v5  }
0x88: {  	s25 =	simm.s32 $0x2130;
	v15 =	vld.idx.msk [tilespmem:v15+s0+$0x0], $0xffff;
	v18 =	vadd.f32 $-1.258291200e+07, v17;
	v19 =	vadd.f32 $1.258291200e+07, v10;
	v10 =	vmul.f32 v16, v14  }
0x89: {  	v11 =	vshll.u32 v11, $0x1F;
	v25 =	vmul.f32 v4, v4;
	v21 =	vadd.f32 $-1.666589080e-01, v7;
	v7 =	vld [tilespmem:s25+$0x0]  }
0x8a: {  	v1 =	vadd.s32 $0x90, v1;
	v18 =	vmul.f32 $3.141592740e+00, v18;
	v24 =	vadd.f32 $-1.666589080e-01, v10;
	v13 =	vld.idx.msk [tilespmem:v13+s0+$0x0], $0xffff  }
0x8b: {  	v16 =	vadd.s32 $0x80, v0;
	v23 =	vadd.f32 $-1.258291200e+07, v19;
	v5 =	vmul.f32 v21, v5  }
0x8c: {  	v20 =	vld.idx.msk [tilespmem:v20+s0+$0x0], $0xffff;
	v18 =	vsub.f32 v4, v18;
	v10 =	vadd.s32 $0x70, v0;
	v26 =	vpop (erf);
	v14 =	vmul.f32 v24, v14  }
0x8d: {  	s20 =	simm.s32 $0x130;
	v21 =	vmul.f32 $3.141592740e+00, v23;
	v15 =	vmul.f32 v26, v15;
	v26 =	vld [tilespmem:s25+$0xFFFFFFF0];
	v5 =	vadd.f32 $9.999994630e-01, v5  }
0x8e: {  	v32 =	vld [tilespmem:s20+$0xFFFFFFF0];
	v23 =	vmul.f32 v3, v3;
	v14 =	vadd.f32 $9.999994630e-01, v14;
	v27 =	vadd.s32 $0x10, v7  }
0x8f: {  	v1 =	vld.idx.msk [tilespmem:v1+s0+$0x0], $0xffff;
	v28 =	vadd.s32 $0x20, v7;
	v5 =	vmul.f32 v5, v6;
	v13 =	vadd.f32 v15, v13  }
0x90: {  	s21 =	simm.s32 $0x1130;
	v24 =	vmul.f32 v18, v18;
	v6 =	vld [tilespmem:s20+$0x0];
	v8 =	vmul.f32 v14, v8;
	v15 =	vadd.s32 $0x30, v7  }
0x91: {  	v14 =	vld [tilespmem:s21+$0x0];
	v5 =	vxor.u32 v5, v11;
	v11 =	vshll.u32 v12, $0x1F;
	v2 =	vmul.f32 v13, v2  }
0x92: {  	v12 =	vld.idx.msk [tilespmem:v7+s0+$0x0], $0xffff;
	v9 =	vmul.f32 v13, v9;
	v5 =	vmul.f32 v5, v20;
	v8 =	vxor.u32 v8, v11  }
0x93: {  	v11 =	vsub.f32 v3, v21;
	v21 =	vadd.s32 $0x40, v7;
	v8 =	vmul.f32 v8, v20;
	v20 =	vld.idx.msk [tilespmem:v27+s0+$0x0], $0xffff  }
0x94: {  	v13 =	vadd.f32 v23, v25;
	v25 =	vld.idx.msk [tilespmem:v28+s0+$0x0], $0xffff;
	v27 =	vadd.s32 $0x50, v7;
	v2 =	vadd.f32 v5, v2  }
0x95: {  	s2 =	simm.s32 $0x4110;
	v23 =	vmul.f32 $1.860897610e-04, v24;
	v28 =	vld.idx.msk [tilespmem:v26+s0+$0x0], $0xffff;
	v5 =	vadd.s32 $0x90, v0;
	v0 =	vmul.f32 v11, v11  }
0x96: {  	v15 =	vld.idx.msk [tilespmem:v15+s0+$0x0], $0xffff;
	v8 =	vadd.f32 v8, v9;
	v9 =	vadd.s32 $0x10, v26;
	[tilespmem:s2+$0x0] =	vst v2;
	v2 =	vadd.f32 $9.999999970e-07, v13  }
0x97: {  	s25 =	simm.s32 $0x5110;
	v30 =	vadd.s32 $0x30, v26;
	v23 =	vsub.f32 $8.315964600e-03, v23;
	v12 =	vmul.f32 v12, v6  }
0x98: {  	v13 =	vadd.s32 $0x20, v26;
	[tilespmem:s25+$0x0] =	vst v8;
	v8 =	vmul.f32 $1.860897610e-04, v0;
	v21 =	vld.idx.msk [tilespmem:v21+s0+$0x0], $0xffff;
	(erf) = vrcp.f32 v2  }
0x99: {  	s1 =	simm.s32 $0x3110;
	v2 =	vmul.f32 v23, v24;
	v23 =	vld.idx.msk [tilespmem:v27+s0+$0x0], $0xffff;
	v20 =	vmul.f32 v20, v14;
	v27 =	vadd.s32 $0x40, v26  }
0x9a: {  	v29 =	vld [tilespmem:s1+$0x0];
	v6 =	vmul.f32 v25, v6;
	v28 =	vmul.f32 v28, v32;
	v8 =	vsub.f32 $8.315964600e-03, v8  }
0x9b: {  	v31 =	vld.idx.msk [tilespmem:v9+s0+$0x0], $0xffff;
	v9 =	vmul.f32 v15, v14;
	v15 =	vadd.s32 $0x50, v26;
	v12 =	vadd.f32 v20, v12  }
0x9c: {  	v25 =	vld [tilespmem:s21+$0xFFFFFFF0];
	v20 =	vadd.s32 $0x80, v26;
	v2 =	vadd.f32 $-1.666589080e-01, v2;
	v8 =	vmul.f32 v8, v0  }
0x9d: {  	v13 =	vld.idx.msk [tilespmem:v13+s0+$0x0], $0xffff;
	v14 =	vadd.f32 v9, v6;
	v9 =	vadd.s32 $0x60, v26;
	v12 =	vadd.f32 v21, v12  }
0x9e: {  	v6 =	vadd.s32 $0x70, v26;
	v21 =	vld.idx.msk [tilespmem:v30+s0+$0x0], $0xffff;
	v2 =	vmul.f32 v2, v24;
	v8 =	vadd.f32 $-1.666589080e-01, v8  }
0x9f: {  	v16 =	vld.idx.msk [tilespmem:v16+s0+$0x0], $0xffff;
	v1 =	vadd.f32 v29, v1;
	v23 =	vadd.f32 v23, v14;
	v24 =	vmul.f32 $3.183098730e-01, v12  }
0xa0: {  	v2 =	vadd.f32 $9.999994630e-01, v2;
	v0 =	vmul.f32 v8, v0;
	v8 =	vadd.s32 $0x90, v26  }
0xa1: {  	v14 =	vmul.f32 $5.000000000e-01, v1;
	v26 =	vmul.f32 $3.183098730e-01, v23;
	v24 =	vadd.f32 $1.258291200e+07, v24  }
0xa2: {  	v1 =	vld.idx.msk [tilespmem:v27+s0+$0x0], $0xffff;
	v13 =	vmul.f32 v13, v32;
	v27 =	vadd.f32 $9.999994630e-01, v0;
	v0 =	vmul.f32 v31, v25  }
0xa3: {  	v15 =	vld.idx.msk [tilespmem:v15+s0+$0x0], $0xffff;
	v29 =	vpop (erf);
	v21 =	vmul.f32 v21, v25;
	v26 =	vadd.f32 $1.258291200e+07, v26;
	v25 =	vadd.f32 $-1.258291200e+07, v24  }
0xa4: {  	v16 =	vmul.f32 v29, v16;
	v29 =	vmul.f32 v23, v23;
	v0 =	vadd.f32 v0, v28  }
0xa5: {  	v22 =	vld.idx.msk [tilespmem:v22+s0+$0x0], $0xffff;
	v13 =	vadd.f32 v21, v13;
	v21 =	vmul.f32 v12, v12;
	v28 =	vadd.f32 $-1.258291200e+07, v26  }
0xa6: {  	v2 =	vmul.f32 v2, v18;
	v25 =	vmul.f32 $3.141592740e+00, v25  }
0xa7: {  	v0 =	vadd.f32 v1, v0;
	v18 =	vadd.f32 v29, v21;
	v28 =	vmul.f32 $3.141592740e+00, v28  }
0xa8: {  	v11 =	vmul.f32 v27, v11;
	v1 =	vadd.f32 v15, v13;
	v13 =	vsub.f32 v12, v25  }
0xa9: {  	v15 =	vmul.f32 $3.183098730e-01, v0;
	v18 =	vadd.f32 $9.999999970e-07, v18;
	v21 =	vsub.f32 v23, v28  }
0xaa: {  	v16 =	vadd.f32 v16, v22;
	v22 =	vmul.f32 $3.183098730e-01, v1;
	v25 =	vmul.f32 v13, v13  }
0xab: {  	v29 =	vadd.s32 $0x80, v7;
	(erf) = vrcp.f32 v18;
	v27 =	vmul.f32 v21, v21  }
0xac: {  	s26 =	simm.s32 $0x2150;
	v31 =	vadd.s32 $0x60, v7;
	v15 =	vadd.f32 $1.258291200e+07, v15;
	v28 =	vmul.f32 $1.860897610e-04, v25  }
0xad: {  	v58 =	vld [tilespmem:s26+$0xFFFFFFF0];
	v17 =	vshll.u32 v17, $0x1F;
	v22 =	vadd.f32 $1.258291200e+07, v22;
	v30 =	vmul.f32 $1.860897610e-04, v27  }
0xae: {  	v17 =	vxor.u32 v2, v17;
	v2 =	vadd.f32 $-1.258291200e+07, v15;
	v18 =	vsub.f32 $8.315964600e-03, v28  }
0xaf: {  	v19 =	vshll.u32 v19, $0x1F;
	v28 =	vadd.f32 $-1.258291200e+07, v22;
	v30 =	vsub.f32 $8.315964600e-03, v30  }
0xb0: {  	v11 =	vxor.u32 v11, v19;
	v29 =	vld.idx.msk [tilespmem:v29+s0+$0x0], $0xffff;
	v2 =	vmul.f32 $3.141592740e+00, v2;
	v18 =	vmul.f32 v18, v25  }
0xb1: {  	v31 =	vld.idx.msk [tilespmem:v31+s0+$0x0], $0xffff;
	v19 =	vmul.f32 $3.141592740e+00, v28;
	v28 =	vadd.s32 $0x70, v7;
	v30 =	vmul.f32 v30, v27  }
0xb2: {  	v24 =	vshll.u32 v24, $0x1F;
	v33 =	vsub.f32 v0, v2;
	v2 =	vld [tilespmem:s26+$0x0];
	v18 =	vadd.f32 $-1.666589080e-01, v18  }
0xb3: {  	v55 =	vmul.f32 v0, v0;
	v34 =	vmul.f32 v1, v1;
	v30 =	vadd.f32 $-1.666589080e-01, v30  }
0xb4: {  	v19 =	vsub.f32 v1, v19;
	v35 =	vmul.f32 v33, v33;
	v18 =	vmul.f32 v18, v25;
	v57 =	vpop (erf)  }
0xb5: {  	v39 =	vld.idx.msk [tilespmem:v58+s0+$0x0], $0xffff;
	v7 =	vadd.s32 $0x90, v7;
	v29 =	vmul.f32 v57, v29;
	v27 =	vmul.f32 v30, v27  }
0xb6: {  	v25 =	vadd.f32 v34, v55;
	v56 =	vmul.f32 v19, v19;
	v28 =	vld.idx.msk [tilespmem:v28+s0+$0x0], $0xffff;
	v18 =	vadd.f32 $9.999994630e-01, v18  }
0xb7: {  	v10 =	vld.idx.msk [tilespmem:v10+s0+$0x0], $0xffff;
	v29 =	vadd.f32 v29, v31;
	v31 =	vadd.s32 $0x30, v2;
	v27 =	vadd.f32 $9.999994630e-01, v27  }
0xb8: {  	s23 =	simm.s32 $0x150;
	v5 =	vld.idx.msk [tilespmem:v5+s0+$0x0], $0xffff;
	v30 =	vshll.u32 v22, $0x1F;
	v36 =	vadd.s32 $0x10, v2;
	v13 =	vmul.f32 v18, v13  }
0xb9: {  	s24 =	simm.s32 $0x1150;
	v22 =	vmul.f32 $1.860897610e-04, v35;
	v37 =	vadd.s32 $0x20, v2;
	v18 =	vld [tilespmem:s23+$0x0];
	v21 =	vmul.f32 v27, v21  }
0xba: {  	v59 =	vadd.s32 $0x50, v2;
	v27 =	vld [tilespmem:s24+$0x0];
	v13 =	vxor.u32 v13, v24;
	v24 =	vshll.u32 v26, $0x1F  }
0xbb: {  	v12 =	vmul.f32 v29, v12;
	v26 =	vld.idx.msk [tilespmem:v2+s0+$0x0], $0xffff;
	v13 =	vmul.f32 v13, v28;
	v21 =	vxor.u32 v21, v24  }
0xbc: {  	v22 =	vsub.f32 $8.315964600e-03, v22;
	v23 =	vmul.f32 v29, v23;
	v31 =	vld.idx.msk [tilespmem:v31+s0+$0x0], $0xffff;
	v21 =	vmul.f32 v21, v28  }
0xbd: {  	v29 =	vadd.s32 $0x40, v2;
	v24 =	vadd.f32 $9.999999970e-07, v25;
	v28 =	vld.idx.msk [tilespmem:v36+s0+$0x0], $0xffff;
	v12 =	vadd.f32 v13, v12  }
0xbe: {  	s21 =	simm.s32 $0x4130;
	v25 =	vmul.f32 $1.860897610e-04, v56;
	v13 =	vmul.f32 v17, v10;
	v17 =	vld.idx.msk [tilespmem:v37+s0+$0x0], $0xffff;
	v21 =	vadd.f32 v21, v23  }
0xbf: {  	s22 =	simm.s32 $0x5130;
	v60 =	vadd.s32 $0x20, v58;
	v38 =	vadd.s32 $0x30, v58;
	v42 =	vmul.f32 v11, v10;
	v7 =	vld.idx.msk [tilespmem:v7+s0+$0x0], $0xffff;
	[tilespmem:s21+$0x0] =	vst v12  }
0xc0: {  	s20 =	simm.s32 $0x3130;
	v20 =	vld.idx.msk [tilespmem:v20+s0+$0x0], $0xffff;
	v22 =	vmul.f32 v22, v35;
	(erf) = vrcp.f32 v24;
	v24 =	vsub.f32 $8.315964600e-03, v25;
	[tilespmem:s22+$0x0] =	vst v21  }
0xc1: {  	v3 =	vmul.f32 v16, v3;
	v23 =	vadd.s32 $0x10, v58;
	v11 =	vmul.f32 v26, v18;
	v25 =	vld [tilespmem:s20+$0x0]  }
0xc2: {  	v22 =	vadd.f32 $-1.666589080e-01, v22;
	v29 =	vld.idx.msk [tilespmem:v29+s0+$0x0], $0xffff;
	v10 =	vmul.f32 v24, v56;
	v26 =	vmul.f32 v28, v27  }
0xc3: {  	v40 =	vadd.s32 $0x80, v58;
	v24 =	vld.idx.msk [tilespmem:v59+s0+$0x0], $0xffff;
	v17 =	vmul.f32 v17, v18;
	v18 =	vmul.f32 v31, v27  }
0xc4: {  	v43 =	vadd.s32 $0x70, v58;
	v3 =	vadd.f32 v42, v3;
	v22 =	vmul.f32 v22, v35;
	v28 =	vld.idx.msk [tilespmem:v60+s0+$0x0], $0xffff  }
0xc5: {  	v21 =	vadd.s32 $0x50, v58;
	v11 =	vadd.f32 v26, v11;
	v17 =	vadd.f32 v18, v17;
	v18 =	vld [tilespmem:s23+$0xFFFFFFF0]  }
0xc6: {  	v4 =	vmul.f32 v16, v4;
	v22 =	vadd.f32 $9.999994630e-01, v22;
	v23 =	vld.idx.msk [tilespmem:v23+s0+$0x0], $0xffff;
	v7 =	vadd.f32 v25, v7  }
0xc7: {  	v12 =	vadd.s32 $0x40, v58;
	v10 =	vadd.f32 $-1.666589080e-01, v10;
	v11 =	vadd.f32 v29, v11;
	v25 =	vld [tilespmem:s24+$0xFFFFFFF0]  }
0xc8: {  	v16 =	vld.idx.msk [tilespmem:v38+s0+$0x0], $0xffff;
	v15 =	vshll.u32 v15, $0x1F;
	v4 =	vadd.f32 v13, v4;
	v22 =	vmul.f32 v22, v33  }
0xc9: {  	v9 =	vld.idx.msk [tilespmem:v9+s0+$0x0], $0xffff;
	v13 =	vmul.f32 v10, v56;
	v10 =	vadd.f32 v24, v17;
	v17 =	vmul.f32 $3.183098730e-01, v11  }
0xca: {  	[tilespmem:s2+$0xFFFFFFF0] =	vst v4;
	v22 =	vxor.u32 v22, v15;
	v4 =	vld.idx.msk [tilespmem:v21+s0+$0x0], $0xffff;
	v27 =	vmul.f32 $5.000000000e-01, v7;
	v21 =	vmul.f32 v39, v18;
	v7 =	vpop (erf)  }
0xcb: {  	v17 =	vadd.f32 $1.258291200e+07, v17;
	v7 =	vmul.f32 v7, v20;
	v20 =	vmul.f32 $3.183098730e-01, v10  }
0xcc: {  	v12 =	vld.idx.msk [tilespmem:v12+s0+$0x0], $0xffff;
	v13 =	vadd.f32 $9.999994630e-01, v13;
	v18 =	vmul.f32 v28, v18;
	v23 =	vmul.f32 v23, v25  }
0xcd: {  	[tilespmem:s25+$0xFFFFFFF0] =	vst v3;
	v24 =	vmul.f32 v16, v25;
	v3 =	vadd.f32 $-1.258291200e+07, v17;
	v16 =	vadd.f32 $1.258291200e+07, v20  }
0xce: {  	v9 =	vadd.f32 v7, v9;
	v7 =	vmul.f32 v13, v19;
	v13 =	vadd.f32 v23, v21  }
0xcf: {  	v15 =	vadd.f32 v24, v18;
	v18 =	vmul.f32 v11, v11;
	v19 =	vadd.f32 $-1.258291200e+07, v16  }
0xd0: {  	v61 =	vadd.s32 $0x80, v2;
	v20 =	vld [tilespmem:s1+$0xFFFFFFF0];
	v3 =	vmul.f32 $3.141592740e+00, v3;
	v21 =	vmul.f32 v10, v10  }
0xd1: {  	v13 =	vadd.f32 v12, v13;
	v12 =	vadd.f32 v4, v15;
	v19 =	vmul.f32 $3.141592740e+00, v19  }
0xd2: {  	v41 =	vadd.s32 $0x60, v58;
	v24 =	vsub.f32 v11, v3;
	v4 =	vadd.f32 v21, v18  }
0xd3: {  	v15 =	vxor.u32 v7, v30;
	v3 =	vmul.f32 $3.183098730e-01, v13;
	v23 =	vsub.f32 v10, v19  }
0xd4: {  	s25 =	simm.s32 $0x6110;
	v18 =	vmul.f32 $3.183098730e-01, v12;
	v26 =	vmul.f32 v24, v24;
	v4 =	vadd.f32 $9.999999970e-07, v4  }
0xd5: {  	s26 =	simm.s32 $0x6130;
	[tilespmem:s25+$0x0] =	vst v14;
	v14 =	vld.idx.msk [tilespmem:v43+s0+$0x0], $0xffff;
	v7 =	vadd.f32 v20, v5;
	v20 =	vadd.f32 $1.258291200e+07, v3;
	v25 =	vmul.f32 v23, v23  }
0xd6: {  	v34 =	vadd.s32 $0x90, v58;
	[tilespmem:s26+$0x0] =	vst v27;
	v27 =	vld.idx.msk [tilespmem:v61+s0+$0x0], $0xffff;
	v19 =	vadd.f32 $1.258291200e+07, v18;
	v18 =	vmul.f32 $1.860897610e-04, v26  }
0xd7: {  	v5 =	vld.idx.msk [tilespmem:v6+s0+$0x0], $0xffff;
	(erf) = vrcp.f32 v4;
	v21 =	vadd.f32 $-1.258291200e+07, v20;
	v28 =	vmul.f32 $1.860897610e-04, v25  }
0xd8: {  	v29 =	vadd.s32 $0x60, v2;
	v6 =	vld.idx.msk [tilespmem:v40+s0+$0x0], $0xffff;
	v31 =	vadd.f32 $-1.258291200e+07, v19;
	v18 =	vsub.f32 $8.315964600e-03, v18  }
0xd9: {  	s29 =	simm.s32 $0x4130;
	v30 =	vmul.f32 v13, v13;
	v3 =	vld.idx.msk [tilespmem:v8+s0+$0x0], $0xffff;
	v62 =	vmul.f32 $3.141592740e+00, v21;
	v63 =	vsub.f32 $8.315964600e-03, v28  }
0xda: {  	s31 =	simm.s32 $0x5130;
	s28 =	simm.s32 $0x6130;
	v8 =	vld.idx.msk [tilespmem:v41+s0+$0x0], $0xffff;
	v21 =	vmul.f32 $3.141592740e+00, v31;
	v31 =	vmul.f32 v18, v26;
	v28 =	vadd.s32 $0x70, v2  }
0xdb: {  	s30 =	simm.s32 $0x3130;
	s2 =	simm.s32 $0x2170;
	s1 =	simm.s32 $0x40;
	v33 =	vmul.f32 v12, v12;
	v4 =	vld.idx.msk [tilespmem:v34+s0+$0x0], $0xffff;
	v18 =	vsub.f32 v13, v62;
	v32 =	vmul.f32 v63, v25  }
.LBB2_2:
0xdc: {  	v34 =	vld [tilespmem:s2+$0x0];
	v20 =	vshll.u32 v20, $0x1F;
	v21 =	vsub.f32 v12, v21;
	v31 =	vadd.f32 $-1.666589080e-01, v31  }
0xdd: {  	v30 =	vadd.f32 v33, v30;
	v33 =	vmul.f32 v18, v18;
	v29 =	vld.idx.msk [tilespmem:v29+s0+$0x0], $0xffff;
	v32 =	vadd.f32 $-1.666589080e-01, v32  }
0xde: {  	v19 =	vshll.u32 v19, $0x1F;
	v35 =	vld [tilespmem:s2+$0xFFFFFFF0];
	v36 =	vmul.f32 v21, v21;
	v26 =	vmul.f32 v31, v26  }
0xdf: {  	s1 =	sadd.s32 $0x20, s1;
	v30 =	vadd.f32 $9.999999970e-07, v30;
	v31 =	vmul.f32 $1.860897610e-04, v33;
	v28 =	vld.idx.msk [tilespmem:v28+s0+$0x0], $0xffff;
	v25 =	vmul.f32 v32, v25  }
0xe0: {  	v22 =	vmul.f32 v22, v5;
	p0 =	slt.u32 s1, $0xFE0;
	v32 =	vmul.f32 $1.860897610e-04, v36;
	v26 =	vadd.f32 $9.999994630e-01, v26;
	v37 =	vpop (erf)  }
0xe1: {  	v38 =	vadd.s32 $0x90, v2;
	v27 =	vmul.f32 v37, v27;
	v25 =	vadd.f32 $9.999994630e-01, v25;
	v2 =	vmovc v34  }
0xe2: {  	s23 =	sadd.s32 $0x20, s23;
	v37 =	vadd.s32 $0x10, v2;
	v39 =	vadd.s32 $0x20, v2;
	v24 =	vmul.f32 v26, v24  }
0xe3: {  	v17 =	vshll.u32 v17, $0x1F;
	s24 =	sadd.s32 $0x20, s24;
	v26 =	vld [tilespmem:s23+$0x0];
	v27 =	vadd.f32 v27, v29;
	v23 =	vmul.f32 v25, v23  }
0xe4: {  	v16 =	vshll.u32 v16, $0x1F;
	v29 =	vadd.s32 $0x30, v2;
	v25 =	vld [tilespmem:s24+$0x0];
	v17 =	vxor.u32 v24, v17  }
0xe5: {  	v24 =	vld.idx.msk [tilespmem:v34+s0+$0x0], $0xffff;
	v11 =	vmul.f32 v27, v11;
	v17 =	vmul.f32 v17, v28;
	v16 =	vxor.u32 v23, v16  }
0xe6: {  	v23 =	vadd.s32 $0x10, v35;
	v10 =	vmul.f32 v27, v10;
	v34 =	vld.idx.msk [tilespmem:v38+s0+$0x0], $0xffff;
	v16 =	vmul.f32 v16, v28  }
0xe7: {  	v27 =	vadd.s32 $0x20, v35;
	v28 =	vld.idx.msk [tilespmem:v37+s0+$0x0], $0xffff;
	v37 =	vadd.s32 $0x40, v2;
	v11 =	vadd.f32 v17, v11  }
0xe8: {  	s21 =	sadd.s32 $0x20, s21;
	v17 =	vadd.s32 $0x30, v35;
	v38 =	vld.idx.msk [tilespmem:v39+s0+$0x0], $0xffff;
	v39 =	vadd.s32 $0x50, v2;
	v10 =	vadd.f32 v16, v10  }
0xe9: {  	s22 =	sadd.s32 $0x20, s22;
	v31 =	vsub.f32 $8.315964600e-03, v31;
	v40 =	vadd.s32 $0x50, v35;
	v16 =	vadd.s32 $0x40, v35;
	v29 =	vld.idx.msk [tilespmem:v29+s0+$0x0], $0xffff;
	[tilespmem:s21+$0x0] =	vst v11  }
0xea: {  	s20 =	sadd.s32 $0x20, s20;
	v42 =	vadd.s32 $0x80, v35;
	v11 =	vsub.f32 $8.315964600e-03, v32;
	v41 =	vld.idx.msk [tilespmem:v35+s0+$0x0], $0xffff;
	[tilespmem:s22+$0x0] =	vst v10;
	(erf) = vrcp.f32 v30  }
0xeb: {  	v32 =	vadd.s32 $0x70, v35;
	v30 =	vadd.s32 $0x60, v35;
	v10 =	vmul.f32 v31, v33;
	v31 =	vld [tilespmem:s20+$0x0]  }
0xec: {  	v15 =	vmul.f32 v15, v5;
	v5 =	vmovc v14;
	v35 =	vadd.s32 $0x90, v35;
	v11 =	vmul.f32 v11, v36;
	v37 =	vld.idx.msk [tilespmem:v37+s0+$0x0], $0xffff  }
0xed: {  	v10 =	vadd.f32 $-1.666589080e-01, v10;
	v14 =	vld.idx.msk [tilespmem:v39+s0+$0x0], $0xffff;
	v39 =	vmul.f32 v9, v0;
	v9 =	vmul.f32 v9, v1;
	v0 =	vmovc v13  }
0xee: {  	v11 =	vadd.f32 $-1.666589080e-01, v11;
	v1 =	vmovc v12;
	v13 =	vld.idx.msk [tilespmem:v23+s0+$0x0], $0xffff;
	v23 =	vmul.f32 v24, v26;
	v24 =	vmul.f32 v28, v25  }
0xef: {  	v26 =	vmul.f32 v38, v26;
	v25 =	vmul.f32 v29, v25;
	v12 =	vld.idx.msk [tilespmem:v27+s0+$0x0], $0xffff;
	v22 =	vadd.f32 v22, v39  }
0xf0: {  	v10 =	vmul.f32 v10, v33;
	v17 =	vld.idx.msk [tilespmem:v17+s0+$0x0], $0xffff;
	v23 =	vadd.f32 v24, v23;
	v24 =	vadd.f32 v31, v34  }
0xf1: {  	v9 =	vadd.f32 v15, v9;
	v25 =	vadd.f32 v25, v26;
	v26 =	vmul.f32 v11, v36;
	v27 =	vld [tilespmem:s24+$0xFFFFFFF0];
	[tilespmem:s29+$0xFFFFFFF0] =	vst v22;
	s29 =	smov.u32 s21  }
0xf2: {  	v22 =	vadd.f32 $9.999994630e-01, v10;
	v15 =	vld [tilespmem:s23+$0xFFFFFFF0];
	v11 =	vadd.f32 v37, v23;
	v23 =	vmul.f32 $5.000000000e-01, v24  }
0xf3: {  	s26 =	sadd.s32 $0x20, s26;
	v7 =	vmul.f32 $5.000000000e-01, v7;
	v10 =	vadd.f32 v14, v25;
	v25 =	vadd.f32 $9.999994630e-01, v26;
	v24 =	vld.idx.msk [tilespmem:v16+s0+$0x0], $0xffff;
	v14 =	vpop (erf);
	[tilespmem:s31+$0xFFFFFFF0] =	vst v9;
	s31 =	smov.u32 s22  }
0xf4: {  	v26 =	vld.idx.msk [tilespmem:v40+s0+$0x0], $0xffff;
	v9 =	vmul.f32 $3.183098730e-01, v11;
	v28 =	vmul.f32 v14, v6;
	[tilespmem:s26+$0x0] =	vst v23  }
0xf5: {  	v18 =	vmul.f32 v22, v18;
	v16 =	vmul.f32 $3.183098730e-01, v10;
	v6 =	vld.idx.msk [tilespmem:v42+s0+$0x0], $0xffff;
	[tilespmem:s25+$0xFFFFFFF0] =	vst v7;
	s25 =	smov.u32 s28;
	s28 =	smov.u32 s26  }
0xf6: {  	v7 =	vld.idx.msk [tilespmem:v30+s0+$0x0], $0xffff;
	v13 =	vmul.f32 v13, v27;
	v23 =	vmul.f32 v17, v27;
	v17 =	vadd.f32 $1.258291200e+07, v9  }
0xf7: {  	v16 =	vadd.f32 $1.258291200e+07, v16;
	v14 =	vld.idx.msk [tilespmem:v32+s0+$0x0], $0xffff;
	v22 =	vmul.f32 v41, v15;
	v12 =	vmul.f32 v12, v15  }
0xf8: {  	v9 =	vadd.f32 v28, v8;
	v8 =	vmul.f32 v25, v21;
	v27 =	vld.idx.msk [tilespmem:v35+s0+$0x0], $0xffff;
	v15 =	vadd.f32 $-1.258291200e+07, v17  }
0xf9: {  	v21 =	vadd.f32 $-1.258291200e+07, v16;
	v13 =	vadd.f32 v13, v22;
	v22 =	vxor.u32 v18, v20;
	v18 =	vld [tilespmem:s30+$0xFFFFFFF0];
	s30 =	smov.u32 s20  }
0xfa: {  	v12 =	vadd.f32 v23, v12;
	v20 =	vmul.f32 v11, v11;
	v15 =	vmul.f32 $3.141592740e+00, v15  }
0xfb: {  	v23 =	vmul.f32 v10, v10;
	v21 =	vmul.f32 $3.141592740e+00, v21;
	v13 =	vadd.f32 v24, v13  }
0xfc: {  	v12 =	vadd.f32 v26, v12;
	v24 =	vsub.f32 v11, v15;
	v15 =	vxor.u32 v8, v19;
	v8 =	vmovc v7  }
0xfd: {  	v25 =	vadd.f32 v23, v20;
	v23 =	vsub.f32 v10, v21;
	v19 =	vmul.f32 $3.183098730e-01, v13  }
0xfe: {  	v21 =	vmul.f32 $3.183098730e-01, v12;
	v26 =	vmul.f32 v24, v24;
	v7 =	vadd.f32 v18, v3;
	v3 =	vmovc v4;
	v4 =	vmovc v27  }
0xff: {  	v18 =	vadd.f32 $9.999999970e-07, v25;
	v25 =	vmul.f32 v23, v23;
	v20 =	vadd.f32 $1.258291200e+07, v19  }
0x100: {  	v27 =	vadd.s32 $0x80, v2;
	v19 =	vadd.f32 $1.258291200e+07, v21;
	v21 =	vmul.f32 $1.860897610e-04, v26  }
.Ltmp0:
0x101: {  	v31 =	vmul.f32 $1.860897610e-04, v25;
	v28 =	vadd.f32 $-1.258291200e+07, v20;
	(erf) = vrcp.f32 v18;
	(pc) =	sbr.rel @p0 .LBB2_2-.Ltmp0, $4  }
0x102: {  	v29 =	vadd.s32 $0x60, v2;
	v18 =	vadd.f32 $-1.258291200e+07, v19;
	v32 =	vsub.f32 $8.315964600e-03, v21  }
0x103: {  	v30 =	vmul.f32 v13, v13;
	v35 =	vsub.f32 $8.315964600e-03, v31;
	v34 =	vmul.f32 $3.141592740e+00, v28  }
0x104: {  	v21 =	vmul.f32 $3.141592740e+00, v18;
	v28 =	vadd.s32 $0x70, v2;
	v31 =	vmul.f32 v32, v26  }
0x105: {  	s2 =	sadd.s32 $0x20, s2;
	v33 =	vmul.f32 v12, v12;
	v32 =	vmul.f32 v35, v25;
	v18 =	vsub.f32 v13, v34;
	v27 =	vld.idx.msk [tilespmem:v27+s0+$0x0], $0xffff  }
0x106: {  	_ = 	snop  }
0x107: {  	v31 =	vadd.f32 $-1.666589080e-01, v31;
	v49 =	vmul.f32 v18, v18  }
0x108: {  	v30 =	vadd.f32 v33, v30  }
0x109: {  	v21 =	vsub.f32 v12, v21;
	v26 =	vmul.f32 v31, v26;
	v31 =	vmul.f32 $1.860897610e-04, v49  }
0x10a: {  	v30 =	vadd.f32 $9.999999970e-07, v30  }
0x10b: {  	v29 =	vld.idx.msk [tilespmem:v29+s0+$0x0], $0xffff;
	v32 =	vadd.f32 $-1.666589080e-01, v32;
	v34 =	vmul.f32 v21, v21  }
0x10c: {  	(erf) = vrcp.f32 v30;
	v30 =	vsub.f32 $8.315964600e-03, v31  }
0x10d: {  	v25 =	vmul.f32 v32, v25;
	v35 =	vmul.f32 $1.860897610e-04, v34;
	v31 =	vpop (erf)  }
0x10e: {  	v26 =	vadd.f32 $9.999994630e-01, v26;
	v30 =	vmul.f32 v30, v49;
	v27 =	vmul.f32 v31, v27  }
0x10f: {  	v28 =	vld.idx.msk [tilespmem:v28+s0+$0x0], $0xffff;
	v25 =	vadd.f32 $9.999994630e-01, v25;
	v50 =	vsub.f32 $8.315964600e-03, v35  }
0x110: {  	v20 =	vshll.u32 v20, $0x1F;
	v27 =	vadd.f32 v27, v29;
	v29 =	vadd.f32 $-1.666589080e-01, v30  }
0x111: {  	v19 =	vshll.u32 v19, $0x1F;
	v24 =	vmul.f32 v26, v24;
	v26 =	vmul.f32 v50, v34  }
0x112: {  	v17 =	vshll.u32 v17, $0x1F;
	v23 =	vmul.f32 v25, v23;
	v25 =	vmul.f32 v29, v49  }
0x113: {  	v22 =	vmul.f32 v22, v5;
	v17 =	vxor.u32 v24, v17;
	v24 =	vadd.f32 $-1.666589080e-01, v26  }
0x114: {  	v2 =	vadd.s32 $0x90, v2;
	v16 =	vshll.u32 v16, $0x1F;
	v17 =	vmul.f32 v17, v28  }
0x115: {  	v16 =	vxor.u32 v23, v16;
	v11 =	vmul.f32 v27, v11;
	v23 =	vmul.f32 v24, v34  }
0x116: {  	v16 =	vmul.f32 v16, v28;
	v10 =	vmul.f32 v27, v10;
	v24 =	vadd.f32 $9.999994630e-01, v25;
	v25 =	vpop (erf)  }
0x117: {  	v11 =	vadd.f32 v17, v11;
	v17 =	vadd.f32 $9.999994630e-01, v23;
	v6 =	vmul.f32 v25, v6  }
0x118: {  	v0 =	vmul.f32 v9, v0;
	v10 =	vadd.f32 v16, v10;
	v16 =	vmul.f32 v24, v18  }
0x119: {  	v5 =	vmul.f32 v15, v5;
	v6 =	vadd.f32 v6, v8;
	v8 =	vmul.f32 v17, v21  }
0x11a: {  	s1 =	sadd.s32 $0x20, s21;
	v1 =	vmul.f32 v9, v1;
	v0 =	vadd.f32 v22, v0;
	v2 =	vld.idx.msk [tilespmem:v2+s0+$0x0], $0xffff;
	v9 =	vxor.u32 v16, v20  }
0x11b: {  	[tilespmem:s1+$0x0] =	vst v11;
	v9 =	vmul.f32 v9, v14;
	v8 =	vxor.u32 v8, v19;
	v11 =	vmul.f32 v6, v13  }
0x11c: {  	s2 =	sadd.s32 $0x20, s22;
	v1 =	vadd.f32 v5, v1;
	[tilespmem:s29+$0xFFFFFFF0] =	vst v0;
	v6 =	vmul.f32 v6, v12;
	v5 =	vmul.f32 v8, v14  }
0x11d: {  	s20 =	sadd.s32 $0x20, s20;
	[tilespmem:s2+$0x0] =	vst v10;
	v0 =	vadd.f32 v9, v11  }
0x11e: {  	[tilespmem:s31+$0xFFFFFFF0] =	vst v1;
	v8 =	vld [tilespmem:s20+$0x0];
	v1 =	vadd.f32 v5, v6  }
0x11f: {  	[tilespmem:s1+$0xFFFFFFF0] =	vst v0  }
0x120: {  	v0 =	vld [tilespmem:s30+$0xFFFFFFF0];
	[tilespmem:s2+$0xFFFFFFF0] =	vst v1  }
0x121: {  	v1 =	vld [tilespmem:s20+$0xFFFFFFF0];
	_ =	sdelay $0x1  }
0x122: {  	v2 =	vadd.f32 v8, v2;
	_ =	sdelay $0x1  }
0x123: {  	v2 =	vmul.f32 $5.000000000e-01, v2;
	v0 =	vadd.f32 v0, v3  }
0x124: {  	s26 =	sadd.s32 $0x20, s26;
	v3 =	vmul.f32 $5.000000000e-01, v7;
	v1 =	vadd.f32 v1, v4  }
0x125: {  	[tilespmem:s26+$0x0] =	vst v2;
	v0 =	vmul.f32 $5.000000000e-01, v0  }
0x126: {  	[tilespmem:s25+$0xFFFFFFF0] =	vst v3;
	v1 =	vmul.f32 $5.000000000e-01, v1  }
0x127: {  	[tilespmem:s28+$0xFFFFFFF0] =	vst v0  }
0x128: {  	[tilespmem:s26+$0xFFFFFFF0] =	vst v1  }
0x129: {  	s1 =	sld [smem:$0x7E4];
	_ =	sdelay $0x1  }
0x12a: {  	s2 =	sld [smem:$0x7E5]  }
0x12b: {  	[hbm4b:s1+s0] =	stream.linear.scatter [tilespmem:s10], [sflag:$0x3], $0x1000, $0x38;
	[tilespmem:$0xE100] =	vst v63  }
0x12c: {  	s20 =	sld [smem:$0x7E6]  }
0x12d: {  	[hbm4b:s2+s0] =	stream.linear.scatter [tilespmem:s11], [sflag:$0x3], $0x1000, $0x38;
	[tilespmem:$0xE100] =	vst v63  }
0x12e: {  	_ = 	snop  }
0x12f: {  	[hbm4b:s20+s0] =	stream.linear.scatter [tilespmem:s12], [sflag:$0x3], $0x1000, $0x38;
	[tilespmem:$0xE100] =	vst v63  }
0x130: {  	s22 =	simm.s32 $0x100;
	s21 =	rddreg [dreg:$0x8]  }
0x131: {  	[tilespmem:s22], [sflag:$0x1] =	stream.linear.gather [hbm4b:s21+s0], $0x1000, $0x38;
	[tilespmem:$0xE100] =	vst v63  }
0x132: {  	s24 =	simm.s32 $0x1100;
	s23 =	rddreg [dreg:$0x9]  }
0x133: {  	[tilespmem:s24], [sflag:$0x1] =	stream.linear.gather [hbm4b:s23+s0], $0x1000, $0x38;
	[tilespmem:$0xE100] =	vst v63  }
0x134: {  	s25 =	rddreg [dreg:$0xa]  }
0x135: {  	[tilespmem:s3], [sflag:$0x1] =	stream.linear.gather [hbm4b:s25+s0], $0x1000, $0x38;
	[tilespmem:$0xE100] =	vst v63  }
0x136: {  	s26 =	rddreg [dreg:$0xb]  }
0x137: {  	[tilespmem:s4], [sflag:$0x1] =	stream.linear.gather [hbm4b:s26+s0], $0x1000, $0x38;
	[tilespmem:$0xE100] =	vst v63  }
0x138: {  	_ =	swait.ge [sflag:s13], $0x1000  }
0x139: {  	[sflag:s13] =	ssyncset.done $0x0  }
0x13a: {  	[sflag:s13] =	ssyncadd.s32 $0xFFFFF000  }
0x13b: {  	_ =	swait.ge [sflag:s13], $0x1000  }
0x13c: {  	[sflag:s13] =	ssyncset.done $0x0  }
0x13d: {  	[sflag:s13] =	ssyncadd.s32 $0xFFFFF000  }
0x13e: {  	_ =	swait.ge [sflag:s13], $0x1000  }
0x13f: {  	[sflag:s13] =	ssyncset.done $0x0  }
0x140: {  	[sflag:s13] =	ssyncadd.s32 $0xFFFFF000  }
0x141: {  	_ =	swait.ge [sflag:s13], $0x1000  }
0x142: {  	[sflag:s13] =	ssyncset.done $0x0  }
0x143: {  	s2 =	simm.s32 $0x9110;
	[sflag:s13] =	ssyncadd.s32 $0xFFFFF000  }
0x144: {  	v1 =	vld [tilespmem:s2+$0x0];
	_ =	sdelay $0x4  }
0x145: {  	v2 =	vadd.s32 $0x10, v1  }
0x146: {  	s20 =	simm.s32 $0x7110;
	v0 =	vld [tilespmem:s2+$0xFFFFFFF0];
	v3 =	vadd.s32 $0x20, v1  }
0x147: {  	s21 =	simm.s32 $0x8110;
	v4 =	vld [tilespmem:s20+$0x0];
	v5 =	vadd.s32 $0x30, v1  }
0x148: {  	v6 =	vld [tilespmem:s21+$0x0]  }
0x149: {  	v7 =	vld.idx.msk [tilespmem:v1+s0+$0x0], $0xffff  }
0x14a: {  	v8 =	vadd.s32 $0x40, v1;
	v2 =	vld.idx.msk [tilespmem:v2+s0+$0x0], $0xffff  }
0x14b: {  	v9 =	vadd.s32 $0x50, v1;
	v3 =	vld.idx.msk [tilespmem:v3+s0+$0x0], $0xffff  }
0x14c: {  	v5 =	vld.idx.msk [tilespmem:v5+s0+$0x0], $0xffff;
	_ =	sdelay $0x1  }
0x14d: {  	v10 =	vadd.s32 $0x10, v0  }
0x14e: {  	v8 =	vld.idx.msk [tilespmem:v8+s0+$0x0], $0xffff  }
0x14f: {  	v9 =	vld.idx.msk [tilespmem:v9+s0+$0x0], $0xffff;
	v7 =	vmul.f32 v7, v4;
	v2 =	vmul.f32 v2, v6  }
0x150: {  	v11 =	vadd.s32 $0x30, v0;
	v3 =	vmul.f32 v3, v4;
	v4 =	vmul.f32 v5, v6  }
0x151: {  	v5 =	vld.idx.msk [tilespmem:v0+s0+$0x0], $0xffff  }
0x152: {  	v6 =	vld.idx.msk [tilespmem:v10+s0+$0x0], $0xffff;
	v2 =	vadd.f32 v2, v7;
	v3 =	vadd.f32 v4, v3  }
0x153: {  	v10 =	vld [tilespmem:s20+$0xFFFFFFF0];
	v4 =	vadd.s32 $0x20, v0  }
0x154: {  	v2 =	vadd.f32 v8, v2;
	v8 =	vld [tilespmem:s21+$0xFFFFFFF0];
	v9 =	vadd.f32 v9, v3  }
0x155: {  	v7 =	vld.idx.msk [tilespmem:v11+s0+$0x0], $0xffff;
	v3 =	vadd.s32 $0x40, v0  }
0x156: {  	v11 =	vmul.f32 $3.183098730e-01, v2;
	v12 =	vmul.f32 $3.183098730e-01, v9  }
0x157: {  	v13 =	vadd.s32 $0x50, v0  }
0x158: {  	v4 =	vld.idx.msk [tilespmem:v4+s0+$0x0], $0xffff;
	v11 =	vadd.f32 $1.258291200e+07, v11;
	v12 =	vadd.f32 $1.258291200e+07, v12  }
0x159: {  	v5 =	vmul.f32 v5, v10;
	v6 =	vmul.f32 v6, v8  }
0x15a: {  	v3 =	vld.idx.msk [tilespmem:v3+s0+$0x0], $0xffff;
	v7 =	vmul.f32 v7, v8;
	v14 =	vadd.f32 $-1.258291200e+07, v11;
	v8 =	vadd.f32 $-1.258291200e+07, v12  }
0x15b: {  	v15 =	vmul.f32 v2, v2;
	v16 =	vmul.f32 v9, v9  }
0x15c: {  	v13 =	vld.idx.msk [tilespmem:v13+s0+$0x0], $0xffff;
	v14 =	vmul.f32 $3.141592740e+00, v14;
	v8 =	vmul.f32 $3.141592740e+00, v8  }
0x15d: {  	v5 =	vadd.f32 v6, v5;
	v4 =	vmul.f32 v4, v10;
	v10 =	vadd.f32 v16, v15  }
0x15e: {  	v6 =	vsub.f32 v2, v14;
	v8 =	vsub.f32 v9, v8  }
0x15f: {  	v7 =	vadd.f32 v7, v4;
	v4 =	vadd.f32 v3, v5  }
0x160: {  	v10 =	vadd.f32 $9.999999970e-07, v10;
	v5 =	vmul.f32 v6, v6  }
0x161: {  	v14 =	vmul.f32 v8, v8;
	v3 =	vadd.f32 v13, v7;
	v7 =	vmul.f32 $3.183098730e-01, v4  }
0x162: {  	v15 =	vadd.s32 $0x80, v1;
	(erf) = vrcp.f32 v10;
	v13 =	vmul.f32 $1.860897610e-04, v5  }
0x163: {  	v16 =	vmul.f32 $1.860897610e-04, v14  }
0x164: {  	v17 =	vadd.f32 $1.258291200e+07, v7;
	v7 =	vsub.f32 $8.315964600e-03, v13;
	v13 =	vadd.s32 $0x60, v1  }
0x165: {  	v10 =	vmul.f32 $3.183098730e-01, v3;
	v16 =	vsub.f32 $8.315964600e-03, v16  }
0x166: {  	v20 =	vadd.s32 $0x70, v1;
	v22 =	vadd.s32 $0x60, v0;
	v7 =	vmul.f32 v7, v5  }
0x167: {  	s22 =	simm.s32 $0x9130;
	v15 =	vld.idx.msk [tilespmem:v15+s0+$0x0], $0xffff;
	v18 =	vadd.f32 $-1.258291200e+07, v17;
	v19 =	vadd.f32 $1.258291200e+07, v10;
	v10 =	vmul.f32 v16, v14  }
0x168: {  	v11 =	vshll.u32 v11, $0x1F;
	v25 =	vmul.f32 v4, v4;
	v21 =	vadd.f32 $-1.666589080e-01, v7;
	v7 =	vld [tilespmem:s22+$0x0]  }
0x169: {  	v1 =	vadd.s32 $0x90, v1;
	v18 =	vmul.f32 $3.141592740e+00, v18;
	v24 =	vadd.f32 $-1.666589080e-01, v10;
	v13 =	vld.idx.msk [tilespmem:v13+s0+$0x0], $0xffff  }
0x16a: {  	v16 =	vadd.s32 $0x80, v0;
	v23 =	vadd.f32 $-1.258291200e+07, v19;
	v5 =	vmul.f32 v21, v5  }
0x16b: {  	v20 =	vld.idx.msk [tilespmem:v20+s0+$0x0], $0xffff;
	v18 =	vsub.f32 v4, v18;
	v10 =	vadd.s32 $0x70, v0;
	v26 =	vpop (erf);
	v14 =	vmul.f32 v24, v14  }
0x16c: {  	s23 =	simm.s32 $0x7130;
	v21 =	vmul.f32 $3.141592740e+00, v23;
	v15 =	vmul.f32 v26, v15;
	v26 =	vld [tilespmem:s22+$0xFFFFFFF0];
	v5 =	vadd.f32 $9.999994630e-01, v5  }
0x16d: {  	v51 =	vld [tilespmem:s23+$0xFFFFFFF0];
	v23 =	vmul.f32 v3, v3;
	v14 =	vadd.f32 $9.999994630e-01, v14;
	v27 =	vadd.s32 $0x10, v7  }
0x16e: {  	v1 =	vld.idx.msk [tilespmem:v1+s0+$0x0], $0xffff;
	v28 =	vadd.s32 $0x20, v7;
	v5 =	vmul.f32 v5, v6;
	v13 =	vadd.f32 v15, v13  }
0x16f: {  	s24 =	simm.s32 $0x8130;
	v24 =	vmul.f32 v18, v18;
	v6 =	vld [tilespmem:s23+$0x0];
	v8 =	vmul.f32 v14, v8;
	v15 =	vadd.s32 $0x30, v7  }
0x170: {  	v14 =	vld [tilespmem:s24+$0x0];
	v5 =	vxor.u32 v5, v11;
	v11 =	vshll.u32 v12, $0x1F;
	v2 =	vmul.f32 v13, v2  }
0x171: {  	v12 =	vld.idx.msk [tilespmem:v7+s0+$0x0], $0xffff;
	v9 =	vmul.f32 v13, v9;
	v5 =	vmul.f32 v5, v20;
	v8 =	vxor.u32 v8, v11  }
0x172: {  	v11 =	vsub.f32 v3, v21;
	v21 =	vadd.s32 $0x40, v7;
	v8 =	vmul.f32 v8, v20;
	v20 =	vld.idx.msk [tilespmem:v27+s0+$0x0], $0xffff  }
0x173: {  	v13 =	vadd.f32 v23, v25;
	v25 =	vld.idx.msk [tilespmem:v28+s0+$0x0], $0xffff;
	v27 =	vadd.s32 $0x50, v7;
	v2 =	vadd.f32 v5, v2  }
0x174: {  	s2 =	simm.s32 $0xB110;
	v23 =	vmul.f32 $1.860897610e-04, v24;
	v28 =	vld.idx.msk [tilespmem:v26+s0+$0x0], $0xffff;
	v5 =	vadd.s32 $0x90, v0;
	v0 =	vmul.f32 v11, v11  }
0x175: {  	v15 =	vld.idx.msk [tilespmem:v15+s0+$0x0], $0xffff;
	v8 =	vadd.f32 v8, v9;
	v9 =	vadd.s32 $0x10, v26;
	[tilespmem:s2+$0x0] =	vst v2;
	v2 =	vadd.f32 $9.999999970e-07, v13  }
0x176: {  	s25 =	simm.s32 $0xC110;
	v30 =	vadd.s32 $0x30, v26;
	v23 =	vsub.f32 $8.315964600e-03, v23;
	v12 =	vmul.f32 v12, v6  }
0x177: {  	v13 =	vadd.s32 $0x20, v26;
	[tilespmem:s25+$0x0] =	vst v8;
	v8 =	vmul.f32 $1.860897610e-04, v0;
	v21 =	vld.idx.msk [tilespmem:v21+s0+$0x0], $0xffff;
	(erf) = vrcp.f32 v2  }
0x178: {  	s1 =	simm.s32 $0xA110;
	v2 =	vmul.f32 v23, v24;
	v23 =	vld.idx.msk [tilespmem:v27+s0+$0x0], $0xffff;
	v20 =	vmul.f32 v20, v14;
	v27 =	vadd.s32 $0x40, v26  }
0x179: {  	v29 =	vld [tilespmem:s1+$0x0];
	v6 =	vmul.f32 v25, v6;
	v28 =	vmul.f32 v28, v51;
	v8 =	vsub.f32 $8.315964600e-03, v8  }
0x17a: {  	v31 =	vld.idx.msk [tilespmem:v9+s0+$0x0], $0xffff;
	v9 =	vmul.f32 v15, v14;
	v15 =	vadd.s32 $0x50, v26;
	v12 =	vadd.f32 v20, v12  }
0x17b: {  	v25 =	vld [tilespmem:s24+$0xFFFFFFF0];
	v20 =	vadd.s32 $0x80, v26;
	v2 =	vadd.f32 $-1.666589080e-01, v2;
	v8 =	vmul.f32 v8, v0  }
0x17c: {  	v13 =	vld.idx.msk [tilespmem:v13+s0+$0x0], $0xffff;
	v14 =	vadd.f32 v9, v6;
	v9 =	vadd.s32 $0x60, v26;
	v12 =	vadd.f32 v21, v12  }
0x17d: {  	v6 =	vadd.s32 $0x70, v26;
	v21 =	vld.idx.msk [tilespmem:v30+s0+$0x0], $0xffff;
	v2 =	vmul.f32 v2, v24;
	v8 =	vadd.f32 $-1.666589080e-01, v8  }
0x17e: {  	v16 =	vld.idx.msk [tilespmem:v16+s0+$0x0], $0xffff;
	v1 =	vadd.f32 v29, v1;
	v23 =	vadd.f32 v23, v14;
	v24 =	vmul.f32 $3.183098730e-01, v12  }
0x17f: {  	v2 =	vadd.f32 $9.999994630e-01, v2;
	v0 =	vmul.f32 v8, v0;
	v8 =	vadd.s32 $0x90, v26  }
0x180: {  	v14 =	vmul.f32 $5.000000000e-01, v1;
	v26 =	vmul.f32 $3.183098730e-01, v23;
	v24 =	vadd.f32 $1.258291200e+07, v24  }
0x181: {  	v1 =	vld.idx.msk [tilespmem:v27+s0+$0x0], $0xffff;
	v13 =	vmul.f32 v13, v51;
	v27 =	vadd.f32 $9.999994630e-01, v0;
	v0 =	vmul.f32 v31, v25  }
0x182: {  	v15 =	vld.idx.msk [tilespmem:v15+s0+$0x0], $0xffff;
	v29 =	vpop (erf);
	v21 =	vmul.f32 v21, v25;
	v26 =	vadd.f32 $1.258291200e+07, v26;
	v25 =	vadd.f32 $-1.258291200e+07, v24  }
0x183: {  	v16 =	vmul.f32 v29, v16;
	v29 =	vmul.f32 v23, v23;
	v0 =	vadd.f32 v0, v28  }
0x184: {  	v22 =	vld.idx.msk [tilespmem:v22+s0+$0x0], $0xffff;
	v13 =	vadd.f32 v21, v13;
	v21 =	vmul.f32 v12, v12;
	v28 =	vadd.f32 $-1.258291200e+07, v26  }
0x185: {  	v2 =	vmul.f32 v2, v18;
	v25 =	vmul.f32 $3.141592740e+00, v25  }
0x186: {  	v0 =	vadd.f32 v1, v0;
	v18 =	vadd.f32 v29, v21;
	v28 =	vmul.f32 $3.141592740e+00, v28  }
0x187: {  	v11 =	vmul.f32 v27, v11;
	v1 =	vadd.f32 v15, v13;
	v13 =	vsub.f32 v12, v25  }
0x188: {  	v15 =	vmul.f32 $3.183098730e-01, v0;
	v18 =	vadd.f32 $9.999999970e-07, v18;
	v21 =	vsub.f32 v23, v28  }
0x189: {  	v16 =	vadd.f32 v16, v22;
	v22 =	vmul.f32 $3.183098730e-01, v1;
	v25 =	vmul.f32 v13, v13  }
0x18a: {  	v29 =	vadd.s32 $0x80, v7;
	(erf) = vrcp.f32 v18;
	v27 =	vmul.f32 v21, v21  }
0x18b: {  	s26 =	simm.s32 $0x9150;
	v31 =	vadd.s32 $0x60, v7;
	v15 =	vadd.f32 $1.258291200e+07, v15;
	v28 =	vmul.f32 $1.860897610e-04, v25  }
0x18c: {  	v58 =	vld [tilespmem:s26+$0xFFFFFFF0];
	v17 =	vshll.u32 v17, $0x1F;
	v22 =	vadd.f32 $1.258291200e+07, v22;
	v30 =	vmul.f32 $1.860897610e-04, v27  }
0x18d: {  	v17 =	vxor.u32 v2, v17;
	v2 =	vadd.f32 $-1.258291200e+07, v15;
	v18 =	vsub.f32 $8.315964600e-03, v28  }
0x18e: {  	v19 =	vshll.u32 v19, $0x1F;
	v28 =	vadd.f32 $-1.258291200e+07, v22;
	v30 =	vsub.f32 $8.315964600e-03, v30  }
0x18f: {  	v11 =	vxor.u32 v11, v19;
	v29 =	vld.idx.msk [tilespmem:v29+s0+$0x0], $0xffff;
	v2 =	vmul.f32 $3.141592740e+00, v2;
	v18 =	vmul.f32 v18, v25  }
0x190: {  	v31 =	vld.idx.msk [tilespmem:v31+s0+$0x0], $0xffff;
	v19 =	vmul.f32 $3.141592740e+00, v28;
	v28 =	vadd.s32 $0x70, v7;
	v30 =	vmul.f32 v30, v27  }
0x191: {  	v24 =	vshll.u32 v24, $0x1F;
	v53 =	vsub.f32 v0, v2;
	v2 =	vld [tilespmem:s26+$0x0];
	v18 =	vadd.f32 $-1.666589080e-01, v18  }
0x192: {  	v52 =	vmul.f32 v0, v0;
	v54 =	vmul.f32 v1, v1;
	v30 =	vadd.f32 $-1.666589080e-01, v30  }
0x193: {  	v19 =	vsub.f32 v1, v19;
	v55 =	vmul.f32 v53, v53;
	v18 =	vmul.f32 v18, v25;
	v57 =	vpop (erf)  }
0x194: {  	v39 =	vld.idx.msk [tilespmem:v58+s0+$0x0], $0xffff;
	v7 =	vadd.s32 $0x90, v7;
	v29 =	vmul.f32 v57, v29;
	v27 =	vmul.f32 v30, v27  }
0x195: {  	v25 =	vadd.f32 v54, v52;
	v56 =	vmul.f32 v19, v19;
	v28 =	vld.idx.msk [tilespmem:v28+s0+$0x0], $0xffff;
	v18 =	vadd.f32 $9.999994630e-01, v18  }
0x196: {  	v10 =	vld.idx.msk [tilespmem:v10+s0+$0x0], $0xffff;
	v29 =	vadd.f32 v29, v31;
	v31 =	vadd.s32 $0x30, v2;
	v27 =	vadd.f32 $9.999994630e-01, v27  }
0x197: {  	s23 =	simm.s32 $0x7150;
	v5 =	vld.idx.msk [tilespmem:v5+s0+$0x0], $0xffff;
	v30 =	vshll.u32 v22, $0x1F;
	v36 =	vadd.s32 $0x10, v2;
	v13 =	vmul.f32 v18, v13  }
0x198: {  	s24 =	simm.s32 $0x8150;
	v22 =	vmul.f32 $1.860897610e-04, v55;
	v37 =	vadd.s32 $0x20, v2;
	v18 =	vld [tilespmem:s23+$0x0];
	v21 =	vmul.f32 v27, v21  }
0x199: {  	v59 =	vadd.s32 $0x50, v2;
	v27 =	vld [tilespmem:s24+$0x0];
	v13 =	vxor.u32 v13, v24;
	v24 =	vshll.u32 v26, $0x1F  }
0x19a: {  	v12 =	vmul.f32 v29, v12;
	v26 =	vld.idx.msk [tilespmem:v2+s0+$0x0], $0xffff;
	v13 =	vmul.f32 v13, v28;
	v21 =	vxor.u32 v21, v24  }
0x19b: {  	v22 =	vsub.f32 $8.315964600e-03, v22;
	v23 =	vmul.f32 v29, v23;
	v31 =	vld.idx.msk [tilespmem:v31+s0+$0x0], $0xffff;
	v21 =	vmul.f32 v21, v28  }
0x19c: {  	v29 =	vadd.s32 $0x40, v2;
	v24 =	vadd.f32 $9.999999970e-07, v25;
	v28 =	vld.idx.msk [tilespmem:v36+s0+$0x0], $0xffff;
	v12 =	vadd.f32 v13, v12  }
0x19d: {  	s21 =	simm.s32 $0xB130;
	v25 =	vmul.f32 $1.860897610e-04, v56;
	v13 =	vmul.f32 v17, v10;
	v17 =	vld.idx.msk [tilespmem:v37+s0+$0x0], $0xffff;
	v21 =	vadd.f32 v21, v23  }
0x19e: {  	v60 =	vadd.s32 $0x20, v58;
	v38 =	vadd.s32 $0x30, v58;
	s22 =	simm.s32 $0xC130;
	v42 =	vmul.f32 v11, v10;
	v7 =	vld.idx.msk [tilespmem:v7+s0+$0x0], $0xffff;
	[tilespmem:s21+$0x0] =	vst v12  }
0x19f: {  	s20 =	simm.s32 $0xA130;
	v20 =	vld.idx.msk [tilespmem:v20+s0+$0x0], $0xffff;
	v22 =	vmul.f32 v22, v55;
	(erf) = vrcp.f32 v24;
	v24 =	vsub.f32 $8.315964600e-03, v25;
	[tilespmem:s22+$0x0] =	vst v21  }
0x1a0: {  	v3 =	vmul.f32 v16, v3;
	v23 =	vadd.s32 $0x10, v58;
	v11 =	vmul.f32 v26, v18;
	v25 =	vld [tilespmem:s20+$0x0]  }
0x1a1: {  	v22 =	vadd.f32 $-1.666589080e-01, v22;
	v29 =	vld.idx.msk [tilespmem:v29+s0+$0x0], $0xffff;
	v10 =	vmul.f32 v24, v56;
	v26 =	vmul.f32 v28, v27  }
0x1a2: {  	v40 =	vadd.s32 $0x80, v58;
	v24 =	vld.idx.msk [tilespmem:v59+s0+$0x0], $0xffff;
	v17 =	vmul.f32 v17, v18;
	v18 =	vmul.f32 v31, v27  }
0x1a3: {  	v43 =	vadd.s32 $0x70, v58;
	v3 =	vadd.f32 v42, v3;
	v22 =	vmul.f32 v22, v55;
	v28 =	vld.idx.msk [tilespmem:v60+s0+$0x0], $0xffff  }
0x1a4: {  	v21 =	vadd.s32 $0x50, v58;
	v11 =	vadd.f32 v26, v11;
	v17 =	vadd.f32 v18, v17;
	v18 =	vld [tilespmem:s23+$0xFFFFFFF0]  }
0x1a5: {  	v4 =	vmul.f32 v16, v4;
	v22 =	vadd.f32 $9.999994630e-01, v22;
	v23 =	vld.idx.msk [tilespmem:v23+s0+$0x0], $0xffff;
	v7 =	vadd.f32 v25, v7  }
0x1a6: {  	v12 =	vadd.s32 $0x40, v58;
	v10 =	vadd.f32 $-1.666589080e-01, v10;
	v11 =	vadd.f32 v29, v11;
	v25 =	vld [tilespmem:s24+$0xFFFFFFF0]  }
0x1a7: {  	v16 =	vld.idx.msk [tilespmem:v38+s0+$0x0], $0xffff;
	v15 =	vshll.u32 v15, $0x1F;
	v4 =	vadd.f32 v13, v4;
	v22 =	vmul.f32 v22, v53  }
0x1a8: {  	v9 =	vld.idx.msk [tilespmem:v9+s0+$0x0], $0xffff;
	v13 =	vmul.f32 v10, v56;
	v10 =	vadd.f32 v24, v17;
	v17 =	vmul.f32 $3.183098730e-01, v11  }
0x1a9: {  	[tilespmem:s2+$0xFFFFFFF0] =	vst v4;
	v22 =	vxor.u32 v22, v15;
	v4 =	vld.idx.msk [tilespmem:v21+s0+$0x0], $0xffff;
	v27 =	vmul.f32 $5.000000000e-01, v7;
	v21 =	vmul.f32 v39, v18;
	v7 =	vpop (erf)  }
0x1aa: {  	v17 =	vadd.f32 $1.258291200e+07, v17;
	v7 =	vmul.f32 v7, v20;
	v20 =	vmul.f32 $3.183098730e-01, v10  }
0x1ab: {  	v12 =	vld.idx.msk [tilespmem:v12+s0+$0x0], $0xffff;
	v13 =	vadd.f32 $9.999994630e-01, v13;
	v18 =	vmul.f32 v28, v18;
	v23 =	vmul.f32 v23, v25  }
0x1ac: {  	[tilespmem:s25+$0xFFFFFFF0] =	vst v3;
	v24 =	vmul.f32 v16, v25;
	v3 =	vadd.f32 $-1.258291200e+07, v17;
	v16 =	vadd.f32 $1.258291200e+07, v20  }
0x1ad: {  	v9 =	vadd.f32 v7, v9;
	v7 =	vmul.f32 v13, v19;
	v13 =	vadd.f32 v23, v21  }
0x1ae: {  	v15 =	vadd.f32 v24, v18;
	v18 =	vmul.f32 v11, v11;
	v19 =	vadd.f32 $-1.258291200e+07, v16  }
0x1af: {  	v61 =	vadd.s32 $0x80, v2;
	v20 =	vld [tilespmem:s1+$0xFFFFFFF0];
	v3 =	vmul.f32 $3.141592740e+00, v3;
	v21 =	vmul.f32 v10, v10  }
0x1b0: {  	v13 =	vadd.f32 v12, v13;
	v12 =	vadd.f32 v4, v15;
	v19 =	vmul.f32 $3.141592740e+00, v19  }
0x1b1: {  	v41 =	vadd.s32 $0x60, v58;
	v24 =	vsub.f32 v11, v3;
	v4 =	vadd.f32 v21, v18  }
0x1b2: {  	v15 =	vxor.u32 v7, v30;
	v3 =	vmul.f32 $3.183098730e-01, v13;
	v23 =	vsub.f32 v10, v19  }
0x1b3: {  	s25 =	simm.s32 $0xD110;
	v18 =	vmul.f32 $3.183098730e-01, v12;
	v26 =	vmul.f32 v24, v24;
	v4 =	vadd.f32 $9.999999970e-07, v4  }
0x1b4: {  	s26 =	simm.s32 $0xD130;
	[tilespmem:s25+$0x0] =	vst v14;
	v14 =	vld.idx.msk [tilespmem:v43+s0+$0x0], $0xffff;
	v7 =	vadd.f32 v20, v5;
	v20 =	vadd.f32 $1.258291200e+07, v3;
	v25 =	vmul.f32 v23, v23  }
0x1b5: {  	v34 =	vadd.s32 $0x90, v58;
	[tilespmem:s26+$0x0] =	vst v27;
	v27 =	vld.idx.msk [tilespmem:v61+s0+$0x0], $0xffff;
	v19 =	vadd.f32 $1.258291200e+07, v18;
	v18 =	vmul.f32 $1.860897610e-04, v26  }
0x1b6: {  	v5 =	vld.idx.msk [tilespmem:v6+s0+$0x0], $0xffff;
	(erf) = vrcp.f32 v4;
	v21 =	vadd.f32 $-1.258291200e+07, v20;
	v28 =	vmul.f32 $1.860897610e-04, v25  }
0x1b7: {  	v29 =	vadd.s32 $0x60, v2;
	v6 =	vld.idx.msk [tilespmem:v40+s0+$0x0], $0xffff;
	v31 =	vadd.f32 $-1.258291200e+07, v19;
	v18 =	vsub.f32 $8.315964600e-03, v18  }
0x1b8: {  	s29 =	simm.s32 $0xB130;
	v30 =	vmul.f32 v13, v13;
	v3 =	vld.idx.msk [tilespmem:v8+s0+$0x0], $0xffff;
	v62 =	vmul.f32 $3.141592740e+00, v21;
	v63 =	vsub.f32 $8.315964600e-03, v28  }
0x1b9: {  	s31 =	simm.s32 $0xC130;
	s30 =	simm.s32 $0xA130;
	v8 =	vld.idx.msk [tilespmem:v41+s0+$0x0], $0xffff;
	v21 =	vmul.f32 $3.141592740e+00, v31;
	v31 =	vmul.f32 v18, v26;
	v28 =	vadd.s32 $0x70, v2  }
0x1ba: {  	s28 =	simm.s32 $0xD130;
	s2 =	simm.s32 $0x9170;
	s1 =	simm.s32 $0x40;
	v33 =	vmul.f32 v12, v12;
	v4 =	vld.idx.msk [tilespmem:v34+s0+$0x0], $0xffff;
	v18 =	vsub.f32 v13, v62;
	v32 =	vmul.f32 v63, v25  }
.LBB2_4:
0x1bb: {  	v34 =	vld [tilespmem:s2+$0x0];
	v20 =	vshll.u32 v20, $0x1F;
	v21 =	vsub.f32 v12, v21;
	v31 =	vadd.f32 $-1.666589080e-01, v31  }
0x1bc: {  	v30 =	vadd.f32 v33, v30;
	v33 =	vmul.f32 v18, v18;
	v29 =	vld.idx.msk [tilespmem:v29+s0+$0x0], $0xffff;
	v32 =	vadd.f32 $-1.666589080e-01, v32  }
0x1bd: {  	v19 =	vshll.u32 v19, $0x1F;
	v35 =	vld [tilespmem:s2+$0xFFFFFFF0];
	v36 =	vmul.f32 v21, v21;
	v26 =	vmul.f32 v31, v26  }
0x1be: {  	s1 =	sadd.s32 $0x20, s1;
	v30 =	vadd.f32 $9.999999970e-07, v30;
	v31 =	vmul.f32 $1.860897610e-04, v33;
	v28 =	vld.idx.msk [tilespmem:v28+s0+$0x0], $0xffff;
	v25 =	vmul.f32 v32, v25  }
0x1bf: {  	v22 =	vmul.f32 v22, v5;
	p0 =	slt.u32 s1, $0xFE0;
	v32 =	vmul.f32 $1.860897610e-04, v36;
	v26 =	vadd.f32 $9.999994630e-01, v26;
	v37 =	vpop (erf)  }
0x1c0: {  	v38 =	vadd.s32 $0x90, v2;
	v27 =	vmul.f32 v37, v27;
	v25 =	vadd.f32 $9.999994630e-01, v25;
	v2 =	vmovc v34  }
0x1c1: {  	s23 =	sadd.s32 $0x20, s23;
	v37 =	vadd.s32 $0x10, v2;
	v39 =	vadd.s32 $0x20, v2;
	v24 =	vmul.f32 v26, v24  }
0x1c2: {  	v17 =	vshll.u32 v17, $0x1F;
	s24 =	sadd.s32 $0x20, s24;
	v26 =	vld [tilespmem:s23+$0x0];
	v27 =	vadd.f32 v27, v29;
	v23 =	vmul.f32 v25, v23  }
0x1c3: {  	v16 =	vshll.u32 v16, $0x1F;
	v29 =	vadd.s32 $0x30, v2;
	v25 =	vld [tilespmem:s24+$0x0];
	v17 =	vxor.u32 v24, v17  }
0x1c4: {  	v24 =	vld.idx.msk [tilespmem:v34+s0+$0x0], $0xffff;
	v11 =	vmul.f32 v27, v11;
	v17 =	vmul.f32 v17, v28;
	v16 =	vxor.u32 v23, v16  }
0x1c5: {  	v23 =	vadd.s32 $0x10, v35;
	v10 =	vmul.f32 v27, v10;
	v34 =	vld.idx.msk [tilespmem:v38+s0+$0x0], $0xffff;
	v16 =	vmul.f32 v16, v28  }
0x1c6: {  	v27 =	vadd.s32 $0x20, v35;
	v28 =	vld.idx.msk [tilespmem:v37+s0+$0x0], $0xffff;
	v37 =	vadd.s32 $0x40, v2;
	v11 =	vadd.f32 v17, v11  }
0x1c7: {  	s21 =	sadd.s32 $0x20, s21;
	v17 =	vadd.s32 $0x30, v35;
	v38 =	vld.idx.msk [tilespmem:v39+s0+$0x0], $0xffff;
	v39 =	vadd.s32 $0x50, v2;
	v10 =	vadd.f32 v16, v10  }
0x1c8: {  	s22 =	sadd.s32 $0x20, s22;
	v31 =	vsub.f32 $8.315964600e-03, v31;
	v40 =	vadd.s32 $0x50, v35;
	v16 =	vadd.s32 $0x40, v35;
	v29 =	vld.idx.msk [tilespmem:v29+s0+$0x0], $0xffff;
	[tilespmem:s21+$0x0] =	vst v11  }
0x1c9: {  	s20 =	sadd.s32 $0x20, s20;
	v42 =	vadd.s32 $0x80, v35;
	v11 =	vsub.f32 $8.315964600e-03, v32;
	v41 =	vld.idx.msk [tilespmem:v35+s0+$0x0], $0xffff;
	[tilespmem:s22+$0x0] =	vst v10;
	(erf) = vrcp.f32 v30  }
0x1ca: {  	v32 =	vadd.s32 $0x70, v35;
	v30 =	vadd.s32 $0x60, v35;
	v10 =	vmul.f32 v31, v33;
	v31 =	vld [tilespmem:s20+$0x0]  }
0x1cb: {  	v15 =	vmul.f32 v15, v5;
	v5 =	vmovc v14;
	v35 =	vadd.s32 $0x90, v35;
	v11 =	vmul.f32 v11, v36;
	v37 =	vld.idx.msk [tilespmem:v37+s0+$0x0], $0xffff  }
0x1cc: {  	v10 =	vadd.f32 $-1.666589080e-01, v10;
	v14 =	vld.idx.msk [tilespmem:v39+s0+$0x0], $0xffff;
	v39 =	vmul.f32 v9, v0;
	v9 =	vmul.f32 v9, v1;
	v0 =	vmovc v13  }
0x1cd: {  	v11 =	vadd.f32 $-1.666589080e-01, v11;
	v1 =	vmovc v12;
	v13 =	vld.idx.msk [tilespmem:v23+s0+$0x0], $0xffff;
	v23 =	vmul.f32 v24, v26;
	v24 =	vmul.f32 v28, v25  }
0x1ce: {  	v26 =	vmul.f32 v38, v26;
	v25 =	vmul.f32 v29, v25;
	v12 =	vld.idx.msk [tilespmem:v27+s0+$0x0], $0xffff;
	v22 =	vadd.f32 v22, v39  }
0x1cf: {  	v10 =	vmul.f32 v10, v33;
	v17 =	vld.idx.msk [tilespmem:v17+s0+$0x0], $0xffff;
	v23 =	vadd.f32 v24, v23;
	v24 =	vadd.f32 v31, v34  }
0x1d0: {  	v9 =	vadd.f32 v15, v9;
	v25 =	vadd.f32 v25, v26;
	v26 =	vmul.f32 v11, v36;
	v27 =	vld [tilespmem:s24+$0xFFFFFFF0];
	[tilespmem:s29+$0xFFFFFFF0] =	vst v22;
	s29 =	smov.u32 s21  }
0x1d1: {  	v22 =	vadd.f32 $9.999994630e-01, v10;
	v15 =	vld [tilespmem:s23+$0xFFFFFFF0];
	v11 =	vadd.f32 v37, v23;
	v23 =	vmul.f32 $5.000000000e-01, v24  }
0x1d2: {  	s26 =	sadd.s32 $0x20, s26;
	v7 =	vmul.f32 $5.000000000e-01, v7;
	v10 =	vadd.f32 v14, v25;
	v25 =	vadd.f32 $9.999994630e-01, v26;
	v24 =	vld.idx.msk [tilespmem:v16+s0+$0x0], $0xffff;
	v14 =	vpop (erf);
	[tilespmem:s31+$0xFFFFFFF0] =	vst v9;
	s31 =	smov.u32 s22  }
0x1d3: {  	v26 =	vld.idx.msk [tilespmem:v40+s0+$0x0], $0xffff;
	v9 =	vmul.f32 $3.183098730e-01, v11;
	v28 =	vmul.f32 v14, v6;
	[tilespmem:s26+$0x0] =	vst v23  }
0x1d4: {  	v18 =	vmul.f32 v22, v18;
	v16 =	vmul.f32 $3.183098730e-01, v10;
	v6 =	vld.idx.msk [tilespmem:v42+s0+$0x0], $0xffff;
	[tilespmem:s25+$0xFFFFFFF0] =	vst v7;
	s25 =	smov.u32 s28;
	s28 =	smov.u32 s26  }
0x1d5: {  	v7 =	vld.idx.msk [tilespmem:v30+s0+$0x0], $0xffff;
	v13 =	vmul.f32 v13, v27;
	v23 =	vmul.f32 v17, v27;
	v17 =	vadd.f32 $1.258291200e+07, v9  }
0x1d6: {  	v16 =	vadd.f32 $1.258291200e+07, v16;
	v14 =	vld.idx.msk [tilespmem:v32+s0+$0x0], $0xffff;
	v22 =	vmul.f32 v41, v15;
	v12 =	vmul.f32 v12, v15  }
0x1d7: {  	v9 =	vadd.f32 v28, v8;
	v8 =	vmul.f32 v25, v21;
	v27 =	vld.idx.msk [tilespmem:v35+s0+$0x0], $0xffff;
	v15 =	vadd.f32 $-1.258291200e+07, v17  }
0x1d8: {  	v21 =	vadd.f32 $-1.258291200e+07, v16;
	v13 =	vadd.f32 v13, v22;
	v22 =	vxor.u32 v18, v20;
	v18 =	vld [tilespmem:s30+$0xFFFFFFF0];
	s30 =	smov.u32 s20  }
0x1d9: {  	v12 =	vadd.f32 v23, v12;
	v20 =	vmul.f32 v11, v11;
	v15 =	vmul.f32 $3.141592740e+00, v15  }
0x1da: {  	v23 =	vmul.f32 v10, v10;
	v21 =	vmul.f32 $3.141592740e+00, v21;
	v13 =	vadd.f32 v24, v13  }
0x1db: {  	v12 =	vadd.f32 v26, v12;
	v24 =	vsub.f32 v11, v15;
	v15 =	vxor.u32 v8, v19;
	v8 =	vmovc v7  }
0x1dc: {  	v25 =	vadd.f32 v23, v20;
	v23 =	vsub.f32 v10, v21;
	v19 =	vmul.f32 $3.183098730e-01, v13  }
0x1dd: {  	v21 =	vmul.f32 $3.183098730e-01, v12;
	v26 =	vmul.f32 v24, v24;
	v7 =	vadd.f32 v18, v3;
	v3 =	vmovc v4;
	v4 =	vmovc v27  }
0x1de: {  	v18 =	vadd.f32 $9.999999970e-07, v25;
	v25 =	vmul.f32 v23, v23;
	v20 =	vadd.f32 $1.258291200e+07, v19  }
0x1df: {  	v27 =	vadd.s32 $0x80, v2;
	v19 =	vadd.f32 $1.258291200e+07, v21;
	v21 =	vmul.f32 $1.860897610e-04, v26  }
.Ltmp1:
0x1e0: {  	v31 =	vmul.f32 $1.860897610e-04, v25;
	v28 =	vadd.f32 $-1.258291200e+07, v20;
	(erf) = vrcp.f32 v18;
	(pc) =	sbr.rel @p0 .LBB2_4-.Ltmp1, $4  }
0x1e1: {  	v29 =	vadd.s32 $0x60, v2;
	v18 =	vadd.f32 $-1.258291200e+07, v19;
	v32 =	vsub.f32 $8.315964600e-03, v21  }
0x1e2: {  	v30 =	vmul.f32 v13, v13;
	v35 =	vsub.f32 $8.315964600e-03, v31;
	v34 =	vmul.f32 $3.141592740e+00, v28  }
0x1e3: {  	v21 =	vmul.f32 $3.141592740e+00, v18;
	v28 =	vadd.s32 $0x70, v2;
	v31 =	vmul.f32 v32, v26  }
0x1e4: {  	s2 =	sadd.s32 $0x20, s2;
	v33 =	vmul.f32 v12, v12;
	v32 =	vmul.f32 v35, v25;
	v18 =	vsub.f32 v13, v34;
	v27 =	vld.idx.msk [tilespmem:v27+s0+$0x0], $0xffff  }
0x1e5: {  	_ = 	snop  }
0x1e6: {  	v31 =	vadd.f32 $-1.666589080e-01, v31;
	v49 =	vmul.f32 v18, v18  }
0x1e7: {  	v30 =	vadd.f32 v33, v30  }
0x1e8: {  	v21 =	vsub.f32 v12, v21;
	v26 =	vmul.f32 v31, v26;
	v31 =	vmul.f32 $1.860897610e-04, v49  }
0x1e9: {  	v30 =	vadd.f32 $9.999999970e-07, v30  }
0x1ea: {  	v29 =	vld.idx.msk [tilespmem:v29+s0+$0x0], $0xffff;
	v32 =	vadd.f32 $-1.666589080e-01, v32;
	v34 =	vmul.f32 v21, v21  }
0x1eb: {  	(erf) = vrcp.f32 v30;
	v30 =	vsub.f32 $8.315964600e-03, v31  }
0x1ec: {  	v25 =	vmul.f32 v32, v25;
	v35 =	vmul.f32 $1.860897610e-04, v34;
	v31 =	vpop (erf)  }
0x1ed: {  	v26 =	vadd.f32 $9.999994630e-01, v26;
	v30 =	vmul.f32 v30, v49;
	v27 =	vmul.f32 v31, v27  }
0x1ee: {  	v28 =	vld.idx.msk [tilespmem:v28+s0+$0x0], $0xffff;
	v25 =	vadd.f32 $9.999994630e-01, v25;
	v50 =	vsub.f32 $8.315964600e-03, v35  }
0x1ef: {  	v20 =	vshll.u32 v20, $0x1F;
	v27 =	vadd.f32 v27, v29;
	v29 =	vadd.f32 $-1.666589080e-01, v30  }
0x1f0: {  	v19 =	vshll.u32 v19, $0x1F;
	v24 =	vmul.f32 v26, v24;
	v26 =	vmul.f32 v50, v34  }
0x1f1: {  	v17 =	vshll.u32 v17, $0x1F;
	v23 =	vmul.f32 v25, v23;
	v25 =	vmul.f32 v29, v49  }
0x1f2: {  	v22 =	vmul.f32 v22, v5;
	v17 =	vxor.u32 v24, v17;
	v24 =	vadd.f32 $-1.666589080e-01, v26  }
0x1f3: {  	v2 =	vadd.s32 $0x90, v2;
	v16 =	vshll.u32 v16, $0x1F;
	v17 =	vmul.f32 v17, v28  }
0x1f4: {  	v16 =	vxor.u32 v23, v16;
	v11 =	vmul.f32 v27, v11;
	v23 =	vmul.f32 v24, v34  }
0x1f5: {  	v16 =	vmul.f32 v16, v28;
	v10 =	vmul.f32 v27, v10;
	v24 =	vadd.f32 $9.999994630e-01, v25;
	v25 =	vpop (erf)  }
0x1f6: {  	v11 =	vadd.f32 v17, v11;
	v17 =	vadd.f32 $9.999994630e-01, v23;
	v6 =	vmul.f32 v25, v6  }
0x1f7: {  	v0 =	vmul.f32 v9, v0;
	v10 =	vadd.f32 v16, v10;
	v16 =	vmul.f32 v24, v18  }
0x1f8: {  	v5 =	vmul.f32 v15, v5;
	v6 =	vadd.f32 v6, v8;
	v8 =	vmul.f32 v17, v21  }
0x1f9: {  	s1 =	sadd.s32 $0x20, s21;
	v1 =	vmul.f32 v9, v1;
	v0 =	vadd.f32 v22, v0;
	v2 =	vld.idx.msk [tilespmem:v2+s0+$0x0], $0xffff;
	v9 =	vxor.u32 v16, v20  }
0x1fa: {  	[tilespmem:s1+$0x0] =	vst v11;
	v9 =	vmul.f32 v9, v14;
	v8 =	vxor.u32 v8, v19;
	v11 =	vmul.f32 v6, v13  }
0x1fb: {  	s2 =	sadd.s32 $0x20, s22;
	v1 =	vadd.f32 v5, v1;
	[tilespmem:s29+$0xFFFFFFF0] =	vst v0;
	v6 =	vmul.f32 v6, v12;
	v5 =	vmul.f32 v8, v14  }
0x1fc: {  	s20 =	sadd.s32 $0x20, s20;
	[tilespmem:s2+$0x0] =	vst v10;
	v0 =	vadd.f32 v9, v11  }
0x1fd: {  	[tilespmem:s31+$0xFFFFFFF0] =	vst v1;
	v8 =	vld [tilespmem:s20+$0x0];
	v1 =	vadd.f32 v5, v6  }
0x1fe: {  	[tilespmem:s1+$0xFFFFFFF0] =	vst v0  }
0x1ff: {  	v0 =	vld [tilespmem:s30+$0xFFFFFFF0];
	[tilespmem:s2+$0xFFFFFFF0] =	vst v1  }
0x200: {  	v1 =	vld [tilespmem:s20+$0xFFFFFFF0];
	_ =	sdelay $0x1  }
0x201: {  	v2 =	vadd.f32 v8, v2;
	_ =	sdelay $0x1  }
0x202: {  	v2 =	vmul.f32 $5.000000000e-01, v2;
	v0 =	vadd.f32 v0, v3  }
0x203: {  	s20 =	sadd.s32 $0x20, s26;
	v3 =	vmul.f32 $5.000000000e-01, v7;
	v1 =	vadd.f32 v1, v4  }
0x204: {  	[tilespmem:s20+$0x0] =	vst v2;
	v0 =	vmul.f32 $5.000000000e-01, v0  }
0x205: {  	[tilespmem:s25+$0xFFFFFFF0] =	vst v3;
	v1 =	vmul.f32 $5.000000000e-01, v1  }
0x206: {  	[tilespmem:s28+$0xFFFFFFF0] =	vst v0  }
0x207: {  	[tilespmem:s20+$0xFFFFFFF0] =	vst v1  }
0x208: {  	s1 =	rddreg [dreg:$0xc]  }
0x209: {  	[hbm4b:s1+s0] =	stream.linear.scatter [tilespmem:s14], [sflag:$0x4], $0x1000, $0x38;
	[tilespmem:$0xE100] =	vst v63  }
0x20a: {  	s21 =	rddreg [dreg:$0xd]  }
0x20b: {  	[hbm4b:s21+s0] =	stream.linear.scatter [tilespmem:s15], [sflag:$0x4], $0x1000, $0x38;
	[tilespmem:$0xE100] =	vst v63  }
0x20c: {  	s22 =	rddreg [dreg:$0xe]  }
0x20d: {  	[hbm4b:s22+s0] =	stream.linear.scatter [tilespmem:s16], [sflag:$0x4], $0x1000, $0x38;
	[tilespmem:$0xE100] =	vst v63  }
0x20e: {  	s23 =	rddreg [dreg:$0x12]  }
0x20f: {  	[tilespmem:s5], [sflag:$0x2] =	stream.linear.gather [hbm4b:s23+s0], $0x1000, $0x38;
	[tilespmem:$0xE100] =	vst v63  }
0x210: {  	s24 =	rddreg [dreg:$0x13]  }
0x211: {  	[tilespmem:s6], [sflag:$0x2] =	stream.linear.gather [hbm4b:s24+s0], $0x1000, $0x38;
	[tilespmem:$0xE100] =	vst v63  }
0x212: {  	s25 =	rddreg [dreg:$0x14]  }
0x213: {  	[tilespmem:s7], [sflag:$0x2] =	stream.linear.gather [hbm4b:s25+s0], $0x1000, $0x38;
	[tilespmem:$0xE100] =	vst v63  }
0x214: {  	s26 =	rddreg [dreg:$0x15]  }
0x215: {  	[tilespmem:s8], [sflag:$0x2] =	stream.linear.gather [hbm4b:s26+s0], $0x1000, $0x38;
	[tilespmem:$0xE100] =	vst v63  }
0x216: {  	_ =	swait.ge [sflag:s9], $0x1000  }
0x217: {  	[sflag:s9] =	ssyncset.done $0x0  }
0x218: {  	[sflag:s9] =	ssyncadd.s32 $0xFFFFF000  }
0x219: {  	_ =	swait.ge [sflag:s9], $0x1000  }
0x21a: {  	[sflag:s9] =	ssyncset.done $0x0  }
0x21b: {  	[sflag:s9] =	ssyncadd.s32 $0xFFFFF000  }
0x21c: {  	_ =	swait.ge [sflag:s9], $0x1000  }
0x21d: {  	[sflag:s9] =	ssyncset.done $0x0  }
0x21e: {  	[sflag:s9] =	ssyncadd.s32 $0xFFFFF000  }
0x21f: {  	_ =	swait.ge [sflag:s9], $0x1000  }
0x220: {  	[sflag:s9] =	ssyncset.done $0x0  }
0x221: {  	[sflag:s9] =	ssyncadd.s32 $0xFFFFF000  }
0x222: {  	_ =	swait.ge [sflag:s17], $0x1000  }
0x223: {  	[sflag:s17] =	ssyncset.done $0x0  }
0x224: {  	[sflag:s17] =	ssyncadd.s32 $0xFFFFF000  }
0x225: {  	_ =	swait.ge [sflag:s17], $0x1000  }
0x226: {  	[sflag:s17] =	ssyncset.done $0x0  }
0x227: {  	[sflag:s17] =	ssyncadd.s32 $0xFFFFF000  }
0x228: {  	_ =	swait.ge [sflag:s17], $0x1000  }
0x229: {  	[sflag:s17] =	ssyncset.done $0x0  }
0x22a: {  	s2 =	simm.s32 $0x2110;
	[sflag:s17] =	ssyncadd.s32 $0xFFFFF000  }
0x22b: {  	v1 =	vld [tilespmem:s2+$0x0];
	_ =	sdelay $0x4  }
0x22c: {  	v2 =	vadd.s32 $0x10, v1  }
0x22d: {  	s20 =	simm.s32 $0x110;
	v0 =	vld [tilespmem:s2+$0xFFFFFFF0];
	v3 =	vadd.s32 $0x20, v1  }
0x22e: {  	s21 =	simm.s32 $0x1110;
	v4 =	vld [tilespmem:s20+$0x0];
	v5 =	vadd.s32 $0x30, v1  }
0x22f: {  	v6 =	vld [tilespmem:s21+$0x0]  }
0x230: {  	v7 =	vld.idx.msk [tilespmem:v1+s0+$0x0], $0xffff  }
0x231: {  	v8 =	vadd.s32 $0x40, v1;
	v2 =	vld.idx.msk [tilespmem:v2+s0+$0x0], $0xffff  }
0x232: {  	v9 =	vadd.s32 $0x50, v1;
	v3 =	vld.idx.msk [tilespmem:v3+s0+$0x0], $0xffff  }
0x233: {  	v5 =	vld.idx.msk [tilespmem:v5+s0+$0x0], $0xffff;
	_ =	sdelay $0x1  }
0x234: {  	v10 =	vadd.s32 $0x10, v0  }
0x235: {  	v8 =	vld.idx.msk [tilespmem:v8+s0+$0x0], $0xffff  }
0x236: {  	v9 =	vld.idx.msk [tilespmem:v9+s0+$0x0], $0xffff;
	v7 =	vmul.f32 v7, v4;
	v2 =	vmul.f32 v2, v6  }
0x237: {  	v11 =	vadd.s32 $0x30, v0;
	v3 =	vmul.f32 v3, v4;
	v4 =	vmul.f32 v5, v6  }
0x238: {  	v5 =	vld.idx.msk [tilespmem:v0+s0+$0x0], $0xffff  }
0x239: {  	v6 =	vld.idx.msk [tilespmem:v10+s0+$0x0], $0xffff;
	v2 =	vadd.f32 v2, v7;
	v3 =	vadd.f32 v4, v3  }
0x23a: {  	v10 =	vld [tilespmem:s20+$0xFFFFFFF0];
	v4 =	vadd.s32 $0x20, v0  }
0x23b: {  	v2 =	vadd.f32 v8, v2;
	v8 =	vld [tilespmem:s21+$0xFFFFFFF0];
	v9 =	vadd.f32 v9, v3  }
0x23c: {  	v7 =	vld.idx.msk [tilespmem:v11+s0+$0x0], $0xffff;
	v3 =	vadd.s32 $0x40, v0  }
0x23d: {  	v11 =	vmul.f32 $3.183098730e-01, v2;
	v12 =	vmul.f32 $3.183098730e-01, v9  }
0x23e: {  	v13 =	vadd.s32 $0x50, v0  }
0x23f: {  	v4 =	vld.idx.msk [tilespmem:v4+s0+$0x0], $0xffff;
	v11 =	vadd.f32 $1.258291200e+07, v11;
	v12 =	vadd.f32 $1.258291200e+07, v12  }
0x240: {  	v5 =	vmul.f32 v5, v10;
	v6 =	vmul.f32 v6, v8  }
0x241: {  	v3 =	vld.idx.msk [tilespmem:v3+s0+$0x0], $0xffff;
	v7 =	vmul.f32 v7, v8;
	v14 =	vadd.f32 $-1.258291200e+07, v11;
	v8 =	vadd.f32 $-1.258291200e+07, v12  }
0x242: {  	v15 =	vmul.f32 v2, v2;
	v16 =	vmul.f32 v9, v9  }
0x243: {  	v13 =	vld.idx.msk [tilespmem:v13+s0+$0x0], $0xffff;
	v14 =	vmul.f32 $3.141592740e+00, v14;
	v8 =	vmul.f32 $3.141592740e+00, v8  }
0x244: {  	v5 =	vadd.f32 v6, v5;
	v4 =	vmul.f32 v4, v10;
	v10 =	vadd.f32 v16, v15  }
0x245: {  	v6 =	vsub.f32 v2, v14;
	v8 =	vsub.f32 v9, v8  }
0x246: {  	v7 =	vadd.f32 v7, v4;
	v4 =	vadd.f32 v3, v5  }
0x247: {  	v10 =	vadd.f32 $9.999999970e-07, v10;
	v5 =	vmul.f32 v6, v6  }
0x248: {  	v14 =	vmul.f32 v8, v8;
	v3 =	vadd.f32 v13, v7;
	v7 =	vmul.f32 $3.183098730e-01, v4  }
0x249: {  	v15 =	vadd.s32 $0x80, v1;
	(erf) = vrcp.f32 v10;
	v13 =	vmul.f32 $1.860897610e-04, v5  }
0x24a: {  	v16 =	vmul.f32 $1.860897610e-04, v14  }
0x24b: {  	v17 =	vadd.f32 $1.258291200e+07, v7;
	v7 =	vsub.f32 $8.315964600e-03, v13;
	v13 =	vadd.s32 $0x60, v1  }
0x24c: {  	v10 =	vmul.f32 $3.183098730e-01, v3;
	v16 =	vsub.f32 $8.315964600e-03, v16  }
0x24d: {  	v20 =	vadd.s32 $0x70, v1;
	v22 =	vadd.s32 $0x60, v0;
	v7 =	vmul.f32 v7, v5  }
0x24e: {  	s22 =	simm.s32 $0x2130;
	v15 =	vld.idx.msk [tilespmem:v15+s0+$0x0], $0xffff;
	v18 =	vadd.f32 $-1.258291200e+07, v17;
	v19 =	vadd.f32 $1.258291200e+07, v10;
	v10 =	vmul.f32 v16, v14  }
0x24f: {  	v11 =	vshll.u32 v11, $0x1F;
	v25 =	vmul.f32 v4, v4;
	v21 =	vadd.f32 $-1.666589080e-01, v7;
	v7 =	vld [tilespmem:s22+$0x0]  }
0x250: {  	v1 =	vadd.s32 $0x90, v1;
	v18 =	vmul.f32 $3.141592740e+00, v18;
	v24 =	vadd.f32 $-1.666589080e-01, v10;
	v13 =	vld.idx.msk [tilespmem:v13+s0+$0x0], $0xffff  }
0x251: {  	v16 =	vadd.s32 $0x80, v0;
	v23 =	vadd.f32 $-1.258291200e+07, v19;
	v5 =	vmul.f32 v21, v5  }
0x252: {  	v20 =	vld.idx.msk [tilespmem:v20+s0+$0x0], $0xffff;
	v18 =	vsub.f32 v4, v18;
	v10 =	vadd.s32 $0x70, v0;
	v26 =	vpop (erf);
	v14 =	vmul.f32 v24, v14  }
0x253: {  	s23 =	simm.s32 $0x130;
	v21 =	vmul.f32 $3.141592740e+00, v23;
	v15 =	vmul.f32 v26, v15;
	v26 =	vld [tilespmem:s22+$0xFFFFFFF0];
	v5 =	vadd.f32 $9.999994630e-01, v5  }
0x254: {  	v51 =	vld [tilespmem:s23+$0xFFFFFFF0];
	v23 =	vmul.f32 v3, v3;
	v14 =	vadd.f32 $9.999994630e-01, v14;
	v27 =	vadd.s32 $0x10, v7  }
0x255: {  	v1 =	vld.idx.msk [tilespmem:v1+s0+$0x0], $0xffff;
	v28 =	vadd.s32 $0x20, v7;
	v5 =	vmul.f32 v5, v6;
	v13 =	vadd.f32 v15, v13  }
0x256: {  	s24 =	simm.s32 $0x1130;
	v24 =	vmul.f32 v18, v18;
	v6 =	vld [tilespmem:s23+$0x0];
	v8 =	vmul.f32 v14, v8;
	v15 =	vadd.s32 $0x30, v7  }
0x257: {  	v14 =	vld [tilespmem:s24+$0x0];
	v5 =	vxor.u32 v5, v11;
	v11 =	vshll.u32 v12, $0x1F;
	v2 =	vmul.f32 v13, v2  }
0x258: {  	v12 =	vld.idx.msk [tilespmem:v7+s0+$0x0], $0xffff;
	v9 =	vmul.f32 v13, v9;
	v5 =	vmul.f32 v5, v20;
	v8 =	vxor.u32 v8, v11  }
0x259: {  	v11 =	vsub.f32 v3, v21;
	v21 =	vadd.s32 $0x40, v7;
	v8 =	vmul.f32 v8, v20;
	v20 =	vld.idx.msk [tilespmem:v27+s0+$0x0], $0xffff  }
0x25a: {  	v13 =	vadd.f32 v23, v25;
	v25 =	vld.idx.msk [tilespmem:v28+s0+$0x0], $0xffff;
	v27 =	vadd.s32 $0x50, v7;
	v2 =	vadd.f32 v5, v2  }
0x25b: {  	s2 =	simm.s32 $0x4110;
	v23 =	vmul.f32 $1.860897610e-04, v24;
	v28 =	vld.idx.msk [tilespmem:v26+s0+$0x0], $0xffff;
	v5 =	vadd.s32 $0x90, v0;
	v0 =	vmul.f32 v11, v11  }
0x25c: {  	v15 =	vld.idx.msk [tilespmem:v15+s0+$0x0], $0xffff;
	v8 =	vadd.f32 v8, v9;
	v9 =	vadd.s32 $0x10, v26;
	[tilespmem:s2+$0x0] =	vst v2;
	v2 =	vadd.f32 $9.999999970e-07, v13  }
0x25d: {  	s25 =	simm.s32 $0x5110;
	v30 =	vadd.s32 $0x30, v26;
	v23 =	vsub.f32 $8.315964600e-03, v23;
	v12 =	vmul.f32 v12, v6  }
0x25e: {  	v13 =	vadd.s32 $0x20, v26;
	[tilespmem:s25+$0x0] =	vst v8;
	v8 =	vmul.f32 $1.860897610e-04, v0;
	v21 =	vld.idx.msk [tilespmem:v21+s0+$0x0], $0xffff;
	(erf) = vrcp.f32 v2  }
0x25f: {  	s1 =	simm.s32 $0x3110;
	v2 =	vmul.f32 v23, v24;
	v23 =	vld.idx.msk [tilespmem:v27+s0+$0x0], $0xffff;
	v20 =	vmul.f32 v20, v14;
	v27 =	vadd.s32 $0x40, v26  }
0x260: {  	v29 =	vld [tilespmem:s1+$0x0];
	v6 =	vmul.f32 v25, v6;
	v28 =	vmul.f32 v28, v51;
	v8 =	vsub.f32 $8.315964600e-03, v8  }
0x261: {  	v31 =	vld.idx.msk [tilespmem:v9+s0+$0x0], $0xffff;
	v9 =	vmul.f32 v15, v14;
	v15 =	vadd.s32 $0x50, v26;
	v12 =	vadd.f32 v20, v12  }
0x262: {  	v25 =	vld [tilespmem:s24+$0xFFFFFFF0];
	v20 =	vadd.s32 $0x80, v26;
	v2 =	vadd.f32 $-1.666589080e-01, v2;
	v8 =	vmul.f32 v8, v0  }
0x263: {  	v13 =	vld.idx.msk [tilespmem:v13+s0+$0x0], $0xffff;
	v14 =	vadd.f32 v9, v6;
	v9 =	vadd.s32 $0x60, v26;
	v12 =	vadd.f32 v21, v12  }
0x264: {  	v6 =	vadd.s32 $0x70, v26;
	v21 =	vld.idx.msk [tilespmem:v30+s0+$0x0], $0xffff;
	v2 =	vmul.f32 v2, v24;
	v8 =	vadd.f32 $-1.666589080e-01, v8  }
0x265: {  	v16 =	vld.idx.msk [tilespmem:v16+s0+$0x0], $0xffff;
	v1 =	vadd.f32 v29, v1;
	v23 =	vadd.f32 v23, v14;
	v24 =	vmul.f32 $3.183098730e-01, v12  }
0x266: {  	v2 =	vadd.f32 $9.999994630e-01, v2;
	v0 =	vmul.f32 v8, v0;
	v8 =	vadd.s32 $0x90, v26  }
0x267: {  	v14 =	vmul.f32 $5.000000000e-01, v1;
	v26 =	vmul.f32 $3.183098730e-01, v23;
	v24 =	vadd.f32 $1.258291200e+07, v24  }
0x268: {  	v1 =	vld.idx.msk [tilespmem:v27+s0+$0x0], $0xffff;
	v13 =	vmul.f32 v13, v51;
	v27 =	vadd.f32 $9.999994630e-01, v0;
	v0 =	vmul.f32 v31, v25  }
0x269: {  	v15 =	vld.idx.msk [tilespmem:v15+s0+$0x0], $0xffff;
	v29 =	vpop (erf);
	v21 =	vmul.f32 v21, v25;
	v26 =	vadd.f32 $1.258291200e+07, v26;
	v25 =	vadd.f32 $-1.258291200e+07, v24  }
0x26a: {  	v16 =	vmul.f32 v29, v16;
	v29 =	vmul.f32 v23, v23;
	v0 =	vadd.f32 v0, v28  }
0x26b: {  	v22 =	vld.idx.msk [tilespmem:v22+s0+$0x0], $0xffff;
	v13 =	vadd.f32 v21, v13;
	v21 =	vmul.f32 v12, v12;
	v28 =	vadd.f32 $-1.258291200e+07, v26  }
0x26c: {  	v2 =	vmul.f32 v2, v18;
	v25 =	vmul.f32 $3.141592740e+00, v25  }
0x26d: {  	v0 =	vadd.f32 v1, v0;
	v18 =	vadd.f32 v29, v21;
	v28 =	vmul.f32 $3.141592740e+00, v28  }
0x26e: {  	v11 =	vmul.f32 v27, v11;
	v1 =	vadd.f32 v15, v13;
	v13 =	vsub.f32 v12, v25  }
0x26f: {  	v15 =	vmul.f32 $3.183098730e-01, v0;
	v18 =	vadd.f32 $9.999999970e-07, v18;
	v21 =	vsub.f32 v23, v28  }
0x270: {  	v16 =	vadd.f32 v16, v22;
	v22 =	vmul.f32 $3.183098730e-01, v1;
	v25 =	vmul.f32 v13, v13  }
0x271: {  	v29 =	vadd.s32 $0x80, v7;
	(erf) = vrcp.f32 v18;
	v27 =	vmul.f32 v21, v21  }
0x272: {  	s26 =	simm.s32 $0x2150;
	v31 =	vadd.s32 $0x60, v7;
	v15 =	vadd.f32 $1.258291200e+07, v15;
	v28 =	vmul.f32 $1.860897610e-04, v25  }
0x273: {  	v58 =	vld [tilespmem:s26+$0xFFFFFFF0];
	v17 =	vshll.u32 v17, $0x1F;
	v22 =	vadd.f32 $1.258291200e+07, v22;
	v30 =	vmul.f32 $1.860897610e-04, v27  }
0x274: {  	v17 =	vxor.u32 v2, v17;
	v2 =	vadd.f32 $-1.258291200e+07, v15;
	v18 =	vsub.f32 $8.315964600e-03, v28  }
0x275: {  	v19 =	vshll.u32 v19, $0x1F;
	v28 =	vadd.f32 $-1.258291200e+07, v22;
	v30 =	vsub.f32 $8.315964600e-03, v30  }
0x276: {  	v11 =	vxor.u32 v11, v19;
	v29 =	vld.idx.msk [tilespmem:v29+s0+$0x0], $0xffff;
	v2 =	vmul.f32 $3.141592740e+00, v2;
	v18 =	vmul.f32 v18, v25  }
0x277: {  	v31 =	vld.idx.msk [tilespmem:v31+s0+$0x0], $0xffff;
	v19 =	vmul.f32 $3.141592740e+00, v28;
	v28 =	vadd.s32 $0x70, v7;
	v30 =	vmul.f32 v30, v27  }
0x278: {  	v24 =	vshll.u32 v24, $0x1F;
	v53 =	vsub.f32 v0, v2;
	v2 =	vld [tilespmem:s26+$0x0];
	v18 =	vadd.f32 $-1.666589080e-01, v18  }
0x279: {  	v52 =	vmul.f32 v0, v0;
	v54 =	vmul.f32 v1, v1;
	v30 =	vadd.f32 $-1.666589080e-01, v30  }
0x27a: {  	v19 =	vsub.f32 v1, v19;
	v55 =	vmul.f32 v53, v53;
	v18 =	vmul.f32 v18, v25;
	v57 =	vpop (erf)  }
0x27b: {  	v39 =	vld.idx.msk [tilespmem:v58+s0+$0x0], $0xffff;
	v7 =	vadd.s32 $0x90, v7;
	v29 =	vmul.f32 v57, v29;
	v27 =	vmul.f32 v30, v27  }
0x27c: {  	v25 =	vadd.f32 v54, v52;
	v56 =	vmul.f32 v19, v19;
	v28 =	vld.idx.msk [tilespmem:v28+s0+$0x0], $0xffff;
	v18 =	vadd.f32 $9.999994630e-01, v18  }
0x27d: {  	v10 =	vld.idx.msk [tilespmem:v10+s0+$0x0], $0xffff;
	v29 =	vadd.f32 v29, v31;
	v31 =	vadd.s32 $0x30, v2;
	v27 =	vadd.f32 $9.999994630e-01, v27  }
0x27e: {  	s23 =	simm.s32 $0x150;
	v5 =	vld.idx.msk [tilespmem:v5+s0+$0x0], $0xffff;
	v30 =	vshll.u32 v22, $0x1F;
	v36 =	vadd.s32 $0x10, v2;
	v13 =	vmul.f32 v18, v13  }
0x27f: {  	s24 =	simm.s32 $0x1150;
	v22 =	vmul.f32 $1.860897610e-04, v55;
	v37 =	vadd.s32 $0x20, v2;
	v18 =	vld [tilespmem:s23+$0x0];
	v21 =	vmul.f32 v27, v21  }
0x280: {  	v59 =	vadd.s32 $0x50, v2;
	v27 =	vld [tilespmem:s24+$0x0];
	v13 =	vxor.u32 v13, v24;
	v24 =	vshll.u32 v26, $0x1F  }
0x281: {  	v12 =	vmul.f32 v29, v12;
	v26 =	vld.idx.msk [tilespmem:v2+s0+$0x0], $0xffff;
	v13 =	vmul.f32 v13, v28;
	v21 =	vxor.u32 v21, v24  }
0x282: {  	v22 =	vsub.f32 $8.315964600e-03, v22;
	v23 =	vmul.f32 v29, v23;
	v31 =	vld.idx.msk [tilespmem:v31+s0+$0x0], $0xffff;
	v21 =	vmul.f32 v21, v28  }
0x283: {  	v29 =	vadd.s32 $0x40, v2;
	v24 =	vadd.f32 $9.999999970e-07, v25;
	v28 =	vld.idx.msk [tilespmem:v36+s0+$0x0], $0xffff;
	v12 =	vadd.f32 v13, v12  }
0x284: {  	s21 =	simm.s32 $0x4130;
	v25 =	vmul.f32 $1.860897610e-04, v56;
	v13 =	vmul.f32 v17, v10;
	v17 =	vld.idx.msk [tilespmem:v37+s0+$0x0], $0xffff;
	v21 =	vadd.f32 v21, v23  }
0x285: {  	v60 =	vadd.s32 $0x20, v58;
	v38 =	vadd.s32 $0x30, v58;
	s22 =	simm.s32 $0x5130;
	v42 =	vmul.f32 v11, v10;
	v7 =	vld.idx.msk [tilespmem:v7+s0+$0x0], $0xffff;
	[tilespmem:s21+$0x0] =	vst v12  }
0x286: {  	s20 =	simm.s32 $0x3130;
	v20 =	vld.idx.msk [tilespmem:v20+s0+$0x0], $0xffff;
	v22 =	vmul.f32 v22, v55;
	(erf) = vrcp.f32 v24;
	v24 =	vsub.f32 $8.315964600e-03, v25;
	[tilespmem:s22+$0x0] =	vst v21  }
0x287: {  	v3 =	vmul.f32 v16, v3;
	v23 =	vadd.s32 $0x10, v58;
	v11 =	vmul.f32 v26, v18;
	v25 =	vld [tilespmem:s20+$0x0]  }
0x288: {  	v22 =	vadd.f32 $-1.666589080e-01, v22;
	v29 =	vld.idx.msk [tilespmem:v29+s0+$0x0], $0xffff;
	v10 =	vmul.f32 v24, v56;
	v26 =	vmul.f32 v28, v27  }
0x289: {  	v40 =	vadd.s32 $0x80, v58;
	v24 =	vld.idx.msk [tilespmem:v59+s0+$0x0], $0xffff;
	v17 =	vmul.f32 v17, v18;
	v18 =	vmul.f32 v31, v27  }
0x28a: {  	v43 =	vadd.s32 $0x70, v58;
	v3 =	vadd.f32 v42, v3;
	v22 =	vmul.f32 v22, v55;
	v28 =	vld.idx.msk [tilespmem:v60+s0+$0x0], $0xffff  }
0x28b: {  	v21 =	vadd.s32 $0x50, v58;
	v11 =	vadd.f32 v26, v11;
	v17 =	vadd.f32 v18, v17;
	v18 =	vld [tilespmem:s23+$0xFFFFFFF0]  }
0x28c: {  	v4 =	vmul.f32 v16, v4;
	v22 =	vadd.f32 $9.999994630e-01, v22;
	v23 =	vld.idx.msk [tilespmem:v23+s0+$0x0], $0xffff;
	v7 =	vadd.f32 v25, v7  }
0x28d: {  	v12 =	vadd.s32 $0x40, v58;
	v10 =	vadd.f32 $-1.666589080e-01, v10;
	v11 =	vadd.f32 v29, v11;
	v25 =	vld [tilespmem:s24+$0xFFFFFFF0]  }
0x28e: {  	v16 =	vld.idx.msk [tilespmem:v38+s0+$0x0], $0xffff;
	v15 =	vshll.u32 v15, $0x1F;
	v4 =	vadd.f32 v13, v4;
	v22 =	vmul.f32 v22, v53  }
0x28f: {  	v9 =	vld.idx.msk [tilespmem:v9+s0+$0x0], $0xffff;
	v13 =	vmul.f32 v10, v56;
	v10 =	vadd.f32 v24, v17;
	v17 =	vmul.f32 $3.183098730e-01, v11  }
0x290: {  	[tilespmem:s2+$0xFFFFFFF0] =	vst v4;
	v22 =	vxor.u32 v22, v15;
	v4 =	vld.idx.msk [tilespmem:v21+s0+$0x0], $0xffff;
	v27 =	vmul.f32 $5.000000000e-01, v7;
	v21 =	vmul.f32 v39, v18;
	v7 =	vpop (erf)  }
0x291: {  	v17 =	vadd.f32 $1.258291200e+07, v17;
	v7 =	vmul.f32 v7, v20;
	v20 =	vmul.f32 $3.183098730e-01, v10  }
0x292: {  	v12 =	vld.idx.msk [tilespmem:v12+s0+$0x0], $0xffff;
	v13 =	vadd.f32 $9.999994630e-01, v13;
	v18 =	vmul.f32 v28, v18;
	v23 =	vmul.f32 v23, v25  }
0x293: {  	[tilespmem:s25+$0xFFFFFFF0] =	vst v3;
	v24 =	vmul.f32 v16, v25;
	v3 =	vadd.f32 $-1.258291200e+07, v17;
	v16 =	vadd.f32 $1.258291200e+07, v20  }
0x294: {  	v9 =	vadd.f32 v7, v9;
	v7 =	vmul.f32 v13, v19;
	v13 =	vadd.f32 v23, v21  }
0x295: {  	v15 =	vadd.f32 v24, v18;
	v18 =	vmul.f32 v11, v11;
	v19 =	vadd.f32 $-1.258291200e+07, v16  }
0x296: {  	v61 =	vadd.s32 $0x80, v2;
	v20 =	vld [tilespmem:s1+$0xFFFFFFF0];
	v3 =	vmul.f32 $3.141592740e+00, v3;
	v21 =	vmul.f32 v10, v10  }
0x297: {  	v13 =	vadd.f32 v12, v13;
	v12 =	vadd.f32 v4, v15;
	v19 =	vmul.f32 $3.141592740e+00, v19  }
0x298: {  	v41 =	vadd.s32 $0x60, v58;
	v24 =	vsub.f32 v11, v3;
	v4 =	vadd.f32 v21, v18  }
0x299: {  	v15 =	vxor.u32 v7, v30;
	v3 =	vmul.f32 $3.183098730e-01, v13;
	v23 =	vsub.f32 v10, v19  }
0x29a: {  	s25 =	simm.s32 $0x6110;
	v18 =	vmul.f32 $3.183098730e-01, v12;
	v26 =	vmul.f32 v24, v24;
	v4 =	vadd.f32 $9.999999970e-07, v4  }
0x29b: {  	s26 =	simm.s32 $0x6130;
	[tilespmem:s25+$0x0] =	vst v14;
	v14 =	vld.idx.msk [tilespmem:v43+s0+$0x0], $0xffff;
	v7 =	vadd.f32 v20, v5;
	v20 =	vadd.f32 $1.258291200e+07, v3;
	v25 =	vmul.f32 v23, v23  }
0x29c: {  	v34 =	vadd.s32 $0x90, v58;
	[tilespmem:s26+$0x0] =	vst v27;
	v27 =	vld.idx.msk [tilespmem:v61+s0+$0x0], $0xffff;
	v19 =	vadd.f32 $1.258291200e+07, v18;
	v18 =	vmul.f32 $1.860897610e-04, v26  }
0x29d: {  	v5 =	vld.idx.msk [tilespmem:v6+s0+$0x0], $0xffff;
	(erf) = vrcp.f32 v4;
	v21 =	vadd.f32 $-1.258291200e+07, v20;
	v28 =	vmul.f32 $1.860897610e-04, v25  }
0x29e: {  	v29 =	vadd.s32 $0x60, v2;
	v6 =	vld.idx.msk [tilespmem:v40+s0+$0x0], $0xffff;
	v31 =	vadd.f32 $-1.258291200e+07, v19;
	v18 =	vsub.f32 $8.315964600e-03, v18  }
0x29f: {  	s29 =	simm.s32 $0x4130;
	v30 =	vmul.f32 v13, v13;
	v3 =	vld.idx.msk [tilespmem:v8+s0+$0x0], $0xffff;
	v62 =	vmul.f32 $3.141592740e+00, v21;
	v63 =	vsub.f32 $8.315964600e-03, v28  }
0x2a0: {  	s31 =	simm.s32 $0x5130;
	s30 =	simm.s32 $0x3130;
	v8 =	vld.idx.msk [tilespmem:v41+s0+$0x0], $0xffff;
	v21 =	vmul.f32 $3.141592740e+00, v31;
	v31 =	vmul.f32 v18, v26;
	v28 =	vadd.s32 $0x70, v2  }
0x2a1: {  	s28 =	simm.s32 $0x6130;
	s2 =	simm.s32 $0x2170;
	s1 =	simm.s32 $0x40;
	v33 =	vmul.f32 v12, v12;
	v4 =	vld.idx.msk [tilespmem:v34+s0+$0x0], $0xffff;
	v18 =	vsub.f32 v13, v62;
	v32 =	vmul.f32 v63, v25  }
.LBB2_6:
0x2a2: {  	v34 =	vld [tilespmem:s2+$0x0];
	v20 =	vshll.u32 v20, $0x1F;
	v21 =	vsub.f32 v12, v21;
	v31 =	vadd.f32 $-1.666589080e-01, v31  }
0x2a3: {  	v30 =	vadd.f32 v33, v30;
	v33 =	vmul.f32 v18, v18;
	v29 =	vld.idx.msk [tilespmem:v29+s0+$0x0], $0xffff;
	v32 =	vadd.f32 $-1.666589080e-01, v32  }
0x2a4: {  	v19 =	vshll.u32 v19, $0x1F;
	v35 =	vld [tilespmem:s2+$0xFFFFFFF0];
	v36 =	vmul.f32 v21, v21;
	v26 =	vmul.f32 v31, v26  }
0x2a5: {  	s1 =	sadd.s32 $0x20, s1;
	v30 =	vadd.f32 $9.999999970e-07, v30;
	v31 =	vmul.f32 $1.860897610e-04, v33;
	v28 =	vld.idx.msk [tilespmem:v28+s0+$0x0], $0xffff;
	v25 =	vmul.f32 v32, v25  }
0x2a6: {  	v22 =	vmul.f32 v22, v5;
	p0 =	slt.u32 s1, $0xFE0;
	v32 =	vmul.f32 $1.860897610e-04, v36;
	v26 =	vadd.f32 $9.999994630e-01, v26;
	v37 =	vpop (erf)  }
0x2a7: {  	v38 =	vadd.s32 $0x90, v2;
	v27 =	vmul.f32 v37, v27;
	v25 =	vadd.f32 $9.999994630e-01, v25;
	v2 =	vmovc v34  }
0x2a8: {  	s23 =	sadd.s32 $0x20, s23;
	v37 =	vadd.s32 $0x10, v2;
	v39 =	vadd.s32 $0x20, v2;
	v24 =	vmul.f32 v26, v24  }
0x2a9: {  	v17 =	vshll.u32 v17, $0x1F;
	s24 =	sadd.s32 $0x20, s24;
	v26 =	vld [tilespmem:s23+$0x0];
	v27 =	vadd.f32 v27, v29;
	v23 =	vmul.f32 v25, v23  }
0x2aa: {  	v16 =	vshll.u32 v16, $0x1F;
	v29 =	vadd.s32 $0x30, v2;
	v25 =	vld [tilespmem:s24+$0x0];
	v17 =	vxor.u32 v24, v17  }
0x2ab: {  	v24 =	vld.idx.msk [tilespmem:v34+s0+$0x0], $0xffff;
	v11 =	vmul.f32 v27, v11;
	v17 =	vmul.f32 v17, v28;
	v16 =	vxor.u32 v23, v16  }
0x2ac: {  	v23 =	vadd.s32 $0x10, v35;
	v10 =	vmul.f32 v27, v10;
	v34 =	vld.idx.msk [tilespmem:v38+s0+$0x0], $0xffff;
	v16 =	vmul.f32 v16, v28  }
0x2ad: {  	v27 =	vadd.s32 $0x20, v35;
	v28 =	vld.idx.msk [tilespmem:v37+s0+$0x0], $0xffff;
	v37 =	vadd.s32 $0x40, v2;
	v11 =	vadd.f32 v17, v11  }
0x2ae: {  	s21 =	sadd.s32 $0x20, s21;
	v17 =	vadd.s32 $0x30, v35;
	v38 =	vld.idx.msk [tilespmem:v39+s0+$0x0], $0xffff;
	v39 =	vadd.s32 $0x50, v2;
	v10 =	vadd.f32 v16, v10  }
0x2af: {  	s22 =	sadd.s32 $0x20, s22;
	v31 =	vsub.f32 $8.315964600e-03, v31;
	v40 =	vadd.s32 $0x50, v35;
	v16 =	vadd.s32 $0x40, v35;
	v29 =	vld.idx.msk [tilespmem:v29+s0+$0x0], $0xffff;
	[tilespmem:s21+$0x0] =	vst v11  }
0x2b0: {  	s20 =	sadd.s32 $0x20, s20;
	v42 =	vadd.s32 $0x80, v35;
	v11 =	vsub.f32 $8.315964600e-03, v32;
	v41 =	vld.idx.msk [tilespmem:v35+s0+$0x0], $0xffff;
	[tilespmem:s22+$0x0] =	vst v10;
	(erf) = vrcp.f32 v30  }
0x2b1: {  	v32 =	vadd.s32 $0x70, v35;
	v30 =	vadd.s32 $0x60, v35;
	v10 =	vmul.f32 v31, v33;
	v31 =	vld [tilespmem:s20+$0x0]  }
0x2b2: {  	v15 =	vmul.f32 v15, v5;
	v5 =	vmovc v14;
	v35 =	vadd.s32 $0x90, v35;
	v11 =	vmul.f32 v11, v36;
	v37 =	vld.idx.msk [tilespmem:v37+s0+$0x0], $0xffff  }
0x2b3: {  	v10 =	vadd.f32 $-1.666589080e-01, v10;
	v14 =	vld.idx.msk [tilespmem:v39+s0+$0x0], $0xffff;
	v39 =	vmul.f32 v9, v0;
	v9 =	vmul.f32 v9, v1;
	v0 =	vmovc v13  }
0x2b4: {  	v11 =	vadd.f32 $-1.666589080e-01, v11;
	v1 =	vmovc v12;
	v13 =	vld.idx.msk [tilespmem:v23+s0+$0x0], $0xffff;
	v23 =	vmul.f32 v24, v26;
	v24 =	vmul.f32 v28, v25  }
0x2b5: {  	v26 =	vmul.f32 v38, v26;
	v25 =	vmul.f32 v29, v25;
	v12 =	vld.idx.msk [tilespmem:v27+s0+$0x0], $0xffff;
	v22 =	vadd.f32 v22, v39  }
0x2b6: {  	v10 =	vmul.f32 v10, v33;
	v17 =	vld.idx.msk [tilespmem:v17+s0+$0x0], $0xffff;
	v23 =	vadd.f32 v24, v23;
	v24 =	vadd.f32 v31, v34  }
0x2b7: {  	v9 =	vadd.f32 v15, v9;
	v25 =	vadd.f32 v25, v26;
	v26 =	vmul.f32 v11, v36;
	v27 =	vld [tilespmem:s24+$0xFFFFFFF0];
	[tilespmem:s29+$0xFFFFFFF0] =	vst v22;
	s29 =	smov.u32 s21  }
0x2b8: {  	v22 =	vadd.f32 $9.999994630e-01, v10;
	v15 =	vld [tilespmem:s23+$0xFFFFFFF0];
	v11 =	vadd.f32 v37, v23;
	v23 =	vmul.f32 $5.000000000e-01, v24  }
0x2b9: {  	s26 =	sadd.s32 $0x20, s26;
	v7 =	vmul.f32 $5.000000000e-01, v7;
	v10 =	vadd.f32 v14, v25;
	v25 =	vadd.f32 $9.999994630e-01, v26;
	v24 =	vld.idx.msk [tilespmem:v16+s0+$0x0], $0xffff;
	v14 =	vpop (erf);
	[tilespmem:s31+$0xFFFFFFF0] =	vst v9;
	s31 =	smov.u32 s22  }
0x2ba: {  	v26 =	vld.idx.msk [tilespmem:v40+s0+$0x0], $0xffff;
	v9 =	vmul.f32 $3.183098730e-01, v11;
	v28 =	vmul.f32 v14, v6;
	[tilespmem:s26+$0x0] =	vst v23  }
0x2bb: {  	v18 =	vmul.f32 v22, v18;
	v16 =	vmul.f32 $3.183098730e-01, v10;
	v6 =	vld.idx.msk [tilespmem:v42+s0+$0x0], $0xffff;
	[tilespmem:s25+$0xFFFFFFF0] =	vst v7;
	s25 =	smov.u32 s28;
	s28 =	smov.u32 s26  }
0x2bc: {  	v7 =	vld.idx.msk [tilespmem:v30+s0+$0x0], $0xffff;
	v13 =	vmul.f32 v13, v27;
	v23 =	vmul.f32 v17, v27;
	v17 =	vadd.f32 $1.258291200e+07, v9  }
0x2bd: {  	v16 =	vadd.f32 $1.258291200e+07, v16;
	v14 =	vld.idx.msk [tilespmem:v32+s0+$0x0], $0xffff;
	v22 =	vmul.f32 v41, v15;
	v12 =	vmul.f32 v12, v15  }
0x2be: {  	v9 =	vadd.f32 v28, v8;
	v8 =	vmul.f32 v25, v21;
	v27 =	vld.idx.msk [tilespmem:v35+s0+$0x0], $0xffff;
	v15 =	vadd.f32 $-1.258291200e+07, v17  }
0x2bf: {  	v21 =	vadd.f32 $-1.258291200e+07, v16;
	v13 =	vadd.f32 v13, v22;
	v22 =	vxor.u32 v18, v20;
	v18 =	vld [tilespmem:s30+$0xFFFFFFF0];
	s30 =	smov.u32 s20  }
0x2c0: {  	v12 =	vadd.f32 v23, v12;
	v20 =	vmul.f32 v11, v11;
	v15 =	vmul.f32 $3.141592740e+00, v15  }
0x2c1: {  	v23 =	vmul.f32 v10, v10;
	v21 =	vmul.f32 $3.141592740e+00, v21;
	v13 =	vadd.f32 v24, v13  }
0x2c2: {  	v12 =	vadd.f32 v26, v12;
	v24 =	vsub.f32 v11, v15;
	v15 =	vxor.u32 v8, v19;
	v8 =	vmovc v7  }
0x2c3: {  	v25 =	vadd.f32 v23, v20;
	v23 =	vsub.f32 v10, v21;
	v19 =	vmul.f32 $3.183098730e-01, v13  }
0x2c4: {  	v21 =	vmul.f32 $3.183098730e-01, v12;
	v26 =	vmul.f32 v24, v24;
	v7 =	vadd.f32 v18, v3;
	v3 =	vmovc v4;
	v4 =	vmovc v27  }
0x2c5: {  	v18 =	vadd.f32 $9.999999970e-07, v25;
	v25 =	vmul.f32 v23, v23;
	v20 =	vadd.f32 $1.258291200e+07, v19  }
0x2c6: {  	v27 =	vadd.s32 $0x80, v2;
	v19 =	vadd.f32 $1.258291200e+07, v21;
	v21 =	vmul.f32 $1.860897610e-04, v26  }
.Ltmp2:
0x2c7: {  	v31 =	vmul.f32 $1.860897610e-04, v25;
	v28 =	vadd.f32 $-1.258291200e+07, v20;
	(erf) = vrcp.f32 v18;
	(pc) =	sbr.rel @p0 .LBB2_6-.Ltmp2, $4  }
0x2c8: {  	v29 =	vadd.s32 $0x60, v2;
	v18 =	vadd.f32 $-1.258291200e+07, v19;
	v32 =	vsub.f32 $8.315964600e-03, v21  }
0x2c9: {  	v30 =	vmul.f32 v13, v13;
	v35 =	vsub.f32 $8.315964600e-03, v31;
	v34 =	vmul.f32 $3.141592740e+00, v28  }
0x2ca: {  	v21 =	vmul.f32 $3.141592740e+00, v18;
	v28 =	vadd.s32 $0x70, v2;
	v31 =	vmul.f32 v32, v26  }
0x2cb: {  	s2 =	sadd.s32 $0x20, s2;
	v33 =	vmul.f32 v12, v12;
	v32 =	vmul.f32 v35, v25;
	v18 =	vsub.f32 v13, v34;
	v27 =	vld.idx.msk [tilespmem:v27+s0+$0x0], $0xffff  }
0x2cc: {  	_ = 	snop  }
0x2cd: {  	v31 =	vadd.f32 $-1.666589080e-01, v31;
	v49 =	vmul.f32 v18, v18  }
0x2ce: {  	v30 =	vadd.f32 v33, v30  }
0x2cf: {  	v21 =	vsub.f32 v12, v21;
	v26 =	vmul.f32 v31, v26;
	v31 =	vmul.f32 $1.860897610e-04, v49  }
0x2d0: {  	v30 =	vadd.f32 $9.999999970e-07, v30  }
0x2d1: {  	v29 =	vld.idx.msk [tilespmem:v29+s0+$0x0], $0xffff;
	v32 =	vadd.f32 $-1.666589080e-01, v32;
	v34 =	vmul.f32 v21, v21  }
0x2d2: {  	(erf) = vrcp.f32 v30;
	v30 =	vsub.f32 $8.315964600e-03, v31  }
0x2d3: {  	v25 =	vmul.f32 v32, v25;
	v35 =	vmul.f32 $1.860897610e-04, v34;
	v31 =	vpop (erf)  }
0x2d4: {  	v26 =	vadd.f32 $9.999994630e-01, v26;
	v30 =	vmul.f32 v30, v49;
	v27 =	vmul.f32 v31, v27  }
0x2d5: {  	v28 =	vld.idx.msk [tilespmem:v28+s0+$0x0], $0xffff;
	v25 =	vadd.f32 $9.999994630e-01, v25;
	v50 =	vsub.f32 $8.315964600e-03, v35  }
0x2d6: {  	v20 =	vshll.u32 v20, $0x1F;
	v27 =	vadd.f32 v27, v29;
	v29 =	vadd.f32 $-1.666589080e-01, v30  }
0x2d7: {  	v19 =	vshll.u32 v19, $0x1F;
	v24 =	vmul.f32 v26, v24;
	v26 =	vmul.f32 v50, v34  }
0x2d8: {  	v17 =	vshll.u32 v17, $0x1F;
	v23 =	vmul.f32 v25, v23;
	v25 =	vmul.f32 v29, v49  }
0x2d9: {  	v22 =	vmul.f32 v22, v5;
	v17 =	vxor.u32 v24, v17;
	v24 =	vadd.f32 $-1.666589080e-01, v26  }
0x2da: {  	v2 =	vadd.s32 $0x90, v2;
	v16 =	vshll.u32 v16, $0x1F;
	v17 =	vmul.f32 v17, v28  }
0x2db: {  	v16 =	vxor.u32 v23, v16;
	v11 =	vmul.f32 v27, v11;
	v23 =	vmul.f32 v24, v34  }
0x2dc: {  	v16 =	vmul.f32 v16, v28;
	v10 =	vmul.f32 v27, v10;
	v24 =	vadd.f32 $9.999994630e-01, v25;
	v25 =	vpop (erf)  }
0x2dd: {  	v11 =	vadd.f32 v17, v11;
	v17 =	vadd.f32 $9.999994630e-01, v23;
	v6 =	vmul.f32 v25, v6  }
0x2de: {  	v0 =	vmul.f32 v9, v0;
	v10 =	vadd.f32 v16, v10;
	v16 =	vmul.f32 v24, v18  }
0x2df: {  	v5 =	vmul.f32 v15, v5;
	v6 =	vadd.f32 v6, v8;
	v8 =	vmul.f32 v17, v21  }
0x2e0: {  	s1 =	sadd.s32 $0x20, s21;
	v1 =	vmul.f32 v9, v1;
	v0 =	vadd.f32 v22, v0;
	v2 =	vld.idx.msk [tilespmem:v2+s0+$0x0], $0xffff;
	v9 =	vxor.u32 v16, v20  }
0x2e1: {  	[tilespmem:s1+$0x0] =	vst v11;
	v9 =	vmul.f32 v9, v14;
	v8 =	vxor.u32 v8, v19;
	v11 =	vmul.f32 v6, v13  }
0x2e2: {  	s2 =	sadd.s32 $0x20, s22;
	v1 =	vadd.f32 v5, v1;
	[tilespmem:s29+$0xFFFFFFF0] =	vst v0;
	v6 =	vmul.f32 v6, v12;
	v5 =	vmul.f32 v8, v14  }
0x2e3: {  	s20 =	sadd.s32 $0x20, s20;
	[tilespmem:s2+$0x0] =	vst v10;
	v0 =	vadd.f32 v9, v11  }
0x2e4: {  	[tilespmem:s31+$0xFFFFFFF0] =	vst v1;
	v8 =	vld [tilespmem:s20+$0x0];
	v1 =	vadd.f32 v5, v6  }
0x2e5: {  	[tilespmem:s1+$0xFFFFFFF0] =	vst v0  }
0x2e6: {  	v0 =	vld [tilespmem:s30+$0xFFFFFFF0];
	[tilespmem:s2+$0xFFFFFFF0] =	vst v1  }
0x2e7: {  	v1 =	vld [tilespmem:s20+$0xFFFFFFF0];
	_ =	sdelay $0x1  }
0x2e8: {  	v2 =	vadd.f32 v8, v2;
	_ =	sdelay $0x1  }
0x2e9: {  	v2 =	vmul.f32 $5.000000000e-01, v2;
	v0 =	vadd.f32 v0, v3  }
0x2ea: {  	s26 =	sadd.s32 $0x20, s26;
	v3 =	vmul.f32 $5.000000000e-01, v7;
	v1 =	vadd.f32 v1, v4  }
0x2eb: {  	[tilespmem:s26+$0x0] =	vst v2;
	v0 =	vmul.f32 $5.000000000e-01, v0  }
0x2ec: {  	[tilespmem:s25+$0xFFFFFFF0] =	vst v3;
	v1 =	vmul.f32 $5.000000000e-01, v1  }
0x2ed: {  	[tilespmem:s28+$0xFFFFFFF0] =	vst v0  }
0x2ee: {  	[tilespmem:s26+$0xFFFFFFF0] =	vst v1  }
0x2ef: {  	s1 =	rddreg [dreg:$0xf]  }
0x2f0: {  	[hbm4b:s1+s0] =	stream.linear.scatter [tilespmem:s10], [sflag:$0x3], $0x1000, $0x38;
	[tilespmem:$0xE100] =	vst v63  }
0x2f1: {  	s2 =	rddreg [dreg:$0x10]  }
0x2f2: {  	[hbm4b:s2+s0] =	stream.linear.scatter [tilespmem:s11], [sflag:$0x3], $0x1000, $0x38;
	[tilespmem:$0xE100] =	vst v63  }
0x2f3: {  	s20 =	rddreg [dreg:$0x11]  }
0x2f4: {  	[hbm4b:s20+s0] =	stream.linear.scatter [tilespmem:s12], [sflag:$0x3], $0x1000, $0x38;
	[tilespmem:$0xE100] =	vst v63  }
0x2f5: {  	s22 =	simm.s32 $0x100;
	s21 =	rddreg [dreg:$0x19]  }
0x2f6: {  	[tilespmem:s22], [sflag:$0x1] =	stream.linear.gather [hbm4b:s21+s0], $0x1000, $0x38;
	[tilespmem:$0xE100] =	vst v63  }
0x2f7: {  	s24 =	simm.s32 $0x1100;
	s23 =	rddreg [dreg:$0x1a]  }
0x2f8: {  	[tilespmem:s24], [sflag:$0x1] =	stream.linear.gather [hbm4b:s23+s0], $0x1000, $0x38;
	[tilespmem:$0xE100] =	vst v63  }
0x2f9: {  	s25 =	rddreg [dreg:$0x1b]  }
0x2fa: {  	[tilespmem:s3], [sflag:$0x1] =	stream.linear.gather [hbm4b:s25+s0], $0x1000, $0x38;
	[tilespmem:$0xE100] =	vst v63  }
0x2fb: {  	s26 =	rddreg [dreg:$0x1c]  }
0x2fc: {  	[tilespmem:s4], [sflag:$0x1] =	stream.linear.gather [hbm4b:s26+s0], $0x1000, $0x38;
	[tilespmem:$0xE100] =	vst v63  }
0x2fd: {  	_ =	swait.ge [sflag:s13], $0x1000  }
0x2fe: {  	[sflag:s13] =	ssyncset.done $0x0  }
0x2ff: {  	[sflag:s13] =	ssyncadd.s32 $0xFFFFF000  }
0x300: {  	_ =	swait.ge [sflag:s13], $0x1000  }
0x301: {  	[sflag:s13] =	ssyncset.done $0x0  }
0x302: {  	[sflag:s13] =	ssyncadd.s32 $0xFFFFF000  }
0x303: {  	_ =	swait.ge [sflag:s13], $0x1000  }
0x304: {  	[sflag:s13] =	ssyncset.done $0x0  }
0x305: {  	[sflag:s13] =	ssyncadd.s32 $0xFFFFF000  }
0x306: {  	_ =	swait.ge [sflag:s13], $0x1000  }
0x307: {  	[sflag:s13] =	ssyncset.done $0x0  }
0x308: {  	[sflag:s13] =	ssyncadd.s32 $0xFFFFF000  }
0x309: {  	_ =	swait.ge [sflag:s18], $0x1000  }
0x30a: {  	[sflag:s18] =	ssyncset.done $0x0  }
0x30b: {  	[sflag:s18] =	ssyncadd.s32 $0xFFFFF000  }
0x30c: {  	_ =	swait.ge [sflag:s18], $0x1000  }
0x30d: {  	[sflag:s18] =	ssyncset.done $0x0  }
0x30e: {  	[sflag:s18] =	ssyncadd.s32 $0xFFFFF000  }
0x30f: {  	_ =	swait.ge [sflag:s18], $0x1000  }
0x310: {  	[sflag:s18] =	ssyncset.done $0x0  }
0x311: {  	s2 =	simm.s32 $0x9110;
	[sflag:s18] =	ssyncadd.s32 $0xFFFFF000  }
0x312: {  	v1 =	vld [tilespmem:s2+$0x0];
	_ =	sdelay $0x4  }
0x313: {  	v2 =	vadd.s32 $0x10, v1  }
0x314: {  	s20 =	simm.s32 $0x7110;
	v0 =	vld [tilespmem:s2+$0xFFFFFFF0];
	v3 =	vadd.s32 $0x20, v1  }
0x315: {  	s21 =	simm.s32 $0x8110;
	v4 =	vld [tilespmem:s20+$0x0];
	v5 =	vadd.s32 $0x30, v1  }
0x316: {  	v6 =	vld [tilespmem:s21+$0x0]  }
0x317: {  	v7 =	vld.idx.msk [tilespmem:v1+s0+$0x0], $0xffff  }
0x318: {  	v8 =	vadd.s32 $0x40, v1;
	v2 =	vld.idx.msk [tilespmem:v2+s0+$0x0], $0xffff  }
0x319: {  	v9 =	vadd.s32 $0x50, v1;
	v3 =	vld.idx.msk [tilespmem:v3+s0+$0x0], $0xffff  }
0x31a: {  	v5 =	vld.idx.msk [tilespmem:v5+s0+$0x0], $0xffff;
	_ =	sdelay $0x1  }
0x31b: {  	v10 =	vadd.s32 $0x10, v0  }
0x31c: {  	v8 =	vld.idx.msk [tilespmem:v8+s0+$0x0], $0xffff  }
0x31d: {  	v9 =	vld.idx.msk [tilespmem:v9+s0+$0x0], $0xffff;
	v7 =	vmul.f32 v7, v4;
	v2 =	vmul.f32 v2, v6  }
0x31e: {  	v11 =	vadd.s32 $0x30, v0;
	v3 =	vmul.f32 v3, v4;
	v4 =	vmul.f32 v5, v6  }
0x31f: {  	v5 =	vld.idx.msk [tilespmem:v0+s0+$0x0], $0xffff  }
0x320: {  	v6 =	vld.idx.msk [tilespmem:v10+s0+$0x0], $0xffff;
	v2 =	vadd.f32 v2, v7;
	v3 =	vadd.f32 v4, v3  }
0x321: {  	v10 =	vld [tilespmem:s20+$0xFFFFFFF0];
	v4 =	vadd.s32 $0x20, v0  }
0x322: {  	v2 =	vadd.f32 v8, v2;
	v8 =	vld [tilespmem:s21+$0xFFFFFFF0];
	v9 =	vadd.f32 v9, v3  }
0x323: {  	v7 =	vld.idx.msk [tilespmem:v11+s0+$0x0], $0xffff;
	v3 =	vadd.s32 $0x40, v0  }
0x324: {  	v11 =	vmul.f32 $3.183098730e-01, v2;
	v12 =	vmul.f32 $3.183098730e-01, v9  }
0x325: {  	v13 =	vadd.s32 $0x50, v0  }
0x326: {  	v4 =	vld.idx.msk [tilespmem:v4+s0+$0x0], $0xffff;
	v11 =	vadd.f32 $1.258291200e+07, v11;
	v12 =	vadd.f32 $1.258291200e+07, v12  }
0x327: {  	v5 =	vmul.f32 v5, v10;
	v6 =	vmul.f32 v6, v8  }
0x328: {  	v3 =	vld.idx.msk [tilespmem:v3+s0+$0x0], $0xffff;
	v7 =	vmul.f32 v7, v8;
	v14 =	vadd.f32 $-1.258291200e+07, v11;
	v8 =	vadd.f32 $-1.258291200e+07, v12  }
0x329: {  	v15 =	vmul.f32 v2, v2;
	v16 =	vmul.f32 v9, v9  }
0x32a: {  	v13 =	vld.idx.msk [tilespmem:v13+s0+$0x0], $0xffff;
	v14 =	vmul.f32 $3.141592740e+00, v14;
	v8 =	vmul.f32 $3.141592740e+00, v8  }
0x32b: {  	v5 =	vadd.f32 v6, v5;
	v4 =	vmul.f32 v4, v10;
	v10 =	vadd.f32 v16, v15  }
0x32c: {  	v6 =	vsub.f32 v2, v14;
	v8 =	vsub.f32 v9, v8  }
0x32d: {  	v7 =	vadd.f32 v7, v4;
	v4 =	vadd.f32 v3, v5  }
0x32e: {  	v10 =	vadd.f32 $9.999999970e-07, v10;
	v5 =	vmul.f32 v6, v6  }
0x32f: {  	v14 =	vmul.f32 v8, v8;
	v3 =	vadd.f32 v13, v7;
	v7 =	vmul.f32 $3.183098730e-01, v4  }
0x330: {  	v15 =	vadd.s32 $0x80, v1;
	(erf) = vrcp.f32 v10;
	v13 =	vmul.f32 $1.860897610e-04, v5  }
0x331: {  	v16 =	vmul.f32 $1.860897610e-04, v14  }
0x332: {  	v17 =	vadd.f32 $1.258291200e+07, v7;
	v7 =	vsub.f32 $8.315964600e-03, v13;
	v13 =	vadd.s32 $0x60, v1  }
0x333: {  	v10 =	vmul.f32 $3.183098730e-01, v3;
	v16 =	vsub.f32 $8.315964600e-03, v16  }
0x334: {  	v20 =	vadd.s32 $0x70, v1;
	v22 =	vadd.s32 $0x60, v0;
	v7 =	vmul.f32 v7, v5  }
0x335: {  	s22 =	simm.s32 $0x9130;
	v15 =	vld.idx.msk [tilespmem:v15+s0+$0x0], $0xffff;
	v18 =	vadd.f32 $-1.258291200e+07, v17;
	v19 =	vadd.f32 $1.258291200e+07, v10;
	v10 =	vmul.f32 v16, v14  }
0x336: {  	v11 =	vshll.u32 v11, $0x1F;
	v25 =	vmul.f32 v4, v4;
	v21 =	vadd.f32 $-1.666589080e-01, v7;
	v7 =	vld [tilespmem:s22+$0x0]  }
0x337: {  	v1 =	vadd.s32 $0x90, v1;
	v18 =	vmul.f32 $3.141592740e+00, v18;
	v24 =	vadd.f32 $-1.666589080e-01, v10;
	v13 =	vld.idx.msk [tilespmem:v13+s0+$0x0], $0xffff  }
0x338: {  	v16 =	vadd.s32 $0x80, v0;
	v23 =	vadd.f32 $-1.258291200e+07, v19;
	v5 =	vmul.f32 v21, v5  }
0x339: {  	v20 =	vld.idx.msk [tilespmem:v20+s0+$0x0], $0xffff;
	v18 =	vsub.f32 v4, v18;
	v10 =	vadd.s32 $0x70, v0;
	v26 =	vpop (erf);
	v14 =	vmul.f32 v24, v14  }
0x33a: {  	s23 =	simm.s32 $0x7130;
	v21 =	vmul.f32 $3.141592740e+00, v23;
	v15 =	vmul.f32 v26, v15;
	v26 =	vld [tilespmem:s22+$0xFFFFFFF0];
	v5 =	vadd.f32 $9.999994630e-01, v5  }
0x33b: {  	v51 =	vld [tilespmem:s23+$0xFFFFFFF0];
	v23 =	vmul.f32 v3, v3;
	v14 =	vadd.f32 $9.999994630e-01, v14;
	v27 =	vadd.s32 $0x10, v7  }
0x33c: {  	v1 =	vld.idx.msk [tilespmem:v1+s0+$0x0], $0xffff;
	v28 =	vadd.s32 $0x20, v7;
	v5 =	vmul.f32 v5, v6;
	v13 =	vadd.f32 v15, v13  }
0x33d: {  	s24 =	simm.s32 $0x8130;
	v24 =	vmul.f32 v18, v18;
	v6 =	vld [tilespmem:s23+$0x0];
	v8 =	vmul.f32 v14, v8;
	v15 =	vadd.s32 $0x30, v7  }
0x33e: {  	v14 =	vld [tilespmem:s24+$0x0];
	v5 =	vxor.u32 v5, v11;
	v11 =	vshll.u32 v12, $0x1F;
	v2 =	vmul.f32 v13, v2  }
0x33f: {  	v12 =	vld.idx.msk [tilespmem:v7+s0+$0x0], $0xffff;
	v9 =	vmul.f32 v13, v9;
	v5 =	vmul.f32 v5, v20;
	v8 =	vxor.u32 v8, v11  }
0x340: {  	v11 =	vsub.f32 v3, v21;
	v21 =	vadd.s32 $0x40, v7;
	v8 =	vmul.f32 v8, v20;
	v20 =	vld.idx.msk [tilespmem:v27+s0+$0x0], $0xffff  }
0x341: {  	v13 =	vadd.f32 v23, v25;
	v25 =	vld.idx.msk [tilespmem:v28+s0+$0x0], $0xffff;
	v27 =	vadd.s32 $0x50, v7;
	v2 =	vadd.f32 v5, v2  }
0x342: {  	s2 =	simm.s32 $0xB110;
	v23 =	vmul.f32 $1.860897610e-04, v24;
	v28 =	vld.idx.msk [tilespmem:v26+s0+$0x0], $0xffff;
	v5 =	vadd.s32 $0x90, v0;
	v0 =	vmul.f32 v11, v11  }
0x343: {  	v15 =	vld.idx.msk [tilespmem:v15+s0+$0x0], $0xffff;
	v8 =	vadd.f32 v8, v9;
	v9 =	vadd.s32 $0x10, v26;
	[tilespmem:s2+$0x0] =	vst v2;
	v2 =	vadd.f32 $9.999999970e-07, v13  }
0x344: {  	s25 =	simm.s32 $0xC110;
	v30 =	vadd.s32 $0x30, v26;
	v23 =	vsub.f32 $8.315964600e-03, v23;
	v12 =	vmul.f32 v12, v6  }
0x345: {  	v13 =	vadd.s32 $0x20, v26;
	[tilespmem:s25+$0x0] =	vst v8;
	v8 =	vmul.f32 $1.860897610e-04, v0;
	v21 =	vld.idx.msk [tilespmem:v21+s0+$0x0], $0xffff;
	(erf) = vrcp.f32 v2  }
0x346: {  	s1 =	simm.s32 $0xA110;
	v2 =	vmul.f32 v23, v24;
	v23 =	vld.idx.msk [tilespmem:v27+s0+$0x0], $0xffff;
	v20 =	vmul.f32 v20, v14;
	v27 =	vadd.s32 $0x40, v26  }
0x347: {  	v29 =	vld [tilespmem:s1+$0x0];
	v6 =	vmul.f32 v25, v6;
	v28 =	vmul.f32 v28, v51;
	v8 =	vsub.f32 $8.315964600e-03, v8  }
0x348: {  	v31 =	vld.idx.msk [tilespmem:v9+s0+$0x0], $0xffff;
	v9 =	vmul.f32 v15, v14;
	v15 =	vadd.s32 $0x50, v26;
	v12 =	vadd.f32 v20, v12  }
0x349: {  	v25 =	vld [tilespmem:s24+$0xFFFFFFF0];
	v20 =	vadd.s32 $0x80, v26;
	v2 =	vadd.f32 $-1.666589080e-01, v2;
	v8 =	vmul.f32 v8, v0  }
0x34a: {  	v13 =	vld.idx.msk [tilespmem:v13+s0+$0x0], $0xffff;
	v14 =	vadd.f32 v9, v6;
	v9 =	vadd.s32 $0x60, v26;
	v12 =	vadd.f32 v21, v12  }
0x34b: {  	v6 =	vadd.s32 $0x70, v26;
	v21 =	vld.idx.msk [tilespmem:v30+s0+$0x0], $0xffff;
	v2 =	vmul.f32 v2, v24;
	v8 =	vadd.f32 $-1.666589080e-01, v8  }
0x34c: {  	v16 =	vld.idx.msk [tilespmem:v16+s0+$0x0], $0xffff;
	v1 =	vadd.f32 v29, v1;
	v23 =	vadd.f32 v23, v14;
	v24 =	vmul.f32 $3.183098730e-01, v12  }
0x34d: {  	v2 =	vadd.f32 $9.999994630e-01, v2;
	v0 =	vmul.f32 v8, v0;
	v8 =	vadd.s32 $0x90, v26  }
0x34e: {  	v14 =	vmul.f32 $5.000000000e-01, v1;
	v26 =	vmul.f32 $3.183098730e-01, v23;
	v24 =	vadd.f32 $1.258291200e+07, v24  }
0x34f: {  	v1 =	vld.idx.msk [tilespmem:v27+s0+$0x0], $0xffff;
	v13 =	vmul.f32 v13, v51;
	v27 =	vadd.f32 $9.999994630e-01, v0;
	v0 =	vmul.f32 v31, v25  }
0x350: {  	v15 =	vld.idx.msk [tilespmem:v15+s0+$0x0], $0xffff;
	v29 =	vpop (erf);
	v21 =	vmul.f32 v21, v25;
	v26 =	vadd.f32 $1.258291200e+07, v26;
	v25 =	vadd.f32 $-1.258291200e+07, v24  }
0x351: {  	v16 =	vmul.f32 v29, v16;
	v29 =	vmul.f32 v23, v23;
	v0 =	vadd.f32 v0, v28  }
0x352: {  	v22 =	vld.idx.msk [tilespmem:v22+s0+$0x0], $0xffff;
	v13 =	vadd.f32 v21, v13;
	v21 =	vmul.f32 v12, v12;
	v28 =	vadd.f32 $-1.258291200e+07, v26  }
0x353: {  	v2 =	vmul.f32 v2, v18;
	v25 =	vmul.f32 $3.141592740e+00, v25  }
0x354: {  	v0 =	vadd.f32 v1, v0;
	v18 =	vadd.f32 v29, v21;
	v28 =	vmul.f32 $3.141592740e+00, v28  }
0x355: {  	v11 =	vmul.f32 v27, v11;
	v1 =	vadd.f32 v15, v13;
	v13 =	vsub.f32 v12, v25  }
0x356: {  	v15 =	vmul.f32 $3.183098730e-01, v0;
	v18 =	vadd.f32 $9.999999970e-07, v18;
	v21 =	vsub.f32 v23, v28  }
0x357: {  	v16 =	vadd.f32 v16, v22;
	v22 =	vmul.f32 $3.183098730e-01, v1;
	v25 =	vmul.f32 v13, v13  }
0x358: {  	v29 =	vadd.s32 $0x80, v7;
	(erf) = vrcp.f32 v18;
	v27 =	vmul.f32 v21, v21  }
0x359: {  	s26 =	simm.s32 $0x9150;
	v31 =	vadd.s32 $0x60, v7;
	v15 =	vadd.f32 $1.258291200e+07, v15;
	v28 =	vmul.f32 $1.860897610e-04, v25  }
0x35a: {  	v58 =	vld [tilespmem:s26+$0xFFFFFFF0];
	v17 =	vshll.u32 v17, $0x1F;
	v22 =	vadd.f32 $1.258291200e+07, v22;
	v30 =	vmul.f32 $1.860897610e-04, v27  }
0x35b: {  	v17 =	vxor.u32 v2, v17;
	v2 =	vadd.f32 $-1.258291200e+07, v15;
	v18 =	vsub.f32 $8.315964600e-03, v28  }
0x35c: {  	v19 =	vshll.u32 v19, $0x1F;
	v28 =	vadd.f32 $-1.258291200e+07, v22;
	v30 =	vsub.f32 $8.315964600e-03, v30  }
0x35d: {  	v11 =	vxor.u32 v11, v19;
	v29 =	vld.idx.msk [tilespmem:v29+s0+$0x0], $0xffff;
	v2 =	vmul.f32 $3.141592740e+00, v2;
	v18 =	vmul.f32 v18, v25  }
0x35e: {  	v31 =	vld.idx.msk [tilespmem:v31+s0+$0x0], $0xffff;
	v19 =	vmul.f32 $3.141592740e+00, v28;
	v28 =	vadd.s32 $0x70, v7;
	v30 =	vmul.f32 v30, v27  }
0x35f: {  	v24 =	vshll.u32 v24, $0x1F;
	v53 =	vsub.f32 v0, v2;
	v2 =	vld [tilespmem:s26+$0x0];
	v18 =	vadd.f32 $-1.666589080e-01, v18  }
0x360: {  	v52 =	vmul.f32 v0, v0;
	v54 =	vmul.f32 v1, v1;
	v30 =	vadd.f32 $-1.666589080e-01, v30  }
0x361: {  	v19 =	vsub.f32 v1, v19;
	v55 =	vmul.f32 v53, v53;
	v18 =	vmul.f32 v18, v25;
	v57 =	vpop (erf)  }
0x362: {  	v39 =	vld.idx.msk [tilespmem:v58+s0+$0x0], $0xffff;
	v7 =	vadd.s32 $0x90, v7;
	v29 =	vmul.f32 v57, v29;
	v27 =	vmul.f32 v30, v27  }
0x363: {  	v25 =	vadd.f32 v54, v52;
	v56 =	vmul.f32 v19, v19;
	v28 =	vld.idx.msk [tilespmem:v28+s0+$0x0], $0xffff;
	v18 =	vadd.f32 $9.999994630e-01, v18  }
0x364: {  	v10 =	vld.idx.msk [tilespmem:v10+s0+$0x0], $0xffff;
	v29 =	vadd.f32 v29, v31;
	v31 =	vadd.s32 $0x30, v2;
	v27 =	vadd.f32 $9.999994630e-01, v27  }
0x365: {  	s23 =	simm.s32 $0x7150;
	v5 =	vld.idx.msk [tilespmem:v5+s0+$0x0], $0xffff;
	v30 =	vshll.u32 v22, $0x1F;
	v36 =	vadd.s32 $0x10, v2;
	v13 =	vmul.f32 v18, v13  }
0x366: {  	s24 =	simm.s32 $0x8150;
	v22 =	vmul.f32 $1.860897610e-04, v55;
	v37 =	vadd.s32 $0x20, v2;
	v18 =	vld [tilespmem:s23+$0x0];
	v21 =	vmul.f32 v27, v21  }
0x367: {  	v59 =	vadd.s32 $0x50, v2;
	v27 =	vld [tilespmem:s24+$0x0];
	v13 =	vxor.u32 v13, v24;
	v24 =	vshll.u32 v26, $0x1F  }
0x368: {  	v12 =	vmul.f32 v29, v12;
	v26 =	vld.idx.msk [tilespmem:v2+s0+$0x0], $0xffff;
	v13 =	vmul.f32 v13, v28;
	v21 =	vxor.u32 v21, v24  }
0x369: {  	v22 =	vsub.f32 $8.315964600e-03, v22;
	v23 =	vmul.f32 v29, v23;
	v31 =	vld.idx.msk [tilespmem:v31+s0+$0x0], $0xffff;
	v21 =	vmul.f32 v21, v28  }
0x36a: {  	v29 =	vadd.s32 $0x40, v2;
	v24 =	vadd.f32 $9.999999970e-07, v25;
	v28 =	vld.idx.msk [tilespmem:v36+s0+$0x0], $0xffff;
	v12 =	vadd.f32 v13, v12  }
0x36b: {  	s21 =	simm.s32 $0xB130;
	v25 =	vmul.f32 $1.860897610e-04, v56;
	v13 =	vmul.f32 v17, v10;
	v17 =	vld.idx.msk [tilespmem:v37+s0+$0x0], $0xffff;
	v21 =	vadd.f32 v21, v23  }
0x36c: {  	v60 =	vadd.s32 $0x20, v58;
	v38 =	vadd.s32 $0x30, v58;
	s22 =	simm.s32 $0xC130;
	v42 =	vmul.f32 v11, v10;
	v7 =	vld.idx.msk [tilespmem:v7+s0+$0x0], $0xffff;
	[tilespmem:s21+$0x0] =	vst v12  }
0x36d: {  	s20 =	simm.s32 $0xA130;
	v20 =	vld.idx.msk [tilespmem:v20+s0+$0x0], $0xffff;
	v22 =	vmul.f32 v22, v55;
	(erf) = vrcp.f32 v24;
	v24 =	vsub.f32 $8.315964600e-03, v25;
	[tilespmem:s22+$0x0] =	vst v21  }
0x36e: {  	v3 =	vmul.f32 v16, v3;
	v23 =	vadd.s32 $0x10, v58;
	v11 =	vmul.f32 v26, v18;
	v25 =	vld [tilespmem:s20+$0x0]  }
0x36f: {  	v22 =	vadd.f32 $-1.666589080e-01, v22;
	v29 =	vld.idx.msk [tilespmem:v29+s0+$0x0], $0xffff;
	v10 =	vmul.f32 v24, v56;
	v26 =	vmul.f32 v28, v27  }
0x370: {  	v40 =	vadd.s32 $0x80, v58;
	v24 =	vld.idx.msk [tilespmem:v59+s0+$0x0], $0xffff;
	v17 =	vmul.f32 v17, v18;
	v18 =	vmul.f32 v31, v27  }
0x371: {  	v43 =	vadd.s32 $0x70, v58;
	v3 =	vadd.f32 v42, v3;
	v22 =	vmul.f32 v22, v55;
	v28 =	vld.idx.msk [tilespmem:v60+s0+$0x0], $0xffff  }
0x372: {  	v21 =	vadd.s32 $0x50, v58;
	v11 =	vadd.f32 v26, v11;
	v17 =	vadd.f32 v18, v17;
	v18 =	vld [tilespmem:s23+$0xFFFFFFF0]  }
0x373: {  	v4 =	vmul.f32 v16, v4;
	v22 =	vadd.f32 $9.999994630e-01, v22;
	v23 =	vld.idx.msk [tilespmem:v23+s0+$0x0], $0xffff;
	v7 =	vadd.f32 v25, v7  }
0x374: {  	v12 =	vadd.s32 $0x40, v58;
	v10 =	vadd.f32 $-1.666589080e-01, v10;
	v11 =	vadd.f32 v29, v11;
	v25 =	vld [tilespmem:s24+$0xFFFFFFF0]  }
0x375: {  	v16 =	vld.idx.msk [tilespmem:v38+s0+$0x0], $0xffff;
	v15 =	vshll.u32 v15, $0x1F;
	v4 =	vadd.f32 v13, v4;
	v22 =	vmul.f32 v22, v53  }
0x376: {  	v9 =	vld.idx.msk [tilespmem:v9+s0+$0x0], $0xffff;
	v13 =	vmul.f32 v10, v56;
	v10 =	vadd.f32 v24, v17;
	v17 =	vmul.f32 $3.183098730e-01, v11  }
0x377: {  	[tilespmem:s2+$0xFFFFFFF0] =	vst v4;
	v22 =	vxor.u32 v22, v15;
	v4 =	vld.idx.msk [tilespmem:v21+s0+$0x0], $0xffff;
	v27 =	vmul.f32 $5.000000000e-01, v7;
	v21 =	vmul.f32 v39, v18;
	v7 =	vpop (erf)  }
0x378: {  	v17 =	vadd.f32 $1.258291200e+07, v17;
	v7 =	vmul.f32 v7, v20;
	v20 =	vmul.f32 $3.183098730e-01, v10  }
0x379: {  	v12 =	vld.idx.msk [tilespmem:v12+s0+$0x0], $0xffff;
	v13 =	vadd.f32 $9.999994630e-01, v13;
	v18 =	vmul.f32 v28, v18;
	v23 =	vmul.f32 v23, v25  }
0x37a: {  	[tilespmem:s25+$0xFFFFFFF0] =	vst v3;
	v24 =	vmul.f32 v16, v25;
	v3 =	vadd.f32 $-1.258291200e+07, v17;
	v16 =	vadd.f32 $1.258291200e+07, v20  }
0x37b: {  	v9 =	vadd.f32 v7, v9;
	v7 =	vmul.f32 v13, v19;
	v13 =	vadd.f32 v23, v21  }
0x37c: {  	v15 =	vadd.f32 v24, v18;
	v18 =	vmul.f32 v11, v11;
	v19 =	vadd.f32 $-1.258291200e+07, v16  }
0x37d: {  	v61 =	vadd.s32 $0x80, v2;
	v20 =	vld [tilespmem:s1+$0xFFFFFFF0];
	v3 =	vmul.f32 $3.141592740e+00, v3;
	v21 =	vmul.f32 v10, v10  }
0x37e: {  	v13 =	vadd.f32 v12, v13;
	v12 =	vadd.f32 v4, v15;
	v19 =	vmul.f32 $3.141592740e+00, v19  }
0x37f: {  	v41 =	vadd.s32 $0x60, v58;
	v24 =	vsub.f32 v11, v3;
	v4 =	vadd.f32 v21, v18  }
0x380: {  	v15 =	vxor.u32 v7, v30;
	v3 =	vmul.f32 $3.183098730e-01, v13;
	v23 =	vsub.f32 v10, v19  }
0x381: {  	s25 =	simm.s32 $0xD110;
	v18 =	vmul.f32 $3.183098730e-01, v12;
	v26 =	vmul.f32 v24, v24;
	v4 =	vadd.f32 $9.999999970e-07, v4  }
0x382: {  	s26 =	simm.s32 $0xD130;
	[tilespmem:s25+$0x0] =	vst v14;
	v14 =	vld.idx.msk [tilespmem:v43+s0+$0x0], $0xffff;
	v7 =	vadd.f32 v20, v5;
	v20 =	vadd.f32 $1.258291200e+07, v3;
	v25 =	vmul.f32 v23, v23  }
0x383: {  	v34 =	vadd.s32 $0x90, v58;
	[tilespmem:s26+$0x0] =	vst v27;
	v27 =	vld.idx.msk [tilespmem:v61+s0+$0x0], $0xffff;
	v19 =	vadd.f32 $1.258291200e+07, v18;
	v18 =	vmul.f32 $1.860897610e-04, v26  }
0x384: {  	v5 =	vld.idx.msk [tilespmem:v6+s0+$0x0], $0xffff;
	(erf) = vrcp.f32 v4;
	v21 =	vadd.f32 $-1.258291200e+07, v20;
	v28 =	vmul.f32 $1.860897610e-04, v25  }
0x385: {  	v29 =	vadd.s32 $0x60, v2;
	v6 =	vld.idx.msk [tilespmem:v40+s0+$0x0], $0xffff;
	v31 =	vadd.f32 $-1.258291200e+07, v19;
	v18 =	vsub.f32 $8.315964600e-03, v18  }
0x386: {  	s29 =	simm.s32 $0xB130;
	v30 =	vmul.f32 v13, v13;
	v3 =	vld.idx.msk [tilespmem:v8+s0+$0x0], $0xffff;
	v62 =	vmul.f32 $3.141592740e+00, v21;
	v63 =	vsub.f32 $8.315964600e-03, v28  }
0x387: {  	s31 =	simm.s32 $0xC130;
	s30 =	simm.s32 $0xA130;
	v8 =	vld.idx.msk [tilespmem:v41+s0+$0x0], $0xffff;
	v21 =	vmul.f32 $3.141592740e+00, v31;
	v31 =	vmul.f32 v18, v26;
	v28 =	vadd.s32 $0x70, v2  }
0x388: {  	s28 =	simm.s32 $0xD130;
	s2 =	simm.s32 $0x9170;
	s1 =	simm.s32 $0x40;
	v33 =	vmul.f32 v12, v12;
	v4 =	vld.idx.msk [tilespmem:v34+s0+$0x0], $0xffff;
	v18 =	vsub.f32 v13, v62;
	v32 =	vmul.f32 v63, v25  }
.LBB2_8:
0x389: {  	v34 =	vld [tilespmem:s2+$0x0];
	v20 =	vshll.u32 v20, $0x1F;
	v21 =	vsub.f32 v12, v21;
	v31 =	vadd.f32 $-1.666589080e-01, v31  }
0x38a: {  	v30 =	vadd.f32 v33, v30;
	v33 =	vmul.f32 v18, v18;
	v29 =	vld.idx.msk [tilespmem:v29+s0+$0x0], $0xffff;
	v32 =	vadd.f32 $-1.666589080e-01, v32  }
0x38b: {  	v19 =	vshll.u32 v19, $0x1F;
	v35 =	vld [tilespmem:s2+$0xFFFFFFF0];
	v36 =	vmul.f32 v21, v21;
	v26 =	vmul.f32 v31, v26  }
0x38c: {  	s1 =	sadd.s32 $0x20, s1;
	v30 =	vadd.f32 $9.999999970e-07, v30;
	v31 =	vmul.f32 $1.860897610e-04, v33;
	v28 =	vld.idx.msk [tilespmem:v28+s0+$0x0], $0xffff;
	v25 =	vmul.f32 v32, v25  }
0x38d: {  	v22 =	vmul.f32 v22, v5;
	p0 =	slt.u32 s1, $0xFE0;
	v32 =	vmul.f32 $1.860897610e-04, v36;
	v26 =	vadd.f32 $9.999994630e-01, v26;
	v37 =	vpop (erf)  }
0x38e: {  	v38 =	vadd.s32 $0x90, v2;
	v27 =	vmul.f32 v37, v27;
	v25 =	vadd.f32 $9.999994630e-01, v25;
	v2 =	vmovc v34  }
0x38f: {  	s23 =	sadd.s32 $0x20, s23;
	v37 =	vadd.s32 $0x10, v2;
	v39 =	vadd.s32 $0x20, v2;
	v24 =	vmul.f32 v26, v24  }
0x390: {  	v17 =	vshll.u32 v17, $0x1F;
	s24 =	sadd.s32 $0x20, s24;
	v26 =	vld [tilespmem:s23+$0x0];
	v27 =	vadd.f32 v27, v29;
	v23 =	vmul.f32 v25, v23  }
0x391: {  	v16 =	vshll.u32 v16, $0x1F;
	v29 =	vadd.s32 $0x30, v2;
	v25 =	vld [tilespmem:s24+$0x0];
	v17 =	vxor.u32 v24, v17  }
0x392: {  	v24 =	vld.idx.msk [tilespmem:v34+s0+$0x0], $0xffff;
	v11 =	vmul.f32 v27, v11;
	v17 =	vmul.f32 v17, v28;
	v16 =	vxor.u32 v23, v16  }
0x393: {  	v23 =	vadd.s32 $0x10, v35;
	v10 =	vmul.f32 v27, v10;
	v34 =	vld.idx.msk [tilespmem:v38+s0+$0x0], $0xffff;
	v16 =	vmul.f32 v16, v28  }
0x394: {  	v27 =	vadd.s32 $0x20, v35;
	v28 =	vld.idx.msk [tilespmem:v37+s0+$0x0], $0xffff;
	v37 =	vadd.s32 $0x40, v2;
	v11 =	vadd.f32 v17, v11  }
0x395: {  	s21 =	sadd.s32 $0x20, s21;
	v17 =	vadd.s32 $0x30, v35;
	v38 =	vld.idx.msk [tilespmem:v39+s0+$0x0], $0xffff;
	v39 =	vadd.s32 $0x50, v2;
	v10 =	vadd.f32 v16, v10  }
0x396: {  	s22 =	sadd.s32 $0x20, s22;
	v31 =	vsub.f32 $8.315964600e-03, v31;
	v40 =	vadd.s32 $0x50, v35;
	v16 =	vadd.s32 $0x40, v35;
	v29 =	vld.idx.msk [tilespmem:v29+s0+$0x0], $0xffff;
	[tilespmem:s21+$0x0] =	vst v11  }
0x397: {  	s20 =	sadd.s32 $0x20, s20;
	v42 =	vadd.s32 $0x80, v35;
	v11 =	vsub.f32 $8.315964600e-03, v32;
	v41 =	vld.idx.msk [tilespmem:v35+s0+$0x0], $0xffff;
	[tilespmem:s22+$0x0] =	vst v10;
	(erf) = vrcp.f32 v30  }
0x398: {  	v32 =	vadd.s32 $0x70, v35;
	v30 =	vadd.s32 $0x60, v35;
	v10 =	vmul.f32 v31, v33;
	v31 =	vld [tilespmem:s20+$0x0]  }
0x399: {  	v15 =	vmul.f32 v15, v5;
	v5 =	vmovc v14;
	v35 =	vadd.s32 $0x90, v35;
	v11 =	vmul.f32 v11, v36;
	v37 =	vld.idx.msk [tilespmem:v37+s0+$0x0], $0xffff  }
0x39a: {  	v10 =	vadd.f32 $-1.666589080e-01, v10;
	v14 =	vld.idx.msk [tilespmem:v39+s0+$0x0], $0xffff;
	v39 =	vmul.f32 v9, v0;
	v9 =	vmul.f32 v9, v1;
	v0 =	vmovc v13  }
0x39b: {  	v11 =	vadd.f32 $-1.666589080e-01, v11;
	v1 =	vmovc v12;
	v13 =	vld.idx.msk [tilespmem:v23+s0+$0x0], $0xffff;
	v23 =	vmul.f32 v24, v26;
	v24 =	vmul.f32 v28, v25  }
0x39c: {  	v26 =	vmul.f32 v38, v26;
	v25 =	vmul.f32 v29, v25;
	v12 =	vld.idx.msk [tilespmem:v27+s0+$0x0], $0xffff;
	v22 =	vadd.f32 v22, v39  }
0x39d: {  	v10 =	vmul.f32 v10, v33;
	v17 =	vld.idx.msk [tilespmem:v17+s0+$0x0], $0xffff;
	v23 =	vadd.f32 v24, v23;
	v24 =	vadd.f32 v31, v34  }
0x39e: {  	v9 =	vadd.f32 v15, v9;
	v25 =	vadd.f32 v25, v26;
	v26 =	vmul.f32 v11, v36;
	v27 =	vld [tilespmem:s24+$0xFFFFFFF0];
	[tilespmem:s29+$0xFFFFFFF0] =	vst v22;
	s29 =	smov.u32 s21  }
0x39f: {  	v22 =	vadd.f32 $9.999994630e-01, v10;
	v15 =	vld [tilespmem:s23+$0xFFFFFFF0];
	v11 =	vadd.f32 v37, v23;
	v23 =	vmul.f32 $5.000000000e-01, v24  }
0x3a0: {  	s26 =	sadd.s32 $0x20, s26;
	v7 =	vmul.f32 $5.000000000e-01, v7;
	v10 =	vadd.f32 v14, v25;
	v25 =	vadd.f32 $9.999994630e-01, v26;
	v24 =	vld.idx.msk [tilespmem:v16+s0+$0x0], $0xffff;
	v14 =	vpop (erf);
	[tilespmem:s31+$0xFFFFFFF0] =	vst v9;
	s31 =	smov.u32 s22  }
0x3a1: {  	v26 =	vld.idx.msk [tilespmem:v40+s0+$0x0], $0xffff;
	v9 =	vmul.f32 $3.183098730e-01, v11;
	v28 =	vmul.f32 v14, v6;
	[tilespmem:s26+$0x0] =	vst v23  }
0x3a2: {  	v18 =	vmul.f32 v22, v18;
	v16 =	vmul.f32 $3.183098730e-01, v10;
	v6 =	vld.idx.msk [tilespmem:v42+s0+$0x0], $0xffff;
	[tilespmem:s25+$0xFFFFFFF0] =	vst v7;
	s25 =	smov.u32 s28;
	s28 =	smov.u32 s26  }
0x3a3: {  	v7 =	vld.idx.msk [tilespmem:v30+s0+$0x0], $0xffff;
	v13 =	vmul.f32 v13, v27;
	v23 =	vmul.f32 v17, v27;
	v17 =	vadd.f32 $1.258291200e+07, v9  }
0x3a4: {  	v16 =	vadd.f32 $1.258291200e+07, v16;
	v14 =	vld.idx.msk [tilespmem:v32+s0+$0x0], $0xffff;
	v22 =	vmul.f32 v41, v15;
	v12 =	vmul.f32 v12, v15  }
0x3a5: {  	v9 =	vadd.f32 v28, v8;
	v8 =	vmul.f32 v25, v21;
	v27 =	vld.idx.msk [tilespmem:v35+s0+$0x0], $0xffff;
	v15 =	vadd.f32 $-1.258291200e+07, v17  }
0x3a6: {  	v21 =	vadd.f32 $-1.258291200e+07, v16;
	v13 =	vadd.f32 v13, v22;
	v22 =	vxor.u32 v18, v20;
	v18 =	vld [tilespmem:s30+$0xFFFFFFF0];
	s30 =	smov.u32 s20  }
0x3a7: {  	v12 =	vadd.f32 v23, v12;
	v20 =	vmul.f32 v11, v11;
	v15 =	vmul.f32 $3.141592740e+00, v15  }
0x3a8: {  	v23 =	vmul.f32 v10, v10;
	v21 =	vmul.f32 $3.141592740e+00, v21;
	v13 =	vadd.f32 v24, v13  }
0x3a9: {  	v12 =	vadd.f32 v26, v12;
	v24 =	vsub.f32 v11, v15;
	v15 =	vxor.u32 v8, v19;
	v8 =	vmovc v7  }
0x3aa: {  	v25 =	vadd.f32 v23, v20;
	v23 =	vsub.f32 v10, v21;
	v19 =	vmul.f32 $3.183098730e-01, v13  }
0x3ab: {  	v21 =	vmul.f32 $3.183098730e-01, v12;
	v26 =	vmul.f32 v24, v24;
	v7 =	vadd.f32 v18, v3;
	v3 =	vmovc v4;
	v4 =	vmovc v27  }
0x3ac: {  	v18 =	vadd.f32 $9.999999970e-07, v25;
	v25 =	vmul.f32 v23, v23;
	v20 =	vadd.f32 $1.258291200e+07, v19  }
0x3ad: {  	v27 =	vadd.s32 $0x80, v2;
	v19 =	vadd.f32 $1.258291200e+07, v21;
	v21 =	vmul.f32 $1.860897610e-04, v26  }
.Ltmp3:
0x3ae: {  	v31 =	vmul.f32 $1.860897610e-04, v25;
	v28 =	vadd.f32 $-1.258291200e+07, v20;
	(erf) = vrcp.f32 v18;
	(pc) =	sbr.rel @p0 .LBB2_8-.Ltmp3, $4  }
0x3af: {  	v29 =	vadd.s32 $0x60, v2;
	v18 =	vadd.f32 $-1.258291200e+07, v19;
	v32 =	vsub.f32 $8.315964600e-03, v21  }
0x3b0: {  	v30 =	vmul.f32 v13, v13;
	v35 =	vsub.f32 $8.315964600e-03, v31;
	v34 =	vmul.f32 $3.141592740e+00, v28  }
0x3b1: {  	v21 =	vmul.f32 $3.141592740e+00, v18;
	v28 =	vadd.s32 $0x70, v2;
	v31 =	vmul.f32 v32, v26  }
0x3b2: {  	s2 =	sadd.s32 $0x20, s2;
	v33 =	vmul.f32 v12, v12;
	v32 =	vmul.f32 v35, v25;
	v18 =	vsub.f32 v13, v34;
	v27 =	vld.idx.msk [tilespmem:v27+s0+$0x0], $0xffff  }
0x3b3: {  	_ = 	snop  }
0x3b4: {  	v31 =	vadd.f32 $-1.666589080e-01, v31;
	v49 =	vmul.f32 v18, v18  }
0x3b5: {  	v30 =	vadd.f32 v33, v30  }
0x3b6: {  	v21 =	vsub.f32 v12, v21;
	v26 =	vmul.f32 v31, v26;
	v31 =	vmul.f32 $1.860897610e-04, v49  }
0x3b7: {  	v30 =	vadd.f32 $9.999999970e-07, v30  }
0x3b8: {  	v29 =	vld.idx.msk [tilespmem:v29+s0+$0x0], $0xffff;
	v32 =	vadd.f32 $-1.666589080e-01, v32;
	v34 =	vmul.f32 v21, v21  }
0x3b9: {  	(erf) = vrcp.f32 v30;
	v30 =	vsub.f32 $8.315964600e-03, v31  }
0x3ba: {  	v25 =	vmul.f32 v32, v25;
	v35 =	vmul.f32 $1.860897610e-04, v34;
	v31 =	vpop (erf)  }
0x3bb: {  	v26 =	vadd.f32 $9.999994630e-01, v26;
	v30 =	vmul.f32 v30, v49;
	v27 =	vmul.f32 v31, v27  }
0x3bc: {  	v28 =	vld.idx.msk [tilespmem:v28+s0+$0x0], $0xffff;
	v25 =	vadd.f32 $9.999994630e-01, v25;
	v50 =	vsub.f32 $8.315964600e-03, v35  }
0x3bd: {  	v20 =	vshll.u32 v20, $0x1F;
	v27 =	vadd.f32 v27, v29;
	v29 =	vadd.f32 $-1.666589080e-01, v30  }
0x3be: {  	v19 =	vshll.u32 v19, $0x1F;
	v24 =	vmul.f32 v26, v24;
	v26 =	vmul.f32 v50, v34  }
0x3bf: {  	v17 =	vshll.u32 v17, $0x1F;
	v23 =	vmul.f32 v25, v23;
	v25 =	vmul.f32 v29, v49  }
0x3c0: {  	v22 =	vmul.f32 v22, v5;
	v17 =	vxor.u32 v24, v17;
	v24 =	vadd.f32 $-1.666589080e-01, v26  }
0x3c1: {  	v2 =	vadd.s32 $0x90, v2;
	v16 =	vshll.u32 v16, $0x1F;
	v17 =	vmul.f32 v17, v28  }
0x3c2: {  	v16 =	vxor.u32 v23, v16;
	v11 =	vmul.f32 v27, v11;
	v23 =	vmul.f32 v24, v34  }
0x3c3: {  	v16 =	vmul.f32 v16, v28;
	v10 =	vmul.f32 v27, v10;
	v24 =	vadd.f32 $9.999994630e-01, v25;
	v25 =	vpop (erf)  }
0x3c4: {  	v11 =	vadd.f32 v17, v11;
	v17 =	vadd.f32 $9.999994630e-01, v23;
	v6 =	vmul.f32 v25, v6  }
0x3c5: {  	v0 =	vmul.f32 v9, v0;
	v10 =	vadd.f32 v16, v10;
	v16 =	vmul.f32 v24, v18  }
0x3c6: {  	v5 =	vmul.f32 v15, v5;
	v6 =	vadd.f32 v6, v8;
	v8 =	vmul.f32 v17, v21  }
0x3c7: {  	s1 =	sadd.s32 $0x20, s21;
	v1 =	vmul.f32 v9, v1;
	v0 =	vadd.f32 v22, v0;
	v2 =	vld.idx.msk [tilespmem:v2+s0+$0x0], $0xffff;
	v9 =	vxor.u32 v16, v20  }
0x3c8: {  	[tilespmem:s1+$0x0] =	vst v11;
	v9 =	vmul.f32 v9, v14;
	v8 =	vxor.u32 v8, v19;
	v11 =	vmul.f32 v6, v13  }
0x3c9: {  	s2 =	sadd.s32 $0x20, s22;
	v1 =	vadd.f32 v5, v1;
	[tilespmem:s29+$0xFFFFFFF0] =	vst v0;
	v6 =	vmul.f32 v6, v12;
	v5 =	vmul.f32 v8, v14  }
0x3ca: {  	s20 =	sadd.s32 $0x20, s20;
	[tilespmem:s2+$0x0] =	vst v10;
	v0 =	vadd.f32 v9, v11  }
0x3cb: {  	[tilespmem:s31+$0xFFFFFFF0] =	vst v1;
	v8 =	vld [tilespmem:s20+$0x0];
	v1 =	vadd.f32 v5, v6  }
0x3cc: {  	[tilespmem:s1+$0xFFFFFFF0] =	vst v0  }
0x3cd: {  	v0 =	vld [tilespmem:s30+$0xFFFFFFF0];
	[tilespmem:s2+$0xFFFFFFF0] =	vst v1  }
0x3ce: {  	v1 =	vld [tilespmem:s20+$0xFFFFFFF0];
	_ =	sdelay $0x1  }
0x3cf: {  	v2 =	vadd.f32 v8, v2;
	_ =	sdelay $0x1  }
0x3d0: {  	v2 =	vmul.f32 $5.000000000e-01, v2;
	v0 =	vadd.f32 v0, v3  }
0x3d1: {  	s20 =	sadd.s32 $0x20, s26;
	v3 =	vmul.f32 $5.000000000e-01, v7;
	v1 =	vadd.f32 v1, v4  }
0x3d2: {  	[tilespmem:s20+$0x0] =	vst v2;
	v0 =	vmul.f32 $5.000000000e-01, v0  }
0x3d3: {  	[tilespmem:s25+$0xFFFFFFF0] =	vst v3;
	v1 =	vmul.f32 $5.000000000e-01, v1  }
0x3d4: {  	[tilespmem:s28+$0xFFFFFFF0] =	vst v0  }
0x3d5: {  	[tilespmem:s20+$0xFFFFFFF0] =	vst v1  }
0x3d6: {  	s1 =	rddreg [dreg:$0x16]  }
0x3d7: {  	s21 =	rddreg [dreg:$0x17]  }
0x3d8: {  	[hbm4b:s1+s0] =	stream.linear.scatter [tilespmem:s14], [sflag:$0x4], $0x1000, $0x38;
	[tilespmem:$0xE100] =	vst v63  }
0x3d9: {  	s22 =	rddreg [dreg:$0x18]  }
0x3da: {  	[hbm4b:s21+s0] =	stream.linear.scatter [tilespmem:s15], [sflag:$0x4], $0x1000, $0x38;
	[tilespmem:$0xE100] =	vst v63  }
0x3db: {  	s23 =	sld [smem:$0x7E7]  }
0x3dc: {  	[hbm4b:s22+s0] =	stream.linear.scatter [tilespmem:s16], [sflag:$0x4], $0x1000, $0x38;
	[tilespmem:$0xE100] =	vst v63  }
0x3dd: {  	s24 =	sld [smem:$0x7E8]  }
0x3de: {  	[tilespmem:s5], [sflag:$0x2] =	stream.linear.gather [hbm4b:s23+s0], $0x1000, $0x38;
	[tilespmem:$0xE100] =	vst v63  }
0x3df: {  	s25 =	sld [smem:$0x7E9]  }
0x3e0: {  	[tilespmem:s6], [sflag:$0x2] =	stream.linear.gather [hbm4b:s24+s0], $0x1000, $0x38;
	[tilespmem:$0xE100] =	vst v63  }
0x3e1: {  	s26 =	sld [smem:$0x7EA]  }
0x3e2: {  	[tilespmem:s7], [sflag:$0x2] =	stream.linear.gather [hbm4b:s25+s0], $0x1000, $0x38;
	[tilespmem:$0xE100] =	vst v63  }
0x3e3: {  	_ = 	snop  }
0x3e4: {  	[tilespmem:s8], [sflag:$0x2] =	stream.linear.gather [hbm4b:s26+s0], $0x1000, $0x38;
	[tilespmem:$0xE100] =	vst v63  }
0x3e5: {  	_ =	swait.ge [sflag:s9], $0x1000  }
0x3e6: {  	[sflag:s9] =	ssyncset.done $0x0  }
0x3e7: {  	[sflag:s9] =	ssyncadd.s32 $0xFFFFF000  }
0x3e8: {  	_ =	swait.ge [sflag:s9], $0x1000  }
0x3e9: {  	[sflag:s9] =	ssyncset.done $0x0  }
0x3ea: {  	[sflag:s9] =	ssyncadd.s32 $0xFFFFF000  }
0x3eb: {  	_ =	swait.ge [sflag:s9], $0x1000  }
0x3ec: {  	[sflag:s9] =	ssyncset.done $0x0  }
0x3ed: {  	[sflag:s9] =	ssyncadd.s32 $0xFFFFF000  }
0x3ee: {  	_ =	swait.ge [sflag:s9], $0x1000  }
0x3ef: {  	[sflag:s9] =	ssyncset.done $0x0  }
0x3f0: {  	[sflag:s9] =	ssyncadd.s32 $0xFFFFF000  }
0x3f1: {  	_ =	swait.ge [sflag:s17], $0x1000  }
0x3f2: {  	[sflag:s17] =	ssyncset.done $0x0  }
0x3f3: {  	[sflag:s17] =	ssyncadd.s32 $0xFFFFF000  }
0x3f4: {  	_ =	swait.ge [sflag:s17], $0x1000  }
0x3f5: {  	[sflag:s17] =	ssyncset.done $0x0  }
0x3f6: {  	[sflag:s17] =	ssyncadd.s32 $0xFFFFF000  }
0x3f7: {  	_ =	swait.ge [sflag:s17], $0x1000  }
0x3f8: {  	[sflag:s17] =	ssyncset.done $0x0  }
0x3f9: {  	s2 =	simm.s32 $0x2110;
	[sflag:s17] =	ssyncadd.s32 $0xFFFFF000  }
0x3fa: {  	v1 =	vld [tilespmem:s2+$0x0];
	_ =	sdelay $0x4  }
0x3fb: {  	v2 =	vadd.s32 $0x10, v1  }
0x3fc: {  	s20 =	simm.s32 $0x110;
	v0 =	vld [tilespmem:s2+$0xFFFFFFF0];
	v3 =	vadd.s32 $0x20, v1  }
0x3fd: {  	s21 =	simm.s32 $0x1110;
	v4 =	vld [tilespmem:s20+$0x0];
	v5 =	vadd.s32 $0x30, v1  }
0x3fe: {  	v6 =	vld [tilespmem:s21+$0x0]  }
0x3ff: {  	v7 =	vld.idx.msk [tilespmem:v1+s0+$0x0], $0xffff  }
0x400: {  	v8 =	vadd.s32 $0x40, v1;
	v2 =	vld.idx.msk [tilespmem:v2+s0+$0x0], $0xffff  }
0x401: {  	v9 =	vadd.s32 $0x50, v1;
	v3 =	vld.idx.msk [tilespmem:v3+s0+$0x0], $0xffff  }
0x402: {  	v5 =	vld.idx.msk [tilespmem:v5+s0+$0x0], $0xffff;
	_ =	sdelay $0x1  }
0x403: {  	v10 =	vadd.s32 $0x10, v0  }
0x404: {  	v8 =	vld.idx.msk [tilespmem:v8+s0+$0x0], $0xffff  }
0x405: {  	v9 =	vld.idx.msk [tilespmem:v9+s0+$0x0], $0xffff;
	v7 =	vmul.f32 v7, v4;
	v2 =	vmul.f32 v2, v6  }
0x406: {  	v11 =	vadd.s32 $0x30, v0;
	v3 =	vmul.f32 v3, v4;
	v4 =	vmul.f32 v5, v6  }
0x407: {  	v5 =	vld.idx.msk [tilespmem:v0+s0+$0x0], $0xffff  }
0x408: {  	v6 =	vld.idx.msk [tilespmem:v10+s0+$0x0], $0xffff;
	v2 =	vadd.f32 v2, v7;
	v3 =	vadd.f32 v4, v3  }
0x409: {  	v10 =	vld [tilespmem:s20+$0xFFFFFFF0];
	v4 =	vadd.s32 $0x20, v0  }
0x40a: {  	v2 =	vadd.f32 v8, v2;
	v8 =	vld [tilespmem:s21+$0xFFFFFFF0];
	v9 =	vadd.f32 v9, v3  }
0x40b: {  	v7 =	vld.idx.msk [tilespmem:v11+s0+$0x0], $0xffff;
	v3 =	vadd.s32 $0x40, v0  }
0x40c: {  	v11 =	vmul.f32 $3.183098730e-01, v2;
	v12 =	vmul.f32 $3.183098730e-01, v9  }
0x40d: {  	v13 =	vadd.s32 $0x50, v0  }
0x40e: {  	v4 =	vld.idx.msk [tilespmem:v4+s0+$0x0], $0xffff;
	v11 =	vadd.f32 $1.258291200e+07, v11;
	v12 =	vadd.f32 $1.258291200e+07, v12  }
0x40f: {  	v5 =	vmul.f32 v5, v10;
	v6 =	vmul.f32 v6, v8  }
0x410: {  	v3 =	vld.idx.msk [tilespmem:v3+s0+$0x0], $0xffff;
	v7 =	vmul.f32 v7, v8;
	v14 =	vadd.f32 $-1.258291200e+07, v11;
	v8 =	vadd.f32 $-1.258291200e+07, v12  }
0x411: {  	v15 =	vmul.f32 v2, v2;
	v16 =	vmul.f32 v9, v9  }
0x412: {  	v13 =	vld.idx.msk [tilespmem:v13+s0+$0x0], $0xffff;
	v14 =	vmul.f32 $3.141592740e+00, v14;
	v8 =	vmul.f32 $3.141592740e+00, v8  }
0x413: {  	v5 =	vadd.f32 v6, v5;
	v4 =	vmul.f32 v4, v10;
	v10 =	vadd.f32 v16, v15  }
0x414: {  	v6 =	vsub.f32 v2, v14;
	v8 =	vsub.f32 v9, v8  }
0x415: {  	v7 =	vadd.f32 v7, v4;
	v4 =	vadd.f32 v3, v5  }
0x416: {  	v10 =	vadd.f32 $9.999999970e-07, v10;
	v5 =	vmul.f32 v6, v6  }
0x417: {  	v14 =	vmul.f32 v8, v8;
	v3 =	vadd.f32 v13, v7;
	v7 =	vmul.f32 $3.183098730e-01, v4  }
0x418: {  	v15 =	vadd.s32 $0x80, v1;
	(erf) = vrcp.f32 v10;
	v13 =	vmul.f32 $1.860897610e-04, v5  }
0x419: {  	v16 =	vmul.f32 $1.860897610e-04, v14  }
0x41a: {  	v17 =	vadd.f32 $1.258291200e+07, v7;
	v7 =	vsub.f32 $8.315964600e-03, v13;
	v13 =	vadd.s32 $0x60, v1  }
0x41b: {  	v10 =	vmul.f32 $3.183098730e-01, v3;
	v16 =	vsub.f32 $8.315964600e-03, v16  }
0x41c: {  	v20 =	vadd.s32 $0x70, v1;
	v22 =	vadd.s32 $0x60, v0;
	v7 =	vmul.f32 v7, v5  }
0x41d: {  	s22 =	simm.s32 $0x2130;
	v15 =	vld.idx.msk [tilespmem:v15+s0+$0x0], $0xffff;
	v18 =	vadd.f32 $-1.258291200e+07, v17;
	v19 =	vadd.f32 $1.258291200e+07, v10;
	v10 =	vmul.f32 v16, v14  }
0x41e: {  	v11 =	vshll.u32 v11, $0x1F;
	v25 =	vmul.f32 v4, v4;
	v21 =	vadd.f32 $-1.666589080e-01, v7;
	v7 =	vld [tilespmem:s22+$0x0]  }
0x41f: {  	v1 =	vadd.s32 $0x90, v1;
	v18 =	vmul.f32 $3.141592740e+00, v18;
	v24 =	vadd.f32 $-1.666589080e-01, v10;
	v13 =	vld.idx.msk [tilespmem:v13+s0+$0x0], $0xffff  }
0x420: {  	v16 =	vadd.s32 $0x80, v0;
	v23 =	vadd.f32 $-1.258291200e+07, v19;
	v5 =	vmul.f32 v21, v5  }
0x421: {  	v20 =	vld.idx.msk [tilespmem:v20+s0+$0x0], $0xffff;
	v18 =	vsub.f32 v4, v18;
	v10 =	vadd.s32 $0x70, v0;
	v26 =	vpop (erf);
	v14 =	vmul.f32 v24, v14  }
0x422: {  	s23 =	simm.s32 $0x130;
	v21 =	vmul.f32 $3.141592740e+00, v23;
	v15 =	vmul.f32 v26, v15;
	v26 =	vld [tilespmem:s22+$0xFFFFFFF0];
	v5 =	vadd.f32 $9.999994630e-01, v5  }
0x423: {  	v51 =	vld [tilespmem:s23+$0xFFFFFFF0];
	v23 =	vmul.f32 v3, v3;
	v14 =	vadd.f32 $9.999994630e-01, v14;
	v27 =	vadd.s32 $0x10, v7  }
0x424: {  	v1 =	vld.idx.msk [tilespmem:v1+s0+$0x0], $0xffff;
	v28 =	vadd.s32 $0x20, v7;
	v5 =	vmul.f32 v5, v6;
	v13 =	vadd.f32 v15, v13  }
0x425: {  	s24 =	simm.s32 $0x1130;
	v24 =	vmul.f32 v18, v18;
	v6 =	vld [tilespmem:s23+$0x0];
	v8 =	vmul.f32 v14, v8;
	v15 =	vadd.s32 $0x30, v7  }
0x426: {  	v14 =	vld [tilespmem:s24+$0x0];
	v5 =	vxor.u32 v5, v11;
	v11 =	vshll.u32 v12, $0x1F;
	v2 =	vmul.f32 v13, v2  }
0x427: {  	v12 =	vld.idx.msk [tilespmem:v7+s0+$0x0], $0xffff;
	v9 =	vmul.f32 v13, v9;
	v5 =	vmul.f32 v5, v20;
	v8 =	vxor.u32 v8, v11  }
0x428: {  	v11 =	vsub.f32 v3, v21;
	v21 =	vadd.s32 $0x40, v7;
	v8 =	vmul.f32 v8, v20;
	v20 =	vld.idx.msk [tilespmem:v27+s0+$0x0], $0xffff  }
0x429: {  	v13 =	vadd.f32 v23, v25;
	v25 =	vld.idx.msk [tilespmem:v28+s0+$0x0], $0xffff;
	v27 =	vadd.s32 $0x50, v7;
	v2 =	vadd.f32 v5, v2  }
0x42a: {  	s2 =	simm.s32 $0x4110;
	v23 =	vmul.f32 $1.860897610e-04, v24;
	v28 =	vld.idx.msk [tilespmem:v26+s0+$0x0], $0xffff;
	v5 =	vadd.s32 $0x90, v0;
	v0 =	vmul.f32 v11, v11  }
0x42b: {  	v15 =	vld.idx.msk [tilespmem:v15+s0+$0x0], $0xffff;
	v8 =	vadd.f32 v8, v9;
	v9 =	vadd.s32 $0x10, v26;
	[tilespmem:s2+$0x0] =	vst v2;
	v2 =	vadd.f32 $9.999999970e-07, v13  }
0x42c: {  	s25 =	simm.s32 $0x5110;
	v30 =	vadd.s32 $0x30, v26;
	v23 =	vsub.f32 $8.315964600e-03, v23;
	v12 =	vmul.f32 v12, v6  }
0x42d: {  	v13 =	vadd.s32 $0x20, v26;
	[tilespmem:s25+$0x0] =	vst v8;
	v8 =	vmul.f32 $1.860897610e-04, v0;
	v21 =	vld.idx.msk [tilespmem:v21+s0+$0x0], $0xffff;
	(erf) = vrcp.f32 v2  }
0x42e: {  	s1 =	simm.s32 $0x3110;
	v2 =	vmul.f32 v23, v24;
	v23 =	vld.idx.msk [tilespmem:v27+s0+$0x0], $0xffff;
	v20 =	vmul.f32 v20, v14;
	v27 =	vadd.s32 $0x40, v26  }
0x42f: {  	v29 =	vld [tilespmem:s1+$0x0];
	v6 =	vmul.f32 v25, v6;
	v28 =	vmul.f32 v28, v51;
	v8 =	vsub.f32 $8.315964600e-03, v8  }
0x430: {  	v31 =	vld.idx.msk [tilespmem:v9+s0+$0x0], $0xffff;
	v9 =	vmul.f32 v15, v14;
	v15 =	vadd.s32 $0x50, v26;
	v12 =	vadd.f32 v20, v12  }
0x431: {  	v25 =	vld [tilespmem:s24+$0xFFFFFFF0];
	v20 =	vadd.s32 $0x80, v26;
	v2 =	vadd.f32 $-1.666589080e-01, v2;
	v8 =	vmul.f32 v8, v0  }
0x432: {  	v13 =	vld.idx.msk [tilespmem:v13+s0+$0x0], $0xffff;
	v14 =	vadd.f32 v9, v6;
	v9 =	vadd.s32 $0x60, v26;
	v12 =	vadd.f32 v21, v12  }
0x433: {  	v6 =	vadd.s32 $0x70, v26;
	v21 =	vld.idx.msk [tilespmem:v30+s0+$0x0], $0xffff;
	v2 =	vmul.f32 v2, v24;
	v8 =	vadd.f32 $-1.666589080e-01, v8  }
0x434: {  	v16 =	vld.idx.msk [tilespmem:v16+s0+$0x0], $0xffff;
	v1 =	vadd.f32 v29, v1;
	v23 =	vadd.f32 v23, v14;
	v24 =	vmul.f32 $3.183098730e-01, v12  }
0x435: {  	v2 =	vadd.f32 $9.999994630e-01, v2;
	v0 =	vmul.f32 v8, v0;
	v8 =	vadd.s32 $0x90, v26  }
0x436: {  	v14 =	vmul.f32 $5.000000000e-01, v1;
	v26 =	vmul.f32 $3.183098730e-01, v23;
	v24 =	vadd.f32 $1.258291200e+07, v24  }
0x437: {  	v1 =	vld.idx.msk [tilespmem:v27+s0+$0x0], $0xffff;
	v13 =	vmul.f32 v13, v51;
	v27 =	vadd.f32 $9.999994630e-01, v0;
	v0 =	vmul.f32 v31, v25  }
0x438: {  	v15 =	vld.idx.msk [tilespmem:v15+s0+$0x0], $0xffff;
	v29 =	vpop (erf);
	v21 =	vmul.f32 v21, v25;
	v26 =	vadd.f32 $1.258291200e+07, v26;
	v25 =	vadd.f32 $-1.258291200e+07, v24  }
0x439: {  	v16 =	vmul.f32 v29, v16;
	v29 =	vmul.f32 v23, v23;
	v0 =	vadd.f32 v0, v28  }
0x43a: {  	v22 =	vld.idx.msk [tilespmem:v22+s0+$0x0], $0xffff;
	v13 =	vadd.f32 v21, v13;
	v21 =	vmul.f32 v12, v12;
	v28 =	vadd.f32 $-1.258291200e+07, v26  }
0x43b: {  	v2 =	vmul.f32 v2, v18;
	v25 =	vmul.f32 $3.141592740e+00, v25  }
0x43c: {  	v0 =	vadd.f32 v1, v0;
	v18 =	vadd.f32 v29, v21;
	v28 =	vmul.f32 $3.141592740e+00, v28  }
0x43d: {  	v11 =	vmul.f32 v27, v11;
	v1 =	vadd.f32 v15, v13;
	v13 =	vsub.f32 v12, v25  }
0x43e: {  	v15 =	vmul.f32 $3.183098730e-01, v0;
	v18 =	vadd.f32 $9.999999970e-07, v18;
	v21 =	vsub.f32 v23, v28  }
0x43f: {  	v16 =	vadd.f32 v16, v22;
	v22 =	vmul.f32 $3.183098730e-01, v1;
	v25 =	vmul.f32 v13, v13  }
0x440: {  	v29 =	vadd.s32 $0x80, v7;
	(erf) = vrcp.f32 v18;
	v27 =	vmul.f32 v21, v21  }
0x441: {  	s26 =	simm.s32 $0x2150;
	v31 =	vadd.s32 $0x60, v7;
	v15 =	vadd.f32 $1.258291200e+07, v15;
	v28 =	vmul.f32 $1.860897610e-04, v25  }
0x442: {  	v58 =	vld [tilespmem:s26+$0xFFFFFFF0];
	v17 =	vshll.u32 v17, $0x1F;
	v22 =	vadd.f32 $1.258291200e+07, v22;
	v30 =	vmul.f32 $1.860897610e-04, v27  }
0x443: {  	v17 =	vxor.u32 v2, v17;
	v2 =	vadd.f32 $-1.258291200e+07, v15;
	v18 =	vsub.f32 $8.315964600e-03, v28  }
0x444: {  	v19 =	vshll.u32 v19, $0x1F;
	v28 =	vadd.f32 $-1.258291200e+07, v22;
	v30 =	vsub.f32 $8.315964600e-03, v30  }
0x445: {  	v11 =	vxor.u32 v11, v19;
	v29 =	vld.idx.msk [tilespmem:v29+s0+$0x0], $0xffff;
	v2 =	vmul.f32 $3.141592740e+00, v2;
	v18 =	vmul.f32 v18, v25  }
0x446: {  	v31 =	vld.idx.msk [tilespmem:v31+s0+$0x0], $0xffff;
	v19 =	vmul.f32 $3.141592740e+00, v28;
	v28 =	vadd.s32 $0x70, v7;
	v30 =	vmul.f32 v30, v27  }
0x447: {  	v24 =	vshll.u32 v24, $0x1F;
	v53 =	vsub.f32 v0, v2;
	v2 =	vld [tilespmem:s26+$0x0];
	v18 =	vadd.f32 $-1.666589080e-01, v18  }
0x448: {  	v52 =	vmul.f32 v0, v0;
	v54 =	vmul.f32 v1, v1;
	v30 =	vadd.f32 $-1.666589080e-01, v30  }
0x449: {  	v19 =	vsub.f32 v1, v19;
	v55 =	vmul.f32 v53, v53;
	v18 =	vmul.f32 v18, v25;
	v57 =	vpop (erf)  }
0x44a: {  	v39 =	vld.idx.msk [tilespmem:v58+s0+$0x0], $0xffff;
	v7 =	vadd.s32 $0x90, v7;
	v29 =	vmul.f32 v57, v29;
	v27 =	vmul.f32 v30, v27  }
0x44b: {  	v25 =	vadd.f32 v54, v52;
	v56 =	vmul.f32 v19, v19;
	v28 =	vld.idx.msk [tilespmem:v28+s0+$0x0], $0xffff;
	v18 =	vadd.f32 $9.999994630e-01, v18  }
0x44c: {  	v10 =	vld.idx.msk [tilespmem:v10+s0+$0x0], $0xffff;
	v29 =	vadd.f32 v29, v31;
	v31 =	vadd.s32 $0x30, v2;
	v27 =	vadd.f32 $9.999994630e-01, v27  }
0x44d: {  	s23 =	simm.s32 $0x150;
	v5 =	vld.idx.msk [tilespmem:v5+s0+$0x0], $0xffff;
	v30 =	vshll.u32 v22, $0x1F;
	v36 =	vadd.s32 $0x10, v2;
	v13 =	vmul.f32 v18, v13  }
0x44e: {  	s24 =	simm.s32 $0x1150;
	v22 =	vmul.f32 $1.860897610e-04, v55;
	v37 =	vadd.s32 $0x20, v2;
	v18 =	vld [tilespmem:s23+$0x0];
	v21 =	vmul.f32 v27, v21  }
0x44f: {  	v59 =	vadd.s32 $0x50, v2;
	v27 =	vld [tilespmem:s24+$0x0];
	v13 =	vxor.u32 v13, v24;
	v24 =	vshll.u32 v26, $0x1F  }
0x450: {  	v12 =	vmul.f32 v29, v12;
	v26 =	vld.idx.msk [tilespmem:v2+s0+$0x0], $0xffff;
	v13 =	vmul.f32 v13, v28;
	v21 =	vxor.u32 v21, v24  }
0x451: {  	v22 =	vsub.f32 $8.315964600e-03, v22;
	v23 =	vmul.f32 v29, v23;
	v31 =	vld.idx.msk [tilespmem:v31+s0+$0x0], $0xffff;
	v21 =	vmul.f32 v21, v28  }
0x452: {  	v29 =	vadd.s32 $0x40, v2;
	v24 =	vadd.f32 $9.999999970e-07, v25;
	v28 =	vld.idx.msk [tilespmem:v36+s0+$0x0], $0xffff;
	v12 =	vadd.f32 v13, v12  }
0x453: {  	s21 =	simm.s32 $0x4130;
	v25 =	vmul.f32 $1.860897610e-04, v56;
	v13 =	vmul.f32 v17, v10;
	v17 =	vld.idx.msk [tilespmem:v37+s0+$0x0], $0xffff;
	v21 =	vadd.f32 v21, v23  }
0x454: {  	v60 =	vadd.s32 $0x20, v58;
	v38 =	vadd.s32 $0x30, v58;
	s22 =	simm.s32 $0x5130;
	v42 =	vmul.f32 v11, v10;
	v7 =	vld.idx.msk [tilespmem:v7+s0+$0x0], $0xffff;
	[tilespmem:s21+$0x0] =	vst v12  }
0x455: {  	s20 =	simm.s32 $0x3130;
	v20 =	vld.idx.msk [tilespmem:v20+s0+$0x0], $0xffff;
	v22 =	vmul.f32 v22, v55;
	(erf) = vrcp.f32 v24;
	v24 =	vsub.f32 $8.315964600e-03, v25;
	[tilespmem:s22+$0x0] =	vst v21  }
0x456: {  	v3 =	vmul.f32 v16, v3;
	v23 =	vadd.s32 $0x10, v58;
	v11 =	vmul.f32 v26, v18;
	v25 =	vld [tilespmem:s20+$0x0]  }
0x457: {  	v22 =	vadd.f32 $-1.666589080e-01, v22;
	v29 =	vld.idx.msk [tilespmem:v29+s0+$0x0], $0xffff;
	v10 =	vmul.f32 v24, v56;
	v26 =	vmul.f32 v28, v27  }
0x458: {  	v40 =	vadd.s32 $0x80, v58;
	v24 =	vld.idx.msk [tilespmem:v59+s0+$0x0], $0xffff;
	v17 =	vmul.f32 v17, v18;
	v18 =	vmul.f32 v31, v27  }
0x459: {  	v43 =	vadd.s32 $0x70, v58;
	v3 =	vadd.f32 v42, v3;
	v22 =	vmul.f32 v22, v55;
	v28 =	vld.idx.msk [tilespmem:v60+s0+$0x0], $0xffff  }
0x45a: {  	v21 =	vadd.s32 $0x50, v58;
	v11 =	vadd.f32 v26, v11;
	v17 =	vadd.f32 v18, v17;
	v18 =	vld [tilespmem:s23+$0xFFFFFFF0]  }
0x45b: {  	v4 =	vmul.f32 v16, v4;
	v22 =	vadd.f32 $9.999994630e-01, v22;
	v23 =	vld.idx.msk [tilespmem:v23+s0+$0x0], $0xffff;
	v7 =	vadd.f32 v25, v7  }
0x45c: {  	v12 =	vadd.s32 $0x40, v58;
	v10 =	vadd.f32 $-1.666589080e-01, v10;
	v11 =	vadd.f32 v29, v11;
	v25 =	vld [tilespmem:s24+$0xFFFFFFF0]  }
0x45d: {  	v16 =	vld.idx.msk [tilespmem:v38+s0+$0x0], $0xffff;
	v15 =	vshll.u32 v15, $0x1F;
	v4 =	vadd.f32 v13, v4;
	v22 =	vmul.f32 v22, v53  }
0x45e: {  	v9 =	vld.idx.msk [tilespmem:v9+s0+$0x0], $0xffff;
	v13 =	vmul.f32 v10, v56;
	v10 =	vadd.f32 v24, v17;
	v17 =	vmul.f32 $3.183098730e-01, v11  }
0x45f: {  	[tilespmem:s2+$0xFFFFFFF0] =	vst v4;
	v22 =	vxor.u32 v22, v15;
	v4 =	vld.idx.msk [tilespmem:v21+s0+$0x0], $0xffff;
	v27 =	vmul.f32 $5.000000000e-01, v7;
	v21 =	vmul.f32 v39, v18;
	v7 =	vpop (erf)  }
0x460: {  	v17 =	vadd.f32 $1.258291200e+07, v17;
	v7 =	vmul.f32 v7, v20;
	v20 =	vmul.f32 $3.183098730e-01, v10  }
0x461: {  	v12 =	vld.idx.msk [tilespmem:v12+s0+$0x0], $0xffff;
	v13 =	vadd.f32 $9.999994630e-01, v13;
	v18 =	vmul.f32 v28, v18;
	v23 =	vmul.f32 v23, v25  }
0x462: {  	[tilespmem:s25+$0xFFFFFFF0] =	vst v3;
	v24 =	vmul.f32 v16, v25;
	v3 =	vadd.f32 $-1.258291200e+07, v17;
	v16 =	vadd.f32 $1.258291200e+07, v20  }
0x463: {  	v9 =	vadd.f32 v7, v9;
	v7 =	vmul.f32 v13, v19;
	v13 =	vadd.f32 v23, v21  }
0x464: {  	v15 =	vadd.f32 v24, v18;
	v18 =	vmul.f32 v11, v11;
	v19 =	vadd.f32 $-1.258291200e+07, v16  }
0x465: {  	v61 =	vadd.s32 $0x80, v2;
	v20 =	vld [tilespmem:s1+$0xFFFFFFF0];
	v3 =	vmul.f32 $3.141592740e+00, v3;
	v21 =	vmul.f32 v10, v10  }
0x466: {  	v13 =	vadd.f32 v12, v13;
	v12 =	vadd.f32 v4, v15;
	v19 =	vmul.f32 $3.141592740e+00, v19  }
0x467: {  	v41 =	vadd.s32 $0x60, v58;
	v24 =	vsub.f32 v11, v3;
	v4 =	vadd.f32 v21, v18  }
0x468: {  	v15 =	vxor.u32 v7, v30;
	v3 =	vmul.f32 $3.183098730e-01, v13;
	v23 =	vsub.f32 v10, v19  }
0x469: {  	s25 =	simm.s32 $0x6110;
	v18 =	vmul.f32 $3.183098730e-01, v12;
	v26 =	vmul.f32 v24, v24;
	v4 =	vadd.f32 $9.999999970e-07, v4  }
0x46a: {  	s26 =	simm.s32 $0x6130;
	[tilespmem:s25+$0x0] =	vst v14;
	v14 =	vld.idx.msk [tilespmem:v43+s0+$0x0], $0xffff;
	v7 =	vadd.f32 v20, v5;
	v20 =	vadd.f32 $1.258291200e+07, v3;
	v25 =	vmul.f32 v23, v23  }
0x46b: {  	v34 =	vadd.s32 $0x90, v58;
	[tilespmem:s26+$0x0] =	vst v27;
	v27 =	vld.idx.msk [tilespmem:v61+s0+$0x0], $0xffff;
	v19 =	vadd.f32 $1.258291200e+07, v18;
	v18 =	vmul.f32 $1.860897610e-04, v26  }
0x46c: {  	v5 =	vld.idx.msk [tilespmem:v6+s0+$0x0], $0xffff;
	(erf) = vrcp.f32 v4;
	v21 =	vadd.f32 $-1.258291200e+07, v20;
	v28 =	vmul.f32 $1.860897610e-04, v25  }
0x46d: {  	v29 =	vadd.s32 $0x60, v2;
	v6 =	vld.idx.msk [tilespmem:v40+s0+$0x0], $0xffff;
	v31 =	vadd.f32 $-1.258291200e+07, v19;
	v18 =	vsub.f32 $8.315964600e-03, v18  }
0x46e: {  	s29 =	simm.s32 $0x4130;
	v30 =	vmul.f32 v13, v13;
	v3 =	vld.idx.msk [tilespmem:v8+s0+$0x0], $0xffff;
	v62 =	vmul.f32 $3.141592740e+00, v21;
	v63 =	vsub.f32 $8.315964600e-03, v28  }
0x46f: {  	s31 =	simm.s32 $0x5130;
	s30 =	simm.s32 $0x3130;
	v8 =	vld.idx.msk [tilespmem:v41+s0+$0x0], $0xffff;
	v21 =	vmul.f32 $3.141592740e+00, v31;
	v31 =	vmul.f32 v18, v26;
	v28 =	vadd.s32 $0x70, v2  }
0x470: {  	s28 =	simm.s32 $0x6130;
	s2 =	simm.s32 $0x2170;
	s1 =	simm.s32 $0x40;
	v33 =	vmul.f32 v12, v12;
	v4 =	vld.idx.msk [tilespmem:v34+s0+$0x0], $0xffff;
	v18 =	vsub.f32 v13, v62;
	v32 =	vmul.f32 v63, v25  }
.LBB2_10:
0x471: {  	v34 =	vld [tilespmem:s2+$0x0];
	v20 =	vshll.u32 v20, $0x1F;
	v21 =	vsub.f32 v12, v21;
	v31 =	vadd.f32 $-1.666589080e-01, v31  }
0x472: {  	v30 =	vadd.f32 v33, v30;
	v33 =	vmul.f32 v18, v18;
	v29 =	vld.idx.msk [tilespmem:v29+s0+$0x0], $0xffff;
	v32 =	vadd.f32 $-1.666589080e-01, v32  }
0x473: {  	v19 =	vshll.u32 v19, $0x1F;
	v35 =	vld [tilespmem:s2+$0xFFFFFFF0];
	v36 =	vmul.f32 v21, v21;
	v26 =	vmul.f32 v31, v26  }
0x474: {  	s1 =	sadd.s32 $0x20, s1;
	v30 =	vadd.f32 $9.999999970e-07, v30;
	v31 =	vmul.f32 $1.860897610e-04, v33;
	v28 =	vld.idx.msk [tilespmem:v28+s0+$0x0], $0xffff;
	v25 =	vmul.f32 v32, v25  }
0x475: {  	v22 =	vmul.f32 v22, v5;
	p0 =	slt.u32 s1, $0xFE0;
	v32 =	vmul.f32 $1.860897610e-04, v36;
	v26 =	vadd.f32 $9.999994630e-01, v26;
	v37 =	vpop (erf)  }
0x476: {  	v38 =	vadd.s32 $0x90, v2;
	v27 =	vmul.f32 v37, v27;
	v25 =	vadd.f32 $9.999994630e-01, v25;
	v2 =	vmovc v34  }
0x477: {  	s23 =	sadd.s32 $0x20, s23;
	v37 =	vadd.s32 $0x10, v2;
	v39 =	vadd.s32 $0x20, v2;
	v24 =	vmul.f32 v26, v24  }
0x478: {  	v17 =	vshll.u32 v17, $0x1F;
	s24 =	sadd.s32 $0x20, s24;
	v26 =	vld [tilespmem:s23+$0x0];
	v27 =	vadd.f32 v27, v29;
	v23 =	vmul.f32 v25, v23  }
0x479: {  	v16 =	vshll.u32 v16, $0x1F;
	v29 =	vadd.s32 $0x30, v2;
	v25 =	vld [tilespmem:s24+$0x0];
	v17 =	vxor.u32 v24, v17  }
0x47a: {  	v24 =	vld.idx.msk [tilespmem:v34+s0+$0x0], $0xffff;
	v11 =	vmul.f32 v27, v11;
	v17 =	vmul.f32 v17, v28;
	v16 =	vxor.u32 v23, v16  }
0x47b: {  	v23 =	vadd.s32 $0x10, v35;
	v10 =	vmul.f32 v27, v10;
	v34 =	vld.idx.msk [tilespmem:v38+s0+$0x0], $0xffff;
	v16 =	vmul.f32 v16, v28  }
0x47c: {  	v27 =	vadd.s32 $0x20, v35;
	v28 =	vld.idx.msk [tilespmem:v37+s0+$0x0], $0xffff;
	v37 =	vadd.s32 $0x40, v2;
	v11 =	vadd.f32 v17, v11  }
0x47d: {  	s21 =	sadd.s32 $0x20, s21;
	v17 =	vadd.s32 $0x30, v35;
	v38 =	vld.idx.msk [tilespmem:v39+s0+$0x0], $0xffff;
	v39 =	vadd.s32 $0x50, v2;
	v10 =	vadd.f32 v16, v10  }
0x47e: {  	s22 =	sadd.s32 $0x20, s22;
	v31 =	vsub.f32 $8.315964600e-03, v31;
	v40 =	vadd.s32 $0x50, v35;
	v16 =	vadd.s32 $0x40, v35;
	v29 =	vld.idx.msk [tilespmem:v29+s0+$0x0], $0xffff;
	[tilespmem:s21+$0x0] =	vst v11  }
0x47f: {  	s20 =	sadd.s32 $0x20, s20;
	v42 =	vadd.s32 $0x80, v35;
	v11 =	vsub.f32 $8.315964600e-03, v32;
	v41 =	vld.idx.msk [tilespmem:v35+s0+$0x0], $0xffff;
	[tilespmem:s22+$0x0] =	vst v10;
	(erf) = vrcp.f32 v30  }
0x480: {  	v32 =	vadd.s32 $0x70, v35;
	v30 =	vadd.s32 $0x60, v35;
	v10 =	vmul.f32 v31, v33;
	v31 =	vld [tilespmem:s20+$0x0]  }
0x481: {  	v15 =	vmul.f32 v15, v5;
	v5 =	vmovc v14;
	v35 =	vadd.s32 $0x90, v35;
	v11 =	vmul.f32 v11, v36;
	v37 =	vld.idx.msk [tilespmem:v37+s0+$0x0], $0xffff  }
0x482: {  	v10 =	vadd.f32 $-1.666589080e-01, v10;
	v14 =	vld.idx.msk [tilespmem:v39+s0+$0x0], $0xffff;
	v39 =	vmul.f32 v9, v0;
	v9 =	vmul.f32 v9, v1;
	v0 =	vmovc v13  }
0x483: {  	v11 =	vadd.f32 $-1.666589080e-01, v11;
	v1 =	vmovc v12;
	v13 =	vld.idx.msk [tilespmem:v23+s0+$0x0], $0xffff;
	v23 =	vmul.f32 v24, v26;
	v24 =	vmul.f32 v28, v25  }
0x484: {  	v26 =	vmul.f32 v38, v26;
	v25 =	vmul.f32 v29, v25;
	v12 =	vld.idx.msk [tilespmem:v27+s0+$0x0], $0xffff;
	v22 =	vadd.f32 v22, v39  }
0x485: {  	v10 =	vmul.f32 v10, v33;
	v17 =	vld.idx.msk [tilespmem:v17+s0+$0x0], $0xffff;
	v23 =	vadd.f32 v24, v23;
	v24 =	vadd.f32 v31, v34  }
0x486: {  	v9 =	vadd.f32 v15, v9;
	v25 =	vadd.f32 v25, v26;
	v26 =	vmul.f32 v11, v36;
	v27 =	vld [tilespmem:s24+$0xFFFFFFF0];
	[tilespmem:s29+$0xFFFFFFF0] =	vst v22;
	s29 =	smov.u32 s21  }
0x487: {  	v22 =	vadd.f32 $9.999994630e-01, v10;
	v15 =	vld [tilespmem:s23+$0xFFFFFFF0];
	v11 =	vadd.f32 v37, v23;
	v23 =	vmul.f32 $5.000000000e-01, v24  }
0x488: {  	s26 =	sadd.s32 $0x20, s26;
	v7 =	vmul.f32 $5.000000000e-01, v7;
	v10 =	vadd.f32 v14, v25;
	v25 =	vadd.f32 $9.999994630e-01, v26;
	v24 =	vld.idx.msk [tilespmem:v16+s0+$0x0], $0xffff;
	v14 =	vpop (erf);
	[tilespmem:s31+$0xFFFFFFF0] =	vst v9;
	s31 =	smov.u32 s22  }
0x489: {  	v26 =	vld.idx.msk [tilespmem:v40+s0+$0x0], $0xffff;
	v9 =	vmul.f32 $3.183098730e-01, v11;
	v28 =	vmul.f32 v14, v6;
	[tilespmem:s26+$0x0] =	vst v23  }
0x48a: {  	v18 =	vmul.f32 v22, v18;
	v16 =	vmul.f32 $3.183098730e-01, v10;
	v6 =	vld.idx.msk [tilespmem:v42+s0+$0x0], $0xffff;
	[tilespmem:s25+$0xFFFFFFF0] =	vst v7;
	s25 =	smov.u32 s28;
	s28 =	smov.u32 s26  }
0x48b: {  	v7 =	vld.idx.msk [tilespmem:v30+s0+$0x0], $0xffff;
	v13 =	vmul.f32 v13, v27;
	v23 =	vmul.f32 v17, v27;
	v17 =	vadd.f32 $1.258291200e+07, v9  }
0x48c: {  	v16 =	vadd.f32 $1.258291200e+07, v16;
	v14 =	vld.idx.msk [tilespmem:v32+s0+$0x0], $0xffff;
	v22 =	vmul.f32 v41, v15;
	v12 =	vmul.f32 v12, v15  }
0x48d: {  	v9 =	vadd.f32 v28, v8;
	v8 =	vmul.f32 v25, v21;
	v27 =	vld.idx.msk [tilespmem:v35+s0+$0x0], $0xffff;
	v15 =	vadd.f32 $-1.258291200e+07, v17  }
0x48e: {  	v21 =	vadd.f32 $-1.258291200e+07, v16;
	v13 =	vadd.f32 v13, v22;
	v22 =	vxor.u32 v18, v20;
	v18 =	vld [tilespmem:s30+$0xFFFFFFF0];
	s30 =	smov.u32 s20  }
0x48f: {  	v12 =	vadd.f32 v23, v12;
	v20 =	vmul.f32 v11, v11;
	v15 =	vmul.f32 $3.141592740e+00, v15  }
0x490: {  	v23 =	vmul.f32 v10, v10;
	v21 =	vmul.f32 $3.141592740e+00, v21;
	v13 =	vadd.f32 v24, v13  }
0x491: {  	v12 =	vadd.f32 v26, v12;
	v24 =	vsub.f32 v11, v15;
	v15 =	vxor.u32 v8, v19;
	v8 =	vmovc v7  }
0x492: {  	v25 =	vadd.f32 v23, v20;
	v23 =	vsub.f32 v10, v21;
	v19 =	vmul.f32 $3.183098730e-01, v13  }
0x493: {  	v21 =	vmul.f32 $3.183098730e-01, v12;
	v26 =	vmul.f32 v24, v24;
	v7 =	vadd.f32 v18, v3;
	v3 =	vmovc v4;
	v4 =	vmovc v27  }
0x494: {  	v18 =	vadd.f32 $9.999999970e-07, v25;
	v25 =	vmul.f32 v23, v23;
	v20 =	vadd.f32 $1.258291200e+07, v19  }
0x495: {  	v27 =	vadd.s32 $0x80, v2;
	v19 =	vadd.f32 $1.258291200e+07, v21;
	v21 =	vmul.f32 $1.860897610e-04, v26  }
.Ltmp4:
0x496: {  	v31 =	vmul.f32 $1.860897610e-04, v25;
	v28 =	vadd.f32 $-1.258291200e+07, v20;
	(erf) = vrcp.f32 v18;
	(pc) =	sbr.rel @p0 .LBB2_10-.Ltmp4, $4  }
0x497: {  	v29 =	vadd.s32 $0x60, v2;
	v18 =	vadd.f32 $-1.258291200e+07, v19;
	v32 =	vsub.f32 $8.315964600e-03, v21  }
0x498: {  	v30 =	vmul.f32 v13, v13;
	v35 =	vsub.f32 $8.315964600e-03, v31;
	v34 =	vmul.f32 $3.141592740e+00, v28  }
0x499: {  	v21 =	vmul.f32 $3.141592740e+00, v18;
	v28 =	vadd.s32 $0x70, v2;
	v31 =	vmul.f32 v32, v26  }
0x49a: {  	s2 =	sadd.s32 $0x20, s2;
	v33 =	vmul.f32 v12, v12;
	v32 =	vmul.f32 v35, v25;
	v18 =	vsub.f32 v13, v34;
	v27 =	vld.idx.msk [tilespmem:v27+s0+$0x0], $0xffff  }
0x49b: {  	_ = 	snop  }
0x49c: {  	v31 =	vadd.f32 $-1.666589080e-01, v31;
	v49 =	vmul.f32 v18, v18  }
0x49d: {  	v30 =	vadd.f32 v33, v30  }
0x49e: {  	v21 =	vsub.f32 v12, v21;
	v26 =	vmul.f32 v31, v26;
	v31 =	vmul.f32 $1.860897610e-04, v49  }
0x49f: {  	v30 =	vadd.f32 $9.999999970e-07, v30  }
0x4a0: {  	v29 =	vld.idx.msk [tilespmem:v29+s0+$0x0], $0xffff;
	v32 =	vadd.f32 $-1.666589080e-01, v32;
	v34 =	vmul.f32 v21, v21  }
0x4a1: {  	(erf) = vrcp.f32 v30;
	v30 =	vsub.f32 $8.315964600e-03, v31  }
0x4a2: {  	v25 =	vmul.f32 v32, v25;
	v35 =	vmul.f32 $1.860897610e-04, v34;
	v31 =	vpop (erf)  }
0x4a3: {  	v26 =	vadd.f32 $9.999994630e-01, v26;
	v30 =	vmul.f32 v30, v49;
	v27 =	vmul.f32 v31, v27  }
0x4a4: {  	v28 =	vld.idx.msk [tilespmem:v28+s0+$0x0], $0xffff;
	v25 =	vadd.f32 $9.999994630e-01, v25;
	v50 =	vsub.f32 $8.315964600e-03, v35  }
0x4a5: {  	v20 =	vshll.u32 v20, $0x1F;
	v27 =	vadd.f32 v27, v29;
	v29 =	vadd.f32 $-1.666589080e-01, v30  }
0x4a6: {  	v19 =	vshll.u32 v19, $0x1F;
	v24 =	vmul.f32 v26, v24;
	v26 =	vmul.f32 v50, v34  }
0x4a7: {  	v17 =	vshll.u32 v17, $0x1F;
	v23 =	vmul.f32 v25, v23;
	v25 =	vmul.f32 v29, v49  }
0x4a8: {  	v22 =	vmul.f32 v22, v5;
	v17 =	vxor.u32 v24, v17;
	v24 =	vadd.f32 $-1.666589080e-01, v26  }
0x4a9: {  	v2 =	vadd.s32 $0x90, v2;
	v16 =	vshll.u32 v16, $0x1F;
	v17 =	vmul.f32 v17, v28  }
0x4aa: {  	v16 =	vxor.u32 v23, v16;
	v11 =	vmul.f32 v27, v11;
	v23 =	vmul.f32 v24, v34  }
0x4ab: {  	v16 =	vmul.f32 v16, v28;
	v10 =	vmul.f32 v27, v10;
	v24 =	vadd.f32 $9.999994630e-01, v25;
	v25 =	vpop (erf)  }
0x4ac: {  	v11 =	vadd.f32 v17, v11;
	v17 =	vadd.f32 $9.999994630e-01, v23;
	v6 =	vmul.f32 v25, v6  }
0x4ad: {  	v0 =	vmul.f32 v9, v0;
	v10 =	vadd.f32 v16, v10;
	v16 =	vmul.f32 v24, v18  }
0x4ae: {  	v5 =	vmul.f32 v15, v5;
	v6 =	vadd.f32 v6, v8;
	v8 =	vmul.f32 v17, v21  }
0x4af: {  	s1 =	sadd.s32 $0x20, s21;
	v1 =	vmul.f32 v9, v1;
	v0 =	vadd.f32 v22, v0;
	v2 =	vld.idx.msk [tilespmem:v2+s0+$0x0], $0xffff;
	v9 =	vxor.u32 v16, v20  }
0x4b0: {  	[tilespmem:s1+$0x0] =	vst v11;
	v9 =	vmul.f32 v9, v14;
	v8 =	vxor.u32 v8, v19;
	v11 =	vmul.f32 v6, v13  }
0x4b1: {  	s2 =	sadd.s32 $0x20, s22;
	v1 =	vadd.f32 v5, v1;
	[tilespmem:s29+$0xFFFFFFF0] =	vst v0;
	v6 =	vmul.f32 v6, v12;
	v5 =	vmul.f32 v8, v14  }
0x4b2: {  	s20 =	sadd.s32 $0x20, s20;
	[tilespmem:s2+$0x0] =	vst v10;
	v0 =	vadd.f32 v9, v11  }
0x4b3: {  	[tilespmem:s31+$0xFFFFFFF0] =	vst v1;
	v8 =	vld [tilespmem:s20+$0x0];
	v1 =	vadd.f32 v5, v6  }
0x4b4: {  	[tilespmem:s1+$0xFFFFFFF0] =	vst v0  }
0x4b5: {  	v0 =	vld [tilespmem:s30+$0xFFFFFFF0];
	[tilespmem:s2+$0xFFFFFFF0] =	vst v1  }
0x4b6: {  	v1 =	vld [tilespmem:s20+$0xFFFFFFF0];
	_ =	sdelay $0x1  }
0x4b7: {  	v2 =	vadd.f32 v8, v2;
	_ =	sdelay $0x1  }
0x4b8: {  	v2 =	vmul.f32 $5.000000000e-01, v2;
	v0 =	vadd.f32 v0, v3  }
0x4b9: {  	s26 =	sadd.s32 $0x20, s26;
	v3 =	vmul.f32 $5.000000000e-01, v7;
	v1 =	vadd.f32 v1, v4  }
0x4ba: {  	[tilespmem:s26+$0x0] =	vst v2;
	v0 =	vmul.f32 $5.000000000e-01, v0  }
0x4bb: {  	[tilespmem:s25+$0xFFFFFFF0] =	vst v3;
	v1 =	vmul.f32 $5.000000000e-01, v1  }
0x4bc: {  	[tilespmem:s28+$0xFFFFFFF0] =	vst v0  }
0x4bd: {  	[tilespmem:s26+$0xFFFFFFF0] =	vst v1  }
0x4be: {  	s1 =	rddreg [dreg:$0x1d]  }
0x4bf: {  	s2 =	rddreg [dreg:$0x1e]  }
0x4c0: {  	[hbm4b:s1+s0] =	stream.linear.scatter [tilespmem:s10], [sflag:$0x3], $0x1000, $0x38;
	[tilespmem:$0xE100] =	vst v63  }
0x4c1: {  	s20 =	rddreg [dreg:$0x1f]  }
0x4c2: {  	[hbm4b:s2+s0] =	stream.linear.scatter [tilespmem:s11], [sflag:$0x3], $0x1000, $0x38;
	[tilespmem:$0xE100] =	vst v63  }
0x4c3: {  	s21 =	sld [smem:$0x7EE]  }
0x4c4: {  	[hbm4b:s20+s0] =	stream.linear.scatter [tilespmem:s12], [sflag:$0x3], $0x1000, $0x38;
	[tilespmem:$0xE100] =	vst v63  }
0x4c5: {  	s22 =	simm.s32 $0x100;
	s23 =	sld [smem:$0x7F0]  }
0x4c6: {  	[tilespmem:s22], [sflag:$0x1] =	stream.linear.gather [hbm4b:s21+s0], $0x1000, $0x38;
	[tilespmem:$0xE100] =	vst v63  }
0x4c7: {  	s24 =	simm.s32 $0x1100;
	s25 =	sld [smem:$0x7F2]  }
0x4c8: {  	[tilespmem:s24], [sflag:$0x1] =	stream.linear.gather [hbm4b:s23+s0], $0x1000, $0x38;
	[tilespmem:$0xE100] =	vst v63  }
0x4c9: {  	s26 =	sld [smem:$0x7F4]  }
0x4ca: {  	[tilespmem:s3], [sflag:$0x1] =	stream.linear.gather [hbm4b:s25+s0], $0x1000, $0x38;
	[tilespmem:$0xE100] =	vst v63  }
0x4cb: {  	_ = 	snop  }
0x4cc: {  	[tilespmem:s4], [sflag:$0x1] =	stream.linear.gather [hbm4b:s26+s0], $0x1000, $0x38;
	[tilespmem:$0xE100] =	vst v63  }
0x4cd: {  	_ =	swait.ge [sflag:s13], $0x1000  }
0x4ce: {  	[sflag:s13] =	ssyncset.done $0x0  }
0x4cf: {  	[sflag:s13] =	ssyncadd.s32 $0xFFFFF000  }
0x4d0: {  	_ =	swait.ge [sflag:s13], $0x1000  }
0x4d1: {  	[sflag:s13] =	ssyncset.done $0x0  }
0x4d2: {  	[sflag:s13] =	ssyncadd.s32 $0xFFFFF000  }
0x4d3: {  	_ =	swait.ge [sflag:s13], $0x1000  }
0x4d4: {  	[sflag:s13] =	ssyncset.done $0x0  }
0x4d5: {  	[sflag:s13] =	ssyncadd.s32 $0xFFFFF000  }
0x4d6: {  	_ =	swait.ge [sflag:s13], $0x1000  }
0x4d7: {  	[sflag:s13] =	ssyncset.done $0x0  }
0x4d8: {  	[sflag:s13] =	ssyncadd.s32 $0xFFFFF000  }
0x4d9: {  	_ =	swait.ge [sflag:s18], $0x1000  }
0x4da: {  	[sflag:s18] =	ssyncset.done $0x0  }
0x4db: {  	[sflag:s18] =	ssyncadd.s32 $0xFFFFF000  }
0x4dc: {  	_ =	swait.ge [sflag:s18], $0x1000  }
0x4dd: {  	[sflag:s18] =	ssyncset.done $0x0  }
0x4de: {  	[sflag:s18] =	ssyncadd.s32 $0xFFFFF000  }
0x4df: {  	_ =	swait.ge [sflag:s18], $0x1000  }
0x4e0: {  	[sflag:s18] =	ssyncset.done $0x0  }
0x4e1: {  	s2 =	simm.s32 $0x9110;
	[sflag:s18] =	ssyncadd.s32 $0xFFFFF000  }
0x4e2: {  	v1 =	vld [tilespmem:s2+$0x0];
	_ =	sdelay $0x4  }
0x4e3: {  	v2 =	vadd.s32 $0x10, v1  }
0x4e4: {  	s20 =	simm.s32 $0x7110;
	v0 =	vld [tilespmem:s2+$0xFFFFFFF0];
	v3 =	vadd.s32 $0x20, v1  }
0x4e5: {  	s21 =	simm.s32 $0x8110;
	v4 =	vld [tilespmem:s20+$0x0];
	v5 =	vadd.s32 $0x30, v1  }
0x4e6: {  	v6 =	vld [tilespmem:s21+$0x0]  }
0x4e7: {  	v7 =	vld.idx.msk [tilespmem:v1+s0+$0x0], $0xffff  }
0x4e8: {  	v8 =	vadd.s32 $0x40, v1;
	v2 =	vld.idx.msk [tilespmem:v2+s0+$0x0], $0xffff  }
0x4e9: {  	v9 =	vadd.s32 $0x50, v1;
	v3 =	vld.idx.msk [tilespmem:v3+s0+$0x0], $0xffff  }
0x4ea: {  	v5 =	vld.idx.msk [tilespmem:v5+s0+$0x0], $0xffff;
	_ =	sdelay $0x1  }
0x4eb: {  	v10 =	vadd.s32 $0x10, v0  }
0x4ec: {  	v8 =	vld.idx.msk [tilespmem:v8+s0+$0x0], $0xffff  }
0x4ed: {  	v9 =	vld.idx.msk [tilespmem:v9+s0+$0x0], $0xffff;
	v7 =	vmul.f32 v7, v4;
	v2 =	vmul.f32 v2, v6  }
0x4ee: {  	v11 =	vadd.s32 $0x30, v0;
	v3 =	vmul.f32 v3, v4;
	v4 =	vmul.f32 v5, v6  }
0x4ef: {  	v5 =	vld.idx.msk [tilespmem:v0+s0+$0x0], $0xffff  }
0x4f0: {  	v6 =	vld.idx.msk [tilespmem:v10+s0+$0x0], $0xffff;
	v2 =	vadd.f32 v2, v7;
	v3 =	vadd.f32 v4, v3  }
0x4f1: {  	v10 =	vld [tilespmem:s20+$0xFFFFFFF0];
	v4 =	vadd.s32 $0x20, v0  }
0x4f2: {  	v2 =	vadd.f32 v8, v2;
	v8 =	vld [tilespmem:s21+$0xFFFFFFF0];
	v9 =	vadd.f32 v9, v3  }
0x4f3: {  	v7 =	vld.idx.msk [tilespmem:v11+s0+$0x0], $0xffff;
	v3 =	vadd.s32 $0x40, v0  }
0x4f4: {  	v11 =	vmul.f32 $3.183098730e-01, v2;
	v12 =	vmul.f32 $3.183098730e-01, v9  }
0x4f5: {  	v13 =	vadd.s32 $0x50, v0  }
0x4f6: {  	v4 =	vld.idx.msk [tilespmem:v4+s0+$0x0], $0xffff;
	v11 =	vadd.f32 $1.258291200e+07, v11;
	v12 =	vadd.f32 $1.258291200e+07, v12  }
0x4f7: {  	v5 =	vmul.f32 v5, v10;
	v6 =	vmul.f32 v6, v8  }
0x4f8: {  	v3 =	vld.idx.msk [tilespmem:v3+s0+$0x0], $0xffff;
	v7 =	vmul.f32 v7, v8;
	v14 =	vadd.f32 $-1.258291200e+07, v11;
	v8 =	vadd.f32 $-1.258291200e+07, v12  }
0x4f9: {  	v15 =	vmul.f32 v2, v2;
	v16 =	vmul.f32 v9, v9  }
0x4fa: {  	v13 =	vld.idx.msk [tilespmem:v13+s0+$0x0], $0xffff;
	v14 =	vmul.f32 $3.141592740e+00, v14;
	v8 =	vmul.f32 $3.141592740e+00, v8  }
0x4fb: {  	v5 =	vadd.f32 v6, v5;
	v4 =	vmul.f32 v4, v10;
	v10 =	vadd.f32 v16, v15  }
0x4fc: {  	v6 =	vsub.f32 v2, v14;
	v8 =	vsub.f32 v9, v8  }
0x4fd: {  	v7 =	vadd.f32 v7, v4;
	v4 =	vadd.f32 v3, v5  }
0x4fe: {  	v10 =	vadd.f32 $9.999999970e-07, v10;
	v5 =	vmul.f32 v6, v6  }
0x4ff: {  	v14 =	vmul.f32 v8, v8;
	v3 =	vadd.f32 v13, v7;
	v7 =	vmul.f32 $3.183098730e-01, v4  }
0x500: {  	v15 =	vadd.s32 $0x80, v1;
	(erf) = vrcp.f32 v10;
	v13 =	vmul.f32 $1.860897610e-04, v5  }
0x501: {  	v16 =	vmul.f32 $1.860897610e-04, v14  }
0x502: {  	v17 =	vadd.f32 $1.258291200e+07, v7;
	v7 =	vsub.f32 $8.315964600e-03, v13;
	v13 =	vadd.s32 $0x60, v1  }
0x503: {  	v10 =	vmul.f32 $3.183098730e-01, v3;
	v16 =	vsub.f32 $8.315964600e-03, v16  }
0x504: {  	v20 =	vadd.s32 $0x70, v1;
	v22 =	vadd.s32 $0x60, v0;
	v7 =	vmul.f32 v7, v5  }
0x505: {  	s22 =	simm.s32 $0x9130;
	v15 =	vld.idx.msk [tilespmem:v15+s0+$0x0], $0xffff;
	v18 =	vadd.f32 $-1.258291200e+07, v17;
	v19 =	vadd.f32 $1.258291200e+07, v10;
	v10 =	vmul.f32 v16, v14  }
0x506: {  	v11 =	vshll.u32 v11, $0x1F;
	v25 =	vmul.f32 v4, v4;
	v21 =	vadd.f32 $-1.666589080e-01, v7;
	v7 =	vld [tilespmem:s22+$0x0]  }
0x507: {  	v1 =	vadd.s32 $0x90, v1;
	v18 =	vmul.f32 $3.141592740e+00, v18;
	v24 =	vadd.f32 $-1.666589080e-01, v10;
	v13 =	vld.idx.msk [tilespmem:v13+s0+$0x0], $0xffff  }
0x508: {  	v16 =	vadd.s32 $0x80, v0;
	v23 =	vadd.f32 $-1.258291200e+07, v19;
	v5 =	vmul.f32 v21, v5  }
0x509: {  	v20 =	vld.idx.msk [tilespmem:v20+s0+$0x0], $0xffff;
	v18 =	vsub.f32 v4, v18;
	v10 =	vadd.s32 $0x70, v0;
	v26 =	vpop (erf);
	v14 =	vmul.f32 v24, v14  }
0x50a: {  	s23 =	simm.s32 $0x7130;
	v21 =	vmul.f32 $3.141592740e+00, v23;
	v15 =	vmul.f32 v26, v15;
	v26 =	vld [tilespmem:s22+$0xFFFFFFF0];
	v5 =	vadd.f32 $9.999994630e-01, v5  }
0x50b: {  	v51 =	vld [tilespmem:s23+$0xFFFFFFF0];
	v23 =	vmul.f32 v3, v3;
	v14 =	vadd.f32 $9.999994630e-01, v14;
	v27 =	vadd.s32 $0x10, v7  }
0x50c: {  	v1 =	vld.idx.msk [tilespmem:v1+s0+$0x0], $0xffff;
	v28 =	vadd.s32 $0x20, v7;
	v5 =	vmul.f32 v5, v6;
	v13 =	vadd.f32 v15, v13  }
0x50d: {  	s24 =	simm.s32 $0x8130;
	v24 =	vmul.f32 v18, v18;
	v6 =	vld [tilespmem:s23+$0x0];
	v8 =	vmul.f32 v14, v8;
	v15 =	vadd.s32 $0x30, v7  }
0x50e: {  	v14 =	vld [tilespmem:s24+$0x0];
	v5 =	vxor.u32 v5, v11;
	v11 =	vshll.u32 v12, $0x1F;
	v2 =	vmul.f32 v13, v2  }
0x50f: {  	v12 =	vld.idx.msk [tilespmem:v7+s0+$0x0], $0xffff;
	v9 =	vmul.f32 v13, v9;
	v5 =	vmul.f32 v5, v20;
	v8 =	vxor.u32 v8, v11  }
0x510: {  	v11 =	vsub.f32 v3, v21;
	v21 =	vadd.s32 $0x40, v7;
	v8 =	vmul.f32 v8, v20;
	v20 =	vld.idx.msk [tilespmem:v27+s0+$0x0], $0xffff  }
0x511: {  	v13 =	vadd.f32 v23, v25;
	v25 =	vld.idx.msk [tilespmem:v28+s0+$0x0], $0xffff;
	v27 =	vadd.s32 $0x50, v7;
	v2 =	vadd.f32 v5, v2  }
0x512: {  	s2 =	simm.s32 $0xB110;
	v23 =	vmul.f32 $1.860897610e-04, v24;
	v28 =	vld.idx.msk [tilespmem:v26+s0+$0x0], $0xffff;
	v5 =	vadd.s32 $0x90, v0;
	v0 =	vmul.f32 v11, v11  }
0x513: {  	v15 =	vld.idx.msk [tilespmem:v15+s0+$0x0], $0xffff;
	v8 =	vadd.f32 v8, v9;
	v9 =	vadd.s32 $0x10, v26;
	[tilespmem:s2+$0x0] =	vst v2;
	v2 =	vadd.f32 $9.999999970e-07, v13  }
0x514: {  	s25 =	simm.s32 $0xC110;
	v30 =	vadd.s32 $0x30, v26;
	v23 =	vsub.f32 $8.315964600e-03, v23;
	v12 =	vmul.f32 v12, v6  }
0x515: {  	v13 =	vadd.s32 $0x20, v26;
	[tilespmem:s25+$0x0] =	vst v8;
	v8 =	vmul.f32 $1.860897610e-04, v0;
	v21 =	vld.idx.msk [tilespmem:v21+s0+$0x0], $0xffff;
	(erf) = vrcp.f32 v2  }
0x516: {  	s1 =	simm.s32 $0xA110;
	v2 =	vmul.f32 v23, v24;
	v23 =	vld.idx.msk [tilespmem:v27+s0+$0x0], $0xffff;
	v20 =	vmul.f32 v20, v14;
	v27 =	vadd.s32 $0x40, v26  }
0x517: {  	v29 =	vld [tilespmem:s1+$0x0];
	v6 =	vmul.f32 v25, v6;
	v28 =	vmul.f32 v28, v51;
	v8 =	vsub.f32 $8.315964600e-03, v8  }
0x518: {  	v31 =	vld.idx.msk [tilespmem:v9+s0+$0x0], $0xffff;
	v9 =	vmul.f32 v15, v14;
	v15 =	vadd.s32 $0x50, v26;
	v12 =	vadd.f32 v20, v12  }
0x519: {  	v25 =	vld [tilespmem:s24+$0xFFFFFFF0];
	v20 =	vadd.s32 $0x80, v26;
	v2 =	vadd.f32 $-1.666589080e-01, v2;
	v8 =	vmul.f32 v8, v0  }
0x51a: {  	v13 =	vld.idx.msk [tilespmem:v13+s0+$0x0], $0xffff;
	v14 =	vadd.f32 v9, v6;
	v9 =	vadd.s32 $0x60, v26;
	v12 =	vadd.f32 v21, v12  }
0x51b: {  	v6 =	vadd.s32 $0x70, v26;
	v21 =	vld.idx.msk [tilespmem:v30+s0+$0x0], $0xffff;
	v2 =	vmul.f32 v2, v24;
	v8 =	vadd.f32 $-1.666589080e-01, v8  }
0x51c: {  	v16 =	vld.idx.msk [tilespmem:v16+s0+$0x0], $0xffff;
	v1 =	vadd.f32 v29, v1;
	v23 =	vadd.f32 v23, v14;
	v24 =	vmul.f32 $3.183098730e-01, v12  }
0x51d: {  	v2 =	vadd.f32 $9.999994630e-01, v2;
	v0 =	vmul.f32 v8, v0;
	v8 =	vadd.s32 $0x90, v26  }
0x51e: {  	v14 =	vmul.f32 $5.000000000e-01, v1;
	v26 =	vmul.f32 $3.183098730e-01, v23;
	v24 =	vadd.f32 $1.258291200e+07, v24  }
0x51f: {  	v1 =	vld.idx.msk [tilespmem:v27+s0+$0x0], $0xffff;
	v13 =	vmul.f32 v13, v51;
	v27 =	vadd.f32 $9.999994630e-01, v0;
	v0 =	vmul.f32 v31, v25  }
0x520: {  	v15 =	vld.idx.msk [tilespmem:v15+s0+$0x0], $0xffff;
	v29 =	vpop (erf);
	v21 =	vmul.f32 v21, v25;
	v26 =	vadd.f32 $1.258291200e+07, v26;
	v25 =	vadd.f32 $-1.258291200e+07, v24  }
0x521: {  	v16 =	vmul.f32 v29, v16;
	v29 =	vmul.f32 v23, v23;
	v0 =	vadd.f32 v0, v28  }
0x522: {  	v22 =	vld.idx.msk [tilespmem:v22+s0+$0x0], $0xffff;
	v13 =	vadd.f32 v21, v13;
	v21 =	vmul.f32 v12, v12;
	v28 =	vadd.f32 $-1.258291200e+07, v26  }
0x523: {  	v2 =	vmul.f32 v2, v18;
	v25 =	vmul.f32 $3.141592740e+00, v25  }
0x524: {  	v0 =	vadd.f32 v1, v0;
	v18 =	vadd.f32 v29, v21;
	v28 =	vmul.f32 $3.141592740e+00, v28  }
0x525: {  	v11 =	vmul.f32 v27, v11;
	v1 =	vadd.f32 v15, v13;
	v13 =	vsub.f32 v12, v25  }
0x526: {  	v15 =	vmul.f32 $3.183098730e-01, v0;
	v18 =	vadd.f32 $9.999999970e-07, v18;
	v21 =	vsub.f32 v23, v28  }
0x527: {  	v16 =	vadd.f32 v16, v22;
	v22 =	vmul.f32 $3.183098730e-01, v1;
	v25 =	vmul.f32 v13, v13  }
0x528: {  	v29 =	vadd.s32 $0x80, v7;
	(erf) = vrcp.f32 v18;
	v27 =	vmul.f32 v21, v21  }
0x529: {  	s26 =	simm.s32 $0x9150;
	v31 =	vadd.s32 $0x60, v7;
	v15 =	vadd.f32 $1.258291200e+07, v15;
	v28 =	vmul.f32 $1.860897610e-04, v25  }
0x52a: {  	v58 =	vld [tilespmem:s26+$0xFFFFFFF0];
	v17 =	vshll.u32 v17, $0x1F;
	v22 =	vadd.f32 $1.258291200e+07, v22;
	v30 =	vmul.f32 $1.860897610e-04, v27  }
0x52b: {  	v17 =	vxor.u32 v2, v17;
	v2 =	vadd.f32 $-1.258291200e+07, v15;
	v18 =	vsub.f32 $8.315964600e-03, v28  }
0x52c: {  	v19 =	vshll.u32 v19, $0x1F;
	v28 =	vadd.f32 $-1.258291200e+07, v22;
	v30 =	vsub.f32 $8.315964600e-03, v30  }
0x52d: {  	v11 =	vxor.u32 v11, v19;
	v29 =	vld.idx.msk [tilespmem:v29+s0+$0x0], $0xffff;
	v2 =	vmul.f32 $3.141592740e+00, v2;
	v18 =	vmul.f32 v18, v25  }
0x52e: {  	v31 =	vld.idx.msk [tilespmem:v31+s0+$0x0], $0xffff;
	v19 =	vmul.f32 $3.141592740e+00, v28;
	v28 =	vadd.s32 $0x70, v7;
	v30 =	vmul.f32 v30, v27  }
0x52f: {  	v24 =	vshll.u32 v24, $0x1F;
	v53 =	vsub.f32 v0, v2;
	v2 =	vld [tilespmem:s26+$0x0];
	v18 =	vadd.f32 $-1.666589080e-01, v18  }
0x530: {  	v52 =	vmul.f32 v0, v0;
	v54 =	vmul.f32 v1, v1;
	v30 =	vadd.f32 $-1.666589080e-01, v30  }
0x531: {  	v19 =	vsub.f32 v1, v19;
	v55 =	vmul.f32 v53, v53;
	v18 =	vmul.f32 v18, v25;
	v57 =	vpop (erf)  }
0x532: {  	v39 =	vld.idx.msk [tilespmem:v58+s0+$0x0], $0xffff;
	v7 =	vadd.s32 $0x90, v7;
	v29 =	vmul.f32 v57, v29;
	v27 =	vmul.f32 v30, v27  }
0x533: {  	v25 =	vadd.f32 v54, v52;
	v56 =	vmul.f32 v19, v19;
	v28 =	vld.idx.msk [tilespmem:v28+s0+$0x0], $0xffff;
	v18 =	vadd.f32 $9.999994630e-01, v18  }
0x534: {  	v10 =	vld.idx.msk [tilespmem:v10+s0+$0x0], $0xffff;
	v29 =	vadd.f32 v29, v31;
	v31 =	vadd.s32 $0x30, v2;
	v27 =	vadd.f32 $9.999994630e-01, v27  }
0x535: {  	s23 =	simm.s32 $0x7150;
	v5 =	vld.idx.msk [tilespmem:v5+s0+$0x0], $0xffff;
	v30 =	vshll.u32 v22, $0x1F;
	v36 =	vadd.s32 $0x10, v2;
	v13 =	vmul.f32 v18, v13  }
0x536: {  	s24 =	simm.s32 $0x8150;
	v22 =	vmul.f32 $1.860897610e-04, v55;
	v37 =	vadd.s32 $0x20, v2;
	v18 =	vld [tilespmem:s23+$0x0];
	v21 =	vmul.f32 v27, v21  }
0x537: {  	v59 =	vadd.s32 $0x50, v2;
	v27 =	vld [tilespmem:s24+$0x0];
	v13 =	vxor.u32 v13, v24;
	v24 =	vshll.u32 v26, $0x1F  }
0x538: {  	v12 =	vmul.f32 v29, v12;
	v26 =	vld.idx.msk [tilespmem:v2+s0+$0x0], $0xffff;
	v13 =	vmul.f32 v13, v28;
	v21 =	vxor.u32 v21, v24  }
0x539: {  	v22 =	vsub.f32 $8.315964600e-03, v22;
	v23 =	vmul.f32 v29, v23;
	v31 =	vld.idx.msk [tilespmem:v31+s0+$0x0], $0xffff;
	v21 =	vmul.f32 v21, v28  }
0x53a: {  	v29 =	vadd.s32 $0x40, v2;
	v24 =	vadd.f32 $9.999999970e-07, v25;
	v28 =	vld.idx.msk [tilespmem:v36+s0+$0x0], $0xffff;
	v12 =	vadd.f32 v13, v12  }
0x53b: {  	s21 =	simm.s32 $0xB130;
	v25 =	vmul.f32 $1.860897610e-04, v56;
	v13 =	vmul.f32 v17, v10;
	v17 =	vld.idx.msk [tilespmem:v37+s0+$0x0], $0xffff;
	v21 =	vadd.f32 v21, v23  }
0x53c: {  	v60 =	vadd.s32 $0x20, v58;
	v38 =	vadd.s32 $0x30, v58;
	s22 =	simm.s32 $0xC130;
	v42 =	vmul.f32 v11, v10;
	v7 =	vld.idx.msk [tilespmem:v7+s0+$0x0], $0xffff;
	[tilespmem:s21+$0x0] =	vst v12  }
0x53d: {  	s20 =	simm.s32 $0xA130;
	v20 =	vld.idx.msk [tilespmem:v20+s0+$0x0], $0xffff;
	v22 =	vmul.f32 v22, v55;
	(erf) = vrcp.f32 v24;
	v24 =	vsub.f32 $8.315964600e-03, v25;
	[tilespmem:s22+$0x0] =	vst v21  }
0x53e: {  	v3 =	vmul.f32 v16, v3;
	v23 =	vadd.s32 $0x10, v58;
	v11 =	vmul.f32 v26, v18;
	v25 =	vld [tilespmem:s20+$0x0]  }
0x53f: {  	v22 =	vadd.f32 $-1.666589080e-01, v22;
	v29 =	vld.idx.msk [tilespmem:v29+s0+$0x0], $0xffff;
	v10 =	vmul.f32 v24, v56;
	v26 =	vmul.f32 v28, v27  }
0x540: {  	v40 =	vadd.s32 $0x80, v58;
	v24 =	vld.idx.msk [tilespmem:v59+s0+$0x0], $0xffff;
	v17 =	vmul.f32 v17, v18;
	v18 =	vmul.f32 v31, v27  }
0x541: {  	v43 =	vadd.s32 $0x70, v58;
	v3 =	vadd.f32 v42, v3;
	v22 =	vmul.f32 v22, v55;
	v28 =	vld.idx.msk [tilespmem:v60+s0+$0x0], $0xffff  }
0x542: {  	v21 =	vadd.s32 $0x50, v58;
	v11 =	vadd.f32 v26, v11;
	v17 =	vadd.f32 v18, v17;
	v18 =	vld [tilespmem:s23+$0xFFFFFFF0]  }
0x543: {  	v4 =	vmul.f32 v16, v4;
	v22 =	vadd.f32 $9.999994630e-01, v22;
	v23 =	vld.idx.msk [tilespmem:v23+s0+$0x0], $0xffff;
	v7 =	vadd.f32 v25, v7  }
0x544: {  	v12 =	vadd.s32 $0x40, v58;
	v10 =	vadd.f32 $-1.666589080e-01, v10;
	v11 =	vadd.f32 v29, v11;
	v25 =	vld [tilespmem:s24+$0xFFFFFFF0]  }
0x545: {  	v16 =	vld.idx.msk [tilespmem:v38+s0+$0x0], $0xffff;
	v15 =	vshll.u32 v15, $0x1F;
	v4 =	vadd.f32 v13, v4;
	v22 =	vmul.f32 v22, v53  }
0x546: {  	v9 =	vld.idx.msk [tilespmem:v9+s0+$0x0], $0xffff;
	v13 =	vmul.f32 v10, v56;
	v10 =	vadd.f32 v24, v17;
	v17 =	vmul.f32 $3.183098730e-01, v11  }
0x547: {  	[tilespmem:s2+$0xFFFFFFF0] =	vst v4;
	v22 =	vxor.u32 v22, v15;
	v4 =	vld.idx.msk [tilespmem:v21+s0+$0x0], $0xffff;
	v27 =	vmul.f32 $5.000000000e-01, v7;
	v21 =	vmul.f32 v39, v18;
	v7 =	vpop (erf)  }
0x548: {  	v17 =	vadd.f32 $1.258291200e+07, v17;
	v7 =	vmul.f32 v7, v20;
	v20 =	vmul.f32 $3.183098730e-01, v10  }
0x549: {  	v12 =	vld.idx.msk [tilespmem:v12+s0+$0x0], $0xffff;
	v13 =	vadd.f32 $9.999994630e-01, v13;
	v18 =	vmul.f32 v28, v18;
	v23 =	vmul.f32 v23, v25  }
0x54a: {  	[tilespmem:s25+$0xFFFFFFF0] =	vst v3;
	v24 =	vmul.f32 v16, v25;
	v3 =	vadd.f32 $-1.258291200e+07, v17;
	v16 =	vadd.f32 $1.258291200e+07, v20  }
0x54b: {  	v9 =	vadd.f32 v7, v9;
	v7 =	vmul.f32 v13, v19;
	v13 =	vadd.f32 v23, v21  }
0x54c: {  	v15 =	vadd.f32 v24, v18;
	v18 =	vmul.f32 v11, v11;
	v19 =	vadd.f32 $-1.258291200e+07, v16  }
0x54d: {  	v61 =	vadd.s32 $0x80, v2;
	v20 =	vld [tilespmem:s1+$0xFFFFFFF0];
	v3 =	vmul.f32 $3.141592740e+00, v3;
	v21 =	vmul.f32 v10, v10  }
0x54e: {  	v13 =	vadd.f32 v12, v13;
	v12 =	vadd.f32 v4, v15;
	v19 =	vmul.f32 $3.141592740e+00, v19  }
0x54f: {  	v41 =	vadd.s32 $0x60, v58;
	v24 =	vsub.f32 v11, v3;
	v4 =	vadd.f32 v21, v18  }
0x550: {  	v15 =	vxor.u32 v7, v30;
	v3 =	vmul.f32 $3.183098730e-01, v13;
	v23 =	vsub.f32 v10, v19  }
0x551: {  	s25 =	simm.s32 $0xD110;
	v18 =	vmul.f32 $3.183098730e-01, v12;
	v26 =	vmul.f32 v24, v24;
	v4 =	vadd.f32 $9.999999970e-07, v4  }
0x552: {  	s26 =	simm.s32 $0xD130;
	[tilespmem:s25+$0x0] =	vst v14;
	v14 =	vld.idx.msk [tilespmem:v43+s0+$0x0], $0xffff;
	v7 =	vadd.f32 v20, v5;
	v20 =	vadd.f32 $1.258291200e+07, v3;
	v25 =	vmul.f32 v23, v23  }
0x553: {  	v34 =	vadd.s32 $0x90, v58;
	[tilespmem:s26+$0x0] =	vst v27;
	v27 =	vld.idx.msk [tilespmem:v61+s0+$0x0], $0xffff;
	v19 =	vadd.f32 $1.258291200e+07, v18;
	v18 =	vmul.f32 $1.860897610e-04, v26  }
0x554: {  	v5 =	vld.idx.msk [tilespmem:v6+s0+$0x0], $0xffff;
	(erf) = vrcp.f32 v4;
	v21 =	vadd.f32 $-1.258291200e+07, v20;
	v28 =	vmul.f32 $1.860897610e-04, v25  }
0x555: {  	v29 =	vadd.s32 $0x60, v2;
	v6 =	vld.idx.msk [tilespmem:v40+s0+$0x0], $0xffff;
	v31 =	vadd.f32 $-1.258291200e+07, v19;
	v18 =	vsub.f32 $8.315964600e-03, v18  }
0x556: {  	s29 =	simm.s32 $0xB130;
	v30 =	vmul.f32 v13, v13;
	v3 =	vld.idx.msk [tilespmem:v8+s0+$0x0], $0xffff;
	v62 =	vmul.f32 $3.141592740e+00, v21;
	v63 =	vsub.f32 $8.315964600e-03, v28  }
0x557: {  	s31 =	simm.s32 $0xC130;
	s30 =	simm.s32 $0xA130;
	v8 =	vld.idx.msk [tilespmem:v41+s0+$0x0], $0xffff;
	v21 =	vmul.f32 $3.141592740e+00, v31;
	v31 =	vmul.f32 v18, v26;
	v28 =	vadd.s32 $0x70, v2  }
0x558: {  	s28 =	simm.s32 $0xD130;
	s2 =	simm.s32 $0x9170;
	s1 =	simm.s32 $0x40;
	v33 =	vmul.f32 v12, v12;
	v4 =	vld.idx.msk [tilespmem:v34+s0+$0x0], $0xffff;
	v18 =	vsub.f32 v13, v62;
	v32 =	vmul.f32 v63, v25  }
.LBB2_12:
0x559: {  	v34 =	vld [tilespmem:s2+$0x0];
	v20 =	vshll.u32 v20, $0x1F;
	v21 =	vsub.f32 v12, v21;
	v31 =	vadd.f32 $-1.666589080e-01, v31  }
0x55a: {  	v30 =	vadd.f32 v33, v30;
	v33 =	vmul.f32 v18, v18;
	v29 =	vld.idx.msk [tilespmem:v29+s0+$0x0], $0xffff;
	v32 =	vadd.f32 $-1.666589080e-01, v32  }
0x55b: {  	v19 =	vshll.u32 v19, $0x1F;
	v35 =	vld [tilespmem:s2+$0xFFFFFFF0];
	v36 =	vmul.f32 v21, v21;
	v26 =	vmul.f32 v31, v26  }
0x55c: {  	s1 =	sadd.s32 $0x20, s1;
	v30 =	vadd.f32 $9.999999970e-07, v30;
	v31 =	vmul.f32 $1.860897610e-04, v33;
	v28 =	vld.idx.msk [tilespmem:v28+s0+$0x0], $0xffff;
	v25 =	vmul.f32 v32, v25  }
0x55d: {  	v22 =	vmul.f32 v22, v5;
	p0 =	slt.u32 s1, $0xFE0;
	v32 =	vmul.f32 $1.860897610e-04, v36;
	v26 =	vadd.f32 $9.999994630e-01, v26;
	v37 =	vpop (erf)  }
0x55e: {  	v38 =	vadd.s32 $0x90, v2;
	v27 =	vmul.f32 v37, v27;
	v25 =	vadd.f32 $9.999994630e-01, v25;
	v2 =	vmovc v34  }
0x55f: {  	s23 =	sadd.s32 $0x20, s23;
	v37 =	vadd.s32 $0x10, v2;
	v39 =	vadd.s32 $0x20, v2;
	v24 =	vmul.f32 v26, v24  }
0x560: {  	v17 =	vshll.u32 v17, $0x1F;
	s24 =	sadd.s32 $0x20, s24;
	v26 =	vld [tilespmem:s23+$0x0];
	v27 =	vadd.f32 v27, v29;
	v23 =	vmul.f32 v25, v23  }
0x561: {  	v16 =	vshll.u32 v16, $0x1F;
	v29 =	vadd.s32 $0x30, v2;
	v25 =	vld [tilespmem:s24+$0x0];
	v17 =	vxor.u32 v24, v17  }
0x562: {  	v24 =	vld.idx.msk [tilespmem:v34+s0+$0x0], $0xffff;
	v11 =	vmul.f32 v27, v11;
	v17 =	vmul.f32 v17, v28;
	v16 =	vxor.u32 v23, v16  }
0x563: {  	v23 =	vadd.s32 $0x10, v35;
	v10 =	vmul.f32 v27, v10;
	v34 =	vld.idx.msk [tilespmem:v38+s0+$0x0], $0xffff;
	v16 =	vmul.f32 v16, v28  }
0x564: {  	v27 =	vadd.s32 $0x20, v35;
	v28 =	vld.idx.msk [tilespmem:v37+s0+$0x0], $0xffff;
	v37 =	vadd.s32 $0x40, v2;
	v11 =	vadd.f32 v17, v11  }
0x565: {  	s21 =	sadd.s32 $0x20, s21;
	v17 =	vadd.s32 $0x30, v35;
	v38 =	vld.idx.msk [tilespmem:v39+s0+$0x0], $0xffff;
	v39 =	vadd.s32 $0x50, v2;
	v10 =	vadd.f32 v16, v10  }
0x566: {  	s22 =	sadd.s32 $0x20, s22;
	v31 =	vsub.f32 $8.315964600e-03, v31;
	v40 =	vadd.s32 $0x50, v35;
	v16 =	vadd.s32 $0x40, v35;
	v29 =	vld.idx.msk [tilespmem:v29+s0+$0x0], $0xffff;
	[tilespmem:s21+$0x0] =	vst v11  }
0x567: {  	s20 =	sadd.s32 $0x20, s20;
	v42 =	vadd.s32 $0x80, v35;
	v11 =	vsub.f32 $8.315964600e-03, v32;
	v41 =	vld.idx.msk [tilespmem:v35+s0+$0x0], $0xffff;
	[tilespmem:s22+$0x0] =	vst v10;
	(erf) = vrcp.f32 v30  }
0x568: {  	v32 =	vadd.s32 $0x70, v35;
	v30 =	vadd.s32 $0x60, v35;
	v10 =	vmul.f32 v31, v33;
	v31 =	vld [tilespmem:s20+$0x0]  }
0x569: {  	v15 =	vmul.f32 v15, v5;
	v5 =	vmovc v14;
	v35 =	vadd.s32 $0x90, v35;
	v11 =	vmul.f32 v11, v36;
	v37 =	vld.idx.msk [tilespmem:v37+s0+$0x0], $0xffff  }
0x56a: {  	v10 =	vadd.f32 $-1.666589080e-01, v10;
	v14 =	vld.idx.msk [tilespmem:v39+s0+$0x0], $0xffff;
	v39 =	vmul.f32 v9, v0;
	v9 =	vmul.f32 v9, v1;
	v0 =	vmovc v13  }
0x56b: {  	v11 =	vadd.f32 $-1.666589080e-01, v11;
	v1 =	vmovc v12;
	v13 =	vld.idx.msk [tilespmem:v23+s0+$0x0], $0xffff;
	v23 =	vmul.f32 v24, v26;
	v24 =	vmul.f32 v28, v25  }
0x56c: {  	v26 =	vmul.f32 v38, v26;
	v25 =	vmul.f32 v29, v25;
	v12 =	vld.idx.msk [tilespmem:v27+s0+$0x0], $0xffff;
	v22 =	vadd.f32 v22, v39  }
0x56d: {  	v10 =	vmul.f32 v10, v33;
	v17 =	vld.idx.msk [tilespmem:v17+s0+$0x0], $0xffff;
	v23 =	vadd.f32 v24, v23;
	v24 =	vadd.f32 v31, v34  }
0x56e: {  	v9 =	vadd.f32 v15, v9;
	v25 =	vadd.f32 v25, v26;
	v26 =	vmul.f32 v11, v36;
	v27 =	vld [tilespmem:s24+$0xFFFFFFF0];
	[tilespmem:s29+$0xFFFFFFF0] =	vst v22;
	s29 =	smov.u32 s21  }
0x56f: {  	v22 =	vadd.f32 $9.999994630e-01, v10;
	v15 =	vld [tilespmem:s23+$0xFFFFFFF0];
	v11 =	vadd.f32 v37, v23;
	v23 =	vmul.f32 $5.000000000e-01, v24  }
0x570: {  	s26 =	sadd.s32 $0x20, s26;
	v7 =	vmul.f32 $5.000000000e-01, v7;
	v10 =	vadd.f32 v14, v25;
	v25 =	vadd.f32 $9.999994630e-01, v26;
	v24 =	vld.idx.msk [tilespmem:v16+s0+$0x0], $0xffff;
	v14 =	vpop (erf);
	[tilespmem:s31+$0xFFFFFFF0] =	vst v9;
	s31 =	smov.u32 s22  }
0x571: {  	v26 =	vld.idx.msk [tilespmem:v40+s0+$0x0], $0xffff;
	v9 =	vmul.f32 $3.183098730e-01, v11;
	v28 =	vmul.f32 v14, v6;
	[tilespmem:s26+$0x0] =	vst v23  }
0x572: {  	v18 =	vmul.f32 v22, v18;
	v16 =	vmul.f32 $3.183098730e-01, v10;
	v6 =	vld.idx.msk [tilespmem:v42+s0+$0x0], $0xffff;
	[tilespmem:s25+$0xFFFFFFF0] =	vst v7;
	s25 =	smov.u32 s28;
	s28 =	smov.u32 s26  }
0x573: {  	v7 =	vld.idx.msk [tilespmem:v30+s0+$0x0], $0xffff;
	v13 =	vmul.f32 v13, v27;
	v23 =	vmul.f32 v17, v27;
	v17 =	vadd.f32 $1.258291200e+07, v9  }
0x574: {  	v16 =	vadd.f32 $1.258291200e+07, v16;
	v14 =	vld.idx.msk [tilespmem:v32+s0+$0x0], $0xffff;
	v22 =	vmul.f32 v41, v15;
	v12 =	vmul.f32 v12, v15  }
0x575: {  	v9 =	vadd.f32 v28, v8;
	v8 =	vmul.f32 v25, v21;
	v27 =	vld.idx.msk [tilespmem:v35+s0+$0x0], $0xffff;
	v15 =	vadd.f32 $-1.258291200e+07, v17  }
0x576: {  	v21 =	vadd.f32 $-1.258291200e+07, v16;
	v13 =	vadd.f32 v13, v22;
	v22 =	vxor.u32 v18, v20;
	v18 =	vld [tilespmem:s30+$0xFFFFFFF0];
	s30 =	smov.u32 s20  }
0x577: {  	v12 =	vadd.f32 v23, v12;
	v20 =	vmul.f32 v11, v11;
	v15 =	vmul.f32 $3.141592740e+00, v15  }
0x578: {  	v23 =	vmul.f32 v10, v10;
	v21 =	vmul.f32 $3.141592740e+00, v21;
	v13 =	vadd.f32 v24, v13  }
0x579: {  	v12 =	vadd.f32 v26, v12;
	v24 =	vsub.f32 v11, v15;
	v15 =	vxor.u32 v8, v19;
	v8 =	vmovc v7  }
0x57a: {  	v25 =	vadd.f32 v23, v20;
	v23 =	vsub.f32 v10, v21;
	v19 =	vmul.f32 $3.183098730e-01, v13  }
0x57b: {  	v21 =	vmul.f32 $3.183098730e-01, v12;
	v26 =	vmul.f32 v24, v24;
	v7 =	vadd.f32 v18, v3;
	v3 =	vmovc v4;
	v4 =	vmovc v27  }
0x57c: {  	v18 =	vadd.f32 $9.999999970e-07, v25;
	v25 =	vmul.f32 v23, v23;
	v20 =	vadd.f32 $1.258291200e+07, v19  }
0x57d: {  	v27 =	vadd.s32 $0x80, v2;
	v19 =	vadd.f32 $1.258291200e+07, v21;
	v21 =	vmul.f32 $1.860897610e-04, v26  }
.Ltmp5:
0x57e: {  	v31 =	vmul.f32 $1.860897610e-04, v25;
	v28 =	vadd.f32 $-1.258291200e+07, v20;
	(erf) = vrcp.f32 v18;
	(pc) =	sbr.rel @p0 .LBB2_12-.Ltmp5, $4  }
0x57f: {  	v29 =	vadd.s32 $0x60, v2;
	v18 =	vadd.f32 $-1.258291200e+07, v19;
	v32 =	vsub.f32 $8.315964600e-03, v21  }
0x580: {  	v30 =	vmul.f32 v13, v13;
	v35 =	vsub.f32 $8.315964600e-03, v31;
	v34 =	vmul.f32 $3.141592740e+00, v28  }
0x581: {  	v21 =	vmul.f32 $3.141592740e+00, v18;
	v28 =	vadd.s32 $0x70, v2;
	v31 =	vmul.f32 v32, v26  }
0x582: {  	s2 =	sadd.s32 $0x20, s2;
	v33 =	vmul.f32 v12, v12;
	v32 =	vmul.f32 v35, v25;
	v18 =	vsub.f32 v13, v34;
	v27 =	vld.idx.msk [tilespmem:v27+s0+$0x0], $0xffff  }
0x583: {  	_ = 	snop  }
0x584: {  	v31 =	vadd.f32 $-1.666589080e-01, v31;
	v49 =	vmul.f32 v18, v18  }
0x585: {  	v30 =	vadd.f32 v33, v30  }
0x586: {  	v21 =	vsub.f32 v12, v21;
	v26 =	vmul.f32 v31, v26;
	v31 =	vmul.f32 $1.860897610e-04, v49  }
0x587: {  	v30 =	vadd.f32 $9.999999970e-07, v30  }
0x588: {  	v29 =	vld.idx.msk [tilespmem:v29+s0+$0x0], $0xffff;
	v32 =	vadd.f32 $-1.666589080e-01, v32;
	v34 =	vmul.f32 v21, v21  }
0x589: {  	(erf) = vrcp.f32 v30;
	v30 =	vsub.f32 $8.315964600e-03, v31  }
0x58a: {  	v25 =	vmul.f32 v32, v25;
	v35 =	vmul.f32 $1.860897610e-04, v34;
	v31 =	vpop (erf)  }
0x58b: {  	v26 =	vadd.f32 $9.999994630e-01, v26;
	v30 =	vmul.f32 v30, v49;
	v27 =	vmul.f32 v31, v27  }
0x58c: {  	v28 =	vld.idx.msk [tilespmem:v28+s0+$0x0], $0xffff;
	v25 =	vadd.f32 $9.999994630e-01, v25;
	v50 =	vsub.f32 $8.315964600e-03, v35  }
0x58d: {  	v20 =	vshll.u32 v20, $0x1F;
	v27 =	vadd.f32 v27, v29;
	v29 =	vadd.f32 $-1.666589080e-01, v30  }
0x58e: {  	v19 =	vshll.u32 v19, $0x1F;
	v24 =	vmul.f32 v26, v24;
	v26 =	vmul.f32 v50, v34  }
0x58f: {  	v17 =	vshll.u32 v17, $0x1F;
	v23 =	vmul.f32 v25, v23;
	v25 =	vmul.f32 v29, v49  }
0x590: {  	v22 =	vmul.f32 v22, v5;
	v17 =	vxor.u32 v24, v17;
	v24 =	vadd.f32 $-1.666589080e-01, v26  }
0x591: {  	v2 =	vadd.s32 $0x90, v2;
	v16 =	vshll.u32 v16, $0x1F;
	v17 =	vmul.f32 v17, v28  }
0x592: {  	v16 =	vxor.u32 v23, v16;
	v11 =	vmul.f32 v27, v11;
	v23 =	vmul.f32 v24, v34  }
0x593: {  	v16 =	vmul.f32 v16, v28;
	v10 =	vmul.f32 v27, v10;
	v24 =	vadd.f32 $9.999994630e-01, v25;
	v25 =	vpop (erf)  }
0x594: {  	v11 =	vadd.f32 v17, v11;
	v17 =	vadd.f32 $9.999994630e-01, v23;
	v6 =	vmul.f32 v25, v6  }
0x595: {  	v0 =	vmul.f32 v9, v0;
	v10 =	vadd.f32 v16, v10;
	v16 =	vmul.f32 v24, v18  }
0x596: {  	v5 =	vmul.f32 v15, v5;
	v6 =	vadd.f32 v6, v8;
	v8 =	vmul.f32 v17, v21  }
0x597: {  	s1 =	sadd.s32 $0x20, s21;
	v1 =	vmul.f32 v9, v1;
	v0 =	vadd.f32 v22, v0;
	v2 =	vld.idx.msk [tilespmem:v2+s0+$0x0], $0xffff;
	v9 =	vxor.u32 v16, v20  }
0x598: {  	[tilespmem:s1+$0x0] =	vst v11;
	v9 =	vmul.f32 v9, v14;
	v8 =	vxor.u32 v8, v19;
	v11 =	vmul.f32 v6, v13  }
0x599: {  	s2 =	sadd.s32 $0x20, s22;
	v1 =	vadd.f32 v5, v1;
	[tilespmem:s29+$0xFFFFFFF0] =	vst v0;
	v6 =	vmul.f32 v6, v12;
	v5 =	vmul.f32 v8, v14  }
0x59a: {  	s20 =	sadd.s32 $0x20, s20;
	[tilespmem:s2+$0x0] =	vst v10;
	v0 =	vadd.f32 v9, v11  }
0x59b: {  	[tilespmem:s31+$0xFFFFFFF0] =	vst v1;
	v8 =	vld [tilespmem:s20+$0x0];
	v1 =	vadd.f32 v5, v6  }
0x59c: {  	[tilespmem:s1+$0xFFFFFFF0] =	vst v0  }
0x59d: {  	v0 =	vld [tilespmem:s30+$0xFFFFFFF0];
	[tilespmem:s2+$0xFFFFFFF0] =	vst v1  }
0x59e: {  	v1 =	vld [tilespmem:s20+$0xFFFFFFF0];
	_ =	sdelay $0x1  }
0x59f: {  	v2 =	vadd.f32 v8, v2;
	_ =	sdelay $0x1  }
0x5a0: {  	v2 =	vmul.f32 $5.000000000e-01, v2;
	v0 =	vadd.f32 v0, v3  }
0x5a1: {  	s20 =	sadd.s32 $0x20, s26;
	v3 =	vmul.f32 $5.000000000e-01, v7;
	v1 =	vadd.f32 v1, v4  }
0x5a2: {  	[tilespmem:s20+$0x0] =	vst v2;
	v0 =	vmul.f32 $5.000000000e-01, v0  }
0x5a3: {  	[tilespmem:s25+$0xFFFFFFF0] =	vst v3;
	v1 =	vmul.f32 $5.000000000e-01, v1  }
0x5a4: {  	[tilespmem:s28+$0xFFFFFFF0] =	vst v0  }
0x5a5: {  	[tilespmem:s20+$0xFFFFFFF0] =	vst v1  }
0x5a6: {  	s1 =	sld [smem:$0x7EB];
	_ =	sdelay $0x1  }
0x5a7: {  	s21 =	sld [smem:$0x7EC]  }
0x5a8: {  	[hbm4b:s1+s0] =	stream.linear.scatter [tilespmem:s14], [sflag:$0x4], $0x1000, $0x38;
	[tilespmem:$0xE100] =	vst v63  }
0x5a9: {  	s22 =	sld [smem:$0x7ED]  }
0x5aa: {  	[hbm4b:s21+s0] =	stream.linear.scatter [tilespmem:s15], [sflag:$0x4], $0x1000, $0x38;
	[tilespmem:$0xE100] =	vst v63  }
0x5ab: {  	s23 =	sld [smem:$0x7EF]  }
0x5ac: {  	[hbm4b:s22+s0] =	stream.linear.scatter [tilespmem:s16], [sflag:$0x4], $0x1000, $0x38;
	[tilespmem:$0xE100] =	vst v63  }
0x5ad: {  	s24 =	sld [smem:$0x7F1]  }
0x5ae: {  	[tilespmem:s5], [sflag:$0x2] =	stream.linear.gather [hbm4b:s23+s0], $0x1000, $0x38;
	[tilespmem:$0xE100] =	vst v63  }
0x5af: {  	s25 =	sld [smem:$0x7F3]  }
0x5b0: {  	[tilespmem:s6], [sflag:$0x2] =	stream.linear.gather [hbm4b:s24+s0], $0x1000, $0x38;
	[tilespmem:$0xE100] =	vst v63  }
0x5b1: {  	s26 =	sld [smem:$0x7F5]  }
0x5b2: {  	[tilespmem:s7], [sflag:$0x2] =	stream.linear.gather [hbm4b:s25+s0], $0x1000, $0x38;
	[tilespmem:$0xE100] =	vst v63  }
0x5b3: {  	_ = 	snop  }
0x5b4: {  	[tilespmem:s8], [sflag:$0x2] =	stream.linear.gather [hbm4b:s26+s0], $0x1000, $0x38;
	[tilespmem:$0xE100] =	vst v63  }
0x5b5: {  	_ =	swait.ge [sflag:s9], $0x1000  }
0x5b6: {  	[sflag:s9] =	ssyncset.done $0x0  }
0x5b7: {  	[sflag:s9] =	ssyncadd.s32 $0xFFFFF000  }
0x5b8: {  	_ =	swait.ge [sflag:s9], $0x1000  }
0x5b9: {  	[sflag:s9] =	ssyncset.done $0x0  }
0x5ba: {  	[sflag:s9] =	ssyncadd.s32 $0xFFFFF000  }
0x5bb: {  	_ =	swait.ge [sflag:s9], $0x1000  }
0x5bc: {  	[sflag:s9] =	ssyncset.done $0x0  }
0x5bd: {  	[sflag:s9] =	ssyncadd.s32 $0xFFFFF000  }
0x5be: {  	_ =	swait.ge [sflag:s9], $0x1000  }
0x5bf: {  	[sflag:s9] =	ssyncset.done $0x0  }
0x5c0: {  	[sflag:s9] =	ssyncadd.s32 $0xFFFFF000  }
0x5c1: {  	_ =	swait.ge [sflag:s17], $0x1000  }
0x5c2: {  	[sflag:s17] =	ssyncset.done $0x0  }
0x5c3: {  	[sflag:s17] =	ssyncadd.s32 $0xFFFFF000  }
0x5c4: {  	_ =	swait.ge [sflag:s17], $0x1000  }
0x5c5: {  	[sflag:s17] =	ssyncset.done $0x0  }
0x5c6: {  	[sflag:s17] =	ssyncadd.s32 $0xFFFFF000  }
0x5c7: {  	_ =	swait.ge [sflag:s17], $0x1000  }
0x5c8: {  	[sflag:s17] =	ssyncset.done $0x0  }
0x5c9: {  	s2 =	simm.s32 $0x2110;
	[sflag:s17] =	ssyncadd.s32 $0xFFFFF000  }
0x5ca: {  	v1 =	vld [tilespmem:s2+$0x0];
	_ =	sdelay $0x4  }
0x5cb: {  	v2 =	vadd.s32 $0x10, v1  }
0x5cc: {  	s20 =	simm.s32 $0x110;
	v0 =	vld [tilespmem:s2+$0xFFFFFFF0];
	v3 =	vadd.s32 $0x20, v1  }
0x5cd: {  	s21 =	simm.s32 $0x1110;
	v4 =	vld [tilespmem:s20+$0x0];
	v5 =	vadd.s32 $0x30, v1  }
0x5ce: {  	v6 =	vld [tilespmem:s21+$0x0]  }
0x5cf: {  	v7 =	vld.idx.msk [tilespmem:v1+s0+$0x0], $0xffff  }
0x5d0: {  	v8 =	vadd.s32 $0x40, v1;
	v2 =	vld.idx.msk [tilespmem:v2+s0+$0x0], $0xffff  }
0x5d1: {  	v9 =	vadd.s32 $0x50, v1;
	v3 =	vld.idx.msk [tilespmem:v3+s0+$0x0], $0xffff  }
0x5d2: {  	v5 =	vld.idx.msk [tilespmem:v5+s0+$0x0], $0xffff;
	_ =	sdelay $0x1  }
0x5d3: {  	v10 =	vadd.s32 $0x10, v0  }
0x5d4: {  	v8 =	vld.idx.msk [tilespmem:v8+s0+$0x0], $0xffff  }
0x5d5: {  	v9 =	vld.idx.msk [tilespmem:v9+s0+$0x0], $0xffff;
	v7 =	vmul.f32 v7, v4;
	v2 =	vmul.f32 v2, v6  }
0x5d6: {  	v11 =	vadd.s32 $0x30, v0;
	v3 =	vmul.f32 v3, v4;
	v4 =	vmul.f32 v5, v6  }
0x5d7: {  	v5 =	vld.idx.msk [tilespmem:v0+s0+$0x0], $0xffff  }
0x5d8: {  	v6 =	vld.idx.msk [tilespmem:v10+s0+$0x0], $0xffff;
	v2 =	vadd.f32 v2, v7;
	v3 =	vadd.f32 v4, v3  }
0x5d9: {  	v10 =	vld [tilespmem:s20+$0xFFFFFFF0];
	v4 =	vadd.s32 $0x20, v0  }
0x5da: {  	v2 =	vadd.f32 v8, v2;
	v8 =	vld [tilespmem:s21+$0xFFFFFFF0];
	v9 =	vadd.f32 v9, v3  }
0x5db: {  	v7 =	vld.idx.msk [tilespmem:v11+s0+$0x0], $0xffff;
	v3 =	vadd.s32 $0x40, v0  }
0x5dc: {  	v11 =	vmul.f32 $3.183098730e-01, v2;
	v12 =	vmul.f32 $3.183098730e-01, v9  }
0x5dd: {  	v13 =	vadd.s32 $0x50, v0  }
0x5de: {  	v4 =	vld.idx.msk [tilespmem:v4+s0+$0x0], $0xffff;
	v11 =	vadd.f32 $1.258291200e+07, v11;
	v12 =	vadd.f32 $1.258291200e+07, v12  }
0x5df: {  	v5 =	vmul.f32 v5, v10;
	v6 =	vmul.f32 v6, v8  }
0x5e0: {  	v3 =	vld.idx.msk [tilespmem:v3+s0+$0x0], $0xffff;
	v7 =	vmul.f32 v7, v8;
	v14 =	vadd.f32 $-1.258291200e+07, v11;
	v8 =	vadd.f32 $-1.258291200e+07, v12  }
0x5e1: {  	v15 =	vmul.f32 v2, v2;
	v16 =	vmul.f32 v9, v9  }
0x5e2: {  	v13 =	vld.idx.msk [tilespmem:v13+s0+$0x0], $0xffff;
	v14 =	vmul.f32 $3.141592740e+00, v14;
	v8 =	vmul.f32 $3.141592740e+00, v8  }
0x5e3: {  	v5 =	vadd.f32 v6, v5;
	v4 =	vmul.f32 v4, v10;
	v10 =	vadd.f32 v16, v15  }
0x5e4: {  	v6 =	vsub.f32 v2, v14;
	v8 =	vsub.f32 v9, v8  }
0x5e5: {  	v7 =	vadd.f32 v7, v4;
	v4 =	vadd.f32 v3, v5  }
0x5e6: {  	v10 =	vadd.f32 $9.999999970e-07, v10;
	v5 =	vmul.f32 v6, v6  }
0x5e7: {  	v14 =	vmul.f32 v8, v8;
	v3 =	vadd.f32 v13, v7;
	v7 =	vmul.f32 $3.183098730e-01, v4  }
0x5e8: {  	v15 =	vadd.s32 $0x80, v1;
	(erf) = vrcp.f32 v10;
	v13 =	vmul.f32 $1.860897610e-04, v5  }
0x5e9: {  	v16 =	vmul.f32 $1.860897610e-04, v14  }
0x5ea: {  	v17 =	vadd.f32 $1.258291200e+07, v7;
	v7 =	vsub.f32 $8.315964600e-03, v13;
	v13 =	vadd.s32 $0x60, v1  }
0x5eb: {  	v10 =	vmul.f32 $3.183098730e-01, v3;
	v16 =	vsub.f32 $8.315964600e-03, v16  }
0x5ec: {  	v20 =	vadd.s32 $0x70, v1;
	v22 =	vadd.s32 $0x60, v0;
	v7 =	vmul.f32 v7, v5  }
0x5ed: {  	s22 =	simm.s32 $0x2130;
	v15 =	vld.idx.msk [tilespmem:v15+s0+$0x0], $0xffff;
	v18 =	vadd.f32 $-1.258291200e+07, v17;
	v19 =	vadd.f32 $1.258291200e+07, v10;
	v10 =	vmul.f32 v16, v14  }
0x5ee: {  	v11 =	vshll.u32 v11, $0x1F;
	v25 =	vmul.f32 v4, v4;
	v21 =	vadd.f32 $-1.666589080e-01, v7;
	v7 =	vld [tilespmem:s22+$0x0]  }
0x5ef: {  	v1 =	vadd.s32 $0x90, v1;
	v18 =	vmul.f32 $3.141592740e+00, v18;
	v24 =	vadd.f32 $-1.666589080e-01, v10;
	v13 =	vld.idx.msk [tilespmem:v13+s0+$0x0], $0xffff  }
0x5f0: {  	v16 =	vadd.s32 $0x80, v0;
	v23 =	vadd.f32 $-1.258291200e+07, v19;
	v5 =	vmul.f32 v21, v5  }
0x5f1: {  	v20 =	vld.idx.msk [tilespmem:v20+s0+$0x0], $0xffff;
	v18 =	vsub.f32 v4, v18;
	v10 =	vadd.s32 $0x70, v0;
	v26 =	vpop (erf);
	v14 =	vmul.f32 v24, v14  }
0x5f2: {  	s23 =	simm.s32 $0x130;
	v21 =	vmul.f32 $3.141592740e+00, v23;
	v15 =	vmul.f32 v26, v15;
	v26 =	vld [tilespmem:s22+$0xFFFFFFF0];
	v5 =	vadd.f32 $9.999994630e-01, v5  }
0x5f3: {  	v51 =	vld [tilespmem:s23+$0xFFFFFFF0];
	v23 =	vmul.f32 v3, v3;
	v14 =	vadd.f32 $9.999994630e-01, v14;
	v27 =	vadd.s32 $0x10, v7  }
0x5f4: {  	v1 =	vld.idx.msk [tilespmem:v1+s0+$0x0], $0xffff;
	v28 =	vadd.s32 $0x20, v7;
	v5 =	vmul.f32 v5, v6;
	v13 =	vadd.f32 v15, v13  }
0x5f5: {  	s24 =	simm.s32 $0x1130;
	v24 =	vmul.f32 v18, v18;
	v6 =	vld [tilespmem:s23+$0x0];
	v8 =	vmul.f32 v14, v8;
	v15 =	vadd.s32 $0x30, v7  }
0x5f6: {  	v14 =	vld [tilespmem:s24+$0x0];
	v5 =	vxor.u32 v5, v11;
	v11 =	vshll.u32 v12, $0x1F;
	v2 =	vmul.f32 v13, v2  }
0x5f7: {  	v12 =	vld.idx.msk [tilespmem:v7+s0+$0x0], $0xffff;
	v9 =	vmul.f32 v13, v9;
	v5 =	vmul.f32 v5, v20;
	v8 =	vxor.u32 v8, v11  }
0x5f8: {  	v11 =	vsub.f32 v3, v21;
	v21 =	vadd.s32 $0x40, v7;
	v8 =	vmul.f32 v8, v20;
	v20 =	vld.idx.msk [tilespmem:v27+s0+$0x0], $0xffff  }
0x5f9: {  	v13 =	vadd.f32 v23, v25;
	v25 =	vld.idx.msk [tilespmem:v28+s0+$0x0], $0xffff;
	v27 =	vadd.s32 $0x50, v7;
	v2 =	vadd.f32 v5, v2  }
0x5fa: {  	s2 =	simm.s32 $0x4110;
	v23 =	vmul.f32 $1.860897610e-04, v24;
	v28 =	vld.idx.msk [tilespmem:v26+s0+$0x0], $0xffff;
	v5 =	vadd.s32 $0x90, v0;
	v0 =	vmul.f32 v11, v11  }
0x5fb: {  	v15 =	vld.idx.msk [tilespmem:v15+s0+$0x0], $0xffff;
	v8 =	vadd.f32 v8, v9;
	v9 =	vadd.s32 $0x10, v26;
	[tilespmem:s2+$0x0] =	vst v2;
	v2 =	vadd.f32 $9.999999970e-07, v13  }
0x5fc: {  	s25 =	simm.s32 $0x5110;
	v30 =	vadd.s32 $0x30, v26;
	v23 =	vsub.f32 $8.315964600e-03, v23;
	v12 =	vmul.f32 v12, v6  }
0x5fd: {  	v13 =	vadd.s32 $0x20, v26;
	[tilespmem:s25+$0x0] =	vst v8;
	v8 =	vmul.f32 $1.860897610e-04, v0;
	v21 =	vld.idx.msk [tilespmem:v21+s0+$0x0], $0xffff;
	(erf) = vrcp.f32 v2  }
0x5fe: {  	s1 =	simm.s32 $0x3110;
	v2 =	vmul.f32 v23, v24;
	v23 =	vld.idx.msk [tilespmem:v27+s0+$0x0], $0xffff;
	v20 =	vmul.f32 v20, v14;
	v27 =	vadd.s32 $0x40, v26  }
0x5ff: {  	v29 =	vld [tilespmem:s1+$0x0];
	v6 =	vmul.f32 v25, v6;
	v28 =	vmul.f32 v28, v51;
	v8 =	vsub.f32 $8.315964600e-03, v8  }
0x600: {  	v31 =	vld.idx.msk [tilespmem:v9+s0+$0x0], $0xffff;
	v9 =	vmul.f32 v15, v14;
	v15 =	vadd.s32 $0x50, v26;
	v12 =	vadd.f32 v20, v12  }
0x601: {  	v25 =	vld [tilespmem:s24+$0xFFFFFFF0];
	v20 =	vadd.s32 $0x80, v26;
	v2 =	vadd.f32 $-1.666589080e-01, v2;
	v8 =	vmul.f32 v8, v0  }
0x602: {  	v13 =	vld.idx.msk [tilespmem:v13+s0+$0x0], $0xffff;
	v14 =	vadd.f32 v9, v6;
	v9 =	vadd.s32 $0x60, v26;
	v12 =	vadd.f32 v21, v12  }
0x603: {  	v6 =	vadd.s32 $0x70, v26;
	v21 =	vld.idx.msk [tilespmem:v30+s0+$0x0], $0xffff;
	v2 =	vmul.f32 v2, v24;
	v8 =	vadd.f32 $-1.666589080e-01, v8  }
0x604: {  	v16 =	vld.idx.msk [tilespmem:v16+s0+$0x0], $0xffff;
	v1 =	vadd.f32 v29, v1;
	v23 =	vadd.f32 v23, v14;
	v24 =	vmul.f32 $3.183098730e-01, v12  }
0x605: {  	v2 =	vadd.f32 $9.999994630e-01, v2;
	v0 =	vmul.f32 v8, v0;
	v8 =	vadd.s32 $0x90, v26  }
0x606: {  	v14 =	vmul.f32 $5.000000000e-01, v1;
	v26 =	vmul.f32 $3.183098730e-01, v23;
	v24 =	vadd.f32 $1.258291200e+07, v24  }
0x607: {  	v1 =	vld.idx.msk [tilespmem:v27+s0+$0x0], $0xffff;
	v13 =	vmul.f32 v13, v51;
	v27 =	vadd.f32 $9.999994630e-01, v0;
	v0 =	vmul.f32 v31, v25  }
0x608: {  	v15 =	vld.idx.msk [tilespmem:v15+s0+$0x0], $0xffff;
	v29 =	vpop (erf);
	v21 =	vmul.f32 v21, v25;
	v26 =	vadd.f32 $1.258291200e+07, v26;
	v25 =	vadd.f32 $-1.258291200e+07, v24  }
0x609: {  	v16 =	vmul.f32 v29, v16;
	v29 =	vmul.f32 v23, v23;
	v0 =	vadd.f32 v0, v28  }
0x60a: {  	v22 =	vld.idx.msk [tilespmem:v22+s0+$0x0], $0xffff;
	v13 =	vadd.f32 v21, v13;
	v21 =	vmul.f32 v12, v12;
	v28 =	vadd.f32 $-1.258291200e+07, v26  }
0x60b: {  	v2 =	vmul.f32 v2, v18;
	v25 =	vmul.f32 $3.141592740e+00, v25  }
0x60c: {  	v0 =	vadd.f32 v1, v0;
	v18 =	vadd.f32 v29, v21;
	v28 =	vmul.f32 $3.141592740e+00, v28  }
0x60d: {  	v11 =	vmul.f32 v27, v11;
	v1 =	vadd.f32 v15, v13;
	v13 =	vsub.f32 v12, v25  }
0x60e: {  	v15 =	vmul.f32 $3.183098730e-01, v0;
	v18 =	vadd.f32 $9.999999970e-07, v18;
	v21 =	vsub.f32 v23, v28  }
0x60f: {  	v16 =	vadd.f32 v16, v22;
	v22 =	vmul.f32 $3.183098730e-01, v1;
	v25 =	vmul.f32 v13, v13  }
0x610: {  	v29 =	vadd.s32 $0x80, v7;
	(erf) = vrcp.f32 v18;
	v27 =	vmul.f32 v21, v21  }
0x611: {  	s26 =	simm.s32 $0x2150;
	v31 =	vadd.s32 $0x60, v7;
	v15 =	vadd.f32 $1.258291200e+07, v15;
	v28 =	vmul.f32 $1.860897610e-04, v25  }
0x612: {  	v58 =	vld [tilespmem:s26+$0xFFFFFFF0];
	v17 =	vshll.u32 v17, $0x1F;
	v22 =	vadd.f32 $1.258291200e+07, v22;
	v30 =	vmul.f32 $1.860897610e-04, v27  }
0x613: {  	v17 =	vxor.u32 v2, v17;
	v2 =	vadd.f32 $-1.258291200e+07, v15;
	v18 =	vsub.f32 $8.315964600e-03, v28  }
0x614: {  	v19 =	vshll.u32 v19, $0x1F;
	v28 =	vadd.f32 $-1.258291200e+07, v22;
	v30 =	vsub.f32 $8.315964600e-03, v30  }
0x615: {  	v11 =	vxor.u32 v11, v19;
	v29 =	vld.idx.msk [tilespmem:v29+s0+$0x0], $0xffff;
	v2 =	vmul.f32 $3.141592740e+00, v2;
	v18 =	vmul.f32 v18, v25  }
0x616: {  	v31 =	vld.idx.msk [tilespmem:v31+s0+$0x0], $0xffff;
	v19 =	vmul.f32 $3.141592740e+00, v28;
	v28 =	vadd.s32 $0x70, v7;
	v30 =	vmul.f32 v30, v27  }
0x617: {  	v24 =	vshll.u32 v24, $0x1F;
	v53 =	vsub.f32 v0, v2;
	v2 =	vld [tilespmem:s26+$0x0];
	v18 =	vadd.f32 $-1.666589080e-01, v18  }
0x618: {  	v52 =	vmul.f32 v0, v0;
	v54 =	vmul.f32 v1, v1;
	v30 =	vadd.f32 $-1.666589080e-01, v30  }
0x619: {  	v19 =	vsub.f32 v1, v19;
	v55 =	vmul.f32 v53, v53;
	v18 =	vmul.f32 v18, v25;
	v57 =	vpop (erf)  }
0x61a: {  	v39 =	vld.idx.msk [tilespmem:v58+s0+$0x0], $0xffff;
	v7 =	vadd.s32 $0x90, v7;
	v29 =	vmul.f32 v57, v29;
	v27 =	vmul.f32 v30, v27  }
0x61b: {  	v25 =	vadd.f32 v54, v52;
	v56 =	vmul.f32 v19, v19;
	v28 =	vld.idx.msk [tilespmem:v28+s0+$0x0], $0xffff;
	v18 =	vadd.f32 $9.999994630e-01, v18  }
0x61c: {  	v10 =	vld.idx.msk [tilespmem:v10+s0+$0x0], $0xffff;
	v29 =	vadd.f32 v29, v31;
	v31 =	vadd.s32 $0x30, v2;
	v27 =	vadd.f32 $9.999994630e-01, v27  }
0x61d: {  	s23 =	simm.s32 $0x150;
	v5 =	vld.idx.msk [tilespmem:v5+s0+$0x0], $0xffff;
	v30 =	vshll.u32 v22, $0x1F;
	v36 =	vadd.s32 $0x10, v2;
	v13 =	vmul.f32 v18, v13  }
0x61e: {  	s24 =	simm.s32 $0x1150;
	v22 =	vmul.f32 $1.860897610e-04, v55;
	v37 =	vadd.s32 $0x20, v2;
	v18 =	vld [tilespmem:s23+$0x0];
	v21 =	vmul.f32 v27, v21  }
0x61f: {  	v59 =	vadd.s32 $0x50, v2;
	v27 =	vld [tilespmem:s24+$0x0];
	v13 =	vxor.u32 v13, v24;
	v24 =	vshll.u32 v26, $0x1F  }
0x620: {  	v12 =	vmul.f32 v29, v12;
	v26 =	vld.idx.msk [tilespmem:v2+s0+$0x0], $0xffff;
	v13 =	vmul.f32 v13, v28;
	v21 =	vxor.u32 v21, v24  }
0x621: {  	v22 =	vsub.f32 $8.315964600e-03, v22;
	v23 =	vmul.f32 v29, v23;
	v31 =	vld.idx.msk [tilespmem:v31+s0+$0x0], $0xffff;
	v21 =	vmul.f32 v21, v28  }
0x622: {  	v29 =	vadd.s32 $0x40, v2;
	v24 =	vadd.f32 $9.999999970e-07, v25;
	v28 =	vld.idx.msk [tilespmem:v36+s0+$0x0], $0xffff;
	v12 =	vadd.f32 v13, v12  }
0x623: {  	s21 =	simm.s32 $0x4130;
	v25 =	vmul.f32 $1.860897610e-04, v56;
	v13 =	vmul.f32 v17, v10;
	v17 =	vld.idx.msk [tilespmem:v37+s0+$0x0], $0xffff;
	v21 =	vadd.f32 v21, v23  }
0x624: {  	v60 =	vadd.s32 $0x20, v58;
	v38 =	vadd.s32 $0x30, v58;
	s22 =	simm.s32 $0x5130;
	v42 =	vmul.f32 v11, v10;
	v7 =	vld.idx.msk [tilespmem:v7+s0+$0x0], $0xffff;
	[tilespmem:s21+$0x0] =	vst v12  }
0x625: {  	s20 =	simm.s32 $0x3130;
	v20 =	vld.idx.msk [tilespmem:v20+s0+$0x0], $0xffff;
	v22 =	vmul.f32 v22, v55;
	(erf) = vrcp.f32 v24;
	v24 =	vsub.f32 $8.315964600e-03, v25;
	[tilespmem:s22+$0x0] =	vst v21  }
0x626: {  	v3 =	vmul.f32 v16, v3;
	v23 =	vadd.s32 $0x10, v58;
	v11 =	vmul.f32 v26, v18;
	v25 =	vld [tilespmem:s20+$0x0]  }
0x627: {  	v22 =	vadd.f32 $-1.666589080e-01, v22;
	v29 =	vld.idx.msk [tilespmem:v29+s0+$0x0], $0xffff;
	v10 =	vmul.f32 v24, v56;
	v26 =	vmul.f32 v28, v27  }
0x628: {  	v40 =	vadd.s32 $0x80, v58;
	v24 =	vld.idx.msk [tilespmem:v59+s0+$0x0], $0xffff;
	v17 =	vmul.f32 v17, v18;
	v18 =	vmul.f32 v31, v27  }
0x629: {  	v43 =	vadd.s32 $0x70, v58;
	v3 =	vadd.f32 v42, v3;
	v22 =	vmul.f32 v22, v55;
	v28 =	vld.idx.msk [tilespmem:v60+s0+$0x0], $0xffff  }
0x62a: {  	v21 =	vadd.s32 $0x50, v58;
	v11 =	vadd.f32 v26, v11;
	v17 =	vadd.f32 v18, v17;
	v18 =	vld [tilespmem:s23+$0xFFFFFFF0]  }
0x62b: {  	v4 =	vmul.f32 v16, v4;
	v22 =	vadd.f32 $9.999994630e-01, v22;
	v23 =	vld.idx.msk [tilespmem:v23+s0+$0x0], $0xffff;
	v7 =	vadd.f32 v25, v7  }
0x62c: {  	v12 =	vadd.s32 $0x40, v58;
	v10 =	vadd.f32 $-1.666589080e-01, v10;
	v11 =	vadd.f32 v29, v11;
	v25 =	vld [tilespmem:s24+$0xFFFFFFF0]  }
0x62d: {  	v16 =	vld.idx.msk [tilespmem:v38+s0+$0x0], $0xffff;
	v15 =	vshll.u32 v15, $0x1F;
	v4 =	vadd.f32 v13, v4;
	v22 =	vmul.f32 v22, v53  }
0x62e: {  	v9 =	vld.idx.msk [tilespmem:v9+s0+$0x0], $0xffff;
	v13 =	vmul.f32 v10, v56;
	v10 =	vadd.f32 v24, v17;
	v17 =	vmul.f32 $3.183098730e-01, v11  }
0x62f: {  	[tilespmem:s2+$0xFFFFFFF0] =	vst v4;
	v22 =	vxor.u32 v22, v15;
	v4 =	vld.idx.msk [tilespmem:v21+s0+$0x0], $0xffff;
	v27 =	vmul.f32 $5.000000000e-01, v7;
	v21 =	vmul.f32 v39, v18;
	v7 =	vpop (erf)  }
0x630: {  	v17 =	vadd.f32 $1.258291200e+07, v17;
	v7 =	vmul.f32 v7, v20;
	v20 =	vmul.f32 $3.183098730e-01, v10  }
0x631: {  	v12 =	vld.idx.msk [tilespmem:v12+s0+$0x0], $0xffff;
	v13 =	vadd.f32 $9.999994630e-01, v13;
	v18 =	vmul.f32 v28, v18;
	v23 =	vmul.f32 v23, v25  }
0x632: {  	[tilespmem:s25+$0xFFFFFFF0] =	vst v3;
	v24 =	vmul.f32 v16, v25;
	v3 =	vadd.f32 $-1.258291200e+07, v17;
	v16 =	vadd.f32 $1.258291200e+07, v20  }
0x633: {  	v9 =	vadd.f32 v7, v9;
	v7 =	vmul.f32 v13, v19;
	v13 =	vadd.f32 v23, v21  }
0x634: {  	v15 =	vadd.f32 v24, v18;
	v18 =	vmul.f32 v11, v11;
	v19 =	vadd.f32 $-1.258291200e+07, v16  }
0x635: {  	v61 =	vadd.s32 $0x80, v2;
	v20 =	vld [tilespmem:s1+$0xFFFFFFF0];
	v3 =	vmul.f32 $3.141592740e+00, v3;
	v21 =	vmul.f32 v10, v10  }
0x636: {  	v13 =	vadd.f32 v12, v13;
	v12 =	vadd.f32 v4, v15;
	v19 =	vmul.f32 $3.141592740e+00, v19  }
0x637: {  	v41 =	vadd.s32 $0x60, v58;
	v24 =	vsub.f32 v11, v3;
	v4 =	vadd.f32 v21, v18  }
0x638: {  	v15 =	vxor.u32 v7, v30;
	v3 =	vmul.f32 $3.183098730e-01, v13;
	v23 =	vsub.f32 v10, v19  }
0x639: {  	s25 =	simm.s32 $0x6110;
	v18 =	vmul.f32 $3.183098730e-01, v12;
	v26 =	vmul.f32 v24, v24;
	v4 =	vadd.f32 $9.999999970e-07, v4  }
0x63a: {  	s26 =	simm.s32 $0x6130;
	[tilespmem:s25+$0x0] =	vst v14;
	v14 =	vld.idx.msk [tilespmem:v43+s0+$0x0], $0xffff;
	v7 =	vadd.f32 v20, v5;
	v20 =	vadd.f32 $1.258291200e+07, v3;
	v25 =	vmul.f32 v23, v23  }
0x63b: {  	v34 =	vadd.s32 $0x90, v58;
	[tilespmem:s26+$0x0] =	vst v27;
	v27 =	vld.idx.msk [tilespmem:v61+s0+$0x0], $0xffff;
	v19 =	vadd.f32 $1.258291200e+07, v18;
	v18 =	vmul.f32 $1.860897610e-04, v26  }
0x63c: {  	v5 =	vld.idx.msk [tilespmem:v6+s0+$0x0], $0xffff;
	(erf) = vrcp.f32 v4;
	v21 =	vadd.f32 $-1.258291200e+07, v20;
	v28 =	vmul.f32 $1.860897610e-04, v25  }
0x63d: {  	v29 =	vadd.s32 $0x60, v2;
	v6 =	vld.idx.msk [tilespmem:v40+s0+$0x0], $0xffff;
	v31 =	vadd.f32 $-1.258291200e+07, v19;
	v18 =	vsub.f32 $8.315964600e-03, v18  }
0x63e: {  	s29 =	simm.s32 $0x4130;
	v30 =	vmul.f32 v13, v13;
	v3 =	vld.idx.msk [tilespmem:v8+s0+$0x0], $0xffff;
	v62 =	vmul.f32 $3.141592740e+00, v21;
	v63 =	vsub.f32 $8.315964600e-03, v28  }
0x63f: {  	s31 =	simm.s32 $0x5130;
	s30 =	simm.s32 $0x3130;
	v8 =	vld.idx.msk [tilespmem:v41+s0+$0x0], $0xffff;
	v21 =	vmul.f32 $3.141592740e+00, v31;
	v31 =	vmul.f32 v18, v26;
	v28 =	vadd.s32 $0x70, v2  }
0x640: {  	s28 =	simm.s32 $0x6130;
	s2 =	simm.s32 $0x2170;
	s1 =	simm.s32 $0x40;
	v33 =	vmul.f32 v12, v12;
	v4 =	vld.idx.msk [tilespmem:v34+s0+$0x0], $0xffff;
	v18 =	vsub.f32 v13, v62;
	v32 =	vmul.f32 v63, v25  }
.LBB2_14:
0x641: {  	v34 =	vld [tilespmem:s2+$0x0];
	v20 =	vshll.u32 v20, $0x1F;
	v21 =	vsub.f32 v12, v21;
	v31 =	vadd.f32 $-1.666589080e-01, v31  }
0x642: {  	v30 =	vadd.f32 v33, v30;
	v33 =	vmul.f32 v18, v18;
	v29 =	vld.idx.msk [tilespmem:v29+s0+$0x0], $0xffff;
	v32 =	vadd.f32 $-1.666589080e-01, v32  }
0x643: {  	v19 =	vshll.u32 v19, $0x1F;
	v35 =	vld [tilespmem:s2+$0xFFFFFFF0];
	v36 =	vmul.f32 v21, v21;
	v26 =	vmul.f32 v31, v26  }
0x644: {  	s1 =	sadd.s32 $0x20, s1;
	v30 =	vadd.f32 $9.999999970e-07, v30;
	v31 =	vmul.f32 $1.860897610e-04, v33;
	v28 =	vld.idx.msk [tilespmem:v28+s0+$0x0], $0xffff;
	v25 =	vmul.f32 v32, v25  }
0x645: {  	v22 =	vmul.f32 v22, v5;
	p0 =	slt.u32 s1, $0xFE0;
	v32 =	vmul.f32 $1.860897610e-04, v36;
	v26 =	vadd.f32 $9.999994630e-01, v26;
	v37 =	vpop (erf)  }
0x646: {  	v38 =	vadd.s32 $0x90, v2;
	v27 =	vmul.f32 v37, v27;
	v25 =	vadd.f32 $9.999994630e-01, v25;
	v2 =	vmovc v34  }
0x647: {  	s23 =	sadd.s32 $0x20, s23;
	v37 =	vadd.s32 $0x10, v2;
	v39 =	vadd.s32 $0x20, v2;
	v24 =	vmul.f32 v26, v24  }
0x648: {  	v17 =	vshll.u32 v17, $0x1F;
	s24 =	sadd.s32 $0x20, s24;
	v26 =	vld [tilespmem:s23+$0x0];
	v27 =	vadd.f32 v27, v29;
	v23 =	vmul.f32 v25, v23  }
0x649: {  	v16 =	vshll.u32 v16, $0x1F;
	v29 =	vadd.s32 $0x30, v2;
	v25 =	vld [tilespmem:s24+$0x0];
	v17 =	vxor.u32 v24, v17  }
0x64a: {  	v24 =	vld.idx.msk [tilespmem:v34+s0+$0x0], $0xffff;
	v11 =	vmul.f32 v27, v11;
	v17 =	vmul.f32 v17, v28;
	v16 =	vxor.u32 v23, v16  }
0x64b: {  	v23 =	vadd.s32 $0x10, v35;
	v10 =	vmul.f32 v27, v10;
	v34 =	vld.idx.msk [tilespmem:v38+s0+$0x0], $0xffff;
	v16 =	vmul.f32 v16, v28  }
0x64c: {  	v27 =	vadd.s32 $0x20, v35;
	v28 =	vld.idx.msk [tilespmem:v37+s0+$0x0], $0xffff;
	v37 =	vadd.s32 $0x40, v2;
	v11 =	vadd.f32 v17, v11  }
0x64d: {  	s21 =	sadd.s32 $0x20, s21;
	v17 =	vadd.s32 $0x30, v35;
	v38 =	vld.idx.msk [tilespmem:v39+s0+$0x0], $0xffff;
	v39 =	vadd.s32 $0x50, v2;
	v10 =	vadd.f32 v16, v10  }
0x64e: {  	s22 =	sadd.s32 $0x20, s22;
	v31 =	vsub.f32 $8.315964600e-03, v31;
	v40 =	vadd.s32 $0x50, v35;
	v16 =	vadd.s32 $0x40, v35;
	v29 =	vld.idx.msk [tilespmem:v29+s0+$0x0], $0xffff;
	[tilespmem:s21+$0x0] =	vst v11  }
0x64f: {  	s20 =	sadd.s32 $0x20, s20;
	v42 =	vadd.s32 $0x80, v35;
	v11 =	vsub.f32 $8.315964600e-03, v32;
	v41 =	vld.idx.msk [tilespmem:v35+s0+$0x0], $0xffff;
	[tilespmem:s22+$0x0] =	vst v10;
	(erf) = vrcp.f32 v30  }
0x650: {  	v32 =	vadd.s32 $0x70, v35;
	v30 =	vadd.s32 $0x60, v35;
	v10 =	vmul.f32 v31, v33;
	v31 =	vld [tilespmem:s20+$0x0]  }
0x651: {  	v15 =	vmul.f32 v15, v5;
	v5 =	vmovc v14;
	v35 =	vadd.s32 $0x90, v35;
	v11 =	vmul.f32 v11, v36;
	v37 =	vld.idx.msk [tilespmem:v37+s0+$0x0], $0xffff  }
0x652: {  	v10 =	vadd.f32 $-1.666589080e-01, v10;
	v14 =	vld.idx.msk [tilespmem:v39+s0+$0x0], $0xffff;
	v39 =	vmul.f32 v9, v0;
	v9 =	vmul.f32 v9, v1;
	v0 =	vmovc v13  }
0x653: {  	v11 =	vadd.f32 $-1.666589080e-01, v11;
	v1 =	vmovc v12;
	v13 =	vld.idx.msk [tilespmem:v23+s0+$0x0], $0xffff;
	v23 =	vmul.f32 v24, v26;
	v24 =	vmul.f32 v28, v25  }
0x654: {  	v26 =	vmul.f32 v38, v26;
	v25 =	vmul.f32 v29, v25;
	v12 =	vld.idx.msk [tilespmem:v27+s0+$0x0], $0xffff;
	v22 =	vadd.f32 v22, v39  }
0x655: {  	v10 =	vmul.f32 v10, v33;
	v17 =	vld.idx.msk [tilespmem:v17+s0+$0x0], $0xffff;
	v23 =	vadd.f32 v24, v23;
	v24 =	vadd.f32 v31, v34  }
0x656: {  	v9 =	vadd.f32 v15, v9;
	v25 =	vadd.f32 v25, v26;
	v26 =	vmul.f32 v11, v36;
	v27 =	vld [tilespmem:s24+$0xFFFFFFF0];
	[tilespmem:s29+$0xFFFFFFF0] =	vst v22;
	s29 =	smov.u32 s21  }
0x657: {  	v22 =	vadd.f32 $9.999994630e-01, v10;
	v15 =	vld [tilespmem:s23+$0xFFFFFFF0];
	v11 =	vadd.f32 v37, v23;
	v23 =	vmul.f32 $5.000000000e-01, v24  }
0x658: {  	s26 =	sadd.s32 $0x20, s26;
	v7 =	vmul.f32 $5.000000000e-01, v7;
	v10 =	vadd.f32 v14, v25;
	v25 =	vadd.f32 $9.999994630e-01, v26;
	v24 =	vld.idx.msk [tilespmem:v16+s0+$0x0], $0xffff;
	v14 =	vpop (erf);
	[tilespmem:s31+$0xFFFFFFF0] =	vst v9;
	s31 =	smov.u32 s22  }
0x659: {  	v26 =	vld.idx.msk [tilespmem:v40+s0+$0x0], $0xffff;
	v9 =	vmul.f32 $3.183098730e-01, v11;
	v28 =	vmul.f32 v14, v6;
	[tilespmem:s26+$0x0] =	vst v23  }
0x65a: {  	v18 =	vmul.f32 v22, v18;
	v16 =	vmul.f32 $3.183098730e-01, v10;
	v6 =	vld.idx.msk [tilespmem:v42+s0+$0x0], $0xffff;
	[tilespmem:s25+$0xFFFFFFF0] =	vst v7;
	s25 =	smov.u32 s28;
	s28 =	smov.u32 s26  }
0x65b: {  	v7 =	vld.idx.msk [tilespmem:v30+s0+$0x0], $0xffff;
	v13 =	vmul.f32 v13, v27;
	v23 =	vmul.f32 v17, v27;
	v17 =	vadd.f32 $1.258291200e+07, v9  }
0x65c: {  	v16 =	vadd.f32 $1.258291200e+07, v16;
	v14 =	vld.idx.msk [tilespmem:v32+s0+$0x0], $0xffff;
	v22 =	vmul.f32 v41, v15;
	v12 =	vmul.f32 v12, v15  }
0x65d: {  	v9 =	vadd.f32 v28, v8;
	v8 =	vmul.f32 v25, v21;
	v27 =	vld.idx.msk [tilespmem:v35+s0+$0x0], $0xffff;
	v15 =	vadd.f32 $-1.258291200e+07, v17  }
0x65e: {  	v21 =	vadd.f32 $-1.258291200e+07, v16;
	v13 =	vadd.f32 v13, v22;
	v22 =	vxor.u32 v18, v20;
	v18 =	vld [tilespmem:s30+$0xFFFFFFF0];
	s30 =	smov.u32 s20  }
0x65f: {  	v12 =	vadd.f32 v23, v12;
	v20 =	vmul.f32 v11, v11;
	v15 =	vmul.f32 $3.141592740e+00, v15  }
0x660: {  	v23 =	vmul.f32 v10, v10;
	v21 =	vmul.f32 $3.141592740e+00, v21;
	v13 =	vadd.f32 v24, v13  }
0x661: {  	v12 =	vadd.f32 v26, v12;
	v24 =	vsub.f32 v11, v15;
	v15 =	vxor.u32 v8, v19;
	v8 =	vmovc v7  }
0x662: {  	v25 =	vadd.f32 v23, v20;
	v23 =	vsub.f32 v10, v21;
	v19 =	vmul.f32 $3.183098730e-01, v13  }
0x663: {  	v21 =	vmul.f32 $3.183098730e-01, v12;
	v26 =	vmul.f32 v24, v24;
	v7 =	vadd.f32 v18, v3;
	v3 =	vmovc v4;
	v4 =	vmovc v27  }
0x664: {  	v18 =	vadd.f32 $9.999999970e-07, v25;
	v25 =	vmul.f32 v23, v23;
	v20 =	vadd.f32 $1.258291200e+07, v19  }
0x665: {  	v27 =	vadd.s32 $0x80, v2;
	v19 =	vadd.f32 $1.258291200e+07, v21;
	v21 =	vmul.f32 $1.860897610e-04, v26  }
.Ltmp6:
0x666: {  	v31 =	vmul.f32 $1.860897610e-04, v25;
	v28 =	vadd.f32 $-1.258291200e+07, v20;
	(erf) = vrcp.f32 v18;
	(pc) =	sbr.rel @p0 .LBB2_14-.Ltmp6, $4  }
0x667: {  	v29 =	vadd.s32 $0x60, v2;
	v18 =	vadd.f32 $-1.258291200e+07, v19;
	v32 =	vsub.f32 $8.315964600e-03, v21  }
0x668: {  	v30 =	vmul.f32 v13, v13;
	v35 =	vsub.f32 $8.315964600e-03, v31;
	v34 =	vmul.f32 $3.141592740e+00, v28  }
0x669: {  	v21 =	vmul.f32 $3.141592740e+00, v18;
	v28 =	vadd.s32 $0x70, v2;
	v31 =	vmul.f32 v32, v26  }
0x66a: {  	s2 =	sadd.s32 $0x20, s2;
	v33 =	vmul.f32 v12, v12;
	v32 =	vmul.f32 v35, v25;
	v18 =	vsub.f32 v13, v34;
	v27 =	vld.idx.msk [tilespmem:v27+s0+$0x0], $0xffff  }
0x66b: {  	_ = 	snop  }
0x66c: {  	v31 =	vadd.f32 $-1.666589080e-01, v31;
	v49 =	vmul.f32 v18, v18  }
0x66d: {  	v30 =	vadd.f32 v33, v30  }
0x66e: {  	v21 =	vsub.f32 v12, v21;
	v26 =	vmul.f32 v31, v26;
	v31 =	vmul.f32 $1.860897610e-04, v49  }
0x66f: {  	v30 =	vadd.f32 $9.999999970e-07, v30  }
0x670: {  	v29 =	vld.idx.msk [tilespmem:v29+s0+$0x0], $0xffff;
	v32 =	vadd.f32 $-1.666589080e-01, v32;
	v34 =	vmul.f32 v21, v21  }
0x671: {  	(erf) = vrcp.f32 v30;
	v30 =	vsub.f32 $8.315964600e-03, v31  }
0x672: {  	v25 =	vmul.f32 v32, v25;
	v35 =	vmul.f32 $1.860897610e-04, v34;
	v31 =	vpop (erf)  }
0x673: {  	v26 =	vadd.f32 $9.999994630e-01, v26;
	v30 =	vmul.f32 v30, v49;
	v27 =	vmul.f32 v31, v27  }
0x674: {  	v28 =	vld.idx.msk [tilespmem:v28+s0+$0x0], $0xffff;
	v25 =	vadd.f32 $9.999994630e-01, v25;
	v50 =	vsub.f32 $8.315964600e-03, v35  }
0x675: {  	v20 =	vshll.u32 v20, $0x1F;
	v27 =	vadd.f32 v27, v29;
	v29 =	vadd.f32 $-1.666589080e-01, v30  }
0x676: {  	v19 =	vshll.u32 v19, $0x1F;
	v24 =	vmul.f32 v26, v24;
	v26 =	vmul.f32 v50, v34  }
0x677: {  	v17 =	vshll.u32 v17, $0x1F;
	v23 =	vmul.f32 v25, v23;
	v25 =	vmul.f32 v29, v49  }
0x678: {  	v22 =	vmul.f32 v22, v5;
	v17 =	vxor.u32 v24, v17;
	v24 =	vadd.f32 $-1.666589080e-01, v26  }
0x679: {  	v2 =	vadd.s32 $0x90, v2;
	v16 =	vshll.u32 v16, $0x1F;
	v17 =	vmul.f32 v17, v28  }
0x67a: {  	v16 =	vxor.u32 v23, v16;
	v11 =	vmul.f32 v27, v11;
	v23 =	vmul.f32 v24, v34  }
0x67b: {  	v16 =	vmul.f32 v16, v28;
	v10 =	vmul.f32 v27, v10;
	v24 =	vadd.f32 $9.999994630e-01, v25;
	v25 =	vpop (erf)  }
0x67c: {  	v11 =	vadd.f32 v17, v11;
	v17 =	vadd.f32 $9.999994630e-01, v23;
	v6 =	vmul.f32 v25, v6  }
0x67d: {  	v0 =	vmul.f32 v9, v0;
	v10 =	vadd.f32 v16, v10;
	v16 =	vmul.f32 v24, v18  }
0x67e: {  	v5 =	vmul.f32 v15, v5;
	v6 =	vadd.f32 v6, v8;
	v8 =	vmul.f32 v17, v21  }
0x67f: {  	s1 =	sadd.s32 $0x20, s21;
	v1 =	vmul.f32 v9, v1;
	v0 =	vadd.f32 v22, v0;
	v2 =	vld.idx.msk [tilespmem:v2+s0+$0x0], $0xffff;
	v9 =	vxor.u32 v16, v20  }
0x680: {  	[tilespmem:s1+$0x0] =	vst v11;
	v9 =	vmul.f32 v9, v14;
	v8 =	vxor.u32 v8, v19;
	v11 =	vmul.f32 v6, v13  }
0x681: {  	s2 =	sadd.s32 $0x20, s22;
	v1 =	vadd.f32 v5, v1;
	[tilespmem:s29+$0xFFFFFFF0] =	vst v0;
	v6 =	vmul.f32 v6, v12;
	v5 =	vmul.f32 v8, v14  }
0x682: {  	s20 =	sadd.s32 $0x20, s20;
	[tilespmem:s2+$0x0] =	vst v10;
	v0 =	vadd.f32 v9, v11  }
0x683: {  	[tilespmem:s31+$0xFFFFFFF0] =	vst v1;
	v8 =	vld [tilespmem:s20+$0x0];
	v1 =	vadd.f32 v5, v6  }
0x684: {  	[tilespmem:s1+$0xFFFFFFF0] =	vst v0  }
0x685: {  	v0 =	vld [tilespmem:s30+$0xFFFFFFF0];
	[tilespmem:s2+$0xFFFFFFF0] =	vst v1  }
0x686: {  	v1 =	vld [tilespmem:s20+$0xFFFFFFF0];
	_ =	sdelay $0x1  }
0x687: {  	v2 =	vadd.f32 v8, v2;
	_ =	sdelay $0x1  }
0x688: {  	v2 =	vmul.f32 $5.000000000e-01, v2;
	v0 =	vadd.f32 v0, v3  }
0x689: {  	s24 =	sadd.s32 $0x20, s26;
	v3 =	vmul.f32 $5.000000000e-01, v7;
	v1 =	vadd.f32 v1, v4  }
0x68a: {  	[tilespmem:s24+$0x0] =	vst v2;
	v0 =	vmul.f32 $5.000000000e-01, v0  }
0x68b: {  	[tilespmem:s25+$0xFFFFFFF0] =	vst v3;
	v1 =	vmul.f32 $5.000000000e-01, v1  }
0x68c: {  	[tilespmem:s28+$0xFFFFFFF0] =	vst v0  }
0x68d: {  	[tilespmem:s24+$0xFFFFFFF0] =	vst v1  }
0x68e: {  	s1 =	sld [smem:$0x7F6];
	_ =	sdelay $0x1  }
0x68f: {  	s25 =	sld [smem:$0x7F7]  }
0x690: {  	[hbm4b:s1+s0] =	stream.linear.scatter [tilespmem:s10], [sflag:$0x3], $0x1000, $0x38;
	[tilespmem:$0xE100] =	vst v63  }
0x691: {  	s26 =	sld [smem:$0x7F8]  }
0x692: {  	[hbm4b:s25+s0] =	stream.linear.scatter [tilespmem:s11], [sflag:$0x3], $0x1000, $0x38;
	[tilespmem:$0xE100] =	vst v63  }
0x693: {  	_ = 	snop  }
0x694: {  	[hbm4b:s26+s0] =	stream.linear.scatter [tilespmem:s12], [sflag:$0x3], $0x1000, $0x38;
	[tilespmem:$0xE100] =	vst v63  }
0x695: {  	_ =	swait.ge [sflag:s13], $0x1000  }
0x696: {  	[sflag:s13] =	ssyncset.done $0x0  }
0x697: {  	[sflag:s13] =	ssyncadd.s32 $0xFFFFF000  }
0x698: {  	_ =	swait.ge [sflag:s13], $0x1000  }
0x699: {  	[sflag:s13] =	ssyncset.done $0x0  }
0x69a: {  	[sflag:s13] =	ssyncadd.s32 $0xFFFFF000  }
0x69b: {  	_ =	swait.ge [sflag:s13], $0x1000  }
0x69c: {  	[sflag:s13] =	ssyncset.done $0x0  }
0x69d: {  	[sflag:s13] =	ssyncadd.s32 $0xFFFFF000  }
0x69e: {  	_ =	swait.ge [sflag:s13], $0x1000  }
0x69f: {  	[sflag:s13] =	ssyncset.done $0x0  }
0x6a0: {  	[sflag:s13] =	ssyncadd.s32 $0xFFFFF000  }
0x6a1: {  	_ =	swait.ge [sflag:s18], $0x1000  }
0x6a2: {  	[sflag:s18] =	ssyncset.done $0x0  }
0x6a3: {  	[sflag:s18] =	ssyncadd.s32 $0xFFFFF000  }
0x6a4: {  	_ =	swait.ge [sflag:s18], $0x1000  }
0x6a5: {  	[sflag:s18] =	ssyncset.done $0x0  }
0x6a6: {  	[sflag:s18] =	ssyncadd.s32 $0xFFFFF000  }
0x6a7: {  	_ =	swait.ge [sflag:s18], $0x1000  }
0x6a8: {  	[sflag:s18] =	ssyncset.done $0x0  }
0x6a9: {  	s2 =	simm.s32 $0x9110;
	[sflag:s18] =	ssyncadd.s32 $0xFFFFF000  }
0x6aa: {  	v1 =	vld [tilespmem:s2+$0x0];
	_ =	sdelay $0x4  }
0x6ab: {  	v2 =	vadd.s32 $0x10, v1  }
0x6ac: {  	s20 =	simm.s32 $0x7110;
	v0 =	vld [tilespmem:s2+$0xFFFFFFF0];
	v3 =	vadd.s32 $0x20, v1  }
0x6ad: {  	s21 =	simm.s32 $0x8110;
	v4 =	vld [tilespmem:s20+$0x0];
	v5 =	vadd.s32 $0x30, v1  }
0x6ae: {  	v6 =	vld [tilespmem:s21+$0x0]  }
0x6af: {  	v7 =	vld.idx.msk [tilespmem:v1+s0+$0x0], $0xffff  }
0x6b0: {  	v8 =	vadd.s32 $0x40, v1;
	v2 =	vld.idx.msk [tilespmem:v2+s0+$0x0], $0xffff  }
0x6b1: {  	v9 =	vadd.s32 $0x50, v1;
	v3 =	vld.idx.msk [tilespmem:v3+s0+$0x0], $0xffff  }
0x6b2: {  	v5 =	vld.idx.msk [tilespmem:v5+s0+$0x0], $0xffff;
	_ =	sdelay $0x1  }
0x6b3: {  	v10 =	vadd.s32 $0x10, v0  }
0x6b4: {  	v8 =	vld.idx.msk [tilespmem:v8+s0+$0x0], $0xffff  }
0x6b5: {  	v9 =	vld.idx.msk [tilespmem:v9+s0+$0x0], $0xffff;
	v7 =	vmul.f32 v7, v4;
	v2 =	vmul.f32 v2, v6  }
0x6b6: {  	v11 =	vadd.s32 $0x30, v0;
	v3 =	vmul.f32 v3, v4;
	v4 =	vmul.f32 v5, v6  }
0x6b7: {  	v5 =	vld.idx.msk [tilespmem:v0+s0+$0x0], $0xffff  }
0x6b8: {  	v6 =	vld.idx.msk [tilespmem:v10+s0+$0x0], $0xffff;
	v2 =	vadd.f32 v2, v7;
	v3 =	vadd.f32 v4, v3  }
0x6b9: {  	v10 =	vld [tilespmem:s20+$0xFFFFFFF0];
	v4 =	vadd.s32 $0x20, v0  }
0x6ba: {  	v2 =	vadd.f32 v8, v2;
	v8 =	vld [tilespmem:s21+$0xFFFFFFF0];
	v9 =	vadd.f32 v9, v3  }
0x6bb: {  	v7 =	vld.idx.msk [tilespmem:v11+s0+$0x0], $0xffff;
	v3 =	vadd.s32 $0x40, v0  }
0x6bc: {  	v11 =	vmul.f32 $3.183098730e-01, v2;
	v12 =	vmul.f32 $3.183098730e-01, v9  }
0x6bd: {  	v13 =	vadd.s32 $0x50, v0  }
0x6be: {  	v4 =	vld.idx.msk [tilespmem:v4+s0+$0x0], $0xffff;
	v11 =	vadd.f32 $1.258291200e+07, v11;
	v12 =	vadd.f32 $1.258291200e+07, v12  }
0x6bf: {  	v5 =	vmul.f32 v5, v10;
	v6 =	vmul.f32 v6, v8  }
0x6c0: {  	v3 =	vld.idx.msk [tilespmem:v3+s0+$0x0], $0xffff;
	v7 =	vmul.f32 v7, v8;
	v14 =	vadd.f32 $-1.258291200e+07, v11;
	v8 =	vadd.f32 $-1.258291200e+07, v12  }
0x6c1: {  	v15 =	vmul.f32 v2, v2;
	v16 =	vmul.f32 v9, v9  }
0x6c2: {  	v13 =	vld.idx.msk [tilespmem:v13+s0+$0x0], $0xffff;
	v14 =	vmul.f32 $3.141592740e+00, v14;
	v8 =	vmul.f32 $3.141592740e+00, v8  }
0x6c3: {  	v5 =	vadd.f32 v6, v5;
	v4 =	vmul.f32 v4, v10;
	v10 =	vadd.f32 v16, v15  }
0x6c4: {  	v6 =	vsub.f32 v2, v14;
	v8 =	vsub.f32 v9, v8  }
0x6c5: {  	v7 =	vadd.f32 v7, v4;
	v4 =	vadd.f32 v3, v5  }
0x6c6: {  	v10 =	vadd.f32 $9.999999970e-07, v10;
	v5 =	vmul.f32 v6, v6  }
0x6c7: {  	v14 =	vmul.f32 v8, v8;
	v3 =	vadd.f32 v13, v7;
	v7 =	vmul.f32 $3.183098730e-01, v4  }
0x6c8: {  	v15 =	vadd.s32 $0x80, v1;
	(erf) = vrcp.f32 v10;
	v13 =	vmul.f32 $1.860897610e-04, v5  }
0x6c9: {  	v16 =	vmul.f32 $1.860897610e-04, v14  }
0x6ca: {  	v17 =	vadd.f32 $1.258291200e+07, v7;
	v7 =	vsub.f32 $8.315964600e-03, v13;
	v13 =	vadd.s32 $0x60, v1  }
0x6cb: {  	v10 =	vmul.f32 $3.183098730e-01, v3;
	v16 =	vsub.f32 $8.315964600e-03, v16  }
0x6cc: {  	v20 =	vadd.s32 $0x70, v1;
	v22 =	vadd.s32 $0x60, v0;
	v7 =	vmul.f32 v7, v5  }
0x6cd: {  	s22 =	simm.s32 $0x9130;
	v15 =	vld.idx.msk [tilespmem:v15+s0+$0x0], $0xffff;
	v18 =	vadd.f32 $-1.258291200e+07, v17;
	v19 =	vadd.f32 $1.258291200e+07, v10;
	v10 =	vmul.f32 v16, v14  }
0x6ce: {  	v11 =	vshll.u32 v11, $0x1F;
	v25 =	vmul.f32 v4, v4;
	v21 =	vadd.f32 $-1.666589080e-01, v7;
	v7 =	vld [tilespmem:s22+$0x0]  }
0x6cf: {  	v1 =	vadd.s32 $0x90, v1;
	v18 =	vmul.f32 $3.141592740e+00, v18;
	v24 =	vadd.f32 $-1.666589080e-01, v10;
	v13 =	vld.idx.msk [tilespmem:v13+s0+$0x0], $0xffff  }
0x6d0: {  	v16 =	vadd.s32 $0x80, v0;
	v23 =	vadd.f32 $-1.258291200e+07, v19;
	v5 =	vmul.f32 v21, v5  }
0x6d1: {  	v20 =	vld.idx.msk [tilespmem:v20+s0+$0x0], $0xffff;
	v18 =	vsub.f32 v4, v18;
	v10 =	vadd.s32 $0x70, v0;
	v26 =	vpop (erf);
	v14 =	vmul.f32 v24, v14  }
0x6d2: {  	s23 =	simm.s32 $0x7130;
	v21 =	vmul.f32 $3.141592740e+00, v23;
	v15 =	vmul.f32 v26, v15;
	v26 =	vld [tilespmem:s22+$0xFFFFFFF0];
	v5 =	vadd.f32 $9.999994630e-01, v5  }
0x6d3: {  	v51 =	vld [tilespmem:s23+$0xFFFFFFF0];
	v23 =	vmul.f32 v3, v3;
	v14 =	vadd.f32 $9.999994630e-01, v14;
	v27 =	vadd.s32 $0x10, v7  }
0x6d4: {  	v1 =	vld.idx.msk [tilespmem:v1+s0+$0x0], $0xffff;
	v28 =	vadd.s32 $0x20, v7;
	v5 =	vmul.f32 v5, v6;
	v13 =	vadd.f32 v15, v13  }
0x6d5: {  	s24 =	simm.s32 $0x8130;
	v24 =	vmul.f32 v18, v18;
	v6 =	vld [tilespmem:s23+$0x0];
	v8 =	vmul.f32 v14, v8;
	v15 =	vadd.s32 $0x30, v7  }
0x6d6: {  	v14 =	vld [tilespmem:s24+$0x0];
	v5 =	vxor.u32 v5, v11;
	v11 =	vshll.u32 v12, $0x1F;
	v2 =	vmul.f32 v13, v2  }
0x6d7: {  	v12 =	vld.idx.msk [tilespmem:v7+s0+$0x0], $0xffff;
	v9 =	vmul.f32 v13, v9;
	v5 =	vmul.f32 v5, v20;
	v8 =	vxor.u32 v8, v11  }
0x6d8: {  	v11 =	vsub.f32 v3, v21;
	v21 =	vadd.s32 $0x40, v7;
	v8 =	vmul.f32 v8, v20;
	v20 =	vld.idx.msk [tilespmem:v27+s0+$0x0], $0xffff  }
0x6d9: {  	v13 =	vadd.f32 v23, v25;
	v25 =	vld.idx.msk [tilespmem:v28+s0+$0x0], $0xffff;
	v27 =	vadd.s32 $0x50, v7;
	v2 =	vadd.f32 v5, v2  }
0x6da: {  	s2 =	simm.s32 $0xB110;
	v23 =	vmul.f32 $1.860897610e-04, v24;
	v28 =	vld.idx.msk [tilespmem:v26+s0+$0x0], $0xffff;
	v5 =	vadd.s32 $0x90, v0;
	v0 =	vmul.f32 v11, v11  }
0x6db: {  	v15 =	vld.idx.msk [tilespmem:v15+s0+$0x0], $0xffff;
	v8 =	vadd.f32 v8, v9;
	v9 =	vadd.s32 $0x10, v26;
	[tilespmem:s2+$0x0] =	vst v2;
	v2 =	vadd.f32 $9.999999970e-07, v13  }
0x6dc: {  	s25 =	simm.s32 $0xC110;
	v30 =	vadd.s32 $0x30, v26;
	v23 =	vsub.f32 $8.315964600e-03, v23;
	v12 =	vmul.f32 v12, v6  }
0x6dd: {  	v13 =	vadd.s32 $0x20, v26;
	[tilespmem:s25+$0x0] =	vst v8;
	v8 =	vmul.f32 $1.860897610e-04, v0;
	v21 =	vld.idx.msk [tilespmem:v21+s0+$0x0], $0xffff;
	(erf) = vrcp.f32 v2  }
0x6de: {  	s1 =	simm.s32 $0xA110;
	v2 =	vmul.f32 v23, v24;
	v23 =	vld.idx.msk [tilespmem:v27+s0+$0x0], $0xffff;
	v20 =	vmul.f32 v20, v14;
	v27 =	vadd.s32 $0x40, v26  }
0x6df: {  	v29 =	vld [tilespmem:s1+$0x0];
	v6 =	vmul.f32 v25, v6;
	v28 =	vmul.f32 v28, v51;
	v8 =	vsub.f32 $8.315964600e-03, v8  }
0x6e0: {  	v31 =	vld.idx.msk [tilespmem:v9+s0+$0x0], $0xffff;
	v9 =	vmul.f32 v15, v14;
	v15 =	vadd.s32 $0x50, v26;
	v12 =	vadd.f32 v20, v12  }
0x6e1: {  	v25 =	vld [tilespmem:s24+$0xFFFFFFF0];
	v20 =	vadd.s32 $0x80, v26;
	v2 =	vadd.f32 $-1.666589080e-01, v2;
	v8 =	vmul.f32 v8, v0  }
0x6e2: {  	v13 =	vld.idx.msk [tilespmem:v13+s0+$0x0], $0xffff;
	v14 =	vadd.f32 v9, v6;
	v9 =	vadd.s32 $0x60, v26;
	v12 =	vadd.f32 v21, v12  }
0x6e3: {  	v6 =	vadd.s32 $0x70, v26;
	v21 =	vld.idx.msk [tilespmem:v30+s0+$0x0], $0xffff;
	v2 =	vmul.f32 v2, v24;
	v8 =	vadd.f32 $-1.666589080e-01, v8  }
0x6e4: {  	v16 =	vld.idx.msk [tilespmem:v16+s0+$0x0], $0xffff;
	v1 =	vadd.f32 v29, v1;
	v23 =	vadd.f32 v23, v14;
	v24 =	vmul.f32 $3.183098730e-01, v12  }
0x6e5: {  	v2 =	vadd.f32 $9.999994630e-01, v2;
	v0 =	vmul.f32 v8, v0;
	v8 =	vadd.s32 $0x90, v26  }
0x6e6: {  	v14 =	vmul.f32 $5.000000000e-01, v1;
	v26 =	vmul.f32 $3.183098730e-01, v23;
	v24 =	vadd.f32 $1.258291200e+07, v24  }
0x6e7: {  	v1 =	vld.idx.msk [tilespmem:v27+s0+$0x0], $0xffff;
	v13 =	vmul.f32 v13, v51;
	v27 =	vadd.f32 $9.999994630e-01, v0;
	v0 =	vmul.f32 v31, v25  }
0x6e8: {  	v15 =	vld.idx.msk [tilespmem:v15+s0+$0x0], $0xffff;
	v29 =	vpop (erf);
	v21 =	vmul.f32 v21, v25;
	v26 =	vadd.f32 $1.258291200e+07, v26;
	v25 =	vadd.f32 $-1.258291200e+07, v24  }
0x6e9: {  	v16 =	vmul.f32 v29, v16;
	v29 =	vmul.f32 v23, v23;
	v0 =	vadd.f32 v0, v28  }
0x6ea: {  	v22 =	vld.idx.msk [tilespmem:v22+s0+$0x0], $0xffff;
	v13 =	vadd.f32 v21, v13;
	v21 =	vmul.f32 v12, v12;
	v28 =	vadd.f32 $-1.258291200e+07, v26  }
0x6eb: {  	v2 =	vmul.f32 v2, v18;
	v25 =	vmul.f32 $3.141592740e+00, v25  }
0x6ec: {  	v0 =	vadd.f32 v1, v0;
	v18 =	vadd.f32 v29, v21;
	v28 =	vmul.f32 $3.141592740e+00, v28  }
0x6ed: {  	v11 =	vmul.f32 v27, v11;
	v1 =	vadd.f32 v15, v13;
	v13 =	vsub.f32 v12, v25  }
0x6ee: {  	v15 =	vmul.f32 $3.183098730e-01, v0;
	v18 =	vadd.f32 $9.999999970e-07, v18;
	v21 =	vsub.f32 v23, v28  }
0x6ef: {  	v16 =	vadd.f32 v16, v22;
	v22 =	vmul.f32 $3.183098730e-01, v1;
	v25 =	vmul.f32 v13, v13  }
0x6f0: {  	v29 =	vadd.s32 $0x80, v7;
	(erf) = vrcp.f32 v18;
	v27 =	vmul.f32 v21, v21  }
0x6f1: {  	s26 =	simm.s32 $0x9150;
	v31 =	vadd.s32 $0x60, v7;
	v15 =	vadd.f32 $1.258291200e+07, v15;
	v28 =	vmul.f32 $1.860897610e-04, v25  }
0x6f2: {  	v58 =	vld [tilespmem:s26+$0xFFFFFFF0];
	v17 =	vshll.u32 v17, $0x1F;
	v22 =	vadd.f32 $1.258291200e+07, v22;
	v30 =	vmul.f32 $1.860897610e-04, v27  }
0x6f3: {  	v17 =	vxor.u32 v2, v17;
	v2 =	vadd.f32 $-1.258291200e+07, v15;
	v18 =	vsub.f32 $8.315964600e-03, v28  }
0x6f4: {  	v19 =	vshll.u32 v19, $0x1F;
	v28 =	vadd.f32 $-1.258291200e+07, v22;
	v30 =	vsub.f32 $8.315964600e-03, v30  }
0x6f5: {  	v11 =	vxor.u32 v11, v19;
	v29 =	vld.idx.msk [tilespmem:v29+s0+$0x0], $0xffff;
	v2 =	vmul.f32 $3.141592740e+00, v2;
	v18 =	vmul.f32 v18, v25  }
0x6f6: {  	v31 =	vld.idx.msk [tilespmem:v31+s0+$0x0], $0xffff;
	v19 =	vmul.f32 $3.141592740e+00, v28;
	v28 =	vadd.s32 $0x70, v7;
	v30 =	vmul.f32 v30, v27  }
0x6f7: {  	v24 =	vshll.u32 v24, $0x1F;
	v53 =	vsub.f32 v0, v2;
	v2 =	vld [tilespmem:s26+$0x0];
	v18 =	vadd.f32 $-1.666589080e-01, v18  }
0x6f8: {  	v52 =	vmul.f32 v0, v0;
	v54 =	vmul.f32 v1, v1;
	v30 =	vadd.f32 $-1.666589080e-01, v30  }
0x6f9: {  	v19 =	vsub.f32 v1, v19;
	v55 =	vmul.f32 v53, v53;
	v18 =	vmul.f32 v18, v25;
	v57 =	vpop (erf)  }
0x6fa: {  	v39 =	vld.idx.msk [tilespmem:v58+s0+$0x0], $0xffff;
	v7 =	vadd.s32 $0x90, v7;
	v29 =	vmul.f32 v57, v29;
	v27 =	vmul.f32 v30, v27  }
0x6fb: {  	v25 =	vadd.f32 v54, v52;
	v56 =	vmul.f32 v19, v19;
	v28 =	vld.idx.msk [tilespmem:v28+s0+$0x0], $0xffff;
	v18 =	vadd.f32 $9.999994630e-01, v18  }
0x6fc: {  	v10 =	vld.idx.msk [tilespmem:v10+s0+$0x0], $0xffff;
	v29 =	vadd.f32 v29, v31;
	v31 =	vadd.s32 $0x30, v2;
	v27 =	vadd.f32 $9.999994630e-01, v27  }
0x6fd: {  	s23 =	simm.s32 $0x7150;
	v5 =	vld.idx.msk [tilespmem:v5+s0+$0x0], $0xffff;
	v30 =	vshll.u32 v22, $0x1F;
	v36 =	vadd.s32 $0x10, v2;
	v13 =	vmul.f32 v18, v13  }
0x6fe: {  	s24 =	simm.s32 $0x8150;
	v22 =	vmul.f32 $1.860897610e-04, v55;
	v37 =	vadd.s32 $0x20, v2;
	v18 =	vld [tilespmem:s23+$0x0];
	v21 =	vmul.f32 v27, v21  }
0x6ff: {  	v59 =	vadd.s32 $0x50, v2;
	v27 =	vld [tilespmem:s24+$0x0];
	v13 =	vxor.u32 v13, v24;
	v24 =	vshll.u32 v26, $0x1F  }
0x700: {  	v12 =	vmul.f32 v29, v12;
	v26 =	vld.idx.msk [tilespmem:v2+s0+$0x0], $0xffff;
	v13 =	vmul.f32 v13, v28;
	v21 =	vxor.u32 v21, v24  }
0x701: {  	v22 =	vsub.f32 $8.315964600e-03, v22;
	v23 =	vmul.f32 v29, v23;
	v31 =	vld.idx.msk [tilespmem:v31+s0+$0x0], $0xffff;
	v21 =	vmul.f32 v21, v28  }
0x702: {  	v29 =	vadd.s32 $0x40, v2;
	v24 =	vadd.f32 $9.999999970e-07, v25;
	v28 =	vld.idx.msk [tilespmem:v36+s0+$0x0], $0xffff;
	v12 =	vadd.f32 v13, v12  }
0x703: {  	s21 =	simm.s32 $0xB130;
	v25 =	vmul.f32 $1.860897610e-04, v56;
	v13 =	vmul.f32 v17, v10;
	v17 =	vld.idx.msk [tilespmem:v37+s0+$0x0], $0xffff;
	v21 =	vadd.f32 v21, v23  }
0x704: {  	v60 =	vadd.s32 $0x20, v58;
	v38 =	vadd.s32 $0x30, v58;
	s22 =	simm.s32 $0xC130;
	v42 =	vmul.f32 v11, v10;
	v7 =	vld.idx.msk [tilespmem:v7+s0+$0x0], $0xffff;
	[tilespmem:s21+$0x0] =	vst v12  }
0x705: {  	s20 =	simm.s32 $0xA130;
	v20 =	vld.idx.msk [tilespmem:v20+s0+$0x0], $0xffff;
	v22 =	vmul.f32 v22, v55;
	(erf) = vrcp.f32 v24;
	v24 =	vsub.f32 $8.315964600e-03, v25;
	[tilespmem:s22+$0x0] =	vst v21  }
0x706: {  	v3 =	vmul.f32 v16, v3;
	v23 =	vadd.s32 $0x10, v58;
	v11 =	vmul.f32 v26, v18;
	v25 =	vld [tilespmem:s20+$0x0]  }
0x707: {  	v22 =	vadd.f32 $-1.666589080e-01, v22;
	v29 =	vld.idx.msk [tilespmem:v29+s0+$0x0], $0xffff;
	v10 =	vmul.f32 v24, v56;
	v26 =	vmul.f32 v28, v27  }
0x708: {  	v40 =	vadd.s32 $0x80, v58;
	v24 =	vld.idx.msk [tilespmem:v59+s0+$0x0], $0xffff;
	v17 =	vmul.f32 v17, v18;
	v18 =	vmul.f32 v31, v27  }
0x709: {  	v43 =	vadd.s32 $0x70, v58;
	v3 =	vadd.f32 v42, v3;
	v22 =	vmul.f32 v22, v55;
	v28 =	vld.idx.msk [tilespmem:v60+s0+$0x0], $0xffff  }
0x70a: {  	v21 =	vadd.s32 $0x50, v58;
	v11 =	vadd.f32 v26, v11;
	v17 =	vadd.f32 v18, v17;
	v18 =	vld [tilespmem:s23+$0xFFFFFFF0]  }
0x70b: {  	v4 =	vmul.f32 v16, v4;
	v22 =	vadd.f32 $9.999994630e-01, v22;
	v23 =	vld.idx.msk [tilespmem:v23+s0+$0x0], $0xffff;
	v7 =	vadd.f32 v25, v7  }
0x70c: {  	v12 =	vadd.s32 $0x40, v58;
	v10 =	vadd.f32 $-1.666589080e-01, v10;
	v11 =	vadd.f32 v29, v11;
	v25 =	vld [tilespmem:s24+$0xFFFFFFF0]  }
0x70d: {  	v16 =	vld.idx.msk [tilespmem:v38+s0+$0x0], $0xffff;
	v15 =	vshll.u32 v15, $0x1F;
	v4 =	vadd.f32 v13, v4;
	v22 =	vmul.f32 v22, v53  }
0x70e: {  	v9 =	vld.idx.msk [tilespmem:v9+s0+$0x0], $0xffff;
	v13 =	vmul.f32 v10, v56;
	v10 =	vadd.f32 v24, v17;
	v17 =	vmul.f32 $3.183098730e-01, v11  }
0x70f: {  	[tilespmem:s2+$0xFFFFFFF0] =	vst v4;
	v22 =	vxor.u32 v22, v15;
	v4 =	vld.idx.msk [tilespmem:v21+s0+$0x0], $0xffff;
	v27 =	vmul.f32 $5.000000000e-01, v7;
	v21 =	vmul.f32 v39, v18;
	v7 =	vpop (erf)  }
0x710: {  	v17 =	vadd.f32 $1.258291200e+07, v17;
	v7 =	vmul.f32 v7, v20;
	v20 =	vmul.f32 $3.183098730e-01, v10  }
0x711: {  	v12 =	vld.idx.msk [tilespmem:v12+s0+$0x0], $0xffff;
	v13 =	vadd.f32 $9.999994630e-01, v13;
	v18 =	vmul.f32 v28, v18;
	v23 =	vmul.f32 v23, v25  }
0x712: {  	[tilespmem:s25+$0xFFFFFFF0] =	vst v3;
	v24 =	vmul.f32 v16, v25;
	v3 =	vadd.f32 $-1.258291200e+07, v17;
	v16 =	vadd.f32 $1.258291200e+07, v20  }
0x713: {  	v9 =	vadd.f32 v7, v9;
	v7 =	vmul.f32 v13, v19;
	v13 =	vadd.f32 v23, v21  }
0x714: {  	v15 =	vadd.f32 v24, v18;
	v18 =	vmul.f32 v11, v11;
	v19 =	vadd.f32 $-1.258291200e+07, v16  }
0x715: {  	v61 =	vadd.s32 $0x80, v2;
	v20 =	vld [tilespmem:s1+$0xFFFFFFF0];
	v3 =	vmul.f32 $3.141592740e+00, v3;
	v21 =	vmul.f32 v10, v10  }
0x716: {  	v13 =	vadd.f32 v12, v13;
	v12 =	vadd.f32 v4, v15;
	v19 =	vmul.f32 $3.141592740e+00, v19  }
0x717: {  	v41 =	vadd.s32 $0x60, v58;
	v24 =	vsub.f32 v11, v3;
	v4 =	vadd.f32 v21, v18  }
0x718: {  	v15 =	vxor.u32 v7, v30;
	v3 =	vmul.f32 $3.183098730e-01, v13;
	v23 =	vsub.f32 v10, v19  }
0x719: {  	s25 =	simm.s32 $0xD110;
	v18 =	vmul.f32 $3.183098730e-01, v12;
	v26 =	vmul.f32 v24, v24;
	v4 =	vadd.f32 $9.999999970e-07, v4  }
0x71a: {  	s26 =	simm.s32 $0xD130;
	[tilespmem:s25+$0x0] =	vst v14;
	v14 =	vld.idx.msk [tilespmem:v43+s0+$0x0], $0xffff;
	v7 =	vadd.f32 v20, v5;
	v20 =	vadd.f32 $1.258291200e+07, v3;
	v25 =	vmul.f32 v23, v23  }
0x71b: {  	v34 =	vadd.s32 $0x90, v58;
	[tilespmem:s26+$0x0] =	vst v27;
	v27 =	vld.idx.msk [tilespmem:v61+s0+$0x0], $0xffff;
	v19 =	vadd.f32 $1.258291200e+07, v18;
	v18 =	vmul.f32 $1.860897610e-04, v26  }
0x71c: {  	v5 =	vld.idx.msk [tilespmem:v6+s0+$0x0], $0xffff;
	(erf) = vrcp.f32 v4;
	v21 =	vadd.f32 $-1.258291200e+07, v20;
	v28 =	vmul.f32 $1.860897610e-04, v25  }
0x71d: {  	v29 =	vadd.s32 $0x60, v2;
	v6 =	vld.idx.msk [tilespmem:v40+s0+$0x0], $0xffff;
	v31 =	vadd.f32 $-1.258291200e+07, v19;
	v18 =	vsub.f32 $8.315964600e-03, v18  }
0x71e: {  	s29 =	simm.s32 $0xB130;
	v30 =	vmul.f32 v13, v13;
	v3 =	vld.idx.msk [tilespmem:v8+s0+$0x0], $0xffff;
	v62 =	vmul.f32 $3.141592740e+00, v21;
	v63 =	vsub.f32 $8.315964600e-03, v28  }
0x71f: {  	s31 =	simm.s32 $0xC130;
	s30 =	simm.s32 $0xA130;
	v8 =	vld.idx.msk [tilespmem:v41+s0+$0x0], $0xffff;
	v21 =	vmul.f32 $3.141592740e+00, v31;
	v31 =	vmul.f32 v18, v26;
	v28 =	vadd.s32 $0x70, v2  }
0x720: {  	s28 =	simm.s32 $0xD130;
	s2 =	simm.s32 $0x9170;
	s1 =	simm.s32 $0x40;
	v33 =	vmul.f32 v12, v12;
	v4 =	vld.idx.msk [tilespmem:v34+s0+$0x0], $0xffff;
	v18 =	vsub.f32 v13, v62;
	v32 =	vmul.f32 v63, v25  }
.LBB2_16:
0x721: {  	v34 =	vld [tilespmem:s2+$0x0];
	v20 =	vshll.u32 v20, $0x1F;
	v21 =	vsub.f32 v12, v21;
	v31 =	vadd.f32 $-1.666589080e-01, v31  }
0x722: {  	v30 =	vadd.f32 v33, v30;
	v33 =	vmul.f32 v18, v18;
	v29 =	vld.idx.msk [tilespmem:v29+s0+$0x0], $0xffff;
	v32 =	vadd.f32 $-1.666589080e-01, v32  }
0x723: {  	v19 =	vshll.u32 v19, $0x1F;
	v35 =	vld [tilespmem:s2+$0xFFFFFFF0];
	v36 =	vmul.f32 v21, v21;
	v26 =	vmul.f32 v31, v26  }
0x724: {  	s1 =	sadd.s32 $0x20, s1;
	v30 =	vadd.f32 $9.999999970e-07, v30;
	v31 =	vmul.f32 $1.860897610e-04, v33;
	v28 =	vld.idx.msk [tilespmem:v28+s0+$0x0], $0xffff;
	v25 =	vmul.f32 v32, v25  }
0x725: {  	v22 =	vmul.f32 v22, v5;
	p0 =	slt.u32 s1, $0xFE0;
	v32 =	vmul.f32 $1.860897610e-04, v36;
	v26 =	vadd.f32 $9.999994630e-01, v26;
	v37 =	vpop (erf)  }
0x726: {  	v38 =	vadd.s32 $0x90, v2;
	v27 =	vmul.f32 v37, v27;
	v25 =	vadd.f32 $9.999994630e-01, v25;
	v2 =	vmovc v34  }
0x727: {  	s23 =	sadd.s32 $0x20, s23;
	v37 =	vadd.s32 $0x10, v2;
	v39 =	vadd.s32 $0x20, v2;
	v24 =	vmul.f32 v26, v24  }
0x728: {  	v17 =	vshll.u32 v17, $0x1F;
	s24 =	sadd.s32 $0x20, s24;
	v26 =	vld [tilespmem:s23+$0x0];
	v27 =	vadd.f32 v27, v29;
	v23 =	vmul.f32 v25, v23  }
0x729: {  	v16 =	vshll.u32 v16, $0x1F;
	v29 =	vadd.s32 $0x30, v2;
	v25 =	vld [tilespmem:s24+$0x0];
	v17 =	vxor.u32 v24, v17  }
0x72a: {  	v24 =	vld.idx.msk [tilespmem:v34+s0+$0x0], $0xffff;
	v11 =	vmul.f32 v27, v11;
	v17 =	vmul.f32 v17, v28;
	v16 =	vxor.u32 v23, v16  }
0x72b: {  	v23 =	vadd.s32 $0x10, v35;
	v10 =	vmul.f32 v27, v10;
	v34 =	vld.idx.msk [tilespmem:v38+s0+$0x0], $0xffff;
	v16 =	vmul.f32 v16, v28  }
0x72c: {  	v27 =	vadd.s32 $0x20, v35;
	v28 =	vld.idx.msk [tilespmem:v37+s0+$0x0], $0xffff;
	v37 =	vadd.s32 $0x40, v2;
	v11 =	vadd.f32 v17, v11  }
0x72d: {  	s21 =	sadd.s32 $0x20, s21;
	v17 =	vadd.s32 $0x30, v35;
	v38 =	vld.idx.msk [tilespmem:v39+s0+$0x0], $0xffff;
	v39 =	vadd.s32 $0x50, v2;
	v10 =	vadd.f32 v16, v10  }
0x72e: {  	s22 =	sadd.s32 $0x20, s22;
	v31 =	vsub.f32 $8.315964600e-03, v31;
	v40 =	vadd.s32 $0x50, v35;
	v16 =	vadd.s32 $0x40, v35;
	v29 =	vld.idx.msk [tilespmem:v29+s0+$0x0], $0xffff;
	[tilespmem:s21+$0x0] =	vst v11  }
0x72f: {  	s20 =	sadd.s32 $0x20, s20;
	v42 =	vadd.s32 $0x80, v35;
	v11 =	vsub.f32 $8.315964600e-03, v32;
	v41 =	vld.idx.msk [tilespmem:v35+s0+$0x0], $0xffff;
	[tilespmem:s22+$0x0] =	vst v10;
	(erf) = vrcp.f32 v30  }
0x730: {  	v32 =	vadd.s32 $0x70, v35;
	v30 =	vadd.s32 $0x60, v35;
	v10 =	vmul.f32 v31, v33;
	v31 =	vld [tilespmem:s20+$0x0]  }
0x731: {  	v15 =	vmul.f32 v15, v5;
	v5 =	vmovc v14;
	v35 =	vadd.s32 $0x90, v35;
	v11 =	vmul.f32 v11, v36;
	v37 =	vld.idx.msk [tilespmem:v37+s0+$0x0], $0xffff  }
0x732: {  	v10 =	vadd.f32 $-1.666589080e-01, v10;
	v14 =	vld.idx.msk [tilespmem:v39+s0+$0x0], $0xffff;
	v39 =	vmul.f32 v9, v0;
	v9 =	vmul.f32 v9, v1;
	v0 =	vmovc v13  }
0x733: {  	v11 =	vadd.f32 $-1.666589080e-01, v11;
	v1 =	vmovc v12;
	v13 =	vld.idx.msk [tilespmem:v23+s0+$0x0], $0xffff;
	v23 =	vmul.f32 v24, v26;
	v24 =	vmul.f32 v28, v25  }
0x734: {  	v26 =	vmul.f32 v38, v26;
	v25 =	vmul.f32 v29, v25;
	v12 =	vld.idx.msk [tilespmem:v27+s0+$0x0], $0xffff;
	v22 =	vadd.f32 v22, v39  }
0x735: {  	v10 =	vmul.f32 v10, v33;
	v17 =	vld.idx.msk [tilespmem:v17+s0+$0x0], $0xffff;
	v23 =	vadd.f32 v24, v23;
	v24 =	vadd.f32 v31, v34  }
0x736: {  	v9 =	vadd.f32 v15, v9;
	v25 =	vadd.f32 v25, v26;
	v26 =	vmul.f32 v11, v36;
	v27 =	vld [tilespmem:s24+$0xFFFFFFF0];
	[tilespmem:s29+$0xFFFFFFF0] =	vst v22;
	s29 =	smov.u32 s21  }
0x737: {  	v22 =	vadd.f32 $9.999994630e-01, v10;
	v15 =	vld [tilespmem:s23+$0xFFFFFFF0];
	v11 =	vadd.f32 v37, v23;
	v23 =	vmul.f32 $5.000000000e-01, v24  }
0x738: {  	s26 =	sadd.s32 $0x20, s26;
	v7 =	vmul.f32 $5.000000000e-01, v7;
	v10 =	vadd.f32 v14, v25;
	v25 =	vadd.f32 $9.999994630e-01, v26;
	v24 =	vld.idx.msk [tilespmem:v16+s0+$0x0], $0xffff;
	v14 =	vpop (erf);
	[tilespmem:s31+$0xFFFFFFF0] =	vst v9;
	s31 =	smov.u32 s22  }
0x739: {  	v26 =	vld.idx.msk [tilespmem:v40+s0+$0x0], $0xffff;
	v9 =	vmul.f32 $3.183098730e-01, v11;
	v28 =	vmul.f32 v14, v6;
	[tilespmem:s26+$0x0] =	vst v23  }
0x73a: {  	v18 =	vmul.f32 v22, v18;
	v16 =	vmul.f32 $3.183098730e-01, v10;
	v6 =	vld.idx.msk [tilespmem:v42+s0+$0x0], $0xffff;
	[tilespmem:s25+$0xFFFFFFF0] =	vst v7;
	s25 =	smov.u32 s28;
	s28 =	smov.u32 s26  }
0x73b: {  	v7 =	vld.idx.msk [tilespmem:v30+s0+$0x0], $0xffff;
	v13 =	vmul.f32 v13, v27;
	v23 =	vmul.f32 v17, v27;
	v17 =	vadd.f32 $1.258291200e+07, v9  }
0x73c: {  	v16 =	vadd.f32 $1.258291200e+07, v16;
	v14 =	vld.idx.msk [tilespmem:v32+s0+$0x0], $0xffff;
	v22 =	vmul.f32 v41, v15;
	v12 =	vmul.f32 v12, v15  }
0x73d: {  	v9 =	vadd.f32 v28, v8;
	v8 =	vmul.f32 v25, v21;
	v27 =	vld.idx.msk [tilespmem:v35+s0+$0x0], $0xffff;
	v15 =	vadd.f32 $-1.258291200e+07, v17  }
0x73e: {  	v21 =	vadd.f32 $-1.258291200e+07, v16;
	v13 =	vadd.f32 v13, v22;
	v22 =	vxor.u32 v18, v20;
	v18 =	vld [tilespmem:s30+$0xFFFFFFF0];
	s30 =	smov.u32 s20  }
0x73f: {  	v12 =	vadd.f32 v23, v12;
	v20 =	vmul.f32 v11, v11;
	v15 =	vmul.f32 $3.141592740e+00, v15  }
0x740: {  	v23 =	vmul.f32 v10, v10;
	v21 =	vmul.f32 $3.141592740e+00, v21;
	v13 =	vadd.f32 v24, v13  }
0x741: {  	v12 =	vadd.f32 v26, v12;
	v24 =	vsub.f32 v11, v15;
	v15 =	vxor.u32 v8, v19;
	v8 =	vmovc v7  }
0x742: {  	v25 =	vadd.f32 v23, v20;
	v23 =	vsub.f32 v10, v21;
	v19 =	vmul.f32 $3.183098730e-01, v13  }
0x743: {  	v21 =	vmul.f32 $3.183098730e-01, v12;
	v26 =	vmul.f32 v24, v24;
	v7 =	vadd.f32 v18, v3;
	v3 =	vmovc v4;
	v4 =	vmovc v27  }
0x744: {  	v18 =	vadd.f32 $9.999999970e-07, v25;
	v25 =	vmul.f32 v23, v23;
	v20 =	vadd.f32 $1.258291200e+07, v19  }
0x745: {  	v27 =	vadd.s32 $0x80, v2;
	v19 =	vadd.f32 $1.258291200e+07, v21;
	v21 =	vmul.f32 $1.860897610e-04, v26  }
.Ltmp7:
0x746: {  	v31 =	vmul.f32 $1.860897610e-04, v25;
	v28 =	vadd.f32 $-1.258291200e+07, v20;
	(erf) = vrcp.f32 v18;
	(pc) =	sbr.rel @p0 .LBB2_16-.Ltmp7, $4  }
0x747: {  	v29 =	vadd.s32 $0x60, v2;
	v18 =	vadd.f32 $-1.258291200e+07, v19;
	v32 =	vsub.f32 $8.315964600e-03, v21  }
0x748: {  	v30 =	vmul.f32 v13, v13;
	v35 =	vsub.f32 $8.315964600e-03, v31;
	v34 =	vmul.f32 $3.141592740e+00, v28  }
0x749: {  	v21 =	vmul.f32 $3.141592740e+00, v18;
	v28 =	vadd.s32 $0x70, v2;
	v31 =	vmul.f32 v32, v26  }
0x74a: {  	s2 =	sadd.s32 $0x20, s2;
	v33 =	vmul.f32 v12, v12;
	v32 =	vmul.f32 v35, v25;
	v18 =	vsub.f32 v13, v34;
	v27 =	vld.idx.msk [tilespmem:v27+s0+$0x0], $0xffff  }
0x74b: {  	_ = 	snop  }
0x74c: {  	v21 =	vsub.f32 v12, v21;
	v30 =	vadd.f32 v33, v30  }
0x74d: {  	v40 =	vmul.f32 v18, v18  }
0x74e: {  	v31 =	vadd.f32 $-1.666589080e-01, v31;
	v34 =	vmul.f32 v21, v21;
	v30 =	vadd.f32 $9.999999970e-07, v30  }
0x74f: {  	v20 =	vshll.u32 v20, $0x1F;
	v22 =	vmul.f32 v22, v5;
	v41 =	vmul.f32 $1.860897610e-04, v40  }
0x750: {  	v19 =	vshll.u32 v19, $0x1F;
	v35 =	vmul.f32 $1.860897610e-04, v34;
	(erf) = vrcp.f32 v30  }
0x751: {  	v2 =	vadd.s32 $0x90, v2;
	v17 =	vshll.u32 v17, $0x1F;
	v42 =	vsub.f32 $8.315964600e-03, v41  }
0x752: {  	v0 =	vmul.f32 v9, v0;
	v54 =	vmul.f32 v15, v5;
	v44 =	vsub.f32 $8.315964600e-03, v35  }
0x753: {  	v29 =	vld.idx.msk [tilespmem:v29+s0+$0x0], $0xffff;
	v32 =	vadd.f32 $-1.666589080e-01, v32;
	v26 =	vmul.f32 v31, v26;
	v30 =	vmul.f32 v42, v40  }
0x754: {  	v16 =	vshll.u32 v16, $0x1F;
	v1 =	vmul.f32 v9, v1;
	v45 =	vmul.f32 v44, v34  }
0x755: {  	v25 =	vmul.f32 v32, v25;
	v43 =	vpop (erf);
	v26 =	vadd.f32 $9.999994630e-01, v26;
	v46 =	vadd.f32 $-1.666589080e-01, v30  }
0x756: {  	v28 =	vld.idx.msk [tilespmem:v28+s0+$0x0], $0xffff;
	v0 =	vadd.f32 v22, v0;
	v27 =	vmul.f32 v43, v27;
	v47 =	vadd.f32 $-1.666589080e-01, v45  }
0x757: {  	v25 =	vadd.f32 $9.999994630e-01, v25;
	v24 =	vmul.f32 v26, v24;
	v48 =	vmul.f32 v46, v40  }
0x758: {  	v1 =	vadd.f32 v54, v1;
	v27 =	vadd.f32 v27, v29;
	v49 =	vmul.f32 v47, v34  }
0x759: {  	v23 =	vmul.f32 v25, v23;
	v17 =	vxor.u32 v24, v17;
	v50 =	vadd.f32 $9.999994630e-01, v48;
	v51 =	vpop (erf)  }
0x75a: {  	v11 =	vmul.f32 v27, v11;
	v52 =	vadd.f32 $9.999994630e-01, v49;
	v6 =	vmul.f32 v51, v6  }
0x75b: {  	v17 =	vmul.f32 v17, v28;
	v16 =	vxor.u32 v23, v16;
	v53 =	vmul.f32 v50, v18  }
0x75c: {  	v10 =	vmul.f32 v27, v10;
	v55 =	vmul.f32 v52, v21;
	v6 =	vadd.f32 v6, v8  }
0x75d: {  	v16 =	vmul.f32 v16, v28;
	v11 =	vadd.f32 v17, v11;
	v56 =	vxor.u32 v53, v20  }
0x75e: {  	[tilespmem:s29+$0xFFFFFFF0] =	vst v0;
	v8 =	vxor.u32 v55, v19;
	v9 =	vmul.f32 v56, v14;
	v57 =	vmul.f32 v6, v13  }
0x75f: {  	s1 =	sadd.s32 $0x20, s21;
	[tilespmem:s31+$0xFFFFFFF0] =	vst v1;
	v10 =	vadd.f32 v16, v10;
	v58 =	vmul.f32 v8, v14;
	v6 =	vmul.f32 v6, v12  }
0x760: {  	s2 =	sadd.s32 $0x20, s22;
	v2 =	vld.idx.msk [tilespmem:v2+s0+$0x0], $0xffff;
	[tilespmem:s1+$0x0] =	vst v11;
	v59 =	vadd.f32 v9, v57  }
0x761: {  	[tilespmem:s2+$0x0] =	vst v10;
	v61 =	vadd.f32 v58, v6  }
0x762: {  	s20 =	sadd.s32 $0x20, s20;
	v62 =	vld [tilespmem:s30+$0xFFFFFFF0];
	[tilespmem:s1+$0xFFFFFFF0] =	vst v59  }
0x763: {  	v60 =	vld [tilespmem:s20+$0x0];
	[tilespmem:s2+$0xFFFFFFF0] =	vst v61  }
0x764: {  	v1 =	vld [tilespmem:s20+$0xFFFFFFF0];
	_ =	sdelay $0x2  }
0x765: {  	v0 =	vadd.f32 v62, v3  }
0x766: {  	v63 =	vmul.f32 $5.000000000e-01, v7;
	v2 =	vadd.f32 v60, v2  }
0x767: {  	v0 =	vmul.f32 $5.000000000e-01, v0;
	v1 =	vadd.f32 v1, v4  }
0x768: {  	[tilespmem:s25+$0xFFFFFFF0] =	vst v63;
	v2 =	vmul.f32 $5.000000000e-01, v2  }
0x769: {  	s26 =	sadd.s32 $0x20, s26;
	[tilespmem:s28+$0xFFFFFFF0] =	vst v0;
	v1 =	vmul.f32 $5.000000000e-01, v1  }
0x76a: {  	[tilespmem:s26+$0x0] =	vst v2  }
0x76b: {  	[tilespmem:s26+$0xFFFFFFF0] =	vst v1  }
0x76c: {  	s1 =	sld [smem:$0x7F9];
	_ =	sdelay $0x1  }
0x76d: {  	s29 =	sld [smem:$0x7FA]  }
0x76e: {  	[hbm4b:s1+s0] =	stream.linear.scatter [tilespmem:s14], [sflag:$0x4], $0x1000, $0x38;
	[tilespmem:$0xE100] =	vst v63  }
0x76f: {  	s30 =	sld [smem:$0x7FB]  }
0x770: {  	[hbm4b:s29+s0] =	stream.linear.scatter [tilespmem:s15], [sflag:$0x4], $0x1000, $0x38;
	[tilespmem:$0xE100] =	vst v63  }
0x771: {  	_ = 	snop  }
0x772: {  	[hbm4b:s30+s0] =	stream.linear.scatter [tilespmem:s16], [sflag:$0x4], $0x1000, $0x38;
	[tilespmem:$0xE100] =	vst v63  }
0x773: {  	_ =	swait.ge [sflag:s17], $0x1000  }
0x774: {  	[sflag:s17] =	ssyncset.done $0x0  }
0x775: {  	[sflag:s17] =	ssyncadd.s32 $0xFFFFF000  }
0x776: {  	_ =	swait.ge [sflag:s17], $0x1000  }
0x777: {  	[sflag:s17] =	ssyncset.done $0x0  }
0x778: {  	[sflag:s17] =	ssyncadd.s32 $0xFFFFF000  }
0x779: {  	_ =	swait.ge [sflag:s17], $0x1000  }
0x77a: {  	[sflag:s17] =	ssyncset.done $0x0  }
0x77b: {  	[sflag:s17] =	ssyncadd.s32 $0xFFFFF000  }
0x77c: {  	_ =	swait.ge [sflag:s18], $0x1000  }
0x77d: {  	[sflag:s18] =	ssyncset.done $0x0  }
0x77e: {  	[sflag:s18] =	ssyncadd.s32 $0xFFFFF000  }
0x77f: {  	_ =	swait.ge [sflag:s18], $0x1000  }
0x780: {  	[sflag:s18] =	ssyncset.done $0x0  }
0x781: {  	[sflag:s18] =	ssyncadd.s32 $0xFFFFF000  }
0x782: {  	_ =	swait.ge [sflag:s18], $0x1000  }
0x783: {  	s31 =	sld [smem:$0x7FD];
	_ =	sdelay $0x1  }
0x784: {  	s19 =	sadd.s32 $0x1, s19  }
0x785: {  	p0 =	sne.s32 s19, s31  }
.Ltmp8:
0x786: {  	_ = 	snop;
	(pc) =	sbr.rel @p0 .LBB2_1-.Ltmp8, $3  }
0x787: {  	_ =	sdelay $0x1  }
0x788: {  	[sflag:s18] =	ssyncset.done $0x0  }
0x789: {  	[sflag:s18] =	ssyncadd.s32 $0xFFFFF000  }
0x78a: {  	_ =	sfence.sel $0x180000  }
0x78b: {  	[bflag:$0x0] =	sbarrier.arrive $0xFFFF  }
0x78c: {  	_ =	strace $0x90000047  }
0x78d: {  	s0 =	stileid.u32;
	[bflag:$0x2] =	sbarrier.arrive $0xFFFF  }
0x78e: {  	p0 =	sne.s32 s0, $0x0;
	s0 =	rddreg [dreg:$0x3]  }
0x78f: {  	s0 =	sadd.s32 @!p0 $0x100000, s0  }
0x790: {  	[sflag:s0] =	ssyncadd.tile.s32 @!p0 $0x1;
	_ =	shalt  }
.Lfunc_end2:
_tile_overlayer_lowered:
.L_overlay_start_2:
0x791: {  	(tag) =	ssettag $0x2  }
0x792: {  	s0 =	rddreg [dreg:$0x0];
	s2 =	stileid.u32  }
0x793: {  	s1 =	rddreg [dreg:$0x1];
	p0 =	sne.s32 s2, $0x0  }
0x794: {  	s3 =	rddreg [dreg:$0x2];
	[bflag:$0x3] =	sbarrier.arrive $0xFFFF;
	s2 =	simm.s32 @!p0 $0x1C05  }
0x795: {  	[timem:s3], [sflag:s2] =	dma.local @!p0 [hbm:s0], s1  }
0x796: {  	s0 =	simm.s32 @!p0 $0x5  }
0x797: {  	_ =	swait.ge @!p0 [sflag:s0], s1  }
0x798: {  	s1 =	ssub.s32 @!p0 $0x0, s1;
	[sflag:s0] =	ssyncset.done @!p0 $0x0  }
0x799: {  	[sflag:s0] =	ssyncadd.s32 @!p0 s1  }
0x79a: {  	[bflag:$0x3] =	sbarrier.arrive $0xFFFF  }
0x79b: {  	_ =	shalt  }

</sc_bundles>
